<compile_context>
chip_gen: v7x
topology: tpu7x:2x2x1
jax: 0.10.2.dev20260603
libtpu: 0.0.44.dev20260713+nightly
codegen_flags: <defaults>
</compile_context>

<pallas_src>
import functools

import jax
import jax.numpy as jnp
import numpy as np
from jax import lax
from jax.experimental import pallas as pl
from jax.experimental.pallas import tpu as pltpu
from jax.experimental.pallas import tpu_sc as plsc

VOCAB = 100000
D = 1024
S = 2048
B_HASH = 16
NC = 2
NS = 16
NW = NC * NS
RPW = S // NW
NCHUNK = 4
CR = RPW // NCHUNK
LANES = 16
_GSEG = 8

R2D = 784
PADV = R2D * 128

def _rvec():
    return jax.random.normal(jax.random.key(0), (B_HASH, D),
                             dtype=jnp.float32)


def _sc_body(ids_hbm, table_hbm, out_hbm, idx_v, rows_v, acc_v, *sems):
    wid = lax.axis_index("s") * NC + lax.axis_index("c")
    base = wid * RPW
    pltpu.sync_copy(ids_hbm.at[pl.ds(base, RPW)], idx_v)
    cps = [
        pltpu.async_copy(table_hbm.at[idx_v.at[pl.ds(k * CR, CR)]],
                         rows_v.at[pl.ds(k * CR, CR)], sems[k])
        for k in range(NCHUNK)
    ]

    def reduce_rows(r0, nrows, first):
        for g in range(D // (LANES * _GSEG)):
            base_c = g * LANES * _GSEG

            def body(r, accs):
                return tuple(
                    accs[j] + rows_v[r, pl.ds(base_c + j * LANES, LANES)]
                    for j in range(_GSEG))

            if first:
                init = tuple(
                    rows_v[r0, pl.ds(base_c + j * LANES, LANES)]
                    for j in range(_GSEG))
                lo = r0 + 1
            else:
                init = tuple(
                    acc_v[pl.ds(base_c + j * LANES, LANES)]
                    for j in range(_GSEG))
                lo = r0
            accs = lax.fori_loop(lo, r0 + nrows, body, init)
            for j in range(_GSEG):
                acc_v[pl.ds(base_c + j * LANES, LANES)] = accs[j]

    for k in range(NCHUNK):
        cps[k].wait()
        reduce_rows(k * CR, CR, k == 0)
    pltpu.sync_copy(acc_v, out_hbm.at[wid])


def _make_sc_kernel():
    mesh = plsc.VectorSubcoreMesh(core_axis_name="c", subcore_axis_name="s")
    return functools.partial(
        pl.kernel,
        mesh=mesh,
        out_type=jax.ShapeDtypeStruct((NW, D), jnp.float32),
        scratch_types=[
            pltpu.VMEM((RPW,), jnp.int32),
            pltpu.VMEM((RPW, D), jnp.float32),
            pltpu.VMEM((D,), jnp.float32),
        ] + [pltpu.SemaphoreType.DMA] * NCHUNK,
    )(_sc_body)


def _lse_body(logits_ref, out_ref):
    l = logits_ref[...]
    m = jnp.max(l)
    se = jnp.sum(jnp.exp(l - m))
    out_ref[0, 0] = m
    out_ref[0, 1] = se


_lse_kernel = pl.pallas_call(
    _lse_body,
    out_shape=jax.ShapeDtypeStruct((1, 2), jnp.float32),
    in_specs=[pl.BlockSpec(memory_space=pltpu.VMEM)],
    out_specs=pl.BlockSpec(memory_space=pltpu.SMEM),
)


def _tc_body(partials_ref, logits_ref, rvec_ref, mse_ref, out_ref):
    mean = jnp.sum(partials_ref[...], axis=0, keepdims=True) * (1.0 / S)
    proj = jnp.sum(rvec_ref[...] * mean, axis=1, keepdims=True)
    bit = (proj > 0.0).astype(jnp.int32)
    row = lax.broadcasted_iota(jnp.int32, (B_HASH, 1), 0)
    weights = jnp.left_shift(jnp.int32(1), jnp.int32(B_HASH - 1) - row)
    seed = jnp.sum(bit * weights).astype(jnp.uint32)

    rr = lax.broadcasted_iota(jnp.uint32, (R2D, 128), 0)
    cc = lax.broadcasted_iota(jnp.uint32, (R2D, 128), 1)
    n = (rr << jnp.uint32(7)) | cc

    ks0 = jnp.uint32(0)
    ks1 = seed
    ks2 = seed ^ jnp.uint32(0x1BD11BDA)

    x0 = jnp.zeros((R2D, 128), jnp.uint32) + ks0
    x1 = n + ks1

    def rounds(x0, x1, rots):
        for d in rots:
            x0 = x0 + x1
            x1 = (x1 << jnp.uint32(d)) | (x1 >> jnp.uint32(32 - d))
            x1 = x0 ^ x1
        return x0, x1

    ra = (13, 15, 26, 6)
    rb = (17, 29, 16, 24)
    x0, x1 = rounds(x0, x1, ra)
    x0 = x0 + ks1
    x1 = x1 + ks2 + jnp.uint32(1)
    x0, x1 = rounds(x0, x1, rb)
    x0 = x0 + ks2
    x1 = x1 + ks0 + jnp.uint32(2)
    x0, x1 = rounds(x0, x1, ra)
    x0 = x0 + ks0
    x1 = x1 + ks1 + jnp.uint32(3)
    x0, x1 = rounds(x0, x1, rb)
    x0 = x0 + ks1
    x1 = x1 + ks2 + jnp.uint32(4)
    x0, x1 = rounds(x0, x1, ra)
    x0 = x0 + ks2
    x1 = x1 + ks0 + jnp.uint32(5)

    bits = x0 ^ x1
    fb = (bits >> jnp.uint32(9)) | jnp.uint32(0x3F800000)
    xu = lax.bitcast_convert_type(fb, jnp.float32) - 1.0

    l = logits_ref[...]
    lse = mse_ref[0, 0] + jnp.log(mse_ref[0, 1])
    ni = n.astype(jnp.int32)
    valid = ni < VOCAB
    score = jnp.where(valid, (lse - l) / xu, jnp.float32(3.0e38))

    smin = jnp.min(score)
    idx = jnp.min(jnp.where(score == smin, ni, jnp.int32(0x7FFFFFFF)))

    lane = lax.broadcasted_iota(jnp.int32, (1, VOCAB), 1)
    out_ref[...] = jnp.where(lane == idx, jnp.float32(100000.0),
                             jnp.float32(-100000.0))


_tc_kernel = pl.pallas_call(
    _tc_body,
    out_shape=jax.ShapeDtypeStruct((1, VOCAB), jnp.float32),
    in_specs=[
        pl.BlockSpec(memory_space=pltpu.VMEM),
        pl.BlockSpec(memory_space=pltpu.VMEM),
        pl.BlockSpec(memory_space=pltpu.VMEM),
        pl.BlockSpec(memory_space=pltpu.SMEM),
    ],
    out_specs=pl.BlockSpec(memory_space=pltpu.VMEM),
)


def kernel(input_ids, logits, embed_table):
    ids = input_ids.astype(jnp.int32).reshape(S)
    sc = _make_sc_kernel()
    partials = sc(ids, embed_table)

    lp = jnp.pad(logits, ((0, 0), (0, PADV - VOCAB)), constant_values=-1e30)
    lp2 = lp.reshape(R2D, 128)
    mse = _lse_kernel(lp2)
    return _tc_kernel(partials, lp2, _rvec(), mse)

# --- scband reference (transcript-rebuilt; emitter-appended) ---
"""Pipeline reference for scband-sim-hash-processor-63848983822476 (READ-ONLY COPY).

The authoritative reference and input builder live on the scoring server;
editing this copy changes nothing except your own understanding.
"""

import jax, jax.numpy as jnp
import numpy as np

VOCAB = 100000
D = 1024      # model.config.hidden_size
K = 10        # unused ell draw in original (no effect on output)
B_HASH = 16


def setup_inputs(seed: int = 0) -> dict:
    key = jax.random.key(seed)
    k1, k2, k3 = jax.random.split(key, 3)
    input_ids = jax.random.randint(k1, (1, 2048), 0, VOCAB)
    logits = jax.random.normal(k2, (1, VOCAB), dtype=jnp.float32)
    # learned parameter: model.model.decoder.embed_tokens weight
    embed_table = jax.random.normal(k3, (VOCAB, D), dtype=jnp.float32) * 0.02
    return {"input_ids": input_ids, "logits": logits, "embed_table": embed_table}


def reference(input_ids, logits, embed_table):
    # embedding lookup (gather) + squeeze(0)
    embeddings = jnp.take(embed_table, input_ids, axis=0)  # [1, S, D]
    embeddings = embeddings[0]                              # [S, D]
    input_vector = embeddings.mean(axis=0)                  # [D]
    # torch.manual_seed(0); r_vectors = randn(b, D)
    r_vectors = jax.random.normal(jax.random.key(0), (B_HASH, D), dtype=jnp.float32)
    projections = r_vectors @ input_vector                  # [b]
    simhash_binary = (projections > 0).astype(jnp.uint32)   # [b]
    # int(''.join(bits), 2): big-endian bit packing into a seed
    weights = (2 ** jnp.arange(B_HASH - 1, -1, -1)).astype(jnp.uint32)
    simhash_seed = jnp.sum(simhash_binary * weights).astype(jnp.uint32)
    # torch.manual_seed(simhash_seed); x = rand(vocab)
    x = jax.random.uniform(jax.random.key(simhash_seed), (VOCAB,), dtype=jnp.float32)
    dist = jax.nn.softmax(logits[0], axis=-1)
    next_token = jnp.argmin(-jnp.log(dist) / x)
    out = logits.at[0, :].set(-100000.0)
    out = out.at[0, next_token].set(100000.0)
    return out

if __name__ == "__main__":
    import jax
    _d = setup_inputs()
    print(jax.jit(kernel)(*tuple(_d.values())))

</pallas_src>

<mosaic_0001>
#map = affine_map<(d0, d1) -> (0)>
#map1 = affine_map<(d0, d1) -> (0, 0)>
module attributes {stable_mosaic.version = 14 : i64} {
  func.func @_sc_body(%arg0: i32, %arg1: i32, %arg2: memref<2048xi32, #tpu.memory_space<hbm>>, %arg3: memref<100000x1024xf32, #tpu.memory_space<hbm>>, %arg4: memref<32x1024xf32, #tpu.memory_space<hbm>>, %arg5: memref<64xi32, #tpu.memory_space<vmem>>, %arg6: memref<64x1024xf32, #tpu.memory_space<vmem>>, %arg7: memref<1024xf32, #tpu.memory_space<vmem>>, %arg8: memref<!tpu.dma_semaphore, #tpu.memory_space<semaphore_mem>>, %arg9: memref<!tpu.dma_semaphore, #tpu.memory_space<semaphore_mem>>, %arg10: memref<!tpu.dma_semaphore, #tpu.memory_space<semaphore_mem>>, %arg11: memref<!tpu.dma_semaphore, #tpu.memory_space<semaphore_mem>>) attributes {dimension_semantics = [#tpu.dimension_semantics<core_parallel>, #tpu.dimension_semantics<subcore_parallel>], iteration_bounds = array<i64: 2, 16>, scalar_prefetch = 0 : i64, scratch_operands = 7 : i64, tpu.core_type = #tpu.core_type<sc_vector_subcore>, window_params = [{transform_indices = #map}, {transform_indices = #map1}, {transform_indices = #map1}]} {
    %mul3A = arith.constant 2 : i32
    %mul3A_0 = arith.muli %arg1, %mul3A : i32
    %add3A = arith.addi %mul3A_0, %arg0 : i32
    %mul3A_1 = arith.constant 64 : i32
    %mul3A_2 = arith.muli %add3A, %mul3A_1 : i32
    "tpu.region"() ({
      %run_scoped3A = tpu.sem_alloc : memref<!tpu.dma_semaphore, #tpu.memory_space<semaphore_mem>>
      %dma_start3A_2174 = tpu.memref_slice %arg2[%mul3A_2] : memref<2048xi32, #tpu.memory_space<hbm>> -> memref<64xi32, #tpu.memory_space<hbm>>
      %dma_start3A_2175 = tpu.memref_slice %arg2[%mul3A_2] : memref<2048xi32, #tpu.memory_space<hbm>> -> memref<64xi32, #tpu.memory_space<hbm>>
      tpu.enqueue_dma source(%dma_start3A_2175 : memref<64xi32, #tpu.memory_space<hbm>>) target(%arg5 : memref<64xi32, #tpu.memory_space<vmem>>) target_semaphore(%run_scoped3A : memref<!tpu.dma_semaphore, #tpu.memory_space<semaphore_mem>>)
      %dma_wait3A_2176 = tpu.memref_slice %arg2[%mul3A_2] : memref<2048xi32, #tpu.memory_space<hbm>> -> memref<64xi32, #tpu.memory_space<hbm>>
      %dma_wait3A_2177 = tpu.memref_slice %arg2[%mul3A_2] : memref<2048xi32, #tpu.memory_space<hbm>> -> memref<64xi32, #tpu.memory_space<hbm>>
      tpu.wait_dma2 semaphore(%run_scoped3A : memref<!tpu.dma_semaphore, #tpu.memory_space<semaphore_mem>>) src(%dma_wait3A_2177 : memref<64xi32, #tpu.memory_space<hbm>>) dst(%arg5 : memref<64xi32, #tpu.memory_space<vmem>>)
      tpu.yield
    }) : () -> ()
    %dma_start3A = arith.constant 0 : i32
    %dma_start3A_3 = arith.constant 0 : i32
    %dma_start3A_4 = tpu.memref_slice %arg6[%dma_start3A, %dma_start3A_3] : memref<64x1024xf32, #tpu.memory_space<vmem>> -> memref<16x1024xf32, #tpu.memory_space<vmem>>
    %dma_start3A_5 = arith.constant 0 : i32
    %dma_start3A_6 = tpu.memref_slice %arg5[%dma_start3A_5] : memref<64xi32, #tpu.memory_space<vmem>> -> memref<16xi32, #tpu.memory_space<vmem>>
    %dma_start3A_7 = arith.constant 0 : i32
    %dma_start3A_8 = arith.constant 0 : i32
    %dma_start3A_9 = tpu.memref_slice %arg3[%dma_start3A_7, %dma_start3A_8] : memref<100000x1024xf32, #tpu.memory_space<hbm>> -> memref<100000x1024xf32, #tpu.memory_space<hbm>>
    tpu.enqueue_indirect_dma source(%dma_start3A_9 : memref<100000x1024xf32, #tpu.memory_space<hbm>>) target(%dma_start3A_4 : memref<16x1024xf32, #tpu.memory_space<vmem>>) offsets(%dma_start3A_6 : memref<16xi32, #tpu.memory_space<vmem>>) semaphore(%arg8 : memref<!tpu.dma_semaphore, #tpu.memory_space<semaphore_mem>>)
    %dma_start3A_10 = arith.constant 16 : i32
    %dma_start3A_11 = arith.constant 0 : i32
    %dma_start3A_12 = tpu.memref_slice %arg6[%dma_start3A_10, %dma_start3A_11] : memref<64x1024xf32, #tpu.memory_space<vmem>> -> memref<16x1024xf32, #tpu.memory_space<vmem>>
    %dma_start3A_13 = arith.constant 16 : i32
    %dma_start3A_14 = tpu.memref_slice %arg5[%dma_start3A_13] : memref<64xi32, #tpu.memory_space<vmem>> -> memref<16xi32, #tpu.memory_space<vmem>>
    %dma_start3A_15 = arith.constant 0 : i32
    %dma_start3A_16 = arith.constant 0 : i32
    %dma_start3A_17 = tpu.memref_slice %arg3[%dma_start3A_15, %dma_start3A_16] : memref<100000x1024xf32, #tpu.memory_space<hbm>> -> memref<100000x1024xf32, #tpu.memory_space<hbm>>
    tpu.enqueue_indirect_dma source(%dma_start3A_17 : memref<100000x1024xf32, #tpu.memory_space<hbm>>) target(%dma_start3A_12 : memref<16x1024xf32, #tpu.memory_space<vmem>>) offsets(%dma_start3A_14 : memref<16xi32, #tpu.memory_space<vmem>>) semaphore(%arg9 : memref<!tpu.dma_semaphore, #tpu.memory_space<semaphore_mem>>)
    %dma_start3A_18 = arith.constant 32 : i32
    %dma_start3A_19 = arith.constant 0 : i32
    %dma_start3A_20 = tpu.memref_slice %arg6[%dma_start3A_18, %dma_start3A_19] : memref<64x1024xf32, #tpu.memory_space<vmem>> -> memref<16x1024xf32, #tpu.memory_space<vmem>>
    %dma_start3A_21 = arith.constant 32 : i32
    %dma_start3A_22 = tpu.memref_slice %arg5[%dma_start3A_21] : memref<64xi32, #tpu.memory_space<vmem>> -> memref<16xi32, #tpu.memory_space<vmem>>
    %dma_start3A_23 = arith.constant 0 : i32
    %dma_start3A_24 = arith.constant 0 : i32
    %dma_start3A_25 = tpu.memref_slice %arg3[%dma_start3A_23, %dma_start3A_24] : memref<100000x1024xf32, #tpu.memory_space<hbm>> -> memref<100000x1024xf32, #tpu.memory_space<hbm>>
    tpu.enqueue_indirect_dma source(%dma_start3A_25 : memref<100000x1024xf32, #tpu.memory_space<hbm>>) target(%dma_start3A_20 : memref<16x1024xf32, #tpu.memory_space<vmem>>) offsets(%dma_start3A_22 : memref<16xi32, #tpu.memory_space<vmem>>) semaphore(%arg10 : memref<!tpu.dma_semaphore, #tpu.memory_space<semaphore_mem>>)
    %dma_start3A_26 = arith.constant 48 : i32
    %dma_start3A_27 = arith.constant 0 : i32
    %dma_start3A_28 = tpu.memref_slice %arg6[%dma_start3A_26, %dma_start3A_27] : memref<64x1024xf32, #tpu.memory_space<vmem>> -> memref<16x1024xf32, #tpu.memory_space<vmem>>
    %dma_start3A_29 = arith.constant 48 : i32
    %dma_start3A_30 = tpu.memref_slice %arg5[%dma_start3A_29] : memref<64xi32, #tpu.memory_space<vmem>> -> memref<16xi32, #tpu.memory_space<vmem>>
    %dma_start3A_31 = arith.constant 0 : i32
    %dma_start3A_32 = arith.constant 0 : i32
    %dma_start3A_33 = tpu.memref_slice %arg3[%dma_start3A_31, %dma_start3A_32] : memref<100000x1024xf32, #tpu.memory_space<hbm>> -> memref<100000x1024xf32, #tpu.memory_space<hbm>>
    tpu.enqueue_indirect_dma source(%dma_start3A_33 : memref<100000x1024xf32, #tpu.memory_space<hbm>>) target(%dma_start3A_28 : memref<16x1024xf32, #tpu.memory_space<vmem>>) offsets(%dma_start3A_30 : memref<16xi32, #tpu.memory_space<vmem>>) semaphore(%arg11 : memref<!tpu.dma_semaphore, #tpu.memory_space<semaphore_mem>>)
    %dma_wait3A = arith.constant 0 : i32
    %dma_wait3A_34 = arith.constant 0 : i32
    %dma_wait3A_35 = tpu.memref_slice %arg6[%dma_wait3A, %dma_wait3A_34] : memref<64x1024xf32, #tpu.memory_space<vmem>> -> memref<16x1024xf32, #tpu.memory_space<vmem>>
    %dma_wait3A_36 = arith.constant 0 : i32
    %dma_wait3A_37 = tpu.memref_slice %arg5[%dma_wait3A_36] : memref<64xi32, #tpu.memory_space<vmem>> -> memref<16xi32, #tpu.memory_space<vmem>>
    %dma_wait3A_38 = arith.constant 0 : i32
    %dma_wait3A_39 = arith.constant 0 : i32
    %dma_wait3A_40 = tpu.memref_slice %arg3[%dma_wait3A_38, %dma_wait3A_39] : memref<100000x1024xf32, #tpu.memory_space<hbm>> -> memref<100000x1024xf32, #tpu.memory_space<hbm>>
    tpu.wait_indirect_dma semaphore(%arg8 : memref<!tpu.dma_semaphore, #tpu.memory_space<semaphore_mem>>) src(%dma_wait3A_40 : memref<100000x1024xf32, #tpu.memory_space<hbm>>) dst(%dma_wait3A_35 : memref<16x1024xf32, #tpu.memory_space<vmem>>)
    %get3A = arith.constant 0 : i32
    %get3A_41 = arith.index_cast %get3A : i32 to index
    %get3A_42 = arith.constant 0 : index
    %get3A_43 = tpu.vector_load %arg6[%get3A_41, %get3A_42] {strides = array<i32>} : memref<64x1024xf32, #tpu.memory_space<vmem>>, vector<1x16xf32>,
    %get3A_44 = vector.shape_cast %get3A_43 : vector<1x16xf32> to vector<16xf32>
    %get3A_45 = arith.constant 0 : i32
    %get3A_46 = arith.index_cast %get3A_45 : i32 to index
    %get3A_47 = arith.constant 16 : index
    %get3A_48 = tpu.vector_load %arg6[%get3A_46, %get3A_47] {strides = array<i32>} : memref<64x1024xf32, #tpu.memory_space<vmem>>, vector<1x16xf32>,
    %get3A_49 = vector.shape_cast %get3A_48 : vector<1x16xf32> to vector<16xf32>
    %get3A_50 = arith.constant 0 : i32
    %get3A_51 = arith.index_cast %get3A_50 : i32 to index
    %get3A_52 = arith.constant 32 : index
    %get3A_53 = tpu.vector_load %arg6[%get3A_51, %get3A_52] {strides = array<i32>} : memref<64x1024xf32, #tpu.memory_space<vmem>>, vector<1x16xf32>,
    %get3A_54 = vector.shape_cast %get3A_53 : vector<1x16xf32> to vector<16xf32>
    %get3A_55 = arith.constant 0 : i32
    %get3A_56 = arith.index_cast %get3A_55 : i32 to index
    %get3A_57 = arith.constant 48 : index
    %get3A_58 = tpu.vector_load %arg6[%get3A_56, %get3A_57] {strides = array<i32>} : memref<64x1024xf32, #tpu.memory_space<vmem>>, vector<1x16xf32>,
    %get3A_59 = vector.shape_cast %get3A_58 : vector<1x16xf32> to vector<16xf32>
    %get3A_60 = arith.constant 0 : i32
    %get3A_61 = arith.index_cast %get3A_60 : i32 to index
    %get3A_62 = arith.constant 64 : index
    %get3A_63 = tpu.vector_load %arg6[%get3A_61, %get3A_62] {strides = array<i32>} : memref<64x1024xf32, #tpu.memory_space<vmem>>, vector<1x16xf32>,
    %get3A_64 = vector.shape_cast %get3A_63 : vector<1x16xf32> to vector<16xf32>
    %get3A_65 = arith.constant 0 : i32
    %get3A_66 = arith.index_cast %get3A_65 : i32 to index
    %get3A_67 = arith.constant 80 : index
    %get3A_68 = tpu.vector_load %arg6[%get3A_66, %get3A_67] {strides = array<i32>} : memref<64x1024xf32, #tpu.memory_space<vmem>>, vector<1x16xf32>,
    %get3A_69 = vector.shape_cast %get3A_68 : vector<1x16xf32> to vector<16xf32>
    %get3A_70 = arith.constant 0 : i32
    %get3A_71 = arith.index_cast %get3A_70 : i32 to index
    %get3A_72 = arith.constant 96 : index
    %get3A_73 = tpu.vector_load %arg6[%get3A_71, %get3A_72] {strides = array<i32>} : memref<64x1024xf32, #tpu.memory_space<vmem>>, vector<1x16xf32>,
    %get3A_74 = vector.shape_cast %get3A_73 : vector<1x16xf32> to vector<16xf32>
    %get3A_75 = arith.constant 0 : i32
    %get3A_76 = arith.index_cast %get3A_75 : i32 to index
    %get3A_77 = arith.constant 112 : index
    %get3A_78 = tpu.vector_load %arg6[%get3A_76, %get3A_77] {strides = array<i32>} : memref<64x1024xf32, #tpu.memory_space<vmem>>, vector<1x16xf32>,
    %get3A_79 = vector.shape_cast %get3A_78 : vector<1x16xf32> to vector<16xf32>
    %scan3A = arith.constant 1 : i32
    %scan3A_80 = arith.constant 15 : i32
    %scan3A_81 = arith.addi %scan3A, %scan3A_80 : i32
    %scan3A_82 = arith.constant 1 : i32
    %scan3A_83:8 = scf.for %scan3A_2174 = %scan3A to %scan3A_81 step %scan3A_82 iter_args(%scan3A_2175 = %get3A_44, %scan3A_2176 = %get3A_49, %scan3A_2177 = %get3A_54, %scan3A_2178 = %get3A_59, %scan3A_2179 = %get3A_64, %scan3A_2180 = %get3A_69, %scan3A_2181 = %get3A_74, %scan3A_2182 = %get3A_79) -> (vector<16xf32>, vector<16xf32>, vector<16xf32>, vector<16xf32>, vector<16xf32>, vector<16xf32>, vector<16xf32>, vector<16xf32>)  : i32 {
      %get3A_2183 = arith.index_cast %scan3A_2174 : i32 to index
      %get3A_2184 = arith.constant 0 : index
      %get3A_2185 = tpu.vector_load %arg6[%get3A_2183, %get3A_2184] {strides = array<i32>} : memref<64x1024xf32, #tpu.memory_space<vmem>>, vector<1x16xf32>,
      %get3A_2186 = vector.shape_cast %get3A_2185 : vector<1x16xf32> to vector<16xf32>
      %add3A_2187 = arith.addf %scan3A_2175, %get3A_2186 : vector<16xf32>
      %get3A_2188 = arith.index_cast %scan3A_2174 : i32 to index
      %get3A_2189 = arith.constant 16 : index
      %get3A_2190 = tpu.vector_load %arg6[%get3A_2188, %get3A_2189] {strides = array<i32>} : memref<64x1024xf32, #tpu.memory_space<vmem>>, vector<1x16xf32>,
      %get3A_2191 = vector.shape_cast %get3A_2190 : vector<1x16xf32> to vector<16xf32>
      %add3A_2192 = arith.addf %scan3A_2176, %get3A_2191 : vector<16xf32>
      %get3A_2193 = arith.index_cast %scan3A_2174 : i32 to index
      %get3A_2194 = arith.constant 32 : index
      %get3A_2195 = tpu.vector_load %arg6[%get3A_2193, %get3A_2194] {strides = array<i32>} : memref<64x1024xf32, #tpu.memory_space<vmem>>, vector<1x16xf32>,
      %get3A_2196 = vector.shape_cast %get3A_2195 : vector<1x16xf32> to vector<16xf32>
      %add3A_2197 = arith.addf %scan3A_2177, %get3A_2196 : vector<16xf32>
      %get3A_2198 = arith.index_cast %scan3A_2174 : i32 to index
      %get3A_2199 = arith.constant 48 : index
      %get3A_2200 = tpu.vector_load %arg6[%get3A_2198, %get3A_2199] {strides = array<i32>} : memref<64x1024xf32, #tpu.memory_space<vmem>>, vector<1x16xf32>,
      %get3A_2201 = vector.shape_cast %get3A_2200 : vector<1x16xf32> to vector<16xf32>
      %add3A_2202 = arith.addf %scan3A_2178, %get3A_2201 : vector<16xf32>
      %get3A_2203 = arith.index_cast %scan3A_2174 : i32 to index
      %get3A_2204 = arith.constant 64 : index
      %get3A_2205 = tpu.vector_load %arg6[%get3A_2203, %get3A_2204] {strides = array<i32>} : memref<64x1024xf32, #tpu.memory_space<vmem>>, vector<1x16xf32>,
      %get3A_2206 = vector.shape_cast %get3A_2205 : vector<1x16xf32> to vector<16xf32>
      %add3A_2207 = arith.addf %scan3A_2179, %get3A_2206 : vector<16xf32>
      %get3A_2208 = arith.index_cast %scan3A_2174 : i32 to index
      %get3A_2209 = arith.constant 80 : index
      %get3A_2210 = tpu.vector_load %arg6[%get3A_2208, %get3A_2209] {strides = array<i32>} : memref<64x1024xf32, #tpu.memory_space<vmem>>, vector<1x16xf32>,
      %get3A_2211 = vector.shape_cast %get3A_2210 : vector<1x16xf32> to vector<16xf32>
      %add3A_2212 = arith.addf %scan3A_2180, %get3A_2211 : vector<16xf32>
      %get3A_2213 = arith.index_cast %scan3A_2174 : i32 to index
      %get3A_2214 = arith.constant 96 : index
      %get3A_2215 = tpu.vector_load %arg6[%get3A_2213, %get3A_2214] {strides = array<i32>} : memref<64x1024xf32, #tpu.memory_space<vmem>>, vector<1x16xf32>,
      %get3A_2216 = vector.shape_cast %get3A_2215 : vector<1x16xf32> to vector<16xf32>
      %add3A_2217 = arith.addf %scan3A_2181, %get3A_2216 : vector<16xf32>
      %get3A_2218 = arith.index_cast %scan3A_2174 : i32 to index
      %get3A_2219 = arith.constant 112 : index
      %get3A_2220 = tpu.vector_load %arg6[%get3A_2218, %get3A_2219] {strides = array<i32>} : memref<64x1024xf32, #tpu.memory_space<vmem>>, vector<1x16xf32>,
      %get3A_2221 = vector.shape_cast %get3A_2220 : vector<1x16xf32> to vector<16xf32>
      %add3A_2222 = arith.addf %scan3A_2182, %get3A_2221 : vector<16xf32>
      scf.yield %add3A_2187, %add3A_2192, %add3A_2197, %add3A_2202, %add3A_2207, %add3A_2212, %add3A_2217, %add3A_2222 : vector<16xf32>, vector<16xf32>, vector<16xf32>, vector<16xf32>, vector<16xf32>, vector<16xf32>, vector<16xf32>, vector<16xf32>
    }
    %scan3A_84 = arith.constant 15 : i32
    %swap3A = arith.constant 0 : index
    %swap3A_85 = tpu.vector_load %arg7[%swap3A] {strides = array<i32>} : memref<1024xf32, #tpu.memory_space<vmem>>, vector<16xf32>,
    %swap3A_86 = vector.shape_cast %swap3A_85 : vector<16xf32> to vector<16xf32>
    %swap3A_87 = vector.shape_cast %scan3A_83#0 : vector<16xf32> to vector<16xf32>
    tpu.vector_store %arg7[%swap3A], %swap3A_87 {strides = array<i32>} : memref<1024xf32, #tpu.memory_space<vmem>>, vector<16xf32>,
    %swap3A_88 = arith.constant 16 : index
    %swap3A_89 = tpu.vector_load %arg7[%swap3A_88] {strides = array<i32>} : memref<1024xf32, #tpu.memory_space<vmem>>, vector<16xf32>,
    %swap3A_90 = vector.shape_cast %swap3A_89 : vector<16xf32> to vector<16xf32>
    %swap3A_91 = vector.shape_cast %scan3A_83#1 : vector<16xf32> to vector<16xf32>
    tpu.vector_store %arg7[%swap3A_88], %swap3A_91 {strides = array<i32>} : memref<1024xf32, #tpu.memory_space<vmem>>, vector<16xf32>,
    %swap3A_92 = arith.constant 32 : index
    %swap3A_93 = tpu.vector_load %arg7[%swap3A_92] {strides = array<i32>} : memref<1024xf32, #tpu.memory_space<vmem>>, vector<16xf32>,
    %swap3A_94 = vector.shape_cast %swap3A_93 : vector<16xf32> to vector<16xf32>
    %swap3A_95 = vector.shape_cast %scan3A_83#2 : vector<16xf32> to vector<16xf32>
    tpu.vector_store %arg7[%swap3A_92], %swap3A_95 {strides = array<i32>} : memref<1024xf32, #tpu.memory_space<vmem>>, vector<16xf32>,
    %swap3A_96 = arith.constant 48 : index
    %swap3A_97 = tpu.vector_load %arg7[%swap3A_96] {strides = array<i32>} : memref<1024xf32, #tpu.memory_space<vmem>>, vector<16xf32>,
    %swap3A_98 = vector.shape_cast %swap3A_97 : vector<16xf32> to vector<16xf32>
    %swap3A_99 = vector.shape_cast %scan3A_83#3 : vector<16xf32> to vector<16xf32>
    tpu.vector_store %arg7[%swap3A_96], %swap3A_99 {strides = array<i32>} : memref<1024xf32, #tpu.memory_space<vmem>>, vector<16xf32>,
    %swap3A_100 = arith.constant 64 : index
    %swap3A_101 = tpu.vector_load %arg7[%swap3A_100] {strides = array<i32>} : memref<1024xf32, #tpu.memory_space<vmem>>, vector<16xf32>,
    %swap3A_102 = vector.shape_cast %swap3A_101 : vector<16xf32> to vector<16xf32>
    %swap3A_103 = vector.shape_cast %scan3A_83#4 : vector<16xf32> to vector<16xf32>
    tpu.vector_store %arg7[%swap3A_100], %swap3A_103 {strides = array<i32>} : memref<1024xf32, #tpu.memory_space<vmem>>, vector<16xf32>,
    %swap3A_104 = arith.constant 80 : index
    %swap3A_105 = tpu.vector_load %arg7[%swap3A_104] {strides = array<i32>} : memref<1024xf32, #tpu.memory_space<vmem>>, vector<16xf32>,
    %swap3A_106 = vector.shape_cast %swap3A_105 : vector<16xf32> to vector<16xf32>
    %swap3A_107 = vector.shape_cast %scan3A_83#5 : vector<16xf32> to vector<16xf32>
    tpu.vector_store %arg7[%swap3A_104], %swap3A_107 {strides = array<i32>} : memref<1024xf32, #tpu.memory_space<vmem>>, vector<16xf32>,
    %swap3A_108 = arith.constant 96 : index
    %swap3A_109 = tpu.vector_load %arg7[%swap3A_108] {strides = array<i32>} : memref<1024xf32, #tpu.memory_space<vmem>>, vector<16xf32>,
    %swap3A_110 = vector.shape_cast %swap3A_109 : vector<16xf32> to vector<16xf32>
    %swap3A_111 = vector.shape_cast %scan3A_83#6 : vector<16xf32> to vector<16xf32>
    tpu.vector_store %arg7[%swap3A_108], %swap3A_111 {strides = array<i32>} : memref<1024xf32, #tpu.memory_space<vmem>>, vector<16xf32>,
    %swap3A_112 = arith.constant 112 : index
    %swap3A_113 = tpu.vector_load %arg7[%swap3A_112] {strides = array<i32>} : memref<1024xf32, #tpu.memory_space<vmem>>, vector<16xf32>,
    %swap3A_114 = vector.shape_cast %swap3A_113 : vector<16xf32> to vector<16xf32>
    %swap3A_115 = vector.shape_cast %scan3A_83#7 : vector<16xf32> to vector<16xf32>
    tpu.vector_store %arg7[%swap3A_112], %swap3A_115 {strides = array<i32>} : memref<1024xf32, #tpu.memory_space<vmem>>, vector<16xf32>,
    %get3A_116 = arith.constant 0 : i32
    %get3A_117 = arith.index_cast %get3A_116 : i32 to index
    %get3A_118 = arith.constant 128 : index
    %get3A_119 = tpu.vector_load %arg6[%get3A_117, %get3A_118] {strides = array<i32>} : memref<64x1024xf32, #tpu.memory_space<vmem>>, vector<1x16xf32>,
    %get3A_120 = vector.shape_cast %get3A_119 : vector<1x16xf32> to vector<16xf32>
    %get3A_121 = arith.constant 0 : i32
    %get3A_122 = arith.index_cast %get3A_121 : i32 to index
    %get3A_123 = arith.constant 144 : index
    %get3A_124 = tpu.vector_load %arg6[%get3A_122, %get3A_123] {strides = array<i32>} : memref<64x1024xf32, #tpu.memory_space<vmem>>, vector<1x16xf32>,
    %get3A_125 = vector.shape_cast %get3A_124 : vector<1x16xf32> to vector<16xf32>
    %get3A_126 = arith.constant 0 : i32
    %get3A_127 = arith.index_cast %get3A_126 : i32 to index
    %get3A_128 = arith.constant 160 : index
    %get3A_129 = tpu.vector_load %arg6[%get3A_127, %get3A_128] {strides = array<i32>} : memref<64x1024xf32, #tpu.memory_space<vmem>>, vector<1x16xf32>,
    %get3A_130 = vector.shape_cast %get3A_129 : vector<1x16xf32> to vector<16xf32>
    %get3A_131 = arith.constant 0 : i32
    %get3A_132 = arith.index_cast %get3A_131 : i32 to index
    %get3A_133 = arith.constant 176 : index
    %get3A_134 = tpu.vector_load %arg6[%get3A_132, %get3A_133] {strides = array<i32>} : memref<64x1024xf32, #tpu.memory_space<vmem>>, vector<1x16xf32>,
    %get3A_135 = vector.shape_cast %get3A_134 : vector<1x16xf32> to vector<16xf32>
    %get3A_136 = arith.constant 0 : i32
    %get3A_137 = arith.index_cast %get3A_136 : i32 to index
    %get3A_138 = arith.constant 192 : index
    %get3A_139 = tpu.vector_load %arg6[%get3A_137, %get3A_138] {strides = array<i32>} : memref<64x1024xf32, #tpu.memory_space<vmem>>, vector<1x16xf32>,
    %get3A_140 = vector.shape_cast %get3A_139 : vector<1x16xf32> to vector<16xf32>
    %get3A_141 = arith.constant 0 : i32
    %get3A_142 = arith.index_cast %get3A_141 : i32 to index
    %get3A_143 = arith.constant 208 : index
    %get3A_144 = tpu.vector_load %arg6[%get3A_142, %get3A_143] {strides = array<i32>} : memref<64x1024xf32, #tpu.memory_space<vmem>>, vector<1x16xf32>,
    %get3A_145 = vector.shape_cast %get3A_144 : vector<1x16xf32> to vector<16xf32>
    %get3A_146 = arith.constant 0 : i32
    %get3A_147 = arith.index_cast %get3A_146 : i32 to index
    %get3A_148 = arith.constant 224 : index
    %get3A_149 = tpu.vector_load %arg6[%get3A_147, %get3A_148] {strides = array<i32>} : memref<64x1024xf32, #tpu.memory_space<vmem>>, vector<1x16xf32>,
    %get3A_150 = vector.shape_cast %get3A_149 : vector<1x16xf32> to vector<16xf32>
    %get3A_151 = arith.constant 0 : i32
    %get3A_152 = arith.index_cast %get3A_151 : i32 to index
    %get3A_153 = arith.constant 240 : index
    %get3A_154 = tpu.vector_load %arg6[%get3A_152, %get3A_153] {strides = array<i32>} : memref<64x1024xf32, #tpu.memory_space<vmem>>, vector<1x16xf32>,
    %get3A_155 = vector.shape_cast %get3A_154 : vector<1x16xf32> to vector<16xf32>
    %scan3A_156 = arith.constant 1 : i32
    %scan3A_157 = arith.constant 15 : i32
    %scan3A_158 = arith.addi %scan3A_156, %scan3A_157 : i32
    %scan3A_159 = arith.constant 1 : i32
    %scan3A_160:8 = scf.for %scan3A_2174 = %scan3A_156 to %scan3A_158 step %scan3A_159 iter_args(%scan3A_2175 = %get3A_120, %scan3A_2176 = %get3A_125, %scan3A_2177 = %get3A_130, %scan3A_2178 = %get3A_135, %scan3A_2179 = %get3A_140, %scan3A_2180 = %get3A_145, %scan3A_2181 = %get3A_150, %scan3A_2182 = %get3A_155) -> (vector<16xf32>, vector<16xf32>, vector<16xf32>, vector<16xf32>, vector<16xf32>, vector<16xf32>, vector<16xf32>, vector<16xf32>)  : i32 {
      %get3A_2183 = arith.index_cast %scan3A_2174 : i32 to index
      %get3A_2184 = arith.constant 128 : index
      %get3A_2185 = tpu.vector_load %arg6[%get3A_2183, %get3A_2184] {strides = array<i32>} : memref<64x1024xf32, #tpu.memory_space<vmem>>, vector<1x16xf32>,
      %get3A_2186 = vector.shape_cast %get3A_2185 : vector<1x16xf32> to vector<16xf32>
      %add3A_2187 = arith.addf %scan3A_2175, %get3A_2186 : vector<16xf32>
      %get3A_2188 = arith.index_cast %scan3A_2174 : i32 to index
      %get3A_2189 = arith.constant 144 : index
      %get3A_2190 = tpu.vector_load %arg6[%get3A_2188, %get3A_2189] {strides = array<i32>} : memref<64x1024xf32, #tpu.memory_space<vmem>>, vector<1x16xf32>,
      %get3A_2191 = vector.shape_cast %get3A_2190 : vector<1x16xf32> to vector<16xf32>
      %add3A_2192 = arith.addf %scan3A_2176, %get3A_2191 : vector<16xf32>
      %get3A_2193 = arith.index_cast %scan3A_2174 : i32 to index
      %get3A_2194 = arith.constant 160 : index
      %get3A_2195 = tpu.vector_load %arg6[%get3A_2193, %get3A_2194] {strides = array<i32>} : memref<64x1024xf32, #tpu.memory_space<vmem>>, vector<1x16xf32>,
      %get3A_2196 = vector.shape_cast %get3A_2195 : vector<1x16xf32> to vector<16xf32>
      %add3A_2197 = arith.addf %scan3A_2177, %get3A_2196 : vector<16xf32>
      %get3A_2198 = arith.index_cast %scan3A_2174 : i32 to index
      %get3A_2199 = arith.constant 176 : index
      %get3A_2200 = tpu.vector_load %arg6[%get3A_2198, %get3A_2199] {strides = array<i32>} : memref<64x1024xf32, #tpu.memory_space<vmem>>, vector<1x16xf32>,
      %get3A_2201 = vector.shape_cast %get3A_2200 : vector<1x16xf32> to vector<16xf32>
      %add3A_2202 = arith.addf %scan3A_2178, %get3A_2201 : vector<16xf32>
      %get3A_2203 = arith.index_cast %scan3A_2174 : i32 to index
      %get3A_2204 = arith.constant 192 : index
      %get3A_2205 = tpu.vector_load %arg6[%get3A_2203, %get3A_2204] {strides = array<i32>} : memref<64x1024xf32, #tpu.memory_space<vmem>>, vector<1x16xf32>,
      %get3A_2206 = vector.shape_cast %get3A_2205 : vector<1x16xf32> to vector<16xf32>
      %add3A_2207 = arith.addf %scan3A_2179, %get3A_2206 : vector<16xf32>
      %get3A_2208 = arith.index_cast %scan3A_2174 : i32 to index
      %get3A_2209 = arith.constant 208 : index
      %get3A_2210 = tpu.vector_load %arg6[%get3A_2208, %get3A_2209] {strides = array<i32>} : memref<64x1024xf32, #tpu.memory_space<vmem>>, vector<1x16xf32>,
      %get3A_2211 = vector.shape_cast %get3A_2210 : vector<1x16xf32> to vector<16xf32>
      %add3A_2212 = arith.addf %scan3A_2180, %get3A_2211 : vector<16xf32>
      %get3A_2213 = arith.index_cast %scan3A_2174 : i32 to index
      %get3A_2214 = arith.constant 224 : index
      %get3A_2215 = tpu.vector_load %arg6[%get3A_2213, %get3A_2214] {strides = array<i32>} : memref<64x1024xf32, #tpu.memory_space<vmem>>, vector<1x16xf32>,
      %get3A_2216 = vector.shape_cast %get3A_2215 : vector<1x16xf32> to vector<16xf32>
      %add3A_2217 = arith.addf %scan3A_2181, %get3A_2216 : vector<16xf32>
      %get3A_2218 = arith.index_cast %scan3A_2174 : i32 to index
      %get3A_2219 = arith.constant 240 : index
      %get3A_2220 = tpu.vector_load %arg6[%get3A_2218, %get3A_2219] {strides = array<i32>} : memref<64x1024xf32, #tpu.memory_space<vmem>>, vector<1x16xf32>,
      %get3A_2221 = vector.shape_cast %get3A_2220 : vector<1x16xf32> to vector<16xf32>
      %add3A_2222 = arith.addf %scan3A_2182, %get3A_2221 : vector<16xf32>
      scf.yield %add3A_2187, %add3A_2192, %add3A_2197, %add3A_2202, %add3A_2207, %add3A_2212, %add3A_2217, %add3A_2222 : vector<16xf32>, vector<16xf32>, vector<16xf32>, vector<16xf32>, vector<16xf32>, vector<16xf32>, vector<16xf32>, vector<16xf32>
    }
    %scan3A_161 = arith.constant 15 : i32
    %swap3A_162 = arith.constant 128 : index
    %swap3A_163 = tpu.vector_load %arg7[%swap3A_162] {strides = array<i32>} : memref<1024xf32, #tpu.memory_space<vmem>>, vector<16xf32>,
    %swap3A_164 = vector.shape_cast %swap3A_163 : vector<16xf32> to vector<16xf32>
    %swap3A_165 = vector.shape_cast %scan3A_160#0 : vector<16xf32> to vector<16xf32>
    tpu.vector_store %arg7[%swap3A_162], %swap3A_165 {strides = array<i32>} : memref<1024xf32, #tpu.memory_space<vmem>>, vector<16xf32>,
    %swap3A_166 = arith.constant 144 : index
    %swap3A_167 = tpu.vector_load %arg7[%swap3A_166] {strides = array<i32>} : memref<1024xf32, #tpu.memory_space<vmem>>, vector<16xf32>,
    %swap3A_168 = vector.shape_cast %swap3A_167 : vector<16xf32> to vector<16xf32>
    %swap3A_169 = vector.shape_cast %scan3A_160#1 : vector<16xf32> to vector<16xf32>
    tpu.vector_store %arg7[%swap3A_166], %swap3A_169 {strides = array<i32>} : memref<1024xf32, #tpu.memory_space<vmem>>, vector<16xf32>,
    %swap3A_170 = arith.constant 160 : index
    %swap3A_171 = tpu.vector_load %arg7[%swap3A_170] {strides = array<i32>} : memref<1024xf32, #tpu.memory_space<vmem>>, vector<16xf32>,
    %swap3A_172 = vector.shape_cast %swap3A_171 : vector<16xf32> to vector<16xf32>
    %swap3A_173 = vector.shape_cast %scan3A_160#2 : vector<16xf32> to vector<16xf32>
    tpu.vector_store %arg7[%swap3A_170], %swap3A_173 {strides = array<i32>} : memref<1024xf32, #tpu.memory_space<vmem>>, vector<16xf32>,
    %swap3A_174 = arith.constant 176 : index
    %swap3A_175 = tpu.vector_load %arg7[%swap3A_174] {strides = array<i32>} : memref<1024xf32, #tpu.memory_space<vmem>>, vector<16xf32>,
    %swap3A_176 = vector.shape_cast %swap3A_175 : vector<16xf32> to vector<16xf32>
    %swap3A_177 = vector.shape_cast %scan3A_160#3 : vector<16xf32> to vector<16xf32>
    tpu.vector_store %arg7[%swap3A_174], %swap3A_177 {strides = array<i32>} : memref<1024xf32, #tpu.memory_space<vmem>>, vector<16xf32>,
    %swap3A_178 = arith.constant 192 : index
    %swap3A_179 = tpu.vector_load %arg7[%swap3A_178] {strides = array<i32>} : memref<1024xf32, #tpu.memory_space<vmem>>, vector<16xf32>,
    %swap3A_180 = vector.shape_cast %swap3A_179 : vector<16xf32> to vector<16xf32>
    %swap3A_181 = vector.shape_cast %scan3A_160#4 : vector<16xf32> to vector<16xf32>
    tpu.vector_store %arg7[%swap3A_178], %swap3A_181 {strides = array<i32>} : memref<1024xf32, #tpu.memory_space<vmem>>, vector<16xf32>,
    %swap3A_182 = arith.constant 208 : index
    %swap3A_183 = tpu.vector_load %arg7[%swap3A_182] {strides = array<i32>} : memref<1024xf32, #tpu.memory_space<vmem>>, vector<16xf32>,
    %swap3A_184 = vector.shape_cast %swap3A_183 : vector<16xf32> to vector<16xf32>
    %swap3A_185 = vector.shape_cast %scan3A_160#5 : vector<16xf32> to vector<16xf32>
    tpu.vector_store %arg7[%swap3A_182], %swap3A_185 {strides = array<i32>} : memref<1024xf32, #tpu.memory_space<vmem>>, vector<16xf32>,
    %swap3A_186 = arith.constant 224 : index
    %swap3A_187 = tpu.vector_load %arg7[%swap3A_186] {strides = array<i32>} : memref<1024xf32, #tpu.memory_space<vmem>>, vector<16xf32>,
    %swap3A_188 = vector.shape_cast %swap3A_187 : vector<16xf32> to vector<16xf32>
    %swap3A_189 = vector.shape_cast %scan3A_160#6 : vector<16xf32> to vector<16xf32>
    tpu.vector_store %arg7[%swap3A_186], %swap3A_189 {strides = array<i32>} : memref<1024xf32, #tpu.memory_space<vmem>>, vector<16xf32>,
    %swap3A_190 = arith.constant 240 : index
    %swap3A_191 = tpu.vector_load %arg7[%swap3A_190] {strides = array<i32>} : memref<1024xf32, #tpu.memory_space<vmem>>, vector<16xf32>,
    %swap3A_192 = vector.shape_cast %swap3A_191 : vector<16xf32> to vector<16xf32>
    %swap3A_193 = vector.shape_cast %scan3A_160#7 : vector<16xf32> to vector<16xf32>
    tpu.vector_store %arg7[%swap3A_190], %swap3A_193 {strides = array<i32>} : memref<1024xf32, #tpu.memory_space<vmem>>, vector<16xf32>,
    %get3A_194 = arith.constant 0 : i32
    %get3A_195 = arith.index_cast %get3A_194 : i32 to index
    %get3A_196 = arith.constant 256 : index
    %get3A_197 = tpu.vector_load %arg6[%get3A_195, %get3A_196] {strides = array<i32>} : memref<64x1024xf32, #tpu.memory_space<vmem>>, vector<1x16xf32>,
    %get3A_198 = vector.shape_cast %get3A_197 : vector<1x16xf32> to vector<16xf32>
    %get3A_199 = arith.constant 0 : i32
    %get3A_200 = arith.index_cast %get3A_199 : i32 to index
    %get3A_201 = arith.constant 272 : index
    %get3A_202 = tpu.vector_load %arg6[%get3A_200, %get3A_201] {strides = array<i32>} : memref<64x1024xf32, #tpu.memory_space<vmem>>, vector<1x16xf32>,
    %get3A_203 = vector.shape_cast %get3A_202 : vector<1x16xf32> to vector<16xf32>
    %get3A_204 = arith.constant 0 : i32
    %get3A_205 = arith.index_cast %get3A_204 : i32 to index
    %get3A_206 = arith.constant 288 : index
    %get3A_207 = tpu.vector_load %arg6[%get3A_205, %get3A_206] {strides = array<i32>} : memref<64x1024xf32, #tpu.memory_space<vmem>>, vector<1x16xf32>,
    %get3A_208 = vector.shape_cast %get3A_207 : vector<1x16xf32> to vector<16xf32>
    %get3A_209 = arith.constant 0 : i32
    %get3A_210 = arith.index_cast %get3A_209 : i32 to index
    %get3A_211 = arith.constant 304 : index
    %get3A_212 = tpu.vector_load %arg6[%get3A_210, %get3A_211] {strides = array<i32>} : memref<64x1024xf32, #tpu.memory_space<vmem>>, vector<1x16xf32>,
    %get3A_213 = vector.shape_cast %get3A_212 : vector<1x16xf32> to vector<16xf32>
    %get3A_214 = arith.constant 0 : i32
    %get3A_215 = arith.index_cast %get3A_214 : i32 to index
    %get3A_216 = arith.constant 320 : index
    %get3A_217 = tpu.vector_load %arg6[%get3A_215, %get3A_216] {strides = array<i32>} : memref<64x1024xf32, #tpu.memory_space<vmem>>, vector<1x16xf32>,
    %get3A_218 = vector.shape_cast %get3A_217 : vector<1x16xf32> to vector<16xf32>
    %get3A_219 = arith.constant 0 : i32
    %get3A_220 = arith.index_cast %get3A_219 : i32 to index
    %get3A_221 = arith.constant 336 : index
    %get3A_222 = tpu.vector_load %arg6[%get3A_220, %get3A_221] {strides = array<i32>} : memref<64x1024xf32, #tpu.memory_space<vmem>>, vector<1x16xf32>,
    %get3A_223 = vector.shape_cast %get3A_222 : vector<1x16xf32> to vector<16xf32>
    %get3A_224 = arith.constant 0 : i32
    %get3A_225 = arith.index_cast %get3A_224 : i32 to index
    %get3A_226 = arith.constant 352 : index
    %get3A_227 = tpu.vector_load %arg6[%get3A_225, %get3A_226] {strides = array<i32>} : memref<64x1024xf32, #tpu.memory_space<vmem>>, vector<1x16xf32>,
    %get3A_228 = vector.shape_cast %get3A_227 : vector<1x16xf32> to vector<16xf32>
    %get3A_229 = arith.constant 0 : i32
    %get3A_230 = arith.index_cast %get3A_229 : i32 to index
    %get3A_231 = arith.constant 368 : index
    %get3A_232 = tpu.vector_load %arg6[%get3A_230, %get3A_231] {strides = array<i32>} : memref<64x1024xf32, #tpu.memory_space<vmem>>, vector<1x16xf32>,
    %get3A_233 = vector.shape_cast %get3A_232 : vector<1x16xf32> to vector<16xf32>
    %scan3A_234 = arith.constant 1 : i32
    %scan3A_235 = arith.constant 15 : i32
    %scan3A_236 = arith.addi %scan3A_234, %scan3A_235 : i32
    %scan3A_237 = arith.constant 1 : i32
    %scan3A_238:8 = scf.for %scan3A_2174 = %scan3A_234 to %scan3A_236 step %scan3A_237 iter_args(%scan3A_2175 = %get3A_198, %scan3A_2176 = %get3A_203, %scan3A_2177 = %get3A_208, %scan3A_2178 = %get3A_213, %scan3A_2179 = %get3A_218, %scan3A_2180 = %get3A_223, %scan3A_2181 = %get3A_228, %scan3A_2182 = %get3A_233) -> (vector<16xf32>, vector<16xf32>, vector<16xf32>, vector<16xf32>, vector<16xf32>, vector<16xf32>, vector<16xf32>, vector<16xf32>)  : i32 {
      %get3A_2183 = arith.index_cast %scan3A_2174 : i32 to index
      %get3A_2184 = arith.constant 256 : index
      %get3A_2185 = tpu.vector_load %arg6[%get3A_2183, %get3A_2184] {strides = array<i32>} : memref<64x1024xf32, #tpu.memory_space<vmem>>, vector<1x16xf32>,
      %get3A_2186 = vector.shape_cast %get3A_2185 : vector<1x16xf32> to vector<16xf32>
      %add3A_2187 = arith.addf %scan3A_2175, %get3A_2186 : vector<16xf32>
      %get3A_2188 = arith.index_cast %scan3A_2174 : i32 to index
      %get3A_2189 = arith.constant 272 : index
      %get3A_2190 = tpu.vector_load %arg6[%get3A_2188, %get3A_2189] {strides = array<i32>} : memref<64x1024xf32, #tpu.memory_space<vmem>>, vector<1x16xf32>,
      %get3A_2191 = vector.shape_cast %get3A_2190 : vector<1x16xf32> to vector<16xf32>
      %add3A_2192 = arith.addf %scan3A_2176, %get3A_2191 : vector<16xf32>
      %get3A_2193 = arith.index_cast %scan3A_2174 : i32 to index
      %get3A_2194 = arith.constant 288 : index
      %get3A_2195 = tpu.vector_load %arg6[%get3A_2193, %get3A_2194] {strides = array<i32>} : memref<64x1024xf32, #tpu.memory_space<vmem>>, vector<1x16xf32>,
      %get3A_2196 = vector.shape_cast %get3A_2195 : vector<1x16xf32> to vector<16xf32>
      %add3A_2197 = arith.addf %scan3A_2177, %get3A_2196 : vector<16xf32>
      %get3A_2198 = arith.index_cast %scan3A_2174 : i32 to index
      %get3A_2199 = arith.constant 304 : index
      %get3A_2200 = tpu.vector_load %arg6[%get3A_2198, %get3A_2199] {strides = array<i32>} : memref<64x1024xf32, #tpu.memory_space<vmem>>, vector<1x16xf32>,
      %get3A_2201 = vector.shape_cast %get3A_2200 : vector<1x16xf32> to vector<16xf32>
      %add3A_2202 = arith.addf %scan3A_2178, %get3A_2201 : vector<16xf32>
      %get3A_2203 = arith.index_cast %scan3A_2174 : i32 to index
      %get3A_2204 = arith.constant 320 : index
      %get3A_2205 = tpu.vector_load %arg6[%get3A_2203, %get3A_2204] {strides = array<i32>} : memref<64x1024xf32, #tpu.memory_space<vmem>>, vector<1x16xf32>,
      %get3A_2206 = vector.shape_cast %get3A_2205 : vector<1x16xf32> to vector<16xf32>
      %add3A_2207 = arith.addf %scan3A_2179, %get3A_2206 : vector<16xf32>
      %get3A_2208 = arith.index_cast %scan3A_2174 : i32 to index
      %get3A_2209 = arith.constant 336 : index
      %get3A_2210 = tpu.vector_load %arg6[%get3A_2208, %get3A_2209] {strides = array<i32>} : memref<64x1024xf32, #tpu.memory_space<vmem>>, vector<1x16xf32>,
      %get3A_2211 = vector.shape_cast %get3A_2210 : vector<1x16xf32> to vector<16xf32>
      %add3A_2212 = arith.addf %scan3A_2180, %get3A_2211 : vector<16xf32>
      %get3A_2213 = arith.index_cast %scan3A_2174 : i32 to index
      %get3A_2214 = arith.constant 352 : index
      %get3A_2215 = tpu.vector_load %arg6[%get3A_2213, %get3A_2214] {strides = array<i32>} : memref<64x1024xf32, #tpu.memory_space<vmem>>, vector<1x16xf32>,
      %get3A_2216 = vector.shape_cast %get3A_2215 : vector<1x16xf32> to vector<16xf32>
      %add3A_2217 = arith.addf %scan3A_2181, %get3A_2216 : vector<16xf32>
      %get3A_2218 = arith.index_cast %scan3A_2174 : i32 to index
      %get3A_2219 = arith.constant 368 : index
      %get3A_2220 = tpu.vector_load %arg6[%get3A_2218, %get3A_2219] {strides = array<i32>} : memref<64x1024xf32, #tpu.memory_space<vmem>>, vector<1x16xf32>,
      %get3A_2221 = vector.shape_cast %get3A_2220 : vector<1x16xf32> to vector<16xf32>
      %add3A_2222 = arith.addf %scan3A_2182, %get3A_2221 : vector<16xf32>
      scf.yield %add3A_2187, %add3A_2192, %add3A_2197, %add3A_2202, %add3A_2207, %add3A_2212, %add3A_2217, %add3A_2222 : vector<16xf32>, vector<16xf32>, vector<16xf32>, vector<16xf32>, vector<16xf32>, vector<16xf32>, vector<16xf32>, vector<16xf32>
    }
    %scan3A_239 = arith.constant 15 : i32
    %swap3A_240 = arith.constant 256 : index
    %swap3A_241 = tpu.vector_load %arg7[%swap3A_240] {strides = array<i32>} : memref<1024xf32, #tpu.memory_space<vmem>>, vector<16xf32>,
    %swap3A_242 = vector.shape_cast %swap3A_241 : vector<16xf32> to vector<16xf32>
    %swap3A_243 = vector.shape_cast %scan3A_238#0 : vector<16xf32> to vector<16xf32>
    tpu.vector_store %arg7[%swap3A_240], %swap3A_243 {strides = array<i32>} : memref<1024xf32, #tpu.memory_space<vmem>>, vector<16xf32>,
    %swap3A_244 = arith.constant 272 : index
    %swap3A_245 = tpu.vector_load %arg7[%swap3A_244] {strides = array<i32>} : memref<1024xf32, #tpu.memory_space<vmem>>, vector<16xf32>,
    %swap3A_246 = vector.shape_cast %swap3A_245 : vector<16xf32> to vector<16xf32>
    %swap3A_247 = vector.shape_cast %scan3A_238#1 : vector<16xf32> to vector<16xf32>
    tpu.vector_store %arg7[%swap3A_244], %swap3A_247 {strides = array<i32>} : memref<1024xf32, #tpu.memory_space<vmem>>, vector<16xf32>,
    %swap3A_248 = arith.constant 288 : index
    %swap3A_249 = tpu.vector_load %arg7[%swap3A_248] {strides = array<i32>} : memref<1024xf32, #tpu.memory_space<vmem>>, vector<16xf32>,
    %swap3A_250 = vector.shape_cast %swap3A_249 : vector<16xf32> to vector<16xf32>
    %swap3A_251 = vector.shape_cast %scan3A_238#2 : vector<16xf32> to vector<16xf32>
    tpu.vector_store %arg7[%swap3A_248], %swap3A_251 {strides = array<i32>} : memref<1024xf32, #tpu.memory_space<vmem>>, vector<16xf32>,
    %swap3A_252 = arith.constant 304 : index
    %swap3A_253 = tpu.vector_load %arg7[%swap3A_252] {strides = array<i32>} : memref<1024xf32, #tpu.memory_space<vmem>>, vector<16xf32>,
    %swap3A_254 = vector.shape_cast %swap3A_253 : vector<16xf32> to vector<16xf32>
    %swap3A_255 = vector.shape_cast %scan3A_238#3 : vector<16xf32> to vector<16xf32>
    tpu.vector_store %arg7[%swap3A_252], %swap3A_255 {strides = array<i32>} : memref<1024xf32, #tpu.memory_space<vmem>>, vector<16xf32>,
    %swap3A_256 = arith.constant 320 : index
    %swap3A_257 = tpu.vector_load %arg7[%swap3A_256] {strides = array<i32>} : memref<1024xf32, #tpu.memory_space<vmem>>, vector<16xf32>,
    %swap3A_258 = vector.shape_cast %swap3A_257 : vector<16xf32> to vector<16xf32>
    %swap3A_259 = vector.shape_cast %scan3A_238#4 : vector<16xf32> to vector<16xf32>
    tpu.vector_store %arg7[%swap3A_256], %swap3A_259 {strides = array<i32>} : memref<1024xf32, #tpu.memory_space<vmem>>, vector<16xf32>,
    %swap3A_260 = arith.constant 336 : index
    %swap3A_261 = tpu.vector_load %arg7[%swap3A_260] {strides = array<i32>} : memref<1024xf32, #tpu.memory_space<vmem>>, vector<16xf32>,
    %swap3A_262 = vector.shape_cast %swap3A_261 : vector<16xf32> to vector<16xf32>
    %swap3A_263 = vector.shape_cast %scan3A_238#5 : vector<16xf32> to vector<16xf32>
    tpu.vector_store %arg7[%swap3A_260], %swap3A_263 {strides = array<i32>} : memref<1024xf32, #tpu.memory_space<vmem>>, vector<16xf32>,
    %swap3A_264 = arith.constant 352 : index
    %swap3A_265 = tpu.vector_load %arg7[%swap3A_264] {strides = array<i32>} : memref<1024xf32, #tpu.memory_space<vmem>>, vector<16xf32>,
    %swap3A_266 = vector.shape_cast %swap3A_265 : vector<16xf32> to vector<16xf32>
    %swap3A_267 = vector.shape_cast %scan3A_238#6 : vector<16xf32> to vector<16xf32>
    tpu.vector_store %arg7[%swap3A_264], %swap3A_267 {strides = array<i32>} : memref<1024xf32, #tpu.memory_space<vmem>>, vector<16xf32>,
    %swap3A_268 = arith.constant 368 : index
    %swap3A_269 = tpu.vector_load %arg7[%swap3A_268] {strides = array<i32>} : memref<1024xf32, #tpu.memory_space<vmem>>, vector<16xf32>,
    %swap3A_270 = vector.shape_cast %swap3A_269 : vector<16xf32> to vector<16xf32>
    %swap3A_271 = vector.shape_cast %scan3A_238#7 : vector<16xf32> to vector<16xf32>
    tpu.vector_store %arg7[%swap3A_268], %swap3A_271 {strides = array<i32>} : memref<1024xf32, #tpu.memory_space<vmem>>, vector<16xf32>,
    %get3A_272 = arith.constant 0 : i32
    %get3A_273 = arith.index_cast %get3A_272 : i32 to index
    %get3A_274 = arith.constant 384 : index
    %get3A_275 = tpu.vector_load %arg6[%get3A_273, %get3A_274] {strides = array<i32>} : memref<64x1024xf32, #tpu.memory_space<vmem>>, vector<1x16xf32>,
    %get3A_276 = vector.shape_cast %get3A_275 : vector<1x16xf32> to vector<16xf32>
    %get3A_277 = arith.constant 0 : i32
    %get3A_278 = arith.index_cast %get3A_277 : i32 to index
    %get3A_279 = arith.constant 400 : index
    %get3A_280 = tpu.vector_load %arg6[%get3A_278, %get3A_279] {strides = array<i32>} : memref<64x1024xf32, #tpu.memory_space<vmem>>, vector<1x16xf32>,
    %get3A_281 = vector.shape_cast %get3A_280 : vector<1x16xf32> to vector<16xf32>
    %get3A_282 = arith.constant 0 : i32
    %get3A_283 = arith.index_cast %get3A_282 : i32 to index
    %get3A_284 = arith.constant 416 : index
    %get3A_285 = tpu.vector_load %arg6[%get3A_283, %get3A_284] {strides = array<i32>} : memref<64x1024xf32, #tpu.memory_space<vmem>>, vector<1x16xf32>,
    %get3A_286 = vector.shape_cast %get3A_285 : vector<1x16xf32> to vector<16xf32>
    %get3A_287 = arith.constant 0 : i32
    %get3A_288 = arith.index_cast %get3A_287 : i32 to index
    %get3A_289 = arith.constant 432 : index
    %get3A_290 = tpu.vector_load %arg6[%get3A_288, %get3A_289] {strides = array<i32>} : memref<64x1024xf32, #tpu.memory_space<vmem>>, vector<1x16xf32>,
    %get3A_291 = vector.shape_cast %get3A_290 : vector<1x16xf32> to vector<16xf32>
    %get3A_292 = arith.constant 0 : i32
    %get3A_293 = arith.index_cast %get3A_292 : i32 to index
    %get3A_294 = arith.constant 448 : index
    %get3A_295 = tpu.vector_load %arg6[%get3A_293, %get3A_294] {strides = array<i32>} : memref<64x1024xf32, #tpu.memory_space<vmem>>, vector<1x16xf32>,
    %get3A_296 = vector.shape_cast %get3A_295 : vector<1x16xf32> to vector<16xf32>
    %get3A_297 = arith.constant 0 : i32
    %get3A_298 = arith.index_cast %get3A_297 : i32 to index
    %get3A_299 = arith.constant 464 : index
    %get3A_300 = tpu.vector_load %arg6[%get3A_298, %get3A_299] {strides = array<i32>} : memref<64x1024xf32, #tpu.memory_space<vmem>>, vector<1x16xf32>,
    %get3A_301 = vector.shape_cast %get3A_300 : vector<1x16xf32> to vector<16xf32>
    %get3A_302 = arith.constant 0 : i32
    %get3A_303 = arith.index_cast %get3A_302 : i32 to index
    %get3A_304 = arith.constant 480 : index
    %get3A_305 = tpu.vector_load %arg6[%get3A_303, %get3A_304] {strides = array<i32>} : memref<64x1024xf32, #tpu.memory_space<vmem>>, vector<1x16xf32>,
    %get3A_306 = vector.shape_cast %get3A_305 : vector<1x16xf32> to vector<16xf32>
    %get3A_307 = arith.constant 0 : i32
    %get3A_308 = arith.index_cast %get3A_307 : i32 to index
    %get3A_309 = arith.constant 496 : index
    %get3A_310 = tpu.vector_load %arg6[%get3A_308, %get3A_309] {strides = array<i32>} : memref<64x1024xf32, #tpu.memory_space<vmem>>, vector<1x16xf32>,
    %get3A_311 = vector.shape_cast %get3A_310 : vector<1x16xf32> to vector<16xf32>
    %scan3A_312 = arith.constant 1 : i32
    %scan3A_313 = arith.constant 15 : i32
    %scan3A_314 = arith.addi %scan3A_312, %scan3A_313 : i32
    %scan3A_315 = arith.constant 1 : i32
    %scan3A_316:8 = scf.for %scan3A_2174 = %scan3A_312 to %scan3A_314 step %scan3A_315 iter_args(%scan3A_2175 = %get3A_276, %scan3A_2176 = %get3A_281, %scan3A_2177 = %get3A_286, %scan3A_2178 = %get3A_291, %scan3A_2179 = %get3A_296, %scan3A_2180 = %get3A_301, %scan3A_2181 = %get3A_306, %scan3A_2182 = %get3A_311) -> (vector<16xf32>, vector<16xf32>, vector<16xf32>, vector<16xf32>, vector<16xf32>, vector<16xf32>, vector<16xf32>, vector<16xf32>)  : i32 {
      %get3A_2183 = arith.index_cast %scan3A_2174 : i32 to index
      %get3A_2184 = arith.constant 384 : index
      %get3A_2185 = tpu.vector_load %arg6[%get3A_2183, %get3A_2184] {strides = array<i32>} : memref<64x1024xf32, #tpu.memory_space<vmem>>, vector<1x16xf32>,
      %get3A_2186 = vector.shape_cast %get3A_2185 : vector<1x16xf32> to vector<16xf32>
      %add3A_2187 = arith.addf %scan3A_2175, %get3A_2186 : vector<16xf32>
      %get3A_2188 = arith.index_cast %scan3A_2174 : i32 to index
      %get3A_2189 = arith.constant 400 : index
      %get3A_2190 = tpu.vector_load %arg6[%get3A_2188, %get3A_2189] {strides = array<i32>} : memref<64x1024xf32, #tpu.memory_space<vmem>>, vector<1x16xf32>,
      %get3A_2191 = vector.shape_cast %get3A_2190 : vector<1x16xf32> to vector<16xf32>
      %add3A_2192 = arith.addf %scan3A_2176, %get3A_2191 : vector<16xf32>
      %get3A_2193 = arith.index_cast %scan3A_2174 : i32 to index
      %get3A_2194 = arith.constant 416 : index
      %get3A_2195 = tpu.vector_load %arg6[%get3A_2193, %get3A_2194] {strides = array<i32>} : memref<64x1024xf32, #tpu.memory_space<vmem>>, vector<1x16xf32>,
      %get3A_2196 = vector.shape_cast %get3A_2195 : vector<1x16xf32> to vector<16xf32>
      %add3A_2197 = arith.addf %scan3A_2177, %get3A_2196 : vector<16xf32>
      %get3A_2198 = arith.index_cast %scan3A_2174 : i32 to index
      %get3A_2199 = arith.constant 432 : index
      %get3A_2200 = tpu.vector_load %arg6[%get3A_2198, %get3A_2199] {strides = array<i32>} : memref<64x1024xf32, #tpu.memory_space<vmem>>, vector<1x16xf32>,
      %get3A_2201 = vector.shape_cast %get3A_2200 : vector<1x16xf32> to vector<16xf32>
      %add3A_2202 = arith.addf %scan3A_2178, %get3A_2201 : vector<16xf32>
      %get3A_2203 = arith.index_cast %scan3A_2174 : i32 to index
      %get3A_2204 = arith.constant 448 : index
      %get3A_2205 = tpu.vector_load %arg6[%get3A_2203, %get3A_2204] {strides = array<i32>} : memref<64x1024xf32, #tpu.memory_space<vmem>>, vector<1x16xf32>,
      %get3A_2206 = vector.shape_cast %get3A_2205 : vector<1x16xf32> to vector<16xf32>
      %add3A_2207 = arith.addf %scan3A_2179, %get3A_2206 : vector<16xf32>
      %get3A_2208 = arith.index_cast %scan3A_2174 : i32 to index
      %get3A_2209 = arith.constant 464 : index
      %get3A_2210 = tpu.vector_load %arg6[%get3A_2208, %get3A_2209] {strides = array<i32>} : memref<64x1024xf32, #tpu.memory_space<vmem>>, vector<1x16xf32>,
      %get3A_2211 = vector.shape_cast %get3A_2210 : vector<1x16xf32> to vector<16xf32>
      %add3A_2212 = arith.addf %scan3A_2180, %get3A_2211 : vector<16xf32>
      %get3A_2213 = arith.index_cast %scan3A_2174 : i32 to index
      %get3A_2214 = arith.constant 480 : index
      %get3A_2215 = tpu.vector_load %arg6[%get3A_2213, %get3A_2214] {strides = array<i32>} : memref<64x1024xf32, #tpu.memory_space<vmem>>, vector<1x16xf32>,
      %get3A_2216 = vector.shape_cast %get3A_2215 : vector<1x16xf32> to vector<16xf32>
      %add3A_2217 = arith.addf %scan3A_2181, %get3A_2216 : vector<16xf32>
      %get3A_2218 = arith.index_cast %scan3A_2174 : i32 to index
      %get3A_2219 = arith.constant 496 : index
      %get3A_2220 = tpu.vector_load %arg6[%get3A_2218, %get3A_2219] {strides = array<i32>} : memref<64x1024xf32, #tpu.memory_space<vmem>>, vector<1x16xf32>,
      %get3A_2221 = vector.shape_cast %get3A_2220 : vector<1x16xf32> to vector<16xf32>
      %add3A_2222 = arith.addf %scan3A_2182, %get3A_2221 : vector<16xf32>
      scf.yield %add3A_2187, %add3A_2192, %add3A_2197, %add3A_2202, %add3A_2207, %add3A_2212, %add3A_2217, %add3A_2222 : vector<16xf32>, vector<16xf32>, vector<16xf32>, vector<16xf32>, vector<16xf32>, vector<16xf32>, vector<16xf32>, vector<16xf32>
    }
    %scan3A_317 = arith.constant 15 : i32
    %swap3A_318 = arith.constant 384 : index
    %swap3A_319 = tpu.vector_load %arg7[%swap3A_318] {strides = array<i32>} : memref<1024xf32, #tpu.memory_space<vmem>>, vector<16xf32>,
    %swap3A_320 = vector.shape_cast %swap3A_319 : vector<16xf32> to vector<16xf32>
    %swap3A_321 = vector.shape_cast %scan3A_316#0 : vector<16xf32> to vector<16xf32>
    tpu.vector_store %arg7[%swap3A_318], %swap3A_321 {strides = array<i32>} : memref<1024xf32, #tpu.memory_space<vmem>>, vector<16xf32>,
    %swap3A_322 = arith.constant 400 : index
    %swap3A_323 = tpu.vector_load %arg7[%swap3A_322] {strides = array<i32>} : memref<1024xf32, #tpu.memory_space<vmem>>, vector<16xf32>,
    %swap3A_324 = vector.shape_cast %swap3A_323 : vector<16xf32> to vector<16xf32>
    %swap3A_325 = vector.shape_cast %scan3A_316#1 : vector<16xf32> to vector<16xf32>
    tpu.vector_store %arg7[%swap3A_322], %swap3A_325 {strides = array<i32>} : memref<1024xf32, #tpu.memory_space<vmem>>, vector<16xf32>,
    %swap3A_326 = arith.constant 416 : index
    %swap3A_327 = tpu.vector_load %arg7[%swap3A_326] {strides = array<i32>} : memref<1024xf32, #tpu.memory_space<vmem>>, vector<16xf32>,
    %swap3A_328 = vector.shape_cast %swap3A_327 : vector<16xf32> to vector<16xf32>
    %swap3A_329 = vector.shape_cast %scan3A_316#2 : vector<16xf32> to vector<16xf32>
    tpu.vector_store %arg7[%swap3A_326], %swap3A_329 {strides = array<i32>} : memref<1024xf32, #tpu.memory_space<vmem>>, vector<16xf32>,
    %swap3A_330 = arith.constant 432 : index
    %swap3A_331 = tpu.vector_load %arg7[%swap3A_330] {strides = array<i32>} : memref<1024xf32, #tpu.memory_space<vmem>>, vector<16xf32>,
    %swap3A_332 = vector.shape_cast %swap3A_331 : vector<16xf32> to vector<16xf32>
    %swap3A_333 = vector.shape_cast %scan3A_316#3 : vector<16xf32> to vector<16xf32>
    tpu.vector_store %arg7[%swap3A_330], %swap3A_333 {strides = array<i32>} : memref<1024xf32, #tpu.memory_space<vmem>>, vector<16xf32>,
    %swap3A_334 = arith.constant 448 : index
    %swap3A_335 = tpu.vector_load %arg7[%swap3A_334] {strides = array<i32>} : memref<1024xf32, #tpu.memory_space<vmem>>, vector<16xf32>,
    %swap3A_336 = vector.shape_cast %swap3A_335 : vector<16xf32> to vector<16xf32>
    %swap3A_337 = vector.shape_cast %scan3A_316#4 : vector<16xf32> to vector<16xf32>
    tpu.vector_store %arg7[%swap3A_334], %swap3A_337 {strides = array<i32>} : memref<1024xf32, #tpu.memory_space<vmem>>, vector<16xf32>,
    %swap3A_338 = arith.constant 464 : index
    %swap3A_339 = tpu.vector_load %arg7[%swap3A_338] {strides = array<i32>} : memref<1024xf32, #tpu.memory_space<vmem>>, vector<16xf32>,
    %swap3A_340 = vector.shape_cast %swap3A_339 : vector<16xf32> to vector<16xf32>
    %swap3A_341 = vector.shape_cast %scan3A_316#5 : vector<16xf32> to vector<16xf32>
    tpu.vector_store %arg7[%swap3A_338], %swap3A_341 {strides = array<i32>} : memref<1024xf32, #tpu.memory_space<vmem>>, vector<16xf32>,
    %swap3A_342 = arith.constant 480 : index
    %swap3A_343 = tpu.vector_load %arg7[%swap3A_342] {strides = array<i32>} : memref<1024xf32, #tpu.memory_space<vmem>>, vector<16xf32>,
    %swap3A_344 = vector.shape_cast %swap3A_343 : vector<16xf32> to vector<16xf32>
    %swap3A_345 = vector.shape_cast %scan3A_316#6 : vector<16xf32> to vector<16xf32>
    tpu.vector_store %arg7[%swap3A_342], %swap3A_345 {strides = array<i32>} : memref<1024xf32, #tpu.memory_space<vmem>>, vector<16xf32>,
    %swap3A_346 = arith.constant 496 : index
    %swap3A_347 = tpu.vector_load %arg7[%swap3A_346] {strides = array<i32>} : memref<1024xf32, #tpu.memory_space<vmem>>, vector<16xf32>,
    %swap3A_348 = vector.shape_cast %swap3A_347 : vector<16xf32> to vector<16xf32>
    %swap3A_349 = vector.shape_cast %scan3A_316#7 : vector<16xf32> to vector<16xf32>
    tpu.vector_store %arg7[%swap3A_346], %swap3A_349 {strides = array<i32>} : memref<1024xf32, #tpu.memory_space<vmem>>, vector<16xf32>,
    %get3A_350 = arith.constant 0 : i32
    %get3A_351 = arith.index_cast %get3A_350 : i32 to index
    %get3A_352 = arith.constant 512 : index
    %get3A_353 = tpu.vector_load %arg6[%get3A_351, %get3A_352] {strides = array<i32>} : memref<64x1024xf32, #tpu.memory_space<vmem>>, vector<1x16xf32>,
    %get3A_354 = vector.shape_cast %get3A_353 : vector<1x16xf32> to vector<16xf32>
    %get3A_355 = arith.constant 0 : i32
    %get3A_356 = arith.index_cast %get3A_355 : i32 to index
    %get3A_357 = arith.constant 528 : index
    %get3A_358 = tpu.vector_load %arg6[%get3A_356, %get3A_357] {strides = array<i32>} : memref<64x1024xf32, #tpu.memory_space<vmem>>, vector<1x16xf32>,
    %get3A_359 = vector.shape_cast %get3A_358 : vector<1x16xf32> to vector<16xf32>
    %get3A_360 = arith.constant 0 : i32
    %get3A_361 = arith.index_cast %get3A_360 : i32 to index
    %get3A_362 = arith.constant 544 : index
    %get3A_363 = tpu.vector_load %arg6[%get3A_361, %get3A_362] {strides = array<i32>} : memref<64x1024xf32, #tpu.memory_space<vmem>>, vector<1x16xf32>,
    %get3A_364 = vector.shape_cast %get3A_363 : vector<1x16xf32> to vector<16xf32>
    %get3A_365 = arith.constant 0 : i32
    %get3A_366 = arith.index_cast %get3A_365 : i32 to index
    %get3A_367 = arith.constant 560 : index
    %get3A_368 = tpu.vector_load %arg6[%get3A_366, %get3A_367] {strides = array<i32>} : memref<64x1024xf32, #tpu.memory_space<vmem>>, vector<1x16xf32>,
    %get3A_369 = vector.shape_cast %get3A_368 : vector<1x16xf32> to vector<16xf32>
    %get3A_370 = arith.constant 0 : i32
    %get3A_371 = arith.index_cast %get3A_370 : i32 to index
    %get3A_372 = arith.constant 576 : index
    %get3A_373 = tpu.vector_load %arg6[%get3A_371, %get3A_372] {strides = array<i32>} : memref<64x1024xf32, #tpu.memory_space<vmem>>, vector<1x16xf32>,
    %get3A_374 = vector.shape_cast %get3A_373 : vector<1x16xf32> to vector<16xf32>
    %get3A_375 = arith.constant 0 : i32
    %get3A_376 = arith.index_cast %get3A_375 : i32 to index
    %get3A_377 = arith.constant 592 : index
    %get3A_378 = tpu.vector_load %arg6[%get3A_376, %get3A_377] {strides = array<i32>} : memref<64x1024xf32, #tpu.memory_space<vmem>>, vector<1x16xf32>,
    %get3A_379 = vector.shape_cast %get3A_378 : vector<1x16xf32> to vector<16xf32>
    %get3A_380 = arith.constant 0 : i32
    %get3A_381 = arith.index_cast %get3A_380 : i32 to index
    %get3A_382 = arith.constant 608 : index
    %get3A_383 = tpu.vector_load %arg6[%get3A_381, %get3A_382] {strides = array<i32>} : memref<64x1024xf32, #tpu.memory_space<vmem>>, vector<1x16xf32>,
    %get3A_384 = vector.shape_cast %get3A_383 : vector<1x16xf32> to vector<16xf32>
    %get3A_385 = arith.constant 0 : i32
    %get3A_386 = arith.index_cast %get3A_385 : i32 to index
    %get3A_387 = arith.constant 624 : index
    %get3A_388 = tpu.vector_load %arg6[%get3A_386, %get3A_387] {strides = array<i32>} : memref<64x1024xf32, #tpu.memory_space<vmem>>, vector<1x16xf32>,
    %get3A_389 = vector.shape_cast %get3A_388 : vector<1x16xf32> to vector<16xf32>
    %scan3A_390 = arith.constant 1 : i32
    %scan3A_391 = arith.constant 15 : i32
    %scan3A_392 = arith.addi %scan3A_390, %scan3A_391 : i32
    %scan3A_393 = arith.constant 1 : i32
    %scan3A_394:8 = scf.for %scan3A_2174 = %scan3A_390 to %scan3A_392 step %scan3A_393 iter_args(%scan3A_2175 = %get3A_354, %scan3A_2176 = %get3A_359, %scan3A_2177 = %get3A_364, %scan3A_2178 = %get3A_369, %scan3A_2179 = %get3A_374, %scan3A_2180 = %get3A_379, %scan3A_2181 = %get3A_384, %scan3A_2182 = %get3A_389) -> (vector<16xf32>, vector<16xf32>, vector<16xf32>, vector<16xf32>, vector<16xf32>, vector<16xf32>, vector<16xf32>, vector<16xf32>)  : i32 {
      %get3A_2183 = arith.index_cast %scan3A_2174 : i32 to index
      %get3A_2184 = arith.constant 512 : index
      %get3A_2185 = tpu.vector_load %arg6[%get3A_2183, %get3A_2184] {strides = array<i32>} : memref<64x1024xf32, #tpu.memory_space<vmem>>, vector<1x16xf32>,
      %get3A_2186 = vector.shape_cast %get3A_2185 : vector<1x16xf32> to vector<16xf32>
      %add3A_2187 = arith.addf %scan3A_2175, %get3A_2186 : vector<16xf32>
      %get3A_2188 = arith.index_cast %scan3A_2174 : i32 to index
      %get3A_2189 = arith.constant 528 : index
      %get3A_2190 = tpu.vector_load %arg6[%get3A_2188, %get3A_2189] {strides = array<i32>} : memref<64x1024xf32, #tpu.memory_space<vmem>>, vector<1x16xf32>,
      %get3A_2191 = vector.shape_cast %get3A_2190 : vector<1x16xf32> to vector<16xf32>
      %add3A_2192 = arith.addf %scan3A_2176, %get3A_2191 : vector<16xf32>
      %get3A_2193 = arith.index_cast %scan3A_2174 : i32 to index
      %get3A_2194 = arith.constant 544 : index
      %get3A_2195 = tpu.vector_load %arg6[%get3A_2193, %get3A_2194] {strides = array<i32>} : memref<64x1024xf32, #tpu.memory_space<vmem>>, vector<1x16xf32>,
      %get3A_2196 = vector.shape_cast %get3A_2195 : vector<1x16xf32> to vector<16xf32>
      %add3A_2197 = arith.addf %scan3A_2177, %get3A_2196 : vector<16xf32>
      %get3A_2198 = arith.index_cast %scan3A_2174 : i32 to index
      %get3A_2199 = arith.constant 560 : index
      %get3A_2200 = tpu.vector_load %arg6[%get3A_2198, %get3A_2199] {strides = array<i32>} : memref<64x1024xf32, #tpu.memory_space<vmem>>, vector<1x16xf32>,
      %get3A_2201 = vector.shape_cast %get3A_2200 : vector<1x16xf32> to vector<16xf32>
      %add3A_2202 = arith.addf %scan3A_2178, %get3A_2201 : vector<16xf32>
      %get3A_2203 = arith.index_cast %scan3A_2174 : i32 to index
      %get3A_2204 = arith.constant 576 : index
      %get3A_2205 = tpu.vector_load %arg6[%get3A_2203, %get3A_2204] {strides = array<i32>} : memref<64x1024xf32, #tpu.memory_space<vmem>>, vector<1x16xf32>,
      %get3A_2206 = vector.shape_cast %get3A_2205 : vector<1x16xf32> to vector<16xf32>
      %add3A_2207 = arith.addf %scan3A_2179, %get3A_2206 : vector<16xf32>
      %get3A_2208 = arith.index_cast %scan3A_2174 : i32 to index
      %get3A_2209 = arith.constant 592 : index
      %get3A_2210 = tpu.vector_load %arg6[%get3A_2208, %get3A_2209] {strides = array<i32>} : memref<64x1024xf32, #tpu.memory_space<vmem>>, vector<1x16xf32>,
      %get3A_2211 = vector.shape_cast %get3A_2210 : vector<1x16xf32> to vector<16xf32>
      %add3A_2212 = arith.addf %scan3A_2180, %get3A_2211 : vector<16xf32>
      %get3A_2213 = arith.index_cast %scan3A_2174 : i32 to index
      %get3A_2214 = arith.constant 608 : index
      %get3A_2215 = tpu.vector_load %arg6[%get3A_2213, %get3A_2214] {strides = array<i32>} : memref<64x1024xf32, #tpu.memory_space<vmem>>, vector<1x16xf32>,
      %get3A_2216 = vector.shape_cast %get3A_2215 : vector<1x16xf32> to vector<16xf32>
      %add3A_2217 = arith.addf %scan3A_2181, %get3A_2216 : vector<16xf32>
      %get3A_2218 = arith.index_cast %scan3A_2174 : i32 to index
      %get3A_2219 = arith.constant 624 : index
      %get3A_2220 = tpu.vector_load %arg6[%get3A_2218, %get3A_2219] {strides = array<i32>} : memref<64x1024xf32, #tpu.memory_space<vmem>>, vector<1x16xf32>,
      %get3A_2221 = vector.shape_cast %get3A_2220 : vector<1x16xf32> to vector<16xf32>
      %add3A_2222 = arith.addf %scan3A_2182, %get3A_2221 : vector<16xf32>
      scf.yield %add3A_2187, %add3A_2192, %add3A_2197, %add3A_2202, %add3A_2207, %add3A_2212, %add3A_2217, %add3A_2222 : vector<16xf32>, vector<16xf32>, vector<16xf32>, vector<16xf32>, vector<16xf32>, vector<16xf32>, vector<16xf32>, vector<16xf32>
    }
    %scan3A_395 = arith.constant 15 : i32
    %swap3A_396 = arith.constant 512 : index
    %swap3A_397 = tpu.vector_load %arg7[%swap3A_396] {strides = array<i32>} : memref<1024xf32, #tpu.memory_space<vmem>>, vector<16xf32>,
    %swap3A_398 = vector.shape_cast %swap3A_397 : vector<16xf32> to vector<16xf32>
    %swap3A_399 = vector.shape_cast %scan3A_394#0 : vector<16xf32> to vector<16xf32>
    tpu.vector_store %arg7[%swap3A_396], %swap3A_399 {strides = array<i32>} : memref<1024xf32, #tpu.memory_space<vmem>>, vector<16xf32>,
    %swap3A_400 = arith.constant 528 : index
    %swap3A_401 = tpu.vector_load %arg7[%swap3A_400] {strides = array<i32>} : memref<1024xf32, #tpu.memory_space<vmem>>, vector<16xf32>,
    %swap3A_402 = vector.shape_cast %swap3A_401 : vector<16xf32> to vector<16xf32>
    %swap3A_403 = vector.shape_cast %scan3A_394#1 : vector<16xf32> to vector<16xf32>
    tpu.vector_store %arg7[%swap3A_400], %swap3A_403 {strides = array<i32>} : memref<1024xf32, #tpu.memory_space<vmem>>, vector<16xf32>,
    %swap3A_404 = arith.constant 544 : index
    %swap3A_405 = tpu.vector_load %arg7[%swap3A_404] {strides = array<i32>} : memref<1024xf32, #tpu.memory_space<vmem>>, vector<16xf32>,
    %swap3A_406 = vector.shape_cast %swap3A_405 : vector<16xf32> to vector<16xf32>
    %swap3A_407 = vector.shape_cast %scan3A_394#2 : vector<16xf32> to vector<16xf32>
    tpu.vector_store %arg7[%swap3A_404], %swap3A_407 {strides = array<i32>} : memref<1024xf32, #tpu.memory_space<vmem>>, vector<16xf32>,
    %swap3A_408 = arith.constant 560 : index
    %swap3A_409 = tpu.vector_load %arg7[%swap3A_408] {strides = array<i32>} : memref<1024xf32, #tpu.memory_space<vmem>>, vector<16xf32>,
    %swap3A_410 = vector.shape_cast %swap3A_409 : vector<16xf32> to vector<16xf32>
    %swap3A_411 = vector.shape_cast %scan3A_394#3 : vector<16xf32> to vector<16xf32>
    tpu.vector_store %arg7[%swap3A_408], %swap3A_411 {strides = array<i32>} : memref<1024xf32, #tpu.memory_space<vmem>>, vector<16xf32>,
    %swap3A_412 = arith.constant 576 : index
    %swap3A_413 = tpu.vector_load %arg7[%swap3A_412] {strides = array<i32>} : memref<1024xf32, #tpu.memory_space<vmem>>, vector<16xf32>,
    %swap3A_414 = vector.shape_cast %swap3A_413 : vector<16xf32> to vector<16xf32>
    %swap3A_415 = vector.shape_cast %scan3A_394#4 : vector<16xf32> to vector<16xf32>
    tpu.vector_store %arg7[%swap3A_412], %swap3A_415 {strides = array<i32>} : memref<1024xf32, #tpu.memory_space<vmem>>, vector<16xf32>,
    %swap3A_416 = arith.constant 592 : index
    %swap3A_417 = tpu.vector_load %arg7[%swap3A_416] {strides = array<i32>} : memref<1024xf32, #tpu.memory_space<vmem>>, vector<16xf32>,
    %swap3A_418 = vector.shape_cast %swap3A_417 : vector<16xf32> to vector<16xf32>
    %swap3A_419 = vector.shape_cast %scan3A_394#5 : vector<16xf32> to vector<16xf32>
    tpu.vector_store %arg7[%swap3A_416], %swap3A_419 {strides = array<i32>} : memref<1024xf32, #tpu.memory_space<vmem>>, vector<16xf32>,
    %swap3A_420 = arith.constant 608 : index
    %swap3A_421 = tpu.vector_load %arg7[%swap3A_420] {strides = array<i32>} : memref<1024xf32, #tpu.memory_space<vmem>>, vector<16xf32>,
    %swap3A_422 = vector.shape_cast %swap3A_421 : vector<16xf32> to vector<16xf32>
    %swap3A_423 = vector.shape_cast %scan3A_394#6 : vector<16xf32> to vector<16xf32>
    tpu.vector_store %arg7[%swap3A_420], %swap3A_423 {strides = array<i32>} : memref<1024xf32, #tpu.memory_space<vmem>>, vector<16xf32>,
    %swap3A_424 = arith.constant 624 : index
    %swap3A_425 = tpu.vector_load %arg7[%swap3A_424] {strides = array<i32>} : memref<1024xf32, #tpu.memory_space<vmem>>, vector<16xf32>,
    %swap3A_426 = vector.shape_cast %swap3A_425 : vector<16xf32> to vector<16xf32>
    %swap3A_427 = vector.shape_cast %scan3A_394#7 : vector<16xf32> to vector<16xf32>
    tpu.vector_store %arg7[%swap3A_424], %swap3A_427 {strides = array<i32>} : memref<1024xf32, #tpu.memory_space<vmem>>, vector<16xf32>,
    %get3A_428 = arith.constant 0 : i32
    %get3A_429 = arith.index_cast %get3A_428 : i32 to index
    %get3A_430 = arith.constant 640 : index
    %get3A_431 = tpu.vector_load %arg6[%get3A_429, %get3A_430] {strides = array<i32>} : memref<64x1024xf32, #tpu.memory_space<vmem>>, vector<1x16xf32>,
    %get3A_432 = vector.shape_cast %get3A_431 : vector<1x16xf32> to vector<16xf32>
    %get3A_433 = arith.constant 0 : i32
    %get3A_434 = arith.index_cast %get3A_433 : i32 to index
    %get3A_435 = arith.constant 656 : index
    %get3A_436 = tpu.vector_load %arg6[%get3A_434, %get3A_435] {strides = array<i32>} : memref<64x1024xf32, #tpu.memory_space<vmem>>, vector<1x16xf32>,
    %get3A_437 = vector.shape_cast %get3A_436 : vector<1x16xf32> to vector<16xf32>
    %get3A_438 = arith.constant 0 : i32
    %get3A_439 = arith.index_cast %get3A_438 : i32 to index
    %get3A_440 = arith.constant 672 : index
    %get3A_441 = tpu.vector_load %arg6[%get3A_439, %get3A_440] {strides = array<i32>} : memref<64x1024xf32, #tpu.memory_space<vmem>>, vector<1x16xf32>,
    %get3A_442 = vector.shape_cast %get3A_441 : vector<1x16xf32> to vector<16xf32>
    %get3A_443 = arith.constant 0 : i32
    %get3A_444 = arith.index_cast %get3A_443 : i32 to index
    %get3A_445 = arith.constant 688 : index
    %get3A_446 = tpu.vector_load %arg6[%get3A_444, %get3A_445] {strides = array<i32>} : memref<64x1024xf32, #tpu.memory_space<vmem>>, vector<1x16xf32>,
    %get3A_447 = vector.shape_cast %get3A_446 : vector<1x16xf32> to vector<16xf32>
    %get3A_448 = arith.constant 0 : i32
    %get3A_449 = arith.index_cast %get3A_448 : i32 to index
    %get3A_450 = arith.constant 704 : index
    %get3A_451 = tpu.vector_load %arg6[%get3A_449, %get3A_450] {strides = array<i32>} : memref<64x1024xf32, #tpu.memory_space<vmem>>, vector<1x16xf32>,
    %get3A_452 = vector.shape_cast %get3A_451 : vector<1x16xf32> to vector<16xf32>
    %get3A_453 = arith.constant 0 : i32
    %get3A_454 = arith.index_cast %get3A_453 : i32 to index
    %get3A_455 = arith.constant 720 : index
    %get3A_456 = tpu.vector_load %arg6[%get3A_454, %get3A_455] {strides = array<i32>} : memref<64x1024xf32, #tpu.memory_space<vmem>>, vector<1x16xf32>,
    %get3A_457 = vector.shape_cast %get3A_456 : vector<1x16xf32> to vector<16xf32>
    %get3A_458 = arith.constant 0 : i32
    %get3A_459 = arith.index_cast %get3A_458 : i32 to index
    %get3A_460 = arith.constant 736 : index
    %get3A_461 = tpu.vector_load %arg6[%get3A_459, %get3A_460] {strides = array<i32>} : memref<64x1024xf32, #tpu.memory_space<vmem>>, vector<1x16xf32>,
    %get3A_462 = vector.shape_cast %get3A_461 : vector<1x16xf32> to vector<16xf32>
    %get3A_463 = arith.constant 0 : i32
    %get3A_464 = arith.index_cast %get3A_463 : i32 to index
    %get3A_465 = arith.constant 752 : index
    %get3A_466 = tpu.vector_load %arg6[%get3A_464, %get3A_465] {strides = array<i32>} : memref<64x1024xf32, #tpu.memory_space<vmem>>, vector<1x16xf32>,
    %get3A_467 = vector.shape_cast %get3A_466 : vector<1x16xf32> to vector<16xf32>
    %scan3A_468 = arith.constant 1 : i32
    %scan3A_469 = arith.constant 15 : i32
    %scan3A_470 = arith.addi %scan3A_468, %scan3A_469 : i32
    %scan3A_471 = arith.constant 1 : i32
    %scan3A_472:8 = scf.for %scan3A_2174 = %scan3A_468 to %scan3A_470 step %scan3A_471 iter_args(%scan3A_2175 = %get3A_432, %scan3A_2176 = %get3A_437, %scan3A_2177 = %get3A_442, %scan3A_2178 = %get3A_447, %scan3A_2179 = %get3A_452, %scan3A_2180 = %get3A_457, %scan3A_2181 = %get3A_462, %scan3A_2182 = %get3A_467) -> (vector<16xf32>, vector<16xf32>, vector<16xf32>, vector<16xf32>, vector<16xf32>, vector<16xf32>, vector<16xf32>, vector<16xf32>)  : i32 {
      %get3A_2183 = arith.index_cast %scan3A_2174 : i32 to index
      %get3A_2184 = arith.constant 640 : index
      %get3A_2185 = tpu.vector_load %arg6[%get3A_2183, %get3A_2184] {strides = array<i32>} : memref<64x1024xf32, #tpu.memory_space<vmem>>, vector<1x16xf32>,
      %get3A_2186 = vector.shape_cast %get3A_2185 : vector<1x16xf32> to vector<16xf32>
      %add3A_2187 = arith.addf %scan3A_2175, %get3A_2186 : vector<16xf32>
      %get3A_2188 = arith.index_cast %scan3A_2174 : i32 to index
      %get3A_2189 = arith.constant 656 : index
      %get3A_2190 = tpu.vector_load %arg6[%get3A_2188, %get3A_2189] {strides = array<i32>} : memref<64x1024xf32, #tpu.memory_space<vmem>>, vector<1x16xf32>,
      %get3A_2191 = vector.shape_cast %get3A_2190 : vector<1x16xf32> to vector<16xf32>
      %add3A_2192 = arith.addf %scan3A_2176, %get3A_2191 : vector<16xf32>
      %get3A_2193 = arith.index_cast %scan3A_2174 : i32 to index
      %get3A_2194 = arith.constant 672 : index
      %get3A_2195 = tpu.vector_load %arg6[%get3A_2193, %get3A_2194] {strides = array<i32>} : memref<64x1024xf32, #tpu.memory_space<vmem>>, vector<1x16xf32>,
      %get3A_2196 = vector.shape_cast %get3A_2195 : vector<1x16xf32> to vector<16xf32>
      %add3A_2197 = arith.addf %scan3A_2177, %get3A_2196 : vector<16xf32>
      %get3A_2198 = arith.index_cast %scan3A_2174 : i32 to index
      %get3A_2199 = arith.constant 688 : index
      %get3A_2200 = tpu.vector_load %arg6[%get3A_2198, %get3A_2199] {strides = array<i32>} : memref<64x1024xf32, #tpu.memory_space<vmem>>, vector<1x16xf32>,
      %get3A_2201 = vector.shape_cast %get3A_2200 : vector<1x16xf32> to vector<16xf32>
      %add3A_2202 = arith.addf %scan3A_2178, %get3A_2201 : vector<16xf32>
      %get3A_2203 = arith.index_cast %scan3A_2174 : i32 to index
      %get3A_2204 = arith.constant 704 : index
      %get3A_2205 = tpu.vector_load %arg6[%get3A_2203, %get3A_2204] {strides = array<i32>} : memref<64x1024xf32, #tpu.memory_space<vmem>>, vector<1x16xf32>,
      %get3A_2206 = vector.shape_cast %get3A_2205 : vector<1x16xf32> to vector<16xf32>
      %add3A_2207 = arith.addf %scan3A_2179, %get3A_2206 : vector<16xf32>
      %get3A_2208 = arith.index_cast %scan3A_2174 : i32 to index
      %get3A_2209 = arith.constant 720 : index
      %get3A_2210 = tpu.vector_load %arg6[%get3A_2208, %get3A_2209] {strides = array<i32>} : memref<64x1024xf32, #tpu.memory_space<vmem>>, vector<1x16xf32>,
      %get3A_2211 = vector.shape_cast %get3A_2210 : vector<1x16xf32> to vector<16xf32>
      %add3A_2212 = arith.addf %scan3A_2180, %get3A_2211 : vector<16xf32>
      %get3A_2213 = arith.index_cast %scan3A_2174 : i32 to index
      %get3A_2214 = arith.constant 736 : index
      %get3A_2215 = tpu.vector_load %arg6[%get3A_2213, %get3A_2214] {strides = array<i32>} : memref<64x1024xf32, #tpu.memory_space<vmem>>, vector<1x16xf32>,
      %get3A_2216 = vector.shape_cast %get3A_2215 : vector<1x16xf32> to vector<16xf32>
      %add3A_2217 = arith.addf %scan3A_2181, %get3A_2216 : vector<16xf32>
      %get3A_2218 = arith.index_cast %scan3A_2174 : i32 to index
      %get3A_2219 = arith.constant 752 : index
      %get3A_2220 = tpu.vector_load %arg6[%get3A_2218, %get3A_2219] {strides = array<i32>} : memref<64x1024xf32, #tpu.memory_space<vmem>>, vector<1x16xf32>,
      %get3A_2221 = vector.shape_cast %get3A_2220 : vector<1x16xf32> to vector<16xf32>
      %add3A_2222 = arith.addf %scan3A_2182, %get3A_2221 : vector<16xf32>
      scf.yield %add3A_2187, %add3A_2192, %add3A_2197, %add3A_2202, %add3A_2207, %add3A_2212, %add3A_2217, %add3A_2222 : vector<16xf32>, vector<16xf32>, vector<16xf32>, vector<16xf32>, vector<16xf32>, vector<16xf32>, vector<16xf32>, vector<16xf32>
    }
    %scan3A_473 = arith.constant 15 : i32
    %swap3A_474 = arith.constant 640 : index
    %swap3A_475 = tpu.vector_load %arg7[%swap3A_474] {strides = array<i32>} : memref<1024xf32, #tpu.memory_space<vmem>>, vector<16xf32>,
    %swap3A_476 = vector.shape_cast %swap3A_475 : vector<16xf32> to vector<16xf32>
    %swap3A_477 = vector.shape_cast %scan3A_472#0 : vector<16xf32> to vector<16xf32>
    tpu.vector_store %arg7[%swap3A_474], %swap3A_477 {strides = array<i32>} : memref<1024xf32, #tpu.memory_space<vmem>>, vector<16xf32>,
    %swap3A_478 = arith.constant 656 : index
    %swap3A_479 = tpu.vector_load %arg7[%swap3A_478] {strides = array<i32>} : memref<1024xf32, #tpu.memory_space<vmem>>, vector<16xf32>,
    %swap3A_480 = vector.shape_cast %swap3A_479 : vector<16xf32> to vector<16xf32>
    %swap3A_481 = vector.shape_cast %scan3A_472#1 : vector<16xf32> to vector<16xf32>
    tpu.vector_store %arg7[%swap3A_478], %swap3A_481 {strides = array<i32>} : memref<1024xf32, #tpu.memory_space<vmem>>, vector<16xf32>,
    %swap3A_482 = arith.constant 672 : index
    %swap3A_483 = tpu.vector_load %arg7[%swap3A_482] {strides = array<i32>} : memref<1024xf32, #tpu.memory_space<vmem>>, vector<16xf32>,
    %swap3A_484 = vector.shape_cast %swap3A_483 : vector<16xf32> to vector<16xf32>
    %swap3A_485 = vector.shape_cast %scan3A_472#2 : vector<16xf32> to vector<16xf32>
    tpu.vector_store %arg7[%swap3A_482], %swap3A_485 {strides = array<i32>} : memref<1024xf32, #tpu.memory_space<vmem>>, vector<16xf32>,
    %swap3A_486 = arith.constant 688 : index
    %swap3A_487 = tpu.vector_load %arg7[%swap3A_486] {strides = array<i32>} : memref<1024xf32, #tpu.memory_space<vmem>>, vector<16xf32>,
    %swap3A_488 = vector.shape_cast %swap3A_487 : vector<16xf32> to vector<16xf32>
    %swap3A_489 = vector.shape_cast %scan3A_472#3 : vector<16xf32> to vector<16xf32>
    tpu.vector_store %arg7[%swap3A_486], %swap3A_489 {strides = array<i32>} : memref<1024xf32, #tpu.memory_space<vmem>>, vector<16xf32>,
    %swap3A_490 = arith.constant 704 : index
    %swap3A_491 = tpu.vector_load %arg7[%swap3A_490] {strides = array<i32>} : memref<1024xf32, #tpu.memory_space<vmem>>, vector<16xf32>,
    %swap3A_492 = vector.shape_cast %swap3A_491 : vector<16xf32> to vector<16xf32>
    %swap3A_493 = vector.shape_cast %scan3A_472#4 : vector<16xf32> to vector<16xf32>
    tpu.vector_store %arg7[%swap3A_490], %swap3A_493 {strides = array<i32>} : memref<1024xf32, #tpu.memory_space<vmem>>, vector<16xf32>,
    %swap3A_494 = arith.constant 720 : index
    %swap3A_495 = tpu.vector_load %arg7[%swap3A_494] {strides = array<i32>} : memref<1024xf32, #tpu.memory_space<vmem>>, vector<16xf32>,
    %swap3A_496 = vector.shape_cast %swap3A_495 : vector<16xf32> to vector<16xf32>
    %swap3A_497 = vector.shape_cast %scan3A_472#5 : vector<16xf32> to vector<16xf32>
    tpu.vector_store %arg7[%swap3A_494], %swap3A_497 {strides = array<i32>} : memref<1024xf32, #tpu.memory_space<vmem>>, vector<16xf32>,
    %swap3A_498 = arith.constant 736 : index
    %swap3A_499 = tpu.vector_load %arg7[%swap3A_498] {strides = array<i32>} : memref<1024xf32, #tpu.memory_space<vmem>>, vector<16xf32>,
    %swap3A_500 = vector.shape_cast %swap3A_499 : vector<16xf32> to vector<16xf32>
    %swap3A_501 = vector.shape_cast %scan3A_472#6 : vector<16xf32> to vector<16xf32>
    tpu.vector_store %arg7[%swap3A_498], %swap3A_501 {strides = array<i32>} : memref<1024xf32, #tpu.memory_space<vmem>>, vector<16xf32>,
    %swap3A_502 = arith.constant 752 : index
    %swap3A_503 = tpu.vector_load %arg7[%swap3A_502] {strides = array<i32>} : memref<1024xf32, #tpu.memory_space<vmem>>, vector<16xf32>,
    %swap3A_504 = vector.shape_cast %swap3A_503 : vector<16xf32> to vector<16xf32>
    %swap3A_505 = vector.shape_cast %scan3A_472#7 : vector<16xf32> to vector<16xf32>
    tpu.vector_store %arg7[%swap3A_502], %swap3A_505 {strides = array<i32>} : memref<1024xf32, #tpu.memory_space<vmem>>, vector<16xf32>,
    %get3A_506 = arith.constant 0 : i32
    %get3A_507 = arith.index_cast %get3A_506 : i32 to index
    %get3A_508 = arith.constant 768 : index
    %get3A_509 = tpu.vector_load %arg6[%get3A_507, %get3A_508] {strides = array<i32>} : memref<64x1024xf32, #tpu.memory_space<vmem>>, vector<1x16xf32>,
    %get3A_510 = vector.shape_cast %get3A_509 : vector<1x16xf32> to vector<16xf32>
    %get3A_511 = arith.constant 0 : i32
    %get3A_512 = arith.index_cast %get3A_511 : i32 to index
    %get3A_513 = arith.constant 784 : index
    %get3A_514 = tpu.vector_load %arg6[%get3A_512, %get3A_513] {strides = array<i32>} : memref<64x1024xf32, #tpu.memory_space<vmem>>, vector<1x16xf32>,
    %get3A_515 = vector.shape_cast %get3A_514 : vector<1x16xf32> to vector<16xf32>
    %get3A_516 = arith.constant 0 : i32
    %get3A_517 = arith.index_cast %get3A_516 : i32 to index
    %get3A_518 = arith.constant 800 : index
    %get3A_519 = tpu.vector_load %arg6[%get3A_517, %get3A_518] {strides = array<i32>} : memref<64x1024xf32, #tpu.memory_space<vmem>>, vector<1x16xf32>,
    %get3A_520 = vector.shape_cast %get3A_519 : vector<1x16xf32> to vector<16xf32>
    %get3A_521 = arith.constant 0 : i32
    %get3A_522 = arith.index_cast %get3A_521 : i32 to index
    %get3A_523 = arith.constant 816 : index
    %get3A_524 = tpu.vector_load %arg6[%get3A_522, %get3A_523] {strides = array<i32>} : memref<64x1024xf32, #tpu.memory_space<vmem>>, vector<1x16xf32>,
    %get3A_525 = vector.shape_cast %get3A_524 : vector<1x16xf32> to vector<16xf32>
    %get3A_526 = arith.constant 0 : i32
    %get3A_527 = arith.index_cast %get3A_526 : i32 to index
    %get3A_528 = arith.constant 832 : index
    %get3A_529 = tpu.vector_load %arg6[%get3A_527, %get3A_528] {strides = array<i32>} : memref<64x1024xf32, #tpu.memory_space<vmem>>, vector<1x16xf32>,
    %get3A_530 = vector.shape_cast %get3A_529 : vector<1x16xf32> to vector<16xf32>
    %get3A_531 = arith.constant 0 : i32
    %get3A_532 = arith.index_cast %get3A_531 : i32 to index
    %get3A_533 = arith.constant 848 : index
    %get3A_534 = tpu.vector_load %arg6[%get3A_532, %get3A_533] {strides = array<i32>} : memref<64x1024xf32, #tpu.memory_space<vmem>>, vector<1x16xf32>,
    %get3A_535 = vector.shape_cast %get3A_534 : vector<1x16xf32> to vector<16xf32>
    %get3A_536 = arith.constant 0 : i32
    %get3A_537 = arith.index_cast %get3A_536 : i32 to index
    %get3A_538 = arith.constant 864 : index
    %get3A_539 = tpu.vector_load %arg6[%get3A_537, %get3A_538] {strides = array<i32>} : memref<64x1024xf32, #tpu.memory_space<vmem>>, vector<1x16xf32>,
    %get3A_540 = vector.shape_cast %get3A_539 : vector<1x16xf32> to vector<16xf32>
    %get3A_541 = arith.constant 0 : i32
    %get3A_542 = arith.index_cast %get3A_541 : i32 to index
    %get3A_543 = arith.constant 880 : index
    %get3A_544 = tpu.vector_load %arg6[%get3A_542, %get3A_543] {strides = array<i32>} : memref<64x1024xf32, #tpu.memory_space<vmem>>, vector<1x16xf32>,
    %get3A_545 = vector.shape_cast %get3A_544 : vector<1x16xf32> to vector<16xf32>
    %scan3A_546 = arith.constant 1 : i32
    %scan3A_547 = arith.constant 15 : i32
    %scan3A_548 = arith.addi %scan3A_546, %scan3A_547 : i32
    %scan3A_549 = arith.constant 1 : i32
    %scan3A_550:8 = scf.for %scan3A_2174 = %scan3A_546 to %scan3A_548 step %scan3A_549 iter_args(%scan3A_2175 = %get3A_510, %scan3A_2176 = %get3A_515, %scan3A_2177 = %get3A_520, %scan3A_2178 = %get3A_525, %scan3A_2179 = %get3A_530, %scan3A_2180 = %get3A_535, %scan3A_2181 = %get3A_540, %scan3A_2182 = %get3A_545) -> (vector<16xf32>, vector<16xf32>, vector<16xf32>, vector<16xf32>, vector<16xf32>, vector<16xf32>, vector<16xf32>, vector<16xf32>)  : i32 {
      %get3A_2183 = arith.index_cast %scan3A_2174 : i32 to index
      %get3A_2184 = arith.constant 768 : index
      %get3A_2185 = tpu.vector_load %arg6[%get3A_2183, %get3A_2184] {strides = array<i32>} : memref<64x1024xf32, #tpu.memory_space<vmem>>, vector<1x16xf32>,
      %get3A_2186 = vector.shape_cast %get3A_2185 : vector<1x16xf32> to vector<16xf32>
      %add3A_2187 = arith.addf %scan3A_2175, %get3A_2186 : vector<16xf32>
      %get3A_2188 = arith.index_cast %scan3A_2174 : i32 to index
      %get3A_2189 = arith.constant 784 : index
      %get3A_2190 = tpu.vector_load %arg6[%get3A_2188, %get3A_2189] {strides = array<i32>} : memref<64x1024xf32, #tpu.memory_space<vmem>>, vector<1x16xf32>,
      %get3A_2191 = vector.shape_cast %get3A_2190 : vector<1x16xf32> to vector<16xf32>
      %add3A_2192 = arith.addf %scan3A_2176, %get3A_2191 : vector<16xf32>
      %get3A_2193 = arith.index_cast %scan3A_2174 : i32 to index
      %get3A_2194 = arith.constant 800 : index
      %get3A_2195 = tpu.vector_load %arg6[%get3A_2193, %get3A_2194] {strides = array<i32>} : memref<64x1024xf32, #tpu.memory_space<vmem>>, vector<1x16xf32>,
      %get3A_2196 = vector.shape_cast %get3A_2195 : vector<1x16xf32> to vector<16xf32>
      %add3A_2197 = arith.addf %scan3A_2177, %get3A_2196 : vector<16xf32>
      %get3A_2198 = arith.index_cast %scan3A_2174 : i32 to index
      %get3A_2199 = arith.constant 816 : index
      %get3A_2200 = tpu.vector_load %arg6[%get3A_2198, %get3A_2199] {strides = array<i32>} : memref<64x1024xf32, #tpu.memory_space<vmem>>, vector<1x16xf32>,
      %get3A_2201 = vector.shape_cast %get3A_2200 : vector<1x16xf32> to vector<16xf32>
      %add3A_2202 = arith.addf %scan3A_2178, %get3A_2201 : vector<16xf32>
      %get3A_2203 = arith.index_cast %scan3A_2174 : i32 to index
      %get3A_2204 = arith.constant 832 : index
      %get3A_2205 = tpu.vector_load %arg6[%get3A_2203, %get3A_2204] {strides = array<i32>} : memref<64x1024xf32, #tpu.memory_space<vmem>>, vector<1x16xf32>,
      %get3A_2206 = vector.shape_cast %get3A_2205 : vector<1x16xf32> to vector<16xf32>
      %add3A_2207 = arith.addf %scan3A_2179, %get3A_2206 : vector<16xf32>
      %get3A_2208 = arith.index_cast %scan3A_2174 : i32 to index
      %get3A_2209 = arith.constant 848 : index
      %get3A_2210 = tpu.vector_load %arg6[%get3A_2208, %get3A_2209] {strides = array<i32>} : memref<64x1024xf32, #tpu.memory_space<vmem>>, vector<1x16xf32>,
      %get3A_2211 = vector.shape_cast %get3A_2210 : vector<1x16xf32> to vector<16xf32>
      %add3A_2212 = arith.addf %scan3A_2180, %get3A_2211 : vector<16xf32>
      %get3A_2213 = arith.index_cast %scan3A_2174 : i32 to index
      %get3A_2214 = arith.constant 864 : index
      %get3A_2215 = tpu.vector_load %arg6[%get3A_2213, %get3A_2214] {strides = array<i32>} : memref<64x1024xf32, #tpu.memory_space<vmem>>, vector<1x16xf32>,
      %get3A_2216 = vector.shape_cast %get3A_2215 : vector<1x16xf32> to vector<16xf32>
      %add3A_2217 = arith.addf %scan3A_2181, %get3A_2216 : vector<16xf32>
      %get3A_2218 = arith.index_cast %scan3A_2174 : i32 to index
      %get3A_2219 = arith.constant 880 : index
      %get3A_2220 = tpu.vector_load %arg6[%get3A_2218, %get3A_2219] {strides = array<i32>} : memref<64x1024xf32, #tpu.memory_space<vmem>>, vector<1x16xf32>,
      %get3A_2221 = vector.shape_cast %get3A_2220 : vector<1x16xf32> to vector<16xf32>
      %add3A_2222 = arith.addf %scan3A_2182, %get3A_2221 : vector<16xf32>
      scf.yield %add3A_2187, %add3A_2192, %add3A_2197, %add3A_2202, %add3A_2207, %add3A_2212, %add3A_2217, %add3A_2222 : vector<16xf32>, vector<16xf32>, vector<16xf32>, vector<16xf32>, vector<16xf32>, vector<16xf32>, vector<16xf32>, vector<16xf32>
    }
    %scan3A_551 = arith.constant 15 : i32
    %swap3A_552 = arith.constant 768 : index
    %swap3A_553 = tpu.vector_load %arg7[%swap3A_552] {strides = array<i32>} : memref<1024xf32, #tpu.memory_space<vmem>>, vector<16xf32>,
    %swap3A_554 = vector.shape_cast %swap3A_553 : vector<16xf32> to vector<16xf32>
    %swap3A_555 = vector.shape_cast %scan3A_550#0 : vector<16xf32> to vector<16xf32>
    tpu.vector_store %arg7[%swap3A_552], %swap3A_555 {strides = array<i32>} : memref<1024xf32, #tpu.memory_space<vmem>>, vector<16xf32>,
    %swap3A_556 = arith.constant 784 : index
    %swap3A_557 = tpu.vector_load %arg7[%swap3A_556] {strides = array<i32>} : memref<1024xf32, #tpu.memory_space<vmem>>, vector<16xf32>,
    %swap3A_558 = vector.shape_cast %swap3A_557 : vector<16xf32> to vector<16xf32>
    %swap3A_559 = vector.shape_cast %scan3A_550#1 : vector<16xf32> to vector<16xf32>
    tpu.vector_store %arg7[%swap3A_556], %swap3A_559 {strides = array<i32>} : memref<1024xf32, #tpu.memory_space<vmem>>, vector<16xf32>,
    %swap3A_560 = arith.constant 800 : index
    %swap3A_561 = tpu.vector_load %arg7[%swap3A_560] {strides = array<i32>} : memref<1024xf32, #tpu.memory_space<vmem>>, vector<16xf32>,
    %swap3A_562 = vector.shape_cast %swap3A_561 : vector<16xf32> to vector<16xf32>
    %swap3A_563 = vector.shape_cast %scan3A_550#2 : vector<16xf32> to vector<16xf32>
    tpu.vector_store %arg7[%swap3A_560], %swap3A_563 {strides = array<i32>} : memref<1024xf32, #tpu.memory_space<vmem>>, vector<16xf32>,
    %swap3A_564 = arith.constant 816 : index
    %swap3A_565 = tpu.vector_load %arg7[%swap3A_564] {strides = array<i32>} : memref<1024xf32, #tpu.memory_space<vmem>>, vector<16xf32>,
    %swap3A_566 = vector.shape_cast %swap3A_565 : vector<16xf32> to vector<16xf32>
    %swap3A_567 = vector.shape_cast %scan3A_550#3 : vector<16xf32> to vector<16xf32>
    tpu.vector_store %arg7[%swap3A_564], %swap3A_567 {strides = array<i32>} : memref<1024xf32, #tpu.memory_space<vmem>>, vector<16xf32>,
    %swap3A_568 = arith.constant 832 : index
    %swap3A_569 = tpu.vector_load %arg7[%swap3A_568] {strides = array<i32>} : memref<1024xf32, #tpu.memory_space<vmem>>, vector<16xf32>,
    %swap3A_570 = vector.shape_cast %swap3A_569 : vector<16xf32> to vector<16xf32>
    %swap3A_571 = vector.shape_cast %scan3A_550#4 : vector<16xf32> to vector<16xf32>
    tpu.vector_store %arg7[%swap3A_568], %swap3A_571 {strides = array<i32>} : memref<1024xf32, #tpu.memory_space<vmem>>, vector<16xf32>,
    %swap3A_572 = arith.constant 848 : index
    %swap3A_573 = tpu.vector_load %arg7[%swap3A_572] {strides = array<i32>} : memref<1024xf32, #tpu.memory_space<vmem>>, vector<16xf32>,
    %swap3A_574 = vector.shape_cast %swap3A_573 : vector<16xf32> to vector<16xf32>
    %swap3A_575 = vector.shape_cast %scan3A_550#5 : vector<16xf32> to vector<16xf32>
    tpu.vector_store %arg7[%swap3A_572], %swap3A_575 {strides = array<i32>} : memref<1024xf32, #tpu.memory_space<vmem>>, vector<16xf32>,
    %swap3A_576 = arith.constant 864 : index
    %swap3A_577 = tpu.vector_load %arg7[%swap3A_576] {strides = array<i32>} : memref<1024xf32, #tpu.memory_space<vmem>>, vector<16xf32>,
    %swap3A_578 = vector.shape_cast %swap3A_577 : vector<16xf32> to vector<16xf32>
    %swap3A_579 = vector.shape_cast %scan3A_550#6 : vector<16xf32> to vector<16xf32>
    tpu.vector_store %arg7[%swap3A_576], %swap3A_579 {strides = array<i32>} : memref<1024xf32, #tpu.memory_space<vmem>>, vector<16xf32>,
    %swap3A_580 = arith.constant 880 : index
    %swap3A_581 = tpu.vector_load %arg7[%swap3A_580] {strides = array<i32>} : memref<1024xf32, #tpu.memory_space<vmem>>, vector<16xf32>,
    %swap3A_582 = vector.shape_cast %swap3A_581 : vector<16xf32> to vector<16xf32>
    %swap3A_583 = vector.shape_cast %scan3A_550#7 : vector<16xf32> to vector<16xf32>
    tpu.vector_store %arg7[%swap3A_580], %swap3A_583 {strides = array<i32>} : memref<1024xf32, #tpu.memory_space<vmem>>, vector<16xf32>,
    %get3A_584 = arith.constant 0 : i32
    %get3A_585 = arith.index_cast %get3A_584 : i32 to index
    %get3A_586 = arith.constant 896 : index
    %get3A_587 = tpu.vector_load %arg6[%get3A_585, %get3A_586] {strides = array<i32>} : memref<64x1024xf32, #tpu.memory_space<vmem>>, vector<1x16xf32>,
    %get3A_588 = vector.shape_cast %get3A_587 : vector<1x16xf32> to vector<16xf32>
    %get3A_589 = arith.constant 0 : i32
    %get3A_590 = arith.index_cast %get3A_589 : i32 to index
    %get3A_591 = arith.constant 912 : index
    %get3A_592 = tpu.vector_load %arg6[%get3A_590, %get3A_591] {strides = array<i32>} : memref<64x1024xf32, #tpu.memory_space<vmem>>, vector<1x16xf32>,
    %get3A_593 = vector.shape_cast %get3A_592 : vector<1x16xf32> to vector<16xf32>
    %get3A_594 = arith.constant 0 : i32
    %get3A_595 = arith.index_cast %get3A_594 : i32 to index
    %get3A_596 = arith.constant 928 : index
    %get3A_597 = tpu.vector_load %arg6[%get3A_595, %get3A_596] {strides = array<i32>} : memref<64x1024xf32, #tpu.memory_space<vmem>>, vector<1x16xf32>,
    %get3A_598 = vector.shape_cast %get3A_597 : vector<1x16xf32> to vector<16xf32>
    %get3A_599 = arith.constant 0 : i32
    %get3A_600 = arith.index_cast %get3A_599 : i32 to index
    %get3A_601 = arith.constant 944 : index
    %get3A_602 = tpu.vector_load %arg6[%get3A_600, %get3A_601] {strides = array<i32>} : memref<64x1024xf32, #tpu.memory_space<vmem>>, vector<1x16xf32>,
    %get3A_603 = vector.shape_cast %get3A_602 : vector<1x16xf32> to vector<16xf32>
    %get3A_604 = arith.constant 0 : i32
    %get3A_605 = arith.index_cast %get3A_604 : i32 to index
    %get3A_606 = arith.constant 960 : index
    %get3A_607 = tpu.vector_load %arg6[%get3A_605, %get3A_606] {strides = array<i32>} : memref<64x1024xf32, #tpu.memory_space<vmem>>, vector<1x16xf32>,
    %get3A_608 = vector.shape_cast %get3A_607 : vector<1x16xf32> to vector<16xf32>
    %get3A_609 = arith.constant 0 : i32
    %get3A_610 = arith.index_cast %get3A_609 : i32 to index
    %get3A_611 = arith.constant 976 : index
    %get3A_612 = tpu.vector_load %arg6[%get3A_610, %get3A_611] {strides = array<i32>} : memref<64x1024xf32, #tpu.memory_space<vmem>>, vector<1x16xf32>,
    %get3A_613 = vector.shape_cast %get3A_612 : vector<1x16xf32> to vector<16xf32>
    %get3A_614 = arith.constant 0 : i32
    %get3A_615 = arith.index_cast %get3A_614 : i32 to index
    %get3A_616 = arith.constant 992 : index
    %get3A_617 = tpu.vector_load %arg6[%get3A_615, %get3A_616] {strides = array<i32>} : memref<64x1024xf32, #tpu.memory_space<vmem>>, vector<1x16xf32>,
    %get3A_618 = vector.shape_cast %get3A_617 : vector<1x16xf32> to vector<16xf32>
    %get3A_619 = arith.constant 0 : i32
    %get3A_620 = arith.index_cast %get3A_619 : i32 to index
    %get3A_621 = arith.constant 1008 : index
    %get3A_622 = tpu.vector_load %arg6[%get3A_620, %get3A_621] {strides = array<i32>} : memref<64x1024xf32, #tpu.memory_space<vmem>>, vector<1x16xf32>,
    %get3A_623 = vector.shape_cast %get3A_622 : vector<1x16xf32> to vector<16xf32>
    %scan3A_624 = arith.constant 1 : i32
    %scan3A_625 = arith.constant 15 : i32
    %scan3A_626 = arith.addi %scan3A_624, %scan3A_625 : i32
    %scan3A_627 = arith.constant 1 : i32
    %scan3A_628:8 = scf.for %scan3A_2174 = %scan3A_624 to %scan3A_626 step %scan3A_627 iter_args(%scan3A_2175 = %get3A_588, %scan3A_2176 = %get3A_593, %scan3A_2177 = %get3A_598, %scan3A_2178 = %get3A_603, %scan3A_2179 = %get3A_608, %scan3A_2180 = %get3A_613, %scan3A_2181 = %get3A_618, %scan3A_2182 = %get3A_623) -> (vector<16xf32>, vector<16xf32>, vector<16xf32>, vector<16xf32>, vector<16xf32>, vector<16xf32>, vector<16xf32>, vector<16xf32>)  : i32 {
      %get3A_2183 = arith.index_cast %scan3A_2174 : i32 to index
      %get3A_2184 = arith.constant 896 : index
      %get3A_2185 = tpu.vector_load %arg6[%get3A_2183, %get3A_2184] {strides = array<i32>} : memref<64x1024xf32, #tpu.memory_space<vmem>>, vector<1x16xf32>,
      %get3A_2186 = vector.shape_cast %get3A_2185 : vector<1x16xf32> to vector<16xf32>
      %add3A_2187 = arith.addf %scan3A_2175, %get3A_2186 : vector<16xf32>
      %get3A_2188 = arith.index_cast %scan3A_2174 : i32 to index
      %get3A_2189 = arith.constant 912 : index
      %get3A_2190 = tpu.vector_load %arg6[%get3A_2188, %get3A_2189] {strides = array<i32>} : memref<64x1024xf32, #tpu.memory_space<vmem>>, vector<1x16xf32>,
      %get3A_2191 = vector.shape_cast %get3A_2190 : vector<1x16xf32> to vector<16xf32>
      %add3A_2192 = arith.addf %scan3A_2176, %get3A_2191 : vector<16xf32>
      %get3A_2193 = arith.index_cast %scan3A_2174 : i32 to index
      %get3A_2194 = arith.constant 928 : index
      %get3A_2195 = tpu.vector_load %arg6[%get3A_2193, %get3A_2194] {strides = array<i32>} : memref<64x1024xf32, #tpu.memory_space<vmem>>, vector<1x16xf32>,
      %get3A_2196 = vector.shape_cast %get3A_2195 : vector<1x16xf32> to vector<16xf32>
      %add3A_2197 = arith.addf %scan3A_2177, %get3A_2196 : vector<16xf32>
      %get3A_2198 = arith.index_cast %scan3A_2174 : i32 to index
      %get3A_2199 = arith.constant 944 : index
      %get3A_2200 = tpu.vector_load %arg6[%get3A_2198, %get3A_2199] {strides = array<i32>} : memref<64x1024xf32, #tpu.memory_space<vmem>>, vector<1x16xf32>,
      %get3A_2201 = vector.shape_cast %get3A_2200 : vector<1x16xf32> to vector<16xf32>
      %add3A_2202 = arith.addf %scan3A_2178, %get3A_2201 : vector<16xf32>
      %get3A_2203 = arith.index_cast %scan3A_2174 : i32 to index
      %get3A_2204 = arith.constant 960 : index
      %get3A_2205 = tpu.vector_load %arg6[%get3A_2203, %get3A_2204] {strides = array<i32>} : memref<64x1024xf32, #tpu.memory_space<vmem>>, vector<1x16xf32>,
      %get3A_2206 = vector.shape_cast %get3A_2205 : vector<1x16xf32> to vector<16xf32>
      %add3A_2207 = arith.addf %scan3A_2179, %get3A_2206 : vector<16xf32>
      %get3A_2208 = arith.index_cast %scan3A_2174 : i32 to index
      %get3A_2209 = arith.constant 976 : index
      %get3A_2210 = tpu.vector_load %arg6[%get3A_2208, %get3A_2209] {strides = array<i32>} : memref<64x1024xf32, #tpu.memory_space<vmem>>, vector<1x16xf32>,
      %get3A_2211 = vector.shape_cast %get3A_2210 : vector<1x16xf32> to vector<16xf32>
      %add3A_2212 = arith.addf %scan3A_2180, %get3A_2211 : vector<16xf32>
      %get3A_2213 = arith.index_cast %scan3A_2174 : i32 to index
      %get3A_2214 = arith.constant 992 : index
      %get3A_2215 = tpu.vector_load %arg6[%get3A_2213, %get3A_2214] {strides = array<i32>} : memref<64x1024xf32, #tpu.memory_space<vmem>>, vector<1x16xf32>,
      %get3A_2216 = vector.shape_cast %get3A_2215 : vector<1x16xf32> to vector<16xf32>
      %add3A_2217 = arith.addf %scan3A_2181, %get3A_2216 : vector<16xf32>
      %get3A_2218 = arith.index_cast %scan3A_2174 : i32 to index
      %get3A_2219 = arith.constant 1008 : index
      %get3A_2220 = tpu.vector_load %arg6[%get3A_2218, %get3A_2219] {strides = array<i32>} : memref<64x1024xf32, #tpu.memory_space<vmem>>, vector<1x16xf32>,
      %get3A_2221 = vector.shape_cast %get3A_2220 : vector<1x16xf32> to vector<16xf32>
      %add3A_2222 = arith.addf %scan3A_2182, %get3A_2221 : vector<16xf32>
      scf.yield %add3A_2187, %add3A_2192, %add3A_2197, %add3A_2202, %add3A_2207, %add3A_2212, %add3A_2217, %add3A_2222 : vector<16xf32>, vector<16xf32>, vector<16xf32>, vector<16xf32>, vector<16xf32>, vector<16xf32>, vector<16xf32>, vector<16xf32>
    }
    %scan3A_629 = arith.constant 15 : i32
    %swap3A_630 = arith.constant 896 : index
    %swap3A_631 = tpu.vector_load %arg7[%swap3A_630] {strides = array<i32>} : memref<1024xf32, #tpu.memory_space<vmem>>, vector<16xf32>,
    %swap3A_632 = vector.shape_cast %swap3A_631 : vector<16xf32> to vector<16xf32>
    %swap3A_633 = vector.shape_cast %scan3A_628#0 : vector<16xf32> to vector<16xf32>
    tpu.vector_store %arg7[%swap3A_630], %swap3A_633 {strides = array<i32>} : memref<1024xf32, #tpu.memory_space<vmem>>, vector<16xf32>,
    %swap3A_634 = arith.constant 912 : index
    %swap3A_635 = tpu.vector_load %arg7[%swap3A_634] {strides = array<i32>} : memref<1024xf32, #tpu.memory_space<vmem>>, vector<16xf32>,
    %swap3A_636 = vector.shape_cast %swap3A_635 : vector<16xf32> to vector<16xf32>
    %swap3A_637 = vector.shape_cast %scan3A_628#1 : vector<16xf32> to vector<16xf32>
    tpu.vector_store %arg7[%swap3A_634], %swap3A_637 {strides = array<i32>} : memref<1024xf32, #tpu.memory_space<vmem>>, vector<16xf32>,
    %swap3A_638 = arith.constant 928 : index
    %swap3A_639 = tpu.vector_load %arg7[%swap3A_638] {strides = array<i32>} : memref<1024xf32, #tpu.memory_space<vmem>>, vector<16xf32>,
    %swap3A_640 = vector.shape_cast %swap3A_639 : vector<16xf32> to vector<16xf32>
    %swap3A_641 = vector.shape_cast %scan3A_628#2 : vector<16xf32> to vector<16xf32>
    tpu.vector_store %arg7[%swap3A_638], %swap3A_641 {strides = array<i32>} : memref<1024xf32, #tpu.memory_space<vmem>>, vector<16xf32>,
    %swap3A_642 = arith.constant 944 : index
    %swap3A_643 = tpu.vector_load %arg7[%swap3A_642] {strides = array<i32>} : memref<1024xf32, #tpu.memory_space<vmem>>, vector<16xf32>,
    %swap3A_644 = vector.shape_cast %swap3A_643 : vector<16xf32> to vector<16xf32>
    %swap3A_645 = vector.shape_cast %scan3A_628#3 : vector<16xf32> to vector<16xf32>
    tpu.vector_store %arg7[%swap3A_642], %swap3A_645 {strides = array<i32>} : memref<1024xf32, #tpu.memory_space<vmem>>, vector<16xf32>,
    %swap3A_646 = arith.constant 960 : index
    %swap3A_647 = tpu.vector_load %arg7[%swap3A_646] {strides = array<i32>} : memref<1024xf32, #tpu.memory_space<vmem>>, vector<16xf32>,
    %swap3A_648 = vector.shape_cast %swap3A_647 : vector<16xf32> to vector<16xf32>
    %swap3A_649 = vector.shape_cast %scan3A_628#4 : vector<16xf32> to vector<16xf32>
    tpu.vector_store %arg7[%swap3A_646], %swap3A_649 {strides = array<i32>} : memref<1024xf32, #tpu.memory_space<vmem>>, vector<16xf32>,
    %swap3A_650 = arith.constant 976 : index
    %swap3A_651 = tpu.vector_load %arg7[%swap3A_650] {strides = array<i32>} : memref<1024xf32, #tpu.memory_space<vmem>>, vector<16xf32>,
    %swap3A_652 = vector.shape_cast %swap3A_651 : vector<16xf32> to vector<16xf32>
    %swap3A_653 = vector.shape_cast %scan3A_628#5 : vector<16xf32> to vector<16xf32>
    tpu.vector_store %arg7[%swap3A_650], %swap3A_653 {strides = array<i32>} : memref<1024xf32, #tpu.memory_space<vmem>>, vector<16xf32>,
    %swap3A_654 = arith.constant 992 : index
    %swap3A_655 = tpu.vector_load %arg7[%swap3A_654] {strides = array<i32>} : memref<1024xf32, #tpu.memory_space<vmem>>, vector<16xf32>,
    %swap3A_656 = vector.shape_cast %swap3A_655 : vector<16xf32> to vector<16xf32>
    %swap3A_657 = vector.shape_cast %scan3A_628#6 : vector<16xf32> to vector<16xf32>
    tpu.vector_store %arg7[%swap3A_654], %swap3A_657 {strides = array<i32>} : memref<1024xf32, #tpu.memory_space<vmem>>, vector<16xf32>,
    %swap3A_658 = arith.constant 1008 : index
    %swap3A_659 = tpu.vector_load %arg7[%swap3A_658] {strides = array<i32>} : memref<1024xf32, #tpu.memory_space<vmem>>, vector<16xf32>,
    %swap3A_660 = vector.shape_cast %swap3A_659 : vector<16xf32> to vector<16xf32>
    %swap3A_661 = vector.shape_cast %scan3A_628#7 : vector<16xf32> to vector<16xf32>
    tpu.vector_store %arg7[%swap3A_658], %swap3A_661 {strides = array<i32>} : memref<1024xf32, #tpu.memory_space<vmem>>, vector<16xf32>,
    %dma_wait3A_662 = arith.constant 16 : i32
    %dma_wait3A_663 = arith.constant 0 : i32
    %dma_wait3A_664 = tpu.memref_slice %arg6[%dma_wait3A_662, %dma_wait3A_663] : memref<64x1024xf32, #tpu.memory_space<vmem>> -> memref<16x1024xf32, #tpu.memory_space<vmem>>
    %dma_wait3A_665 = arith.constant 16 : i32
    %dma_wait3A_666 = tpu.memref_slice %arg5[%dma_wait3A_665] : memref<64xi32, #tpu.memory_space<vmem>> -> memref<16xi32, #tpu.memory_space<vmem>>
    %dma_wait3A_667 = arith.constant 0 : i32
    %dma_wait3A_668 = arith.constant 0 : i32
    %dma_wait3A_669 = tpu.memref_slice %arg3[%dma_wait3A_667, %dma_wait3A_668] : memref<100000x1024xf32, #tpu.memory_space<hbm>> -> memref<100000x1024xf32, #tpu.memory_space<hbm>>
    tpu.wait_indirect_dma semaphore(%arg9 : memref<!tpu.dma_semaphore, #tpu.memory_space<semaphore_mem>>) src(%dma_wait3A_669 : memref<100000x1024xf32, #tpu.memory_space<hbm>>) dst(%dma_wait3A_664 : memref<16x1024xf32, #tpu.memory_space<vmem>>)
    %get3A_670 = arith.constant 0 : index
    %get3A_671 = tpu.vector_load %arg7[%get3A_670] {strides = array<i32>} : memref<1024xf32, #tpu.memory_space<vmem>>, vector<16xf32>,
    %get3A_672 = vector.shape_cast %get3A_671 : vector<16xf32> to vector<16xf32>
    %get3A_673 = arith.constant 16 : index
    %get3A_674 = tpu.vector_load %arg7[%get3A_673] {strides = array<i32>} : memref<1024xf32, #tpu.memory_space<vmem>>, vector<16xf32>,
    %get3A_675 = vector.shape_cast %get3A_674 : vector<16xf32> to vector<16xf32>
    %get3A_676 = arith.constant 32 : index
    %get3A_677 = tpu.vector_load %arg7[%get3A_676] {strides = array<i32>} : memref<1024xf32, #tpu.memory_space<vmem>>, vector<16xf32>,
    %get3A_678 = vector.shape_cast %get3A_677 : vector<16xf32> to vector<16xf32>
    %get3A_679 = arith.constant 48 : index
    %get3A_680 = tpu.vector_load %arg7[%get3A_679] {strides = array<i32>} : memref<1024xf32, #tpu.memory_space<vmem>>, vector<16xf32>,
    %get3A_681 = vector.shape_cast %get3A_680 : vector<16xf32> to vector<16xf32>
    %get3A_682 = arith.constant 64 : index
    %get3A_683 = tpu.vector_load %arg7[%get3A_682] {strides = array<i32>} : memref<1024xf32, #tpu.memory_space<vmem>>, vector<16xf32>,
    %get3A_684 = vector.shape_cast %get3A_683 : vector<16xf32> to vector<16xf32>
    %get3A_685 = arith.constant 80 : index
    %get3A_686 = tpu.vector_load %arg7[%get3A_685] {strides = array<i32>} : memref<1024xf32, #tpu.memory_space<vmem>>, vector<16xf32>,
    %get3A_687 = vector.shape_cast %get3A_686 : vector<16xf32> to vector<16xf32>
    %get3A_688 = arith.constant 96 : index
    %get3A_689 = tpu.vector_load %arg7[%get3A_688] {strides = array<i32>} : memref<1024xf32, #tpu.memory_space<vmem>>, vector<16xf32>,
    %get3A_690 = vector.shape_cast %get3A_689 : vector<16xf32> to vector<16xf32>
    %get3A_691 = arith.constant 112 : index
    %get3A_692 = tpu.vector_load %arg7[%get3A_691] {strides = array<i32>} : memref<1024xf32, #tpu.memory_space<vmem>>, vector<16xf32>,
    %get3A_693 = vector.shape_cast %get3A_692 : vector<16xf32> to vector<16xf32>
    %scan3A_694 = arith.constant 16 : i32
    %scan3A_695 = arith.constant 16 : i32
    %scan3A_696 = arith.addi %scan3A_694, %scan3A_695 : i32
    %scan3A_697 = arith.constant 1 : i32
    %scan3A_698:8 = scf.for %scan3A_2174 = %scan3A_694 to %scan3A_696 step %scan3A_697 iter_args(%scan3A_2175 = %get3A_672, %scan3A_2176 = %get3A_675, %scan3A_2177 = %get3A_678, %scan3A_2178 = %get3A_681, %scan3A_2179 = %get3A_684, %scan3A_2180 = %get3A_687, %scan3A_2181 = %get3A_690, %scan3A_2182 = %get3A_693) -> (vector<16xf32>, vector<16xf32>, vector<16xf32>, vector<16xf32>, vector<16xf32>, vector<16xf32>, vector<16xf32>, vector<16xf32>)  : i32 {
      %get3A_2183 = arith.index_cast %scan3A_2174 : i32 to index
      %get3A_2184 = arith.constant 0 : index
      %get3A_2185 = tpu.vector_load %arg6[%get3A_2183, %get3A_2184] {strides = array<i32>} : memref<64x1024xf32, #tpu.memory_space<vmem>>, vector<1x16xf32>,
      %get3A_2186 = vector.shape_cast %get3A_2185 : vector<1x16xf32> to vector<16xf32>
      %add3A_2187 = arith.addf %scan3A_2175, %get3A_2186 : vector<16xf32>
      %get3A_2188 = arith.index_cast %scan3A_2174 : i32 to index
      %get3A_2189 = arith.constant 16 : index
      %get3A_2190 = tpu.vector_load %arg6[%get3A_2188, %get3A_2189] {strides = array<i32>} : memref<64x1024xf32, #tpu.memory_space<vmem>>, vector<1x16xf32>,
      %get3A_2191 = vector.shape_cast %get3A_2190 : vector<1x16xf32> to vector<16xf32>
      %add3A_2192 = arith.addf %scan3A_2176, %get3A_2191 : vector<16xf32>
      %get3A_2193 = arith.index_cast %scan3A_2174 : i32 to index
      %get3A_2194 = arith.constant 32 : index
      %get3A_2195 = tpu.vector_load %arg6[%get3A_2193, %get3A_2194] {strides = array<i32>} : memref<64x1024xf32, #tpu.memory_space<vmem>>, vector<1x16xf32>,
      %get3A_2196 = vector.shape_cast %get3A_2195 : vector<1x16xf32> to vector<16xf32>
      %add3A_2197 = arith.addf %scan3A_2177, %get3A_2196 : vector<16xf32>
      %get3A_2198 = arith.index_cast %scan3A_2174 : i32 to index
      %get3A_2199 = arith.constant 48 : index
      %get3A_2200 = tpu.vector_load %arg6[%get3A_2198, %get3A_2199] {strides = array<i32>} : memref<64x1024xf32, #tpu.memory_space<vmem>>, vector<1x16xf32>,
      %get3A_2201 = vector.shape_cast %get3A_2200 : vector<1x16xf32> to vector<16xf32>
      %add3A_2202 = arith.addf %scan3A_2178, %get3A_2201 : vector<16xf32>
      %get3A_2203 = arith.index_cast %scan3A_2174 : i32 to index
      %get3A_2204 = arith.constant 64 : index
      %get3A_2205 = tpu.vector_load %arg6[%get3A_2203, %get3A_2204] {strides = array<i32>} : memref<64x1024xf32, #tpu.memory_space<vmem>>, vector<1x16xf32>,
      %get3A_2206 = vector.shape_cast %get3A_2205 : vector<1x16xf32> to vector<16xf32>
      %add3A_2207 = arith.addf %scan3A_2179, %get3A_2206 : vector<16xf32>
      %get3A_2208 = arith.index_cast %scan3A_2174 : i32 to index
      %get3A_2209 = arith.constant 80 : index
      %get3A_2210 = tpu.vector_load %arg6[%get3A_2208, %get3A_2209] {strides = array<i32>} : memref<64x1024xf32, #tpu.memory_space<vmem>>, vector<1x16xf32>,
      %get3A_2211 = vector.shape_cast %get3A_2210 : vector<1x16xf32> to vector<16xf32>
      %add3A_2212 = arith.addf %scan3A_2180, %get3A_2211 : vector<16xf32>
      %get3A_2213 = arith.index_cast %scan3A_2174 : i32 to index
      %get3A_2214 = arith.constant 96 : index
      %get3A_2215 = tpu.vector_load %arg6[%get3A_2213, %get3A_2214] {strides = array<i32>} : memref<64x1024xf32, #tpu.memory_space<vmem>>, vector<1x16xf32>,
      %get3A_2216 = vector.shape_cast %get3A_2215 : vector<1x16xf32> to vector<16xf32>
      %add3A_2217 = arith.addf %scan3A_2181, %get3A_2216 : vector<16xf32>
      %get3A_2218 = arith.index_cast %scan3A_2174 : i32 to index
      %get3A_2219 = arith.constant 112 : index
      %get3A_2220 = tpu.vector_load %arg6[%get3A_2218, %get3A_2219] {strides = array<i32>} : memref<64x1024xf32, #tpu.memory_space<vmem>>, vector<1x16xf32>,
      %get3A_2221 = vector.shape_cast %get3A_2220 : vector<1x16xf32> to vector<16xf32>
      %add3A_2222 = arith.addf %scan3A_2182, %get3A_2221 : vector<16xf32>
      scf.yield %add3A_2187, %add3A_2192, %add3A_2197, %add3A_2202, %add3A_2207, %add3A_2212, %add3A_2217, %add3A_2222 : vector<16xf32>, vector<16xf32>, vector<16xf32>, vector<16xf32>, vector<16xf32>, vector<16xf32>, vector<16xf32>, vector<16xf32>
    }
    %scan3A_699 = arith.constant 16 : i32
    %swap3A_700 = arith.constant 0 : index
    %swap3A_701 = tpu.vector_load %arg7[%swap3A_700] {strides = array<i32>} : memref<1024xf32, #tpu.memory_space<vmem>>, vector<16xf32>,
    %swap3A_702 = vector.shape_cast %swap3A_701 : vector<16xf32> to vector<16xf32>
    %swap3A_703 = vector.shape_cast %scan3A_698#0 : vector<16xf32> to vector<16xf32>
    tpu.vector_store %arg7[%swap3A_700], %swap3A_703 {strides = array<i32>} : memref<1024xf32, #tpu.memory_space<vmem>>, vector<16xf32>,
    %swap3A_704 = arith.constant 16 : index
    %swap3A_705 = tpu.vector_load %arg7[%swap3A_704] {strides = array<i32>} : memref<1024xf32, #tpu.memory_space<vmem>>, vector<16xf32>,
    %swap3A_706 = vector.shape_cast %swap3A_705 : vector<16xf32> to vector<16xf32>
    %swap3A_707 = vector.shape_cast %scan3A_698#1 : vector<16xf32> to vector<16xf32>
    tpu.vector_store %arg7[%swap3A_704], %swap3A_707 {strides = array<i32>} : memref<1024xf32, #tpu.memory_space<vmem>>, vector<16xf32>,
    %swap3A_708 = arith.constant 32 : index
    %swap3A_709 = tpu.vector_load %arg7[%swap3A_708] {strides = array<i32>} : memref<1024xf32, #tpu.memory_space<vmem>>, vector<16xf32>,
    %swap3A_710 = vector.shape_cast %swap3A_709 : vector<16xf32> to vector<16xf32>
    %swap3A_711 = vector.shape_cast %scan3A_698#2 : vector<16xf32> to vector<16xf32>
    tpu.vector_store %arg7[%swap3A_708], %swap3A_711 {strides = array<i32>} : memref<1024xf32, #tpu.memory_space<vmem>>, vector<16xf32>,
    %swap3A_712 = arith.constant 48 : index
    %swap3A_713 = tpu.vector_load %arg7[%swap3A_712] {strides = array<i32>} : memref<1024xf32, #tpu.memory_space<vmem>>, vector<16xf32>,
    %swap3A_714 = vector.shape_cast %swap3A_713 : vector<16xf32> to vector<16xf32>
    %swap3A_715 = vector.shape_cast %scan3A_698#3 : vector<16xf32> to vector<16xf32>
    tpu.vector_store %arg7[%swap3A_712], %swap3A_715 {strides = array<i32>} : memref<1024xf32, #tpu.memory_space<vmem>>, vector<16xf32>,
    %swap3A_716 = arith.constant 64 : index
    %swap3A_717 = tpu.vector_load %arg7[%swap3A_716] {strides = array<i32>} : memref<1024xf32, #tpu.memory_space<vmem>>, vector<16xf32>,
    %swap3A_718 = vector.shape_cast %swap3A_717 : vector<16xf32> to vector<16xf32>
    %swap3A_719 = vector.shape_cast %scan3A_698#4 : vector<16xf32> to vector<16xf32>
    tpu.vector_store %arg7[%swap3A_716], %swap3A_719 {strides = array<i32>} : memref<1024xf32, #tpu.memory_space<vmem>>, vector<16xf32>,
    %swap3A_720 = arith.constant 80 : index
    %swap3A_721 = tpu.vector_load %arg7[%swap3A_720] {strides = array<i32>} : memref<1024xf32, #tpu.memory_space<vmem>>, vector<16xf32>,
    %swap3A_722 = vector.shape_cast %swap3A_721 : vector<16xf32> to vector<16xf32>
    %swap3A_723 = vector.shape_cast %scan3A_698#5 : vector<16xf32> to vector<16xf32>
    tpu.vector_store %arg7[%swap3A_720], %swap3A_723 {strides = array<i32>} : memref<1024xf32, #tpu.memory_space<vmem>>, vector<16xf32>,
    %swap3A_724 = arith.constant 96 : index
    %swap3A_725 = tpu.vector_load %arg7[%swap3A_724] {strides = array<i32>} : memref<1024xf32, #tpu.memory_space<vmem>>, vector<16xf32>,
    %swap3A_726 = vector.shape_cast %swap3A_725 : vector<16xf32> to vector<16xf32>
    %swap3A_727 = vector.shape_cast %scan3A_698#6 : vector<16xf32> to vector<16xf32>
    tpu.vector_store %arg7[%swap3A_724], %swap3A_727 {strides = array<i32>} : memref<1024xf32, #tpu.memory_space<vmem>>, vector<16xf32>,
    %swap3A_728 = arith.constant 112 : index
    %swap3A_729 = tpu.vector_load %arg7[%swap3A_728] {strides = array<i32>} : memref<1024xf32, #tpu.memory_space<vmem>>, vector<16xf32>,
    %swap3A_730 = vector.shape_cast %swap3A_729 : vector<16xf32> to vector<16xf32>
    %swap3A_731 = vector.shape_cast %scan3A_698#7 : vector<16xf32> to vector<16xf32>
    tpu.vector_store %arg7[%swap3A_728], %swap3A_731 {strides = array<i32>} : memref<1024xf32, #tpu.memory_space<vmem>>, vector<16xf32>,
    %get3A_732 = arith.constant 128 : index
    %get3A_733 = tpu.vector_load %arg7[%get3A_732] {strides = array<i32>} : memref<1024xf32, #tpu.memory_space<vmem>>, vector<16xf32>,
    %get3A_734 = vector.shape_cast %get3A_733 : vector<16xf32> to vector<16xf32>
    %get3A_735 = arith.constant 144 : index
    %get3A_736 = tpu.vector_load %arg7[%get3A_735] {strides = array<i32>} : memref<1024xf32, #tpu.memory_space<vmem>>, vector<16xf32>,
    %get3A_737 = vector.shape_cast %get3A_736 : vector<16xf32> to vector<16xf32>
    %get3A_738 = arith.constant 160 : index
    %get3A_739 = tpu.vector_load %arg7[%get3A_738] {strides = array<i32>} : memref<1024xf32, #tpu.memory_space<vmem>>, vector<16xf32>,
    %get3A_740 = vector.shape_cast %get3A_739 : vector<16xf32> to vector<16xf32>
    %get3A_741 = arith.constant 176 : index
    %get3A_742 = tpu.vector_load %arg7[%get3A_741] {strides = array<i32>} : memref<1024xf32, #tpu.memory_space<vmem>>, vector<16xf32>,
    %get3A_743 = vector.shape_cast %get3A_742 : vector<16xf32> to vector<16xf32>
    %get3A_744 = arith.constant 192 : index
    %get3A_745 = tpu.vector_load %arg7[%get3A_744] {strides = array<i32>} : memref<1024xf32, #tpu.memory_space<vmem>>, vector<16xf32>,
    %get3A_746 = vector.shape_cast %get3A_745 : vector<16xf32> to vector<16xf32>
    %get3A_747 = arith.constant 208 : index
    %get3A_748 = tpu.vector_load %arg7[%get3A_747] {strides = array<i32>} : memref<1024xf32, #tpu.memory_space<vmem>>, vector<16xf32>,
    %get3A_749 = vector.shape_cast %get3A_748 : vector<16xf32> to vector<16xf32>
    %get3A_750 = arith.constant 224 : index
    %get3A_751 = tpu.vector_load %arg7[%get3A_750] {strides = array<i32>} : memref<1024xf32, #tpu.memory_space<vmem>>, vector<16xf32>,
    %get3A_752 = vector.shape_cast %get3A_751 : vector<16xf32> to vector<16xf32>
    %get3A_753 = arith.constant 240 : index
    %get3A_754 = tpu.vector_load %arg7[%get3A_753] {strides = array<i32>} : memref<1024xf32, #tpu.memory_space<vmem>>, vector<16xf32>,
    %get3A_755 = vector.shape_cast %get3A_754 : vector<16xf32> to vector<16xf32>
    %scan3A_756 = arith.constant 16 : i32
    %scan3A_757 = arith.constant 16 : i32
    %scan3A_758 = arith.addi %scan3A_756, %scan3A_757 : i32
    %scan3A_759 = arith.constant 1 : i32
    %scan3A_760:8 = scf.for %scan3A_2174 = %scan3A_756 to %scan3A_758 step %scan3A_759 iter_args(%scan3A_2175 = %get3A_734, %scan3A_2176 = %get3A_737, %scan3A_2177 = %get3A_740, %scan3A_2178 = %get3A_743, %scan3A_2179 = %get3A_746, %scan3A_2180 = %get3A_749, %scan3A_2181 = %get3A_752, %scan3A_2182 = %get3A_755) -> (vector<16xf32>, vector<16xf32>, vector<16xf32>, vector<16xf32>, vector<16xf32>, vector<16xf32>, vector<16xf32>, vector<16xf32>)  : i32 {
      %get3A_2183 = arith.index_cast %scan3A_2174 : i32 to index
      %get3A_2184 = arith.constant 128 : index
      %get3A_2185 = tpu.vector_load %arg6[%get3A_2183, %get3A_2184] {strides = array<i32>} : memref<64x1024xf32, #tpu.memory_space<vmem>>, vector<1x16xf32>,
      %get3A_2186 = vector.shape_cast %get3A_2185 : vector<1x16xf32> to vector<16xf32>
      %add3A_2187 = arith.addf %scan3A_2175, %get3A_2186 : vector<16xf32>
      %get3A_2188 = arith.index_cast %scan3A_2174 : i32 to index
      %get3A_2189 = arith.constant 144 : index
      %get3A_2190 = tpu.vector_load %arg6[%get3A_2188, %get3A_2189] {strides = array<i32>} : memref<64x1024xf32, #tpu.memory_space<vmem>>, vector<1x16xf32>,
      %get3A_2191 = vector.shape_cast %get3A_2190 : vector<1x16xf32> to vector<16xf32>
      %add3A_2192 = arith.addf %scan3A_2176, %get3A_2191 : vector<16xf32>
      %get3A_2193 = arith.index_cast %scan3A_2174 : i32 to index
      %get3A_2194 = arith.constant 160 : index
      %get3A_2195 = tpu.vector_load %arg6[%get3A_2193, %get3A_2194] {strides = array<i32>} : memref<64x1024xf32, #tpu.memory_space<vmem>>, vector<1x16xf32>,
      %get3A_2196 = vector.shape_cast %get3A_2195 : vector<1x16xf32> to vector<16xf32>
      %add3A_2197 = arith.addf %scan3A_2177, %get3A_2196 : vector<16xf32>
      %get3A_2198 = arith.index_cast %scan3A_2174 : i32 to index
      %get3A_2199 = arith.constant 176 : index
      %get3A_2200 = tpu.vector_load %arg6[%get3A_2198, %get3A_2199] {strides = array<i32>} : memref<64x1024xf32, #tpu.memory_space<vmem>>, vector<1x16xf32>,
      %get3A_2201 = vector.shape_cast %get3A_2200 : vector<1x16xf32> to vector<16xf32>
      %add3A_2202 = arith.addf %scan3A_2178, %get3A_2201 : vector<16xf32>
      %get3A_2203 = arith.index_cast %scan3A_2174 : i32 to index
      %get3A_2204 = arith.constant 192 : index
      %get3A_2205 = tpu.vector_load %arg6[%get3A_2203, %get3A_2204] {strides = array<i32>} : memref<64x1024xf32, #tpu.memory_space<vmem>>, vector<1x16xf32>,
      %get3A_2206 = vector.shape_cast %get3A_2205 : vector<1x16xf32> to vector<16xf32>
      %add3A_2207 = arith.addf %scan3A_2179, %get3A_2206 : vector<16xf32>
      %get3A_2208 = arith.index_cast %scan3A_2174 : i32 to index
      %get3A_2209 = arith.constant 208 : index
      %get3A_2210 = tpu.vector_load %arg6[%get3A_2208, %get3A_2209] {strides = array<i32>} : memref<64x1024xf32, #tpu.memory_space<vmem>>, vector<1x16xf32>,
      %get3A_2211 = vector.shape_cast %get3A_2210 : vector<1x16xf32> to vector<16xf32>
      %add3A_2212 = arith.addf %scan3A_2180, %get3A_2211 : vector<16xf32>
      %get3A_2213 = arith.index_cast %scan3A_2174 : i32 to index
      %get3A_2214 = arith.constant 224 : index
      %get3A_2215 = tpu.vector_load %arg6[%get3A_2213, %get3A_2214] {strides = array<i32>} : memref<64x1024xf32, #tpu.memory_space<vmem>>, vector<1x16xf32>,
      %get3A_2216 = vector.shape_cast %get3A_2215 : vector<1x16xf32> to vector<16xf32>
      %add3A_2217 = arith.addf %scan3A_2181, %get3A_2216 : vector<16xf32>
      %get3A_2218 = arith.index_cast %scan3A_2174 : i32 to index
      %get3A_2219 = arith.constant 240 : index
      %get3A_2220 = tpu.vector_load %arg6[%get3A_2218, %get3A_2219] {strides = array<i32>} : memref<64x1024xf32, #tpu.memory_space<vmem>>, vector<1x16xf32>,
      %get3A_2221 = vector.shape_cast %get3A_2220 : vector<1x16xf32> to vector<16xf32>
      %add3A_2222 = arith.addf %scan3A_2182, %get3A_2221 : vector<16xf32>
      scf.yield %add3A_2187, %add3A_2192, %add3A_2197, %add3A_2202, %add3A_2207, %add3A_2212, %add3A_2217, %add3A_2222 : vector<16xf32>, vector<16xf32>, vector<16xf32>, vector<16xf32>, vector<16xf32>, vector<16xf32>, vector<16xf32>, vector<16xf32>
    }
    %scan3A_761 = arith.constant 16 : i32
    %swap3A_762 = arith.constant 128 : index
    %swap3A_763 = tpu.vector_load %arg7[%swap3A_762] {strides = array<i32>} : memref<1024xf32, #tpu.memory_space<vmem>>, vector<16xf32>,
    %swap3A_764 = vector.shape_cast %swap3A_763 : vector<16xf32> to vector<16xf32>
    %swap3A_765 = vector.shape_cast %scan3A_760#0 : vector<16xf32> to vector<16xf32>
    tpu.vector_store %arg7[%swap3A_762], %swap3A_765 {strides = array<i32>} : memref<1024xf32, #tpu.memory_space<vmem>>, vector<16xf32>,
    %swap3A_766 = arith.constant 144 : index
    %swap3A_767 = tpu.vector_load %arg7[%swap3A_766] {strides = array<i32>} : memref<1024xf32, #tpu.memory_space<vmem>>, vector<16xf32>,
    %swap3A_768 = vector.shape_cast %swap3A_767 : vector<16xf32> to vector<16xf32>
    %swap3A_769 = vector.shape_cast %scan3A_760#1 : vector<16xf32> to vector<16xf32>
    tpu.vector_store %arg7[%swap3A_766], %swap3A_769 {strides = array<i32>} : memref<1024xf32, #tpu.memory_space<vmem>>, vector<16xf32>,
    %swap3A_770 = arith.constant 160 : index
    %swap3A_771 = tpu.vector_load %arg7[%swap3A_770] {strides = array<i32>} : memref<1024xf32, #tpu.memory_space<vmem>>, vector<16xf32>,
    %swap3A_772 = vector.shape_cast %swap3A_771 : vector<16xf32> to vector<16xf32>
    %swap3A_773 = vector.shape_cast %scan3A_760#2 : vector<16xf32> to vector<16xf32>
    tpu.vector_store %arg7[%swap3A_770], %swap3A_773 {strides = array<i32>} : memref<1024xf32, #tpu.memory_space<vmem>>, vector<16xf32>,
    %swap3A_774 = arith.constant 176 : index
    %swap3A_775 = tpu.vector_load %arg7[%swap3A_774] {strides = array<i32>} : memref<1024xf32, #tpu.memory_space<vmem>>, vector<16xf32>,
    %swap3A_776 = vector.shape_cast %swap3A_775 : vector<16xf32> to vector<16xf32>
    %swap3A_777 = vector.shape_cast %scan3A_760#3 : vector<16xf32> to vector<16xf32>
    tpu.vector_store %arg7[%swap3A_774], %swap3A_777 {strides = array<i32>} : memref<1024xf32, #tpu.memory_space<vmem>>, vector<16xf32>,
    %swap3A_778 = arith.constant 192 : index
    %swap3A_779 = tpu.vector_load %arg7[%swap3A_778] {strides = array<i32>} : memref<1024xf32, #tpu.memory_space<vmem>>, vector<16xf32>,
    %swap3A_780 = vector.shape_cast %swap3A_779 : vector<16xf32> to vector<16xf32>
    %swap3A_781 = vector.shape_cast %scan3A_760#4 : vector<16xf32> to vector<16xf32>
    tpu.vector_store %arg7[%swap3A_778], %swap3A_781 {strides = array<i32>} : memref<1024xf32, #tpu.memory_space<vmem>>, vector<16xf32>,
    %swap3A_782 = arith.constant 208 : index
    %swap3A_783 = tpu.vector_load %arg7[%swap3A_782] {strides = array<i32>} : memref<1024xf32, #tpu.memory_space<vmem>>, vector<16xf32>,
    %swap3A_784 = vector.shape_cast %swap3A_783 : vector<16xf32> to vector<16xf32>
    %swap3A_785 = vector.shape_cast %scan3A_760#5 : vector<16xf32> to vector<16xf32>
    tpu.vector_store %arg7[%swap3A_782], %swap3A_785 {strides = array<i32>} : memref<1024xf32, #tpu.memory_space<vmem>>, vector<16xf32>,
    %swap3A_786 = arith.constant 224 : index
    %swap3A_787 = tpu.vector_load %arg7[%swap3A_786] {strides = array<i32>} : memref<1024xf32, #tpu.memory_space<vmem>>, vector<16xf32>,
    %swap3A_788 = vector.shape_cast %swap3A_787 : vector<16xf32> to vector<16xf32>
    %swap3A_789 = vector.shape_cast %scan3A_760#6 : vector<16xf32> to vector<16xf32>
    tpu.vector_store %arg7[%swap3A_786], %swap3A_789 {strides = array<i32>} : memref<1024xf32, #tpu.memory_space<vmem>>, vector<16xf32>,
    %swap3A_790 = arith.constant 240 : index
    %swap3A_791 = tpu.vector_load %arg7[%swap3A_790] {strides = array<i32>} : memref<1024xf32, #tpu.memory_space<vmem>>, vector<16xf32>,
    %swap3A_792 = vector.shape_cast %swap3A_791 : vector<16xf32> to vector<16xf32>
    %swap3A_793 = vector.shape_cast %scan3A_760#7 : vector<16xf32> to vector<16xf32>
    tpu.vector_store %arg7[%swap3A_790], %swap3A_793 {strides = array<i32>} : memref<1024xf32, #tpu.memory_space<vmem>>, vector<16xf32>,
    %get3A_794 = arith.constant 256 : index
    %get3A_795 = tpu.vector_load %arg7[%get3A_794] {strides = array<i32>} : memref<1024xf32, #tpu.memory_space<vmem>>, vector<16xf32>,
    %get3A_796 = vector.shape_cast %get3A_795 : vector<16xf32> to vector<16xf32>
    %get3A_797 = arith.constant 272 : index
    %get3A_798 = tpu.vector_load %arg7[%get3A_797] {strides = array<i32>} : memref<1024xf32, #tpu.memory_space<vmem>>, vector<16xf32>,
    %get3A_799 = vector.shape_cast %get3A_798 : vector<16xf32> to vector<16xf32>
    %get3A_800 = arith.constant 288 : index
    %get3A_801 = tpu.vector_load %arg7[%get3A_800] {strides = array<i32>} : memref<1024xf32, #tpu.memory_space<vmem>>, vector<16xf32>,
    %get3A_802 = vector.shape_cast %get3A_801 : vector<16xf32> to vector<16xf32>
    %get3A_803 = arith.constant 304 : index
    %get3A_804 = tpu.vector_load %arg7[%get3A_803] {strides = array<i32>} : memref<1024xf32, #tpu.memory_space<vmem>>, vector<16xf32>,
    %get3A_805 = vector.shape_cast %get3A_804 : vector<16xf32> to vector<16xf32>
    %get3A_806 = arith.constant 320 : index
    %get3A_807 = tpu.vector_load %arg7[%get3A_806] {strides = array<i32>} : memref<1024xf32, #tpu.memory_space<vmem>>, vector<16xf32>,
    %get3A_808 = vector.shape_cast %get3A_807 : vector<16xf32> to vector<16xf32>
    %get3A_809 = arith.constant 336 : index
    %get3A_810 = tpu.vector_load %arg7[%get3A_809] {strides = array<i32>} : memref<1024xf32, #tpu.memory_space<vmem>>, vector<16xf32>,
    %get3A_811 = vector.shape_cast %get3A_810 : vector<16xf32> to vector<16xf32>
    %get3A_812 = arith.constant 352 : index
    %get3A_813 = tpu.vector_load %arg7[%get3A_812] {strides = array<i32>} : memref<1024xf32, #tpu.memory_space<vmem>>, vector<16xf32>,
    %get3A_814 = vector.shape_cast %get3A_813 : vector<16xf32> to vector<16xf32>
    %get3A_815 = arith.constant 368 : index
    %get3A_816 = tpu.vector_load %arg7[%get3A_815] {strides = array<i32>} : memref<1024xf32, #tpu.memory_space<vmem>>, vector<16xf32>,
    %get3A_817 = vector.shape_cast %get3A_816 : vector<16xf32> to vector<16xf32>
    %scan3A_818 = arith.constant 16 : i32
    %scan3A_819 = arith.constant 16 : i32
    %scan3A_820 = arith.addi %scan3A_818, %scan3A_819 : i32
    %scan3A_821 = arith.constant 1 : i32
    %scan3A_822:8 = scf.for %scan3A_2174 = %scan3A_818 to %scan3A_820 step %scan3A_821 iter_args(%scan3A_2175 = %get3A_796, %scan3A_2176 = %get3A_799, %scan3A_2177 = %get3A_802, %scan3A_2178 = %get3A_805, %scan3A_2179 = %get3A_808, %scan3A_2180 = %get3A_811, %scan3A_2181 = %get3A_814, %scan3A_2182 = %get3A_817) -> (vector<16xf32>, vector<16xf32>, vector<16xf32>, vector<16xf32>, vector<16xf32>, vector<16xf32>, vector<16xf32>, vector<16xf32>)  : i32 {
      %get3A_2183 = arith.index_cast %scan3A_2174 : i32 to index
      %get3A_2184 = arith.constant 256 : index
      %get3A_2185 = tpu.vector_load %arg6[%get3A_2183, %get3A_2184] {strides = array<i32>} : memref<64x1024xf32, #tpu.memory_space<vmem>>, vector<1x16xf32>,
      %get3A_2186 = vector.shape_cast %get3A_2185 : vector<1x16xf32> to vector<16xf32>
      %add3A_2187 = arith.addf %scan3A_2175, %get3A_2186 : vector<16xf32>
      %get3A_2188 = arith.index_cast %scan3A_2174 : i32 to index
      %get3A_2189 = arith.constant 272 : index
      %get3A_2190 = tpu.vector_load %arg6[%get3A_2188, %get3A_2189] {strides = array<i32>} : memref<64x1024xf32, #tpu.memory_space<vmem>>, vector<1x16xf32>,
      %get3A_2191 = vector.shape_cast %get3A_2190 : vector<1x16xf32> to vector<16xf32>
      %add3A_2192 = arith.addf %scan3A_2176, %get3A_2191 : vector<16xf32>
      %get3A_2193 = arith.index_cast %scan3A_2174 : i32 to index
      %get3A_2194 = arith.constant 288 : index
      %get3A_2195 = tpu.vector_load %arg6[%get3A_2193, %get3A_2194] {strides = array<i32>} : memref<64x1024xf32, #tpu.memory_space<vmem>>, vector<1x16xf32>,
      %get3A_2196 = vector.shape_cast %get3A_2195 : vector<1x16xf32> to vector<16xf32>
      %add3A_2197 = arith.addf %scan3A_2177, %get3A_2196 : vector<16xf32>
      %get3A_2198 = arith.index_cast %scan3A_2174 : i32 to index
      %get3A_2199 = arith.constant 304 : index
      %get3A_2200 = tpu.vector_load %arg6[%get3A_2198, %get3A_2199] {strides = array<i32>} : memref<64x1024xf32, #tpu.memory_space<vmem>>, vector<1x16xf32>,
      %get3A_2201 = vector.shape_cast %get3A_2200 : vector<1x16xf32> to vector<16xf32>
      %add3A_2202 = arith.addf %scan3A_2178, %get3A_2201 : vector<16xf32>
      %get3A_2203 = arith.index_cast %scan3A_2174 : i32 to index
      %get3A_2204 = arith.constant 320 : index
      %get3A_2205 = tpu.vector_load %arg6[%get3A_2203, %get3A_2204] {strides = array<i32>} : memref<64x1024xf32, #tpu.memory_space<vmem>>, vector<1x16xf32>,
      %get3A_2206 = vector.shape_cast %get3A_2205 : vector<1x16xf32> to vector<16xf32>
      %add3A_2207 = arith.addf %scan3A_2179, %get3A_2206 : vector<16xf32>
      %get3A_2208 = arith.index_cast %scan3A_2174 : i32 to index
      %get3A_2209 = arith.constant 336 : index
      %get3A_2210 = tpu.vector_load %arg6[%get3A_2208, %get3A_2209] {strides = array<i32>} : memref<64x1024xf32, #tpu.memory_space<vmem>>, vector<1x16xf32>,
      %get3A_2211 = vector.shape_cast %get3A_2210 : vector<1x16xf32> to vector<16xf32>
      %add3A_2212 = arith.addf %scan3A_2180, %get3A_2211 : vector<16xf32>
      %get3A_2213 = arith.index_cast %scan3A_2174 : i32 to index
      %get3A_2214 = arith.constant 352 : index
      %get3A_2215 = tpu.vector_load %arg6[%get3A_2213, %get3A_2214] {strides = array<i32>} : memref<64x1024xf32, #tpu.memory_space<vmem>>, vector<1x16xf32>,
      %get3A_2216 = vector.shape_cast %get3A_2215 : vector<1x16xf32> to vector<16xf32>
      %add3A_2217 = arith.addf %scan3A_2181, %get3A_2216 : vector<16xf32>
      %get3A_2218 = arith.index_cast %scan3A_2174 : i32 to index
      %get3A_2219 = arith.constant 368 : index
      %get3A_2220 = tpu.vector_load %arg6[%get3A_2218, %get3A_2219] {strides = array<i32>} : memref<64x1024xf32, #tpu.memory_space<vmem>>, vector<1x16xf32>,
      %get3A_2221 = vector.shape_cast %get3A_2220 : vector<1x16xf32> to vector<16xf32>
      %add3A_2222 = arith.addf %scan3A_2182, %get3A_2221 : vector<16xf32>
      scf.yield %add3A_2187, %add3A_2192, %add3A_2197, %add3A_2202, %add3A_2207, %add3A_2212, %add3A_2217, %add3A_2222 : vector<16xf32>, vector<16xf32>, vector<16xf32>, vector<16xf32>, vector<16xf32>, vector<16xf32>, vector<16xf32>, vector<16xf32>
    }
    %scan3A_823 = arith.constant 16 : i32
    %swap3A_824 = arith.constant 256 : index
    %swap3A_825 = tpu.vector_load %arg7[%swap3A_824] {strides = array<i32>} : memref<1024xf32, #tpu.memory_space<vmem>>, vector<16xf32>,
    %swap3A_826 = vector.shape_cast %swap3A_825 : vector<16xf32> to vector<16xf32>
    %swap3A_827 = vector.shape_cast %scan3A_822#0 : vector<16xf32> to vector<16xf32>
    tpu.vector_store %arg7[%swap3A_824], %swap3A_827 {strides = array<i32>} : memref<1024xf32, #tpu.memory_space<vmem>>, vector<16xf32>,
    %swap3A_828 = arith.constant 272 : index
    %swap3A_829 = tpu.vector_load %arg7[%swap3A_828] {strides = array<i32>} : memref<1024xf32, #tpu.memory_space<vmem>>, vector<16xf32>,
    %swap3A_830 = vector.shape_cast %swap3A_829 : vector<16xf32> to vector<16xf32>
    %swap3A_831 = vector.shape_cast %scan3A_822#1 : vector<16xf32> to vector<16xf32>
    tpu.vector_store %arg7[%swap3A_828], %swap3A_831 {strides = array<i32>} : memref<1024xf32, #tpu.memory_space<vmem>>, vector<16xf32>,
    %swap3A_832 = arith.constant 288 : index
    %swap3A_833 = tpu.vector_load %arg7[%swap3A_832] {strides = array<i32>} : memref<1024xf32, #tpu.memory_space<vmem>>, vector<16xf32>,
    %swap3A_834 = vector.shape_cast %swap3A_833 : vector<16xf32> to vector<16xf32>
    %swap3A_835 = vector.shape_cast %scan3A_822#2 : vector<16xf32> to vector<16xf32>
    tpu.vector_store %arg7[%swap3A_832], %swap3A_835 {strides = array<i32>} : memref<1024xf32, #tpu.memory_space<vmem>>, vector<16xf32>,
    %swap3A_836 = arith.constant 304 : index
    %swap3A_837 = tpu.vector_load %arg7[%swap3A_836] {strides = array<i32>} : memref<1024xf32, #tpu.memory_space<vmem>>, vector<16xf32>,
    %swap3A_838 = vector.shape_cast %swap3A_837 : vector<16xf32> to vector<16xf32>
    %swap3A_839 = vector.shape_cast %scan3A_822#3 : vector<16xf32> to vector<16xf32>
    tpu.vector_store %arg7[%swap3A_836], %swap3A_839 {strides = array<i32>} : memref<1024xf32, #tpu.memory_space<vmem>>, vector<16xf32>,
    %swap3A_840 = arith.constant 320 : index
    %swap3A_841 = tpu.vector_load %arg7[%swap3A_840] {strides = array<i32>} : memref<1024xf32, #tpu.memory_space<vmem>>, vector<16xf32>,
    %swap3A_842 = vector.shape_cast %swap3A_841 : vector<16xf32> to vector<16xf32>
    %swap3A_843 = vector.shape_cast %scan3A_822#4 : vector<16xf32> to vector<16xf32>
    tpu.vector_store %arg7[%swap3A_840], %swap3A_843 {strides = array<i32>} : memref<1024xf32, #tpu.memory_space<vmem>>, vector<16xf32>,
    %swap3A_844 = arith.constant 336 : index
    %swap3A_845 = tpu.vector_load %arg7[%swap3A_844] {strides = array<i32>} : memref<1024xf32, #tpu.memory_space<vmem>>, vector<16xf32>,
    %swap3A_846 = vector.shape_cast %swap3A_845 : vector<16xf32> to vector<16xf32>
    %swap3A_847 = vector.shape_cast %scan3A_822#5 : vector<16xf32> to vector<16xf32>
    tpu.vector_store %arg7[%swap3A_844], %swap3A_847 {strides = array<i32>} : memref<1024xf32, #tpu.memory_space<vmem>>, vector<16xf32>,
    %swap3A_848 = arith.constant 352 : index
    %swap3A_849 = tpu.vector_load %arg7[%swap3A_848] {strides = array<i32>} : memref<1024xf32, #tpu.memory_space<vmem>>, vector<16xf32>,
    %swap3A_850 = vector.shape_cast %swap3A_849 : vector<16xf32> to vector<16xf32>
    %swap3A_851 = vector.shape_cast %scan3A_822#6 : vector<16xf32> to vector<16xf32>
    tpu.vector_store %arg7[%swap3A_848], %swap3A_851 {strides = array<i32>} : memref<1024xf32, #tpu.memory_space<vmem>>, vector<16xf32>,
    %swap3A_852 = arith.constant 368 : index
    %swap3A_853 = tpu.vector_load %arg7[%swap3A_852] {strides = array<i32>} : memref<1024xf32, #tpu.memory_space<vmem>>, vector<16xf32>,
    %swap3A_854 = vector.shape_cast %swap3A_853 : vector<16xf32> to vector<16xf32>
    %swap3A_855 = vector.shape_cast %scan3A_822#7 : vector<16xf32> to vector<16xf32>
    tpu.vector_store %arg7[%swap3A_852], %swap3A_855 {strides = array<i32>} : memref<1024xf32, #tpu.memory_space<vmem>>, vector<16xf32>,
    %get3A_856 = arith.constant 384 : index
    %get3A_857 = tpu.vector_load %arg7[%get3A_856] {strides = array<i32>} : memref<1024xf32, #tpu.memory_space<vmem>>, vector<16xf32>,
    %get3A_858 = vector.shape_cast %get3A_857 : vector<16xf32> to vector<16xf32>
    %get3A_859 = arith.constant 400 : index
    %get3A_860 = tpu.vector_load %arg7[%get3A_859] {strides = array<i32>} : memref<1024xf32, #tpu.memory_space<vmem>>, vector<16xf32>,
    %get3A_861 = vector.shape_cast %get3A_860 : vector<16xf32> to vector<16xf32>
    %get3A_862 = arith.constant 416 : index
    %get3A_863 = tpu.vector_load %arg7[%get3A_862] {strides = array<i32>} : memref<1024xf32, #tpu.memory_space<vmem>>, vector<16xf32>,
    %get3A_864 = vector.shape_cast %get3A_863 : vector<16xf32> to vector<16xf32>
    %get3A_865 = arith.constant 432 : index
    %get3A_866 = tpu.vector_load %arg7[%get3A_865] {strides = array<i32>} : memref<1024xf32, #tpu.memory_space<vmem>>, vector<16xf32>,
    %get3A_867 = vector.shape_cast %get3A_866 : vector<16xf32> to vector<16xf32>
    %get3A_868 = arith.constant 448 : index
    %get3A_869 = tpu.vector_load %arg7[%get3A_868] {strides = array<i32>} : memref<1024xf32, #tpu.memory_space<vmem>>, vector<16xf32>,
    %get3A_870 = vector.shape_cast %get3A_869 : vector<16xf32> to vector<16xf32>
    %get3A_871 = arith.constant 464 : index
    %get3A_872 = tpu.vector_load %arg7[%get3A_871] {strides = array<i32>} : memref<1024xf32, #tpu.memory_space<vmem>>, vector<16xf32>,
    %get3A_873 = vector.shape_cast %get3A_872 : vector<16xf32> to vector<16xf32>
    %get3A_874 = arith.constant 480 : index
    %get3A_875 = tpu.vector_load %arg7[%get3A_874] {strides = array<i32>} : memref<1024xf32, #tpu.memory_space<vmem>>, vector<16xf32>,
    %get3A_876 = vector.shape_cast %get3A_875 : vector<16xf32> to vector<16xf32>
    %get3A_877 = arith.constant 496 : index
    %get3A_878 = tpu.vector_load %arg7[%get3A_877] {strides = array<i32>} : memref<1024xf32, #tpu.memory_space<vmem>>, vector<16xf32>,
    %get3A_879 = vector.shape_cast %get3A_878 : vector<16xf32> to vector<16xf32>
    %scan3A_880 = arith.constant 16 : i32
    %scan3A_881 = arith.constant 16 : i32
    %scan3A_882 = arith.addi %scan3A_880, %scan3A_881 : i32
    %scan3A_883 = arith.constant 1 : i32
    %scan3A_884:8 = scf.for %scan3A_2174 = %scan3A_880 to %scan3A_882 step %scan3A_883 iter_args(%scan3A_2175 = %get3A_858, %scan3A_2176 = %get3A_861, %scan3A_2177 = %get3A_864, %scan3A_2178 = %get3A_867, %scan3A_2179 = %get3A_870, %scan3A_2180 = %get3A_873, %scan3A_2181 = %get3A_876, %scan3A_2182 = %get3A_879) -> (vector<16xf32>, vector<16xf32>, vector<16xf32>, vector<16xf32>, vector<16xf32>, vector<16xf32>, vector<16xf32>, vector<16xf32>)  : i32 {
      %get3A_2183 = arith.index_cast %scan3A_2174 : i32 to index
      %get3A_2184 = arith.constant 384 : index
      %get3A_2185 = tpu.vector_load %arg6[%get3A_2183, %get3A_2184] {strides = array<i32>} : memref<64x1024xf32, #tpu.memory_space<vmem>>, vector<1x16xf32>,
      %get3A_2186 = vector.shape_cast %get3A_2185 : vector<1x16xf32> to vector<16xf32>
      %add3A_2187 = arith.addf %scan3A_2175, %get3A_2186 : vector<16xf32>
      %get3A_2188 = arith.index_cast %scan3A_2174 : i32 to index
      %get3A_2189 = arith.constant 400 : index
      %get3A_2190 = tpu.vector_load %arg6[%get3A_2188, %get3A_2189] {strides = array<i32>} : memref<64x1024xf32, #tpu.memory_space<vmem>>, vector<1x16xf32>,
      %get3A_2191 = vector.shape_cast %get3A_2190 : vector<1x16xf32> to vector<16xf32>
      %add3A_2192 = arith.addf %scan3A_2176, %get3A_2191 : vector<16xf32>
      %get3A_2193 = arith.index_cast %scan3A_2174 : i32 to index
      %get3A_2194 = arith.constant 416 : index
      %get3A_2195 = tpu.vector_load %arg6[%get3A_2193, %get3A_2194] {strides = array<i32>} : memref<64x1024xf32, #tpu.memory_space<vmem>>, vector<1x16xf32>,
      %get3A_2196 = vector.shape_cast %get3A_2195 : vector<1x16xf32> to vector<16xf32>
      %add3A_2197 = arith.addf %scan3A_2177, %get3A_2196 : vector<16xf32>
      %get3A_2198 = arith.index_cast %scan3A_2174 : i32 to index
      %get3A_2199 = arith.constant 432 : index
      %get3A_2200 = tpu.vector_load %arg6[%get3A_2198, %get3A_2199] {strides = array<i32>} : memref<64x1024xf32, #tpu.memory_space<vmem>>, vector<1x16xf32>,
      %get3A_2201 = vector.shape_cast %get3A_2200 : vector<1x16xf32> to vector<16xf32>
      %add3A_2202 = arith.addf %scan3A_2178, %get3A_2201 : vector<16xf32>
      %get3A_2203 = arith.index_cast %scan3A_2174 : i32 to index
      %get3A_2204 = arith.constant 448 : index
      %get3A_2205 = tpu.vector_load %arg6[%get3A_2203, %get3A_2204] {strides = array<i32>} : memref<64x1024xf32, #tpu.memory_space<vmem>>, vector<1x16xf32>,
      %get3A_2206 = vector.shape_cast %get3A_2205 : vector<1x16xf32> to vector<16xf32>
      %add3A_2207 = arith.addf %scan3A_2179, %get3A_2206 : vector<16xf32>
      %get3A_2208 = arith.index_cast %scan3A_2174 : i32 to index
      %get3A_2209 = arith.constant 464 : index
      %get3A_2210 = tpu.vector_load %arg6[%get3A_2208, %get3A_2209] {strides = array<i32>} : memref<64x1024xf32, #tpu.memory_space<vmem>>, vector<1x16xf32>,
      %get3A_2211 = vector.shape_cast %get3A_2210 : vector<1x16xf32> to vector<16xf32>
      %add3A_2212 = arith.addf %scan3A_2180, %get3A_2211 : vector<16xf32>
      %get3A_2213 = arith.index_cast %scan3A_2174 : i32 to index
      %get3A_2214 = arith.constant 480 : index
      %get3A_2215 = tpu.vector_load %arg6[%get3A_2213, %get3A_2214] {strides = array<i32>} : memref<64x1024xf32, #tpu.memory_space<vmem>>, vector<1x16xf32>,
      %get3A_2216 = vector.shape_cast %get3A_2215 : vector<1x16xf32> to vector<16xf32>
      %add3A_2217 = arith.addf %scan3A_2181, %get3A_2216 : vector<16xf32>
      %get3A_2218 = arith.index_cast %scan3A_2174 : i32 to index
      %get3A_2219 = arith.constant 496 : index
      %get3A_2220 = tpu.vector_load %arg6[%get3A_2218, %get3A_2219] {strides = array<i32>} : memref<64x1024xf32, #tpu.memory_space<vmem>>, vector<1x16xf32>,
      %get3A_2221 = vector.shape_cast %get3A_2220 : vector<1x16xf32> to vector<16xf32>
      %add3A_2222 = arith.addf %scan3A_2182, %get3A_2221 : vector<16xf32>
      scf.yield %add3A_2187, %add3A_2192, %add3A_2197, %add3A_2202, %add3A_2207, %add3A_2212, %add3A_2217, %add3A_2222 : vector<16xf32>, vector<16xf32>, vector<16xf32>, vector<16xf32>, vector<16xf32>, vector<16xf32>, vector<16xf32>, vector<16xf32>
    }
    %scan3A_885 = arith.constant 16 : i32
    %swap3A_886 = arith.constant 384 : index
    %swap3A_887 = tpu.vector_load %arg7[%swap3A_886] {strides = array<i32>} : memref<1024xf32, #tpu.memory_space<vmem>>, vector<16xf32>,
    %swap3A_888 = vector.shape_cast %swap3A_887 : vector<16xf32> to vector<16xf32>
    %swap3A_889 = vector.shape_cast %scan3A_884#0 : vector<16xf32> to vector<16xf32>
    tpu.vector_store %arg7[%swap3A_886], %swap3A_889 {strides = array<i32>} : memref<1024xf32, #tpu.memory_space<vmem>>, vector<16xf32>,
    %swap3A_890 = arith.constant 400 : index
    %swap3A_891 = tpu.vector_load %arg7[%swap3A_890] {strides = array<i32>} : memref<1024xf32, #tpu.memory_space<vmem>>, vector<16xf32>,
    %swap3A_892 = vector.shape_cast %swap3A_891 : vector<16xf32> to vector<16xf32>
    %swap3A_893 = vector.shape_cast %scan3A_884#1 : vector<16xf32> to vector<16xf32>
    tpu.vector_store %arg7[%swap3A_890], %swap3A_893 {strides = array<i32>} : memref<1024xf32, #tpu.memory_space<vmem>>, vector<16xf32>,
    %swap3A_894 = arith.constant 416 : index
    %swap3A_895 = tpu.vector_load %arg7[%swap3A_894] {strides = array<i32>} : memref<1024xf32, #tpu.memory_space<vmem>>, vector<16xf32>,
    %swap3A_896 = vector.shape_cast %swap3A_895 : vector<16xf32> to vector<16xf32>
    %swap3A_897 = vector.shape_cast %scan3A_884#2 : vector<16xf32> to vector<16xf32>
    tpu.vector_store %arg7[%swap3A_894], %swap3A_897 {strides = array<i32>} : memref<1024xf32, #tpu.memory_space<vmem>>, vector<16xf32>,
    %swap3A_898 = arith.constant 432 : index
    %swap3A_899 = tpu.vector_load %arg7[%swap3A_898] {strides = array<i32>} : memref<1024xf32, #tpu.memory_space<vmem>>, vector<16xf32>,
    %swap3A_900 = vector.shape_cast %swap3A_899 : vector<16xf32> to vector<16xf32>
    %swap3A_901 = vector.shape_cast %scan3A_884#3 : vector<16xf32> to vector<16xf32>
    tpu.vector_store %arg7[%swap3A_898], %swap3A_901 {strides = array<i32>} : memref<1024xf32, #tpu.memory_space<vmem>>, vector<16xf32>,
    %swap3A_902 = arith.constant 448 : index
    %swap3A_903 = tpu.vector_load %arg7[%swap3A_902] {strides = array<i32>} : memref<1024xf32, #tpu.memory_space<vmem>>, vector<16xf32>,
    %swap3A_904 = vector.shape_cast %swap3A_903 : vector<16xf32> to vector<16xf32>
    %swap3A_905 = vector.shape_cast %scan3A_884#4 : vector<16xf32> to vector<16xf32>
    tpu.vector_store %arg7[%swap3A_902], %swap3A_905 {strides = array<i32>} : memref<1024xf32, #tpu.memory_space<vmem>>, vector<16xf32>,
    %swap3A_906 = arith.constant 464 : index
    %swap3A_907 = tpu.vector_load %arg7[%swap3A_906] {strides = array<i32>} : memref<1024xf32, #tpu.memory_space<vmem>>, vector<16xf32>,
    %swap3A_908 = vector.shape_cast %swap3A_907 : vector<16xf32> to vector<16xf32>
    %swap3A_909 = vector.shape_cast %scan3A_884#5 : vector<16xf32> to vector<16xf32>
    tpu.vector_store %arg7[%swap3A_906], %swap3A_909 {strides = array<i32>} : memref<1024xf32, #tpu.memory_space<vmem>>, vector<16xf32>,
    %swap3A_910 = arith.constant 480 : index
    %swap3A_911 = tpu.vector_load %arg7[%swap3A_910] {strides = array<i32>} : memref<1024xf32, #tpu.memory_space<vmem>>, vector<16xf32>,
    %swap3A_912 = vector.shape_cast %swap3A_911 : vector<16xf32> to vector<16xf32>
    %swap3A_913 = vector.shape_cast %scan3A_884#6 : vector<16xf32> to vector<16xf32>
    tpu.vector_store %arg7[%swap3A_910], %swap3A_913 {strides = array<i32>} : memref<1024xf32, #tpu.memory_space<vmem>>, vector<16xf32>,
    %swap3A_914 = arith.constant 496 : index
    %swap3A_915 = tpu.vector_load %arg7[%swap3A_914] {strides = array<i32>} : memref<1024xf32, #tpu.memory_space<vmem>>, vector<16xf32>,
    %swap3A_916 = vector.shape_cast %swap3A_915 : vector<16xf32> to vector<16xf32>
    %swap3A_917 = vector.shape_cast %scan3A_884#7 : vector<16xf32> to vector<16xf32>
    tpu.vector_store %arg7[%swap3A_914], %swap3A_917 {strides = array<i32>} : memref<1024xf32, #tpu.memory_space<vmem>>, vector<16xf32>,
    %get3A_918 = arith.constant 512 : index
    %get3A_919 = tpu.vector_load %arg7[%get3A_918] {strides = array<i32>} : memref<1024xf32, #tpu.memory_space<vmem>>, vector<16xf32>,
    %get3A_920 = vector.shape_cast %get3A_919 : vector<16xf32> to vector<16xf32>
    %get3A_921 = arith.constant 528 : index
    %get3A_922 = tpu.vector_load %arg7[%get3A_921] {strides = array<i32>} : memref<1024xf32, #tpu.memory_space<vmem>>, vector<16xf32>,
    %get3A_923 = vector.shape_cast %get3A_922 : vector<16xf32> to vector<16xf32>
    %get3A_924 = arith.constant 544 : index
    %get3A_925 = tpu.vector_load %arg7[%get3A_924] {strides = array<i32>} : memref<1024xf32, #tpu.memory_space<vmem>>, vector<16xf32>,
    %get3A_926 = vector.shape_cast %get3A_925 : vector<16xf32> to vector<16xf32>
    %get3A_927 = arith.constant 560 : index
    %get3A_928 = tpu.vector_load %arg7[%get3A_927] {strides = array<i32>} : memref<1024xf32, #tpu.memory_space<vmem>>, vector<16xf32>,
    %get3A_929 = vector.shape_cast %get3A_928 : vector<16xf32> to vector<16xf32>
    %get3A_930 = arith.constant 576 : index
    %get3A_931 = tpu.vector_load %arg7[%get3A_930] {strides = array<i32>} : memref<1024xf32, #tpu.memory_space<vmem>>, vector<16xf32>,
    %get3A_932 = vector.shape_cast %get3A_931 : vector<16xf32> to vector<16xf32>
    %get3A_933 = arith.constant 592 : index
    %get3A_934 = tpu.vector_load %arg7[%get3A_933] {strides = array<i32>} : memref<1024xf32, #tpu.memory_space<vmem>>, vector<16xf32>,
    %get3A_935 = vector.shape_cast %get3A_934 : vector<16xf32> to vector<16xf32>
    %get3A_936 = arith.constant 608 : index
    %get3A_937 = tpu.vector_load %arg7[%get3A_936] {strides = array<i32>} : memref<1024xf32, #tpu.memory_space<vmem>>, vector<16xf32>,
    %get3A_938 = vector.shape_cast %get3A_937 : vector<16xf32> to vector<16xf32>
    %get3A_939 = arith.constant 624 : index
    %get3A_940 = tpu.vector_load %arg7[%get3A_939] {strides = array<i32>} : memref<1024xf32, #tpu.memory_space<vmem>>, vector<16xf32>,
    %get3A_941 = vector.shape_cast %get3A_940 : vector<16xf32> to vector<16xf32>
    %scan3A_942 = arith.constant 16 : i32
    %scan3A_943 = arith.constant 16 : i32
    %scan3A_944 = arith.addi %scan3A_942, %scan3A_943 : i32
    %scan3A_945 = arith.constant 1 : i32
    %scan3A_946:8 = scf.for %scan3A_2174 = %scan3A_942 to %scan3A_944 step %scan3A_945 iter_args(%scan3A_2175 = %get3A_920, %scan3A_2176 = %get3A_923, %scan3A_2177 = %get3A_926, %scan3A_2178 = %get3A_929, %scan3A_2179 = %get3A_932, %scan3A_2180 = %get3A_935, %scan3A_2181 = %get3A_938, %scan3A_2182 = %get3A_941) -> (vector<16xf32>, vector<16xf32>, vector<16xf32>, vector<16xf32>, vector<16xf32>, vector<16xf32>, vector<16xf32>, vector<16xf32>)  : i32 {
      %get3A_2183 = arith.index_cast %scan3A_2174 : i32 to index
      %get3A_2184 = arith.constant 512 : index
      %get3A_2185 = tpu.vector_load %arg6[%get3A_2183, %get3A_2184] {strides = array<i32>} : memref<64x1024xf32, #tpu.memory_space<vmem>>, vector<1x16xf32>,
      %get3A_2186 = vector.shape_cast %get3A_2185 : vector<1x16xf32> to vector<16xf32>
      %add3A_2187 = arith.addf %scan3A_2175, %get3A_2186 : vector<16xf32>
      %get3A_2188 = arith.index_cast %scan3A_2174 : i32 to index
      %get3A_2189 = arith.constant 528 : index
      %get3A_2190 = tpu.vector_load %arg6[%get3A_2188, %get3A_2189] {strides = array<i32>} : memref<64x1024xf32, #tpu.memory_space<vmem>>, vector<1x16xf32>,
      %get3A_2191 = vector.shape_cast %get3A_2190 : vector<1x16xf32> to vector<16xf32>
      %add3A_2192 = arith.addf %scan3A_2176, %get3A_2191 : vector<16xf32>
      %get3A_2193 = arith.index_cast %scan3A_2174 : i32 to index
      %get3A_2194 = arith.constant 544 : index
      %get3A_2195 = tpu.vector_load %arg6[%get3A_2193, %get3A_2194] {strides = array<i32>} : memref<64x1024xf32, #tpu.memory_space<vmem>>, vector<1x16xf32>,
      %get3A_2196 = vector.shape_cast %get3A_2195 : vector<1x16xf32> to vector<16xf32>
      %add3A_2197 = arith.addf %scan3A_2177, %get3A_2196 : vector<16xf32>
      %get3A_2198 = arith.index_cast %scan3A_2174 : i32 to index
      %get3A_2199 = arith.constant 560 : index
      %get3A_2200 = tpu.vector_load %arg6[%get3A_2198, %get3A_2199] {strides = array<i32>} : memref<64x1024xf32, #tpu.memory_space<vmem>>, vector<1x16xf32>,
      %get3A_2201 = vector.shape_cast %get3A_2200 : vector<1x16xf32> to vector<16xf32>
      %add3A_2202 = arith.addf %scan3A_2178, %get3A_2201 : vector<16xf32>
      %get3A_2203 = arith.index_cast %scan3A_2174 : i32 to index
      %get3A_2204 = arith.constant 576 : index
      %get3A_2205 = tpu.vector_load %arg6[%get3A_2203, %get3A_2204] {strides = array<i32>} : memref<64x1024xf32, #tpu.memory_space<vmem>>, vector<1x16xf32>,
      %get3A_2206 = vector.shape_cast %get3A_2205 : vector<1x16xf32> to vector<16xf32>
      %add3A_2207 = arith.addf %scan3A_2179, %get3A_2206 : vector<16xf32>
      %get3A_2208 = arith.index_cast %scan3A_2174 : i32 to index
      %get3A_2209 = arith.constant 592 : index
      %get3A_2210 = tpu.vector_load %arg6[%get3A_2208, %get3A_2209] {strides = array<i32>} : memref<64x1024xf32, #tpu.memory_space<vmem>>, vector<1x16xf32>,
      %get3A_2211 = vector.shape_cast %get3A_2210 : vector<1x16xf32> to vector<16xf32>
      %add3A_2212 = arith.addf %scan3A_2180, %get3A_2211 : vector<16xf32>
      %get3A_2213 = arith.index_cast %scan3A_2174 : i32 to index
      %get3A_2214 = arith.constant 608 : index
      %get3A_2215 = tpu.vector_load %arg6[%get3A_2213, %get3A_2214] {strides = array<i32>} : memref<64x1024xf32, #tpu.memory_space<vmem>>, vector<1x16xf32>,
      %get3A_2216 = vector.shape_cast %get3A_2215 : vector<1x16xf32> to vector<16xf32>
      %add3A_2217 = arith.addf %scan3A_2181, %get3A_2216 : vector<16xf32>
      %get3A_2218 = arith.index_cast %scan3A_2174 : i32 to index
      %get3A_2219 = arith.constant 624 : index
      %get3A_2220 = tpu.vector_load %arg6[%get3A_2218, %get3A_2219] {strides = array<i32>} : memref<64x1024xf32, #tpu.memory_space<vmem>>, vector<1x16xf32>,
      %get3A_2221 = vector.shape_cast %get3A_2220 : vector<1x16xf32> to vector<16xf32>
      %add3A_2222 = arith.addf %scan3A_2182, %get3A_2221 : vector<16xf32>
      scf.yield %add3A_2187, %add3A_2192, %add3A_2197, %add3A_2202, %add3A_2207, %add3A_2212, %add3A_2217, %add3A_2222 : vector<16xf32>, vector<16xf32>, vector<16xf32>, vector<16xf32>, vector<16xf32>, vector<16xf32>, vector<16xf32>, vector<16xf32>
    }
    %scan3A_947 = arith.constant 16 : i32
    %swap3A_948 = arith.constant 512 : index
    %swap3A_949 = tpu.vector_load %arg7[%swap3A_948] {strides = array<i32>} : memref<1024xf32, #tpu.memory_space<vmem>>, vector<16xf32>,
    %swap3A_950 = vector.shape_cast %swap3A_949 : vector<16xf32> to vector<16xf32>
    %swap3A_951 = vector.shape_cast %scan3A_946#0 : vector<16xf32> to vector<16xf32>
    tpu.vector_store %arg7[%swap3A_948], %swap3A_951 {strides = array<i32>} : memref<1024xf32, #tpu.memory_space<vmem>>, vector<16xf32>,
    %swap3A_952 = arith.constant 528 : index
    %swap3A_953 = tpu.vector_load %arg7[%swap3A_952] {strides = array<i32>} : memref<1024xf32, #tpu.memory_space<vmem>>, vector<16xf32>,
    %swap3A_954 = vector.shape_cast %swap3A_953 : vector<16xf32> to vector<16xf32>
    %swap3A_955 = vector.shape_cast %scan3A_946#1 : vector<16xf32> to vector<16xf32>
    tpu.vector_store %arg7[%swap3A_952], %swap3A_955 {strides = array<i32>} : memref<1024xf32, #tpu.memory_space<vmem>>, vector<16xf32>,
    %swap3A_956 = arith.constant 544 : index
    %swap3A_957 = tpu.vector_load %arg7[%swap3A_956] {strides = array<i32>} : memref<1024xf32, #tpu.memory_space<vmem>>, vector<16xf32>,
    %swap3A_958 = vector.shape_cast %swap3A_957 : vector<16xf32> to vector<16xf32>
    %swap3A_959 = vector.shape_cast %scan3A_946#2 : vector<16xf32> to vector<16xf32>
    tpu.vector_store %arg7[%swap3A_956], %swap3A_959 {strides = array<i32>} : memref<1024xf32, #tpu.memory_space<vmem>>, vector<16xf32>,
    %swap3A_960 = arith.constant 560 : index
    %swap3A_961 = tpu.vector_load %arg7[%swap3A_960] {strides = array<i32>} : memref<1024xf32, #tpu.memory_space<vmem>>, vector<16xf32>,
    %swap3A_962 = vector.shape_cast %swap3A_961 : vector<16xf32> to vector<16xf32>
    %swap3A_963 = vector.shape_cast %scan3A_946#3 : vector<16xf32> to vector<16xf32>
    tpu.vector_store %arg7[%swap3A_960], %swap3A_963 {strides = array<i32>} : memref<1024xf32, #tpu.memory_space<vmem>>, vector<16xf32>,
    %swap3A_964 = arith.constant 576 : index
    %swap3A_965 = tpu.vector_load %arg7[%swap3A_964] {strides = array<i32>} : memref<1024xf32, #tpu.memory_space<vmem>>, vector<16xf32>,
    %swap3A_966 = vector.shape_cast %swap3A_965 : vector<16xf32> to vector<16xf32>
    %swap3A_967 = vector.shape_cast %scan3A_946#4 : vector<16xf32> to vector<16xf32>
    tpu.vector_store %arg7[%swap3A_964], %swap3A_967 {strides = array<i32>} : memref<1024xf32, #tpu.memory_space<vmem>>, vector<16xf32>,
    %swap3A_968 = arith.constant 592 : index
    %swap3A_969 = tpu.vector_load %arg7[%swap3A_968] {strides = array<i32>} : memref<1024xf32, #tpu.memory_space<vmem>>, vector<16xf32>,
    %swap3A_970 = vector.shape_cast %swap3A_969 : vector<16xf32> to vector<16xf32>
    %swap3A_971 = vector.shape_cast %scan3A_946#5 : vector<16xf32> to vector<16xf32>
    tpu.vector_store %arg7[%swap3A_968], %swap3A_971 {strides = array<i32>} : memref<1024xf32, #tpu.memory_space<vmem>>, vector<16xf32>,
    %swap3A_972 = arith.constant 608 : index
    %swap3A_973 = tpu.vector_load %arg7[%swap3A_972] {strides = array<i32>} : memref<1024xf32, #tpu.memory_space<vmem>>, vector<16xf32>,
    %swap3A_974 = vector.shape_cast %swap3A_973 : vector<16xf32> to vector<16xf32>
    %swap3A_975 = vector.shape_cast %scan3A_946#6 : vector<16xf32> to vector<16xf32>
    tpu.vector_store %arg7[%swap3A_972], %swap3A_975 {strides = array<i32>} : memref<1024xf32, #tpu.memory_space<vmem>>, vector<16xf32>,
    %swap3A_976 = arith.constant 624 : index
    %swap3A_977 = tpu.vector_load %arg7[%swap3A_976] {strides = array<i32>} : memref<1024xf32, #tpu.memory_space<vmem>>, vector<16xf32>,
    %swap3A_978 = vector.shape_cast %swap3A_977 : vector<16xf32> to vector<16xf32>
    %swap3A_979 = vector.shape_cast %scan3A_946#7 : vector<16xf32> to vector<16xf32>
    tpu.vector_store %arg7[%swap3A_976], %swap3A_979 {strides = array<i32>} : memref<1024xf32, #tpu.memory_space<vmem>>, vector<16xf32>,
    %get3A_980 = arith.constant 640 : index
    %get3A_981 = tpu.vector_load %arg7[%get3A_980] {strides = array<i32>} : memref<1024xf32, #tpu.memory_space<vmem>>, vector<16xf32>,
    %get3A_982 = vector.shape_cast %get3A_981 : vector<16xf32> to vector<16xf32>
    %get3A_983 = arith.constant 656 : index
    %get3A_984 = tpu.vector_load %arg7[%get3A_983] {strides = array<i32>} : memref<1024xf32, #tpu.memory_space<vmem>>, vector<16xf32>,
    %get3A_985 = vector.shape_cast %get3A_984 : vector<16xf32> to vector<16xf32>
    %get3A_986 = arith.constant 672 : index
    %get3A_987 = tpu.vector_load %arg7[%get3A_986] {strides = array<i32>} : memref<1024xf32, #tpu.memory_space<vmem>>, vector<16xf32>,
    %get3A_988 = vector.shape_cast %get3A_987 : vector<16xf32> to vector<16xf32>
    %get3A_989 = arith.constant 688 : index
    %get3A_990 = tpu.vector_load %arg7[%get3A_989] {strides = array<i32>} : memref<1024xf32, #tpu.memory_space<vmem>>, vector<16xf32>,
    %get3A_991 = vector.shape_cast %get3A_990 : vector<16xf32> to vector<16xf32>
    %get3A_992 = arith.constant 704 : index
    %get3A_993 = tpu.vector_load %arg7[%get3A_992] {strides = array<i32>} : memref<1024xf32, #tpu.memory_space<vmem>>, vector<16xf32>,
    %get3A_994 = vector.shape_cast %get3A_993 : vector<16xf32> to vector<16xf32>
    %get3A_995 = arith.constant 720 : index
    %get3A_996 = tpu.vector_load %arg7[%get3A_995] {strides = array<i32>} : memref<1024xf32, #tpu.memory_space<vmem>>, vector<16xf32>,
    %get3A_997 = vector.shape_cast %get3A_996 : vector<16xf32> to vector<16xf32>
    %get3A_998 = arith.constant 736 : index
    %get3A_999 = tpu.vector_load %arg7[%get3A_998] {strides = array<i32>} : memref<1024xf32, #tpu.memory_space<vmem>>, vector<16xf32>,
    %get3A_1000 = vector.shape_cast %get3A_999 : vector<16xf32> to vector<16xf32>
    %get3A_1001 = arith.constant 752 : index
    %get3A_1002 = tpu.vector_load %arg7[%get3A_1001] {strides = array<i32>} : memref<1024xf32, #tpu.memory_space<vmem>>, vector<16xf32>,
    %get3A_1003 = vector.shape_cast %get3A_1002 : vector<16xf32> to vector<16xf32>
    %scan3A_1004 = arith.constant 16 : i32
    %scan3A_1005 = arith.constant 16 : i32
    %scan3A_1006 = arith.addi %scan3A_1004, %scan3A_1005 : i32
    %scan3A_1007 = arith.constant 1 : i32
    %scan3A_1008:8 = scf.for %scan3A_2174 = %scan3A_1004 to %scan3A_1006 step %scan3A_1007 iter_args(%scan3A_2175 = %get3A_982, %scan3A_2176 = %get3A_985, %scan3A_2177 = %get3A_988, %scan3A_2178 = %get3A_991, %scan3A_2179 = %get3A_994, %scan3A_2180 = %get3A_997, %scan3A_2181 = %get3A_1000, %scan3A_2182 = %get3A_1003) -> (vector<16xf32>, vector<16xf32>, vector<16xf32>, vector<16xf32>, vector<16xf32>, vector<16xf32>, vector<16xf32>, vector<16xf32>)  : i32 {
      %get3A_2183 = arith.index_cast %scan3A_2174 : i32 to index
      %get3A_2184 = arith.constant 640 : index
      %get3A_2185 = tpu.vector_load %arg6[%get3A_2183, %get3A_2184] {strides = array<i32>} : memref<64x1024xf32, #tpu.memory_space<vmem>>, vector<1x16xf32>,
      %get3A_2186 = vector.shape_cast %get3A_2185 : vector<1x16xf32> to vector<16xf32>
      %add3A_2187 = arith.addf %scan3A_2175, %get3A_2186 : vector<16xf32>
      %get3A_2188 = arith.index_cast %scan3A_2174 : i32 to index
      %get3A_2189 = arith.constant 656 : index
      %get3A_2190 = tpu.vector_load %arg6[%get3A_2188, %get3A_2189] {strides = array<i32>} : memref<64x1024xf32, #tpu.memory_space<vmem>>, vector<1x16xf32>,
      %get3A_2191 = vector.shape_cast %get3A_2190 : vector<1x16xf32> to vector<16xf32>
      %add3A_2192 = arith.addf %scan3A_2176, %get3A_2191 : vector<16xf32>
      %get3A_2193 = arith.index_cast %scan3A_2174 : i32 to index
      %get3A_2194 = arith.constant 672 : index
      %get3A_2195 = tpu.vector_load %arg6[%get3A_2193, %get3A_2194] {strides = array<i32>} : memref<64x1024xf32, #tpu.memory_space<vmem>>, vector<1x16xf32>,
      %get3A_2196 = vector.shape_cast %get3A_2195 : vector<1x16xf32> to vector<16xf32>
      %add3A_2197 = arith.addf %scan3A_2177, %get3A_2196 : vector<16xf32>
      %get3A_2198 = arith.index_cast %scan3A_2174 : i32 to index
      %get3A_2199 = arith.constant 688 : index
      %get3A_2200 = tpu.vector_load %arg6[%get3A_2198, %get3A_2199] {strides = array<i32>} : memref<64x1024xf32, #tpu.memory_space<vmem>>, vector<1x16xf32>,
      %get3A_2201 = vector.shape_cast %get3A_2200 : vector<1x16xf32> to vector<16xf32>
      %add3A_2202 = arith.addf %scan3A_2178, %get3A_2201 : vector<16xf32>
      %get3A_2203 = arith.index_cast %scan3A_2174 : i32 to index
      %get3A_2204 = arith.constant 704 : index
      %get3A_2205 = tpu.vector_load %arg6[%get3A_2203, %get3A_2204] {strides = array<i32>} : memref<64x1024xf32, #tpu.memory_space<vmem>>, vector<1x16xf32>,
      %get3A_2206 = vector.shape_cast %get3A_2205 : vector<1x16xf32> to vector<16xf32>
      %add3A_2207 = arith.addf %scan3A_2179, %get3A_2206 : vector<16xf32>
      %get3A_2208 = arith.index_cast %scan3A_2174 : i32 to index
      %get3A_2209 = arith.constant 720 : index
      %get3A_2210 = tpu.vector_load %arg6[%get3A_2208, %get3A_2209] {strides = array<i32>} : memref<64x1024xf32, #tpu.memory_space<vmem>>, vector<1x16xf32>,
      %get3A_2211 = vector.shape_cast %get3A_2210 : vector<1x16xf32> to vector<16xf32>
      %add3A_2212 = arith.addf %scan3A_2180, %get3A_2211 : vector<16xf32>
      %get3A_2213 = arith.index_cast %scan3A_2174 : i32 to index
      %get3A_2214 = arith.constant 736 : index
      %get3A_2215 = tpu.vector_load %arg6[%get3A_2213, %get3A_2214] {strides = array<i32>} : memref<64x1024xf32, #tpu.memory_space<vmem>>, vector<1x16xf32>,
      %get3A_2216 = vector.shape_cast %get3A_2215 : vector<1x16xf32> to vector<16xf32>
      %add3A_2217 = arith.addf %scan3A_2181, %get3A_2216 : vector<16xf32>
      %get3A_2218 = arith.index_cast %scan3A_2174 : i32 to index
      %get3A_2219 = arith.constant 752 : index
      %get3A_2220 = tpu.vector_load %arg6[%get3A_2218, %get3A_2219] {strides = array<i32>} : memref<64x1024xf32, #tpu.memory_space<vmem>>, vector<1x16xf32>,
      %get3A_2221 = vector.shape_cast %get3A_2220 : vector<1x16xf32> to vector<16xf32>
      %add3A_2222 = arith.addf %scan3A_2182, %get3A_2221 : vector<16xf32>
      scf.yield %add3A_2187, %add3A_2192, %add3A_2197, %add3A_2202, %add3A_2207, %add3A_2212, %add3A_2217, %add3A_2222 : vector<16xf32>, vector<16xf32>, vector<16xf32>, vector<16xf32>, vector<16xf32>, vector<16xf32>, vector<16xf32>, vector<16xf32>
    }
    %scan3A_1009 = arith.constant 16 : i32
    %swap3A_1010 = arith.constant 640 : index
    %swap3A_1011 = tpu.vector_load %arg7[%swap3A_1010] {strides = array<i32>} : memref<1024xf32, #tpu.memory_space<vmem>>, vector<16xf32>,
    %swap3A_1012 = vector.shape_cast %swap3A_1011 : vector<16xf32> to vector<16xf32>
    %swap3A_1013 = vector.shape_cast %scan3A_1008#0 : vector<16xf32> to vector<16xf32>
    tpu.vector_store %arg7[%swap3A_1010], %swap3A_1013 {strides = array<i32>} : memref<1024xf32, #tpu.memory_space<vmem>>, vector<16xf32>,
    %swap3A_1014 = arith.constant 656 : index
    %swap3A_1015 = tpu.vector_load %arg7[%swap3A_1014] {strides = array<i32>} : memref<1024xf32, #tpu.memory_space<vmem>>, vector<16xf32>,
    %swap3A_1016 = vector.shape_cast %swap3A_1015 : vector<16xf32> to vector<16xf32>
    %swap3A_1017 = vector.shape_cast %scan3A_1008#1 : vector<16xf32> to vector<16xf32>
    tpu.vector_store %arg7[%swap3A_1014], %swap3A_1017 {strides = array<i32>} : memref<1024xf32, #tpu.memory_space<vmem>>, vector<16xf32>,
    %swap3A_1018 = arith.constant 672 : index
    %swap3A_1019 = tpu.vector_load %arg7[%swap3A_1018] {strides = array<i32>} : memref<1024xf32, #tpu.memory_space<vmem>>, vector<16xf32>,
    %swap3A_1020 = vector.shape_cast %swap3A_1019 : vector<16xf32> to vector<16xf32>
    %swap3A_1021 = vector.shape_cast %scan3A_1008#2 : vector<16xf32> to vector<16xf32>
    tpu.vector_store %arg7[%swap3A_1018], %swap3A_1021 {strides = array<i32>} : memref<1024xf32, #tpu.memory_space<vmem>>, vector<16xf32>,
    %swap3A_1022 = arith.constant 688 : index
    %swap3A_1023 = tpu.vector_load %arg7[%swap3A_1022] {strides = array<i32>} : memref<1024xf32, #tpu.memory_space<vmem>>, vector<16xf32>,
    %swap3A_1024 = vector.shape_cast %swap3A_1023 : vector<16xf32> to vector<16xf32>
    %swap3A_1025 = vector.shape_cast %scan3A_1008#3 : vector<16xf32> to vector<16xf32>
    tpu.vector_store %arg7[%swap3A_1022], %swap3A_1025 {strides = array<i32>} : memref<1024xf32, #tpu.memory_space<vmem>>, vector<16xf32>,
    %swap3A_1026 = arith.constant 704 : index
    %swap3A_1027 = tpu.vector_load %arg7[%swap3A_1026] {strides = array<i32>} : memref<1024xf32, #tpu.memory_space<vmem>>, vector<16xf32>,
    %swap3A_1028 = vector.shape_cast %swap3A_1027 : vector<16xf32> to vector<16xf32>
    %swap3A_1029 = vector.shape_cast %scan3A_1008#4 : vector<16xf32> to vector<16xf32>
    tpu.vector_store %arg7[%swap3A_1026], %swap3A_1029 {strides = array<i32>} : memref<1024xf32, #tpu.memory_space<vmem>>, vector<16xf32>,
    %swap3A_1030 = arith.constant 720 : index
    %swap3A_1031 = tpu.vector_load %arg7[%swap3A_1030] {strides = array<i32>} : memref<1024xf32, #tpu.memory_space<vmem>>, vector<16xf32>,
    %swap3A_1032 = vector.shape_cast %swap3A_1031 : vector<16xf32> to vector<16xf32>
    %swap3A_1033 = vector.shape_cast %scan3A_1008#5 : vector<16xf32> to vector<16xf32>
    tpu.vector_store %arg7[%swap3A_1030], %swap3A_1033 {strides = array<i32>} : memref<1024xf32, #tpu.memory_space<vmem>>, vector<16xf32>,
    %swap3A_1034 = arith.constant 736 : index
    %swap3A_1035 = tpu.vector_load %arg7[%swap3A_1034] {strides = array<i32>} : memref<1024xf32, #tpu.memory_space<vmem>>, vector<16xf32>,
    %swap3A_1036 = vector.shape_cast %swap3A_1035 : vector<16xf32> to vector<16xf32>
    %swap3A_1037 = vector.shape_cast %scan3A_1008#6 : vector<16xf32> to vector<16xf32>
    tpu.vector_store %arg7[%swap3A_1034], %swap3A_1037 {strides = array<i32>} : memref<1024xf32, #tpu.memory_space<vmem>>, vector<16xf32>,
    %swap3A_1038 = arith.constant 752 : index
    %swap3A_1039 = tpu.vector_load %arg7[%swap3A_1038] {strides = array<i32>} : memref<1024xf32, #tpu.memory_space<vmem>>, vector<16xf32>,
    %swap3A_1040 = vector.shape_cast %swap3A_1039 : vector<16xf32> to vector<16xf32>
    %swap3A_1041 = vector.shape_cast %scan3A_1008#7 : vector<16xf32> to vector<16xf32>
    tpu.vector_store %arg7[%swap3A_1038], %swap3A_1041 {strides = array<i32>} : memref<1024xf32, #tpu.memory_space<vmem>>, vector<16xf32>,
    %get3A_1042 = arith.constant 768 : index
    %get3A_1043 = tpu.vector_load %arg7[%get3A_1042] {strides = array<i32>} : memref<1024xf32, #tpu.memory_space<vmem>>, vector<16xf32>,
    %get3A_1044 = vector.shape_cast %get3A_1043 : vector<16xf32> to vector<16xf32>
    %get3A_1045 = arith.constant 784 : index
    %get3A_1046 = tpu.vector_load %arg7[%get3A_1045] {strides = array<i32>} : memref<1024xf32, #tpu.memory_space<vmem>>, vector<16xf32>,
    %get3A_1047 = vector.shape_cast %get3A_1046 : vector<16xf32> to vector<16xf32>
    %get3A_1048 = arith.constant 800 : index
    %get3A_1049 = tpu.vector_load %arg7[%get3A_1048] {strides = array<i32>} : memref<1024xf32, #tpu.memory_space<vmem>>, vector<16xf32>,
    %get3A_1050 = vector.shape_cast %get3A_1049 : vector<16xf32> to vector<16xf32>
    %get3A_1051 = arith.constant 816 : index
    %get3A_1052 = tpu.vector_load %arg7[%get3A_1051] {strides = array<i32>} : memref<1024xf32, #tpu.memory_space<vmem>>, vector<16xf32>,
    %get3A_1053 = vector.shape_cast %get3A_1052 : vector<16xf32> to vector<16xf32>
    %get3A_1054 = arith.constant 832 : index
    %get3A_1055 = tpu.vector_load %arg7[%get3A_1054] {strides = array<i32>} : memref<1024xf32, #tpu.memory_space<vmem>>, vector<16xf32>,
    %get3A_1056 = vector.shape_cast %get3A_1055 : vector<16xf32> to vector<16xf32>
    %get3A_1057 = arith.constant 848 : index
    %get3A_1058 = tpu.vector_load %arg7[%get3A_1057] {strides = array<i32>} : memref<1024xf32, #tpu.memory_space<vmem>>, vector<16xf32>,
    %get3A_1059 = vector.shape_cast %get3A_1058 : vector<16xf32> to vector<16xf32>
    %get3A_1060 = arith.constant 864 : index
    %get3A_1061 = tpu.vector_load %arg7[%get3A_1060] {strides = array<i32>} : memref<1024xf32, #tpu.memory_space<vmem>>, vector<16xf32>,
    %get3A_1062 = vector.shape_cast %get3A_1061 : vector<16xf32> to vector<16xf32>
    %get3A_1063 = arith.constant 880 : index
    %get3A_1064 = tpu.vector_load %arg7[%get3A_1063] {strides = array<i32>} : memref<1024xf32, #tpu.memory_space<vmem>>, vector<16xf32>,
    %get3A_1065 = vector.shape_cast %get3A_1064 : vector<16xf32> to vector<16xf32>
    %scan3A_1066 = arith.constant 16 : i32
    %scan3A_1067 = arith.constant 16 : i32
    %scan3A_1068 = arith.addi %scan3A_1066, %scan3A_1067 : i32
    %scan3A_1069 = arith.constant 1 : i32
    %scan3A_1070:8 = scf.for %scan3A_2174 = %scan3A_1066 to %scan3A_1068 step %scan3A_1069 iter_args(%scan3A_2175 = %get3A_1044, %scan3A_2176 = %get3A_1047, %scan3A_2177 = %get3A_1050, %scan3A_2178 = %get3A_1053, %scan3A_2179 = %get3A_1056, %scan3A_2180 = %get3A_1059, %scan3A_2181 = %get3A_1062, %scan3A_2182 = %get3A_1065) -> (vector<16xf32>, vector<16xf32>, vector<16xf32>, vector<16xf32>, vector<16xf32>, vector<16xf32>, vector<16xf32>, vector<16xf32>)  : i32 {
      %get3A_2183 = arith.index_cast %scan3A_2174 : i32 to index
      %get3A_2184 = arith.constant 768 : index
      %get3A_2185 = tpu.vector_load %arg6[%get3A_2183, %get3A_2184] {strides = array<i32>} : memref<64x1024xf32, #tpu.memory_space<vmem>>, vector<1x16xf32>,
      %get3A_2186 = vector.shape_cast %get3A_2185 : vector<1x16xf32> to vector<16xf32>
      %add3A_2187 = arith.addf %scan3A_2175, %get3A_2186 : vector<16xf32>
      %get3A_2188 = arith.index_cast %scan3A_2174 : i32 to index
      %get3A_2189 = arith.constant 784 : index
      %get3A_2190 = tpu.vector_load %arg6[%get3A_2188, %get3A_2189] {strides = array<i32>} : memref<64x1024xf32, #tpu.memory_space<vmem>>, vector<1x16xf32>,
      %get3A_2191 = vector.shape_cast %get3A_2190 : vector<1x16xf32> to vector<16xf32>
      %add3A_2192 = arith.addf %scan3A_2176, %get3A_2191 : vector<16xf32>
      %get3A_2193 = arith.index_cast %scan3A_2174 : i32 to index
      %get3A_2194 = arith.constant 800 : index
      %get3A_2195 = tpu.vector_load %arg6[%get3A_2193, %get3A_2194] {strides = array<i32>} : memref<64x1024xf32, #tpu.memory_space<vmem>>, vector<1x16xf32>,
      %get3A_2196 = vector.shape_cast %get3A_2195 : vector<1x16xf32> to vector<16xf32>
      %add3A_2197 = arith.addf %scan3A_2177, %get3A_2196 : vector<16xf32>
      %get3A_2198 = arith.index_cast %scan3A_2174 : i32 to index
      %get3A_2199 = arith.constant 816 : index
      %get3A_2200 = tpu.vector_load %arg6[%get3A_2198, %get3A_2199] {strides = array<i32>} : memref<64x1024xf32, #tpu.memory_space<vmem>>, vector<1x16xf32>,
      %get3A_2201 = vector.shape_cast %get3A_2200 : vector<1x16xf32> to vector<16xf32>
      %add3A_2202 = arith.addf %scan3A_2178, %get3A_2201 : vector<16xf32>
      %get3A_2203 = arith.index_cast %scan3A_2174 : i32 to index
      %get3A_2204 = arith.constant 832 : index
      %get3A_2205 = tpu.vector_load %arg6[%get3A_2203, %get3A_2204] {strides = array<i32>} : memref<64x1024xf32, #tpu.memory_space<vmem>>, vector<1x16xf32>,
      %get3A_2206 = vector.shape_cast %get3A_2205 : vector<1x16xf32> to vector<16xf32>
      %add3A_2207 = arith.addf %scan3A_2179, %get3A_2206 : vector<16xf32>
      %get3A_2208 = arith.index_cast %scan3A_2174 : i32 to index
      %get3A_2209 = arith.constant 848 : index
      %get3A_2210 = tpu.vector_load %arg6[%get3A_2208, %get3A_2209] {strides = array<i32>} : memref<64x1024xf32, #tpu.memory_space<vmem>>, vector<1x16xf32>,
      %get3A_2211 = vector.shape_cast %get3A_2210 : vector<1x16xf32> to vector<16xf32>
      %add3A_2212 = arith.addf %scan3A_2180, %get3A_2211 : vector<16xf32>
      %get3A_2213 = arith.index_cast %scan3A_2174 : i32 to index
      %get3A_2214 = arith.constant 864 : index
      %get3A_2215 = tpu.vector_load %arg6[%get3A_2213, %get3A_2214] {strides = array<i32>} : memref<64x1024xf32, #tpu.memory_space<vmem>>, vector<1x16xf32>,
      %get3A_2216 = vector.shape_cast %get3A_2215 : vector<1x16xf32> to vector<16xf32>
      %add3A_2217 = arith.addf %scan3A_2181, %get3A_2216 : vector<16xf32>
      %get3A_2218 = arith.index_cast %scan3A_2174 : i32 to index
      %get3A_2219 = arith.constant 880 : index
      %get3A_2220 = tpu.vector_load %arg6[%get3A_2218, %get3A_2219] {strides = array<i32>} : memref<64x1024xf32, #tpu.memory_space<vmem>>, vector<1x16xf32>,
      %get3A_2221 = vector.shape_cast %get3A_2220 : vector<1x16xf32> to vector<16xf32>
      %add3A_2222 = arith.addf %scan3A_2182, %get3A_2221 : vector<16xf32>
      scf.yield %add3A_2187, %add3A_2192, %add3A_2197, %add3A_2202, %add3A_2207, %add3A_2212, %add3A_2217, %add3A_2222 : vector<16xf32>, vector<16xf32>, vector<16xf32>, vector<16xf32>, vector<16xf32>, vector<16xf32>, vector<16xf32>, vector<16xf32>
    }
    %scan3A_1071 = arith.constant 16 : i32
    %swap3A_1072 = arith.constant 768 : index
    %swap3A_1073 = tpu.vector_load %arg7[%swap3A_1072] {strides = array<i32>} : memref<1024xf32, #tpu.memory_space<vmem>>, vector<16xf32>,
    %swap3A_1074 = vector.shape_cast %swap3A_1073 : vector<16xf32> to vector<16xf32>
    %swap3A_1075 = vector.shape_cast %scan3A_1070#0 : vector<16xf32> to vector<16xf32>
    tpu.vector_store %arg7[%swap3A_1072], %swap3A_1075 {strides = array<i32>} : memref<1024xf32, #tpu.memory_space<vmem>>, vector<16xf32>,
    %swap3A_1076 = arith.constant 784 : index
    %swap3A_1077 = tpu.vector_load %arg7[%swap3A_1076] {strides = array<i32>} : memref<1024xf32, #tpu.memory_space<vmem>>, vector<16xf32>,
    %swap3A_1078 = vector.shape_cast %swap3A_1077 : vector<16xf32> to vector<16xf32>
    %swap3A_1079 = vector.shape_cast %scan3A_1070#1 : vector<16xf32> to vector<16xf32>
    tpu.vector_store %arg7[%swap3A_1076], %swap3A_1079 {strides = array<i32>} : memref<1024xf32, #tpu.memory_space<vmem>>, vector<16xf32>,
    %swap3A_1080 = arith.constant 800 : index
    %swap3A_1081 = tpu.vector_load %arg7[%swap3A_1080] {strides = array<i32>} : memref<1024xf32, #tpu.memory_space<vmem>>, vector<16xf32>,
    %swap3A_1082 = vector.shape_cast %swap3A_1081 : vector<16xf32> to vector<16xf32>
    %swap3A_1083 = vector.shape_cast %scan3A_1070#2 : vector<16xf32> to vector<16xf32>
    tpu.vector_store %arg7[%swap3A_1080], %swap3A_1083 {strides = array<i32>} : memref<1024xf32, #tpu.memory_space<vmem>>, vector<16xf32>,
    %swap3A_1084 = arith.constant 816 : index
    %swap3A_1085 = tpu.vector_load %arg7[%swap3A_1084] {strides = array<i32>} : memref<1024xf32, #tpu.memory_space<vmem>>, vector<16xf32>,
    %swap3A_1086 = vector.shape_cast %swap3A_1085 : vector<16xf32> to vector<16xf32>
    %swap3A_1087 = vector.shape_cast %scan3A_1070#3 : vector<16xf32> to vector<16xf32>
    tpu.vector_store %arg7[%swap3A_1084], %swap3A_1087 {strides = array<i32>} : memref<1024xf32, #tpu.memory_space<vmem>>, vector<16xf32>,
    %swap3A_1088 = arith.constant 832 : index
    %swap3A_1089 = tpu.vector_load %arg7[%swap3A_1088] {strides = array<i32>} : memref<1024xf32, #tpu.memory_space<vmem>>, vector<16xf32>,
    %swap3A_1090 = vector.shape_cast %swap3A_1089 : vector<16xf32> to vector<16xf32>
    %swap3A_1091 = vector.shape_cast %scan3A_1070#4 : vector<16xf32> to vector<16xf32>
    tpu.vector_store %arg7[%swap3A_1088], %swap3A_1091 {strides = array<i32>} : memref<1024xf32, #tpu.memory_space<vmem>>, vector<16xf32>,
    %swap3A_1092 = arith.constant 848 : index
    %swap3A_1093 = tpu.vector_load %arg7[%swap3A_1092] {strides = array<i32>} : memref<1024xf32, #tpu.memory_space<vmem>>, vector<16xf32>,
    %swap3A_1094 = vector.shape_cast %swap3A_1093 : vector<16xf32> to vector<16xf32>
    %swap3A_1095 = vector.shape_cast %scan3A_1070#5 : vector<16xf32> to vector<16xf32>
    tpu.vector_store %arg7[%swap3A_1092], %swap3A_1095 {strides = array<i32>} : memref<1024xf32, #tpu.memory_space<vmem>>, vector<16xf32>,
    %swap3A_1096 = arith.constant 864 : index
    %swap3A_1097 = tpu.vector_load %arg7[%swap3A_1096] {strides = array<i32>} : memref<1024xf32, #tpu.memory_space<vmem>>, vector<16xf32>,
    %swap3A_1098 = vector.shape_cast %swap3A_1097 : vector<16xf32> to vector<16xf32>
    %swap3A_1099 = vector.shape_cast %scan3A_1070#6 : vector<16xf32> to vector<16xf32>
    tpu.vector_store %arg7[%swap3A_1096], %swap3A_1099 {strides = array<i32>} : memref<1024xf32, #tpu.memory_space<vmem>>, vector<16xf32>,
    %swap3A_1100 = arith.constant 880 : index
    %swap3A_1101 = tpu.vector_load %arg7[%swap3A_1100] {strides = array<i32>} : memref<1024xf32, #tpu.memory_space<vmem>>, vector<16xf32>,
    %swap3A_1102 = vector.shape_cast %swap3A_1101 : vector<16xf32> to vector<16xf32>
    %swap3A_1103 = vector.shape_cast %scan3A_1070#7 : vector<16xf32> to vector<16xf32>
    tpu.vector_store %arg7[%swap3A_1100], %swap3A_1103 {strides = array<i32>} : memref<1024xf32, #tpu.memory_space<vmem>>, vector<16xf32>,
    %get3A_1104 = arith.constant 896 : index
    %get3A_1105 = tpu.vector_load %arg7[%get3A_1104] {strides = array<i32>} : memref<1024xf32, #tpu.memory_space<vmem>>, vector<16xf32>,
    %get3A_1106 = vector.shape_cast %get3A_1105 : vector<16xf32> to vector<16xf32>
    %get3A_1107 = arith.constant 912 : index
    %get3A_1108 = tpu.vector_load %arg7[%get3A_1107] {strides = array<i32>} : memref<1024xf32, #tpu.memory_space<vmem>>, vector<16xf32>,
    %get3A_1109 = vector.shape_cast %get3A_1108 : vector<16xf32> to vector<16xf32>
    %get3A_1110 = arith.constant 928 : index
    %get3A_1111 = tpu.vector_load %arg7[%get3A_1110] {strides = array<i32>} : memref<1024xf32, #tpu.memory_space<vmem>>, vector<16xf32>,
    %get3A_1112 = vector.shape_cast %get3A_1111 : vector<16xf32> to vector<16xf32>
    %get3A_1113 = arith.constant 944 : index
    %get3A_1114 = tpu.vector_load %arg7[%get3A_1113] {strides = array<i32>} : memref<1024xf32, #tpu.memory_space<vmem>>, vector<16xf32>,
    %get3A_1115 = vector.shape_cast %get3A_1114 : vector<16xf32> to vector<16xf32>
    %get3A_1116 = arith.constant 960 : index
    %get3A_1117 = tpu.vector_load %arg7[%get3A_1116] {strides = array<i32>} : memref<1024xf32, #tpu.memory_space<vmem>>, vector<16xf32>,
    %get3A_1118 = vector.shape_cast %get3A_1117 : vector<16xf32> to vector<16xf32>
    %get3A_1119 = arith.constant 976 : index
    %get3A_1120 = tpu.vector_load %arg7[%get3A_1119] {strides = array<i32>} : memref<1024xf32, #tpu.memory_space<vmem>>, vector<16xf32>,
    %get3A_1121 = vector.shape_cast %get3A_1120 : vector<16xf32> to vector<16xf32>
    %get3A_1122 = arith.constant 992 : index
    %get3A_1123 = tpu.vector_load %arg7[%get3A_1122] {strides = array<i32>} : memref<1024xf32, #tpu.memory_space<vmem>>, vector<16xf32>,
    %get3A_1124 = vector.shape_cast %get3A_1123 : vector<16xf32> to vector<16xf32>
    %get3A_1125 = arith.constant 1008 : index
    %get3A_1126 = tpu.vector_load %arg7[%get3A_1125] {strides = array<i32>} : memref<1024xf32, #tpu.memory_space<vmem>>, vector<16xf32>,
    %get3A_1127 = vector.shape_cast %get3A_1126 : vector<16xf32> to vector<16xf32>
    %scan3A_1128 = arith.constant 16 : i32
    %scan3A_1129 = arith.constant 16 : i32
    %scan3A_1130 = arith.addi %scan3A_1128, %scan3A_1129 : i32
    %scan3A_1131 = arith.constant 1 : i32
    %scan3A_1132:8 = scf.for %scan3A_2174 = %scan3A_1128 to %scan3A_1130 step %scan3A_1131 iter_args(%scan3A_2175 = %get3A_1106, %scan3A_2176 = %get3A_1109, %scan3A_2177 = %get3A_1112, %scan3A_2178 = %get3A_1115, %scan3A_2179 = %get3A_1118, %scan3A_2180 = %get3A_1121, %scan3A_2181 = %get3A_1124, %scan3A_2182 = %get3A_1127) -> (vector<16xf32>, vector<16xf32>, vector<16xf32>, vector<16xf32>, vector<16xf32>, vector<16xf32>, vector<16xf32>, vector<16xf32>)  : i32 {
      %get3A_2183 = arith.index_cast %scan3A_2174 : i32 to index
      %get3A_2184 = arith.constant 896 : index
      %get3A_2185 = tpu.vector_load %arg6[%get3A_2183, %get3A_2184] {strides = array<i32>} : memref<64x1024xf32, #tpu.memory_space<vmem>>, vector<1x16xf32>,
      %get3A_2186 = vector.shape_cast %get3A_2185 : vector<1x16xf32> to vector<16xf32>
      %add3A_2187 = arith.addf %scan3A_2175, %get3A_2186 : vector<16xf32>
      %get3A_2188 = arith.index_cast %scan3A_2174 : i32 to index
      %get3A_2189 = arith.constant 912 : index
      %get3A_2190 = tpu.vector_load %arg6[%get3A_2188, %get3A_2189] {strides = array<i32>} : memref<64x1024xf32, #tpu.memory_space<vmem>>, vector<1x16xf32>,
      %get3A_2191 = vector.shape_cast %get3A_2190 : vector<1x16xf32> to vector<16xf32>
      %add3A_2192 = arith.addf %scan3A_2176, %get3A_2191 : vector<16xf32>
      %get3A_2193 = arith.index_cast %scan3A_2174 : i32 to index
      %get3A_2194 = arith.constant 928 : index
      %get3A_2195 = tpu.vector_load %arg6[%get3A_2193, %get3A_2194] {strides = array<i32>} : memref<64x1024xf32, #tpu.memory_space<vmem>>, vector<1x16xf32>,
      %get3A_2196 = vector.shape_cast %get3A_2195 : vector<1x16xf32> to vector<16xf32>
      %add3A_2197 = arith.addf %scan3A_2177, %get3A_2196 : vector<16xf32>
      %get3A_2198 = arith.index_cast %scan3A_2174 : i32 to index
      %get3A_2199 = arith.constant 944 : index
      %get3A_2200 = tpu.vector_load %arg6[%get3A_2198, %get3A_2199] {strides = array<i32>} : memref<64x1024xf32, #tpu.memory_space<vmem>>, vector<1x16xf32>,
      %get3A_2201 = vector.shape_cast %get3A_2200 : vector<1x16xf32> to vector<16xf32>
      %add3A_2202 = arith.addf %scan3A_2178, %get3A_2201 : vector<16xf32>
      %get3A_2203 = arith.index_cast %scan3A_2174 : i32 to index
      %get3A_2204 = arith.constant 960 : index
      %get3A_2205 = tpu.vector_load %arg6[%get3A_2203, %get3A_2204] {strides = array<i32>} : memref<64x1024xf32, #tpu.memory_space<vmem>>, vector<1x16xf32>,
      %get3A_2206 = vector.shape_cast %get3A_2205 : vector<1x16xf32> to vector<16xf32>
      %add3A_2207 = arith.addf %scan3A_2179, %get3A_2206 : vector<16xf32>
      %get3A_2208 = arith.index_cast %scan3A_2174 : i32 to index
      %get3A_2209 = arith.constant 976 : index
      %get3A_2210 = tpu.vector_load %arg6[%get3A_2208, %get3A_2209] {strides = array<i32>} : memref<64x1024xf32, #tpu.memory_space<vmem>>, vector<1x16xf32>,
      %get3A_2211 = vector.shape_cast %get3A_2210 : vector<1x16xf32> to vector<16xf32>
      %add3A_2212 = arith.addf %scan3A_2180, %get3A_2211 : vector<16xf32>
      %get3A_2213 = arith.index_cast %scan3A_2174 : i32 to index
      %get3A_2214 = arith.constant 992 : index
      %get3A_2215 = tpu.vector_load %arg6[%get3A_2213, %get3A_2214] {strides = array<i32>} : memref<64x1024xf32, #tpu.memory_space<vmem>>, vector<1x16xf32>,
      %get3A_2216 = vector.shape_cast %get3A_2215 : vector<1x16xf32> to vector<16xf32>
      %add3A_2217 = arith.addf %scan3A_2181, %get3A_2216 : vector<16xf32>
      %get3A_2218 = arith.index_cast %scan3A_2174 : i32 to index
      %get3A_2219 = arith.constant 1008 : index
      %get3A_2220 = tpu.vector_load %arg6[%get3A_2218, %get3A_2219] {strides = array<i32>} : memref<64x1024xf32, #tpu.memory_space<vmem>>, vector<1x16xf32>,
      %get3A_2221 = vector.shape_cast %get3A_2220 : vector<1x16xf32> to vector<16xf32>
      %add3A_2222 = arith.addf %scan3A_2182, %get3A_2221 : vector<16xf32>
      scf.yield %add3A_2187, %add3A_2192, %add3A_2197, %add3A_2202, %add3A_2207, %add3A_2212, %add3A_2217, %add3A_2222 : vector<16xf32>, vector<16xf32>, vector<16xf32>, vector<16xf32>, vector<16xf32>, vector<16xf32>, vector<16xf32>, vector<16xf32>
    }
    %scan3A_1133 = arith.constant 16 : i32
    %swap3A_1134 = arith.constant 896 : index
    %swap3A_1135 = tpu.vector_load %arg7[%swap3A_1134] {strides = array<i32>} : memref<1024xf32, #tpu.memory_space<vmem>>, vector<16xf32>,
    %swap3A_1136 = vector.shape_cast %swap3A_1135 : vector<16xf32> to vector<16xf32>
    %swap3A_1137 = vector.shape_cast %scan3A_1132#0 : vector<16xf32> to vector<16xf32>
    tpu.vector_store %arg7[%swap3A_1134], %swap3A_1137 {strides = array<i32>} : memref<1024xf32, #tpu.memory_space<vmem>>, vector<16xf32>,
    %swap3A_1138 = arith.constant 912 : index
    %swap3A_1139 = tpu.vector_load %arg7[%swap3A_1138] {strides = array<i32>} : memref<1024xf32, #tpu.memory_space<vmem>>, vector<16xf32>,
    %swap3A_1140 = vector.shape_cast %swap3A_1139 : vector<16xf32> to vector<16xf32>
    %swap3A_1141 = vector.shape_cast %scan3A_1132#1 : vector<16xf32> to vector<16xf32>
    tpu.vector_store %arg7[%swap3A_1138], %swap3A_1141 {strides = array<i32>} : memref<1024xf32, #tpu.memory_space<vmem>>, vector<16xf32>,
    %swap3A_1142 = arith.constant 928 : index
    %swap3A_1143 = tpu.vector_load %arg7[%swap3A_1142] {strides = array<i32>} : memref<1024xf32, #tpu.memory_space<vmem>>, vector<16xf32>,
    %swap3A_1144 = vector.shape_cast %swap3A_1143 : vector<16xf32> to vector<16xf32>
    %swap3A_1145 = vector.shape_cast %scan3A_1132#2 : vector<16xf32> to vector<16xf32>
    tpu.vector_store %arg7[%swap3A_1142], %swap3A_1145 {strides = array<i32>} : memref<1024xf32, #tpu.memory_space<vmem>>, vector<16xf32>,
    %swap3A_1146 = arith.constant 944 : index
    %swap3A_1147 = tpu.vector_load %arg7[%swap3A_1146] {strides = array<i32>} : memref<1024xf32, #tpu.memory_space<vmem>>, vector<16xf32>,
    %swap3A_1148 = vector.shape_cast %swap3A_1147 : vector<16xf32> to vector<16xf32>
    %swap3A_1149 = vector.shape_cast %scan3A_1132#3 : vector<16xf32> to vector<16xf32>
    tpu.vector_store %arg7[%swap3A_1146], %swap3A_1149 {strides = array<i32>} : memref<1024xf32, #tpu.memory_space<vmem>>, vector<16xf32>,
    %swap3A_1150 = arith.constant 960 : index
    %swap3A_1151 = tpu.vector_load %arg7[%swap3A_1150] {strides = array<i32>} : memref<1024xf32, #tpu.memory_space<vmem>>, vector<16xf32>,
    %swap3A_1152 = vector.shape_cast %swap3A_1151 : vector<16xf32> to vector<16xf32>
    %swap3A_1153 = vector.shape_cast %scan3A_1132#4 : vector<16xf32> to vector<16xf32>
    tpu.vector_store %arg7[%swap3A_1150], %swap3A_1153 {strides = array<i32>} : memref<1024xf32, #tpu.memory_space<vmem>>, vector<16xf32>,
    %swap3A_1154 = arith.constant 976 : index
    %swap3A_1155 = tpu.vector_load %arg7[%swap3A_1154] {strides = array<i32>} : memref<1024xf32, #tpu.memory_space<vmem>>, vector<16xf32>,
    %swap3A_1156 = vector.shape_cast %swap3A_1155 : vector<16xf32> to vector<16xf32>
    %swap3A_1157 = vector.shape_cast %scan3A_1132#5 : vector<16xf32> to vector<16xf32>
    tpu.vector_store %arg7[%swap3A_1154], %swap3A_1157 {strides = array<i32>} : memref<1024xf32, #tpu.memory_space<vmem>>, vector<16xf32>,
    %swap3A_1158 = arith.constant 992 : index
    %swap3A_1159 = tpu.vector_load %arg7[%swap3A_1158] {strides = array<i32>} : memref<1024xf32, #tpu.memory_space<vmem>>, vector<16xf32>,
    %swap3A_1160 = vector.shape_cast %swap3A_1159 : vector<16xf32> to vector<16xf32>
    %swap3A_1161 = vector.shape_cast %scan3A_1132#6 : vector<16xf32> to vector<16xf32>
    tpu.vector_store %arg7[%swap3A_1158], %swap3A_1161 {strides = array<i32>} : memref<1024xf32, #tpu.memory_space<vmem>>, vector<16xf32>,
    %swap3A_1162 = arith.constant 1008 : index
    %swap3A_1163 = tpu.vector_load %arg7[%swap3A_1162] {strides = array<i32>} : memref<1024xf32, #tpu.memory_space<vmem>>, vector<16xf32>,
    %swap3A_1164 = vector.shape_cast %swap3A_1163 : vector<16xf32> to vector<16xf32>
    %swap3A_1165 = vector.shape_cast %scan3A_1132#7 : vector<16xf32> to vector<16xf32>
    tpu.vector_store %arg7[%swap3A_1162], %swap3A_1165 {strides = array<i32>} : memref<1024xf32, #tpu.memory_space<vmem>>, vector<16xf32>,
    %dma_wait3A_1166 = arith.constant 32 : i32
    %dma_wait3A_1167 = arith.constant 0 : i32
    %dma_wait3A_1168 = tpu.memref_slice %arg6[%dma_wait3A_1166, %dma_wait3A_1167] : memref<64x1024xf32, #tpu.memory_space<vmem>> -> memref<16x1024xf32, #tpu.memory_space<vmem>>
    %dma_wait3A_1169 = arith.constant 32 : i32
    %dma_wait3A_1170 = tpu.memref_slice %arg5[%dma_wait3A_1169] : memref<64xi32, #tpu.memory_space<vmem>> -> memref<16xi32, #tpu.memory_space<vmem>>
    %dma_wait3A_1171 = arith.constant 0 : i32
    %dma_wait3A_1172 = arith.constant 0 : i32
    %dma_wait3A_1173 = tpu.memref_slice %arg3[%dma_wait3A_1171, %dma_wait3A_1172] : memref<100000x1024xf32, #tpu.memory_space<hbm>> -> memref<100000x1024xf32, #tpu.memory_space<hbm>>
    tpu.wait_indirect_dma semaphore(%arg10 : memref<!tpu.dma_semaphore, #tpu.memory_space<semaphore_mem>>) src(%dma_wait3A_1173 : memref<100000x1024xf32, #tpu.memory_space<hbm>>) dst(%dma_wait3A_1168 : memref<16x1024xf32, #tpu.memory_space<vmem>>)
    %get3A_1174 = arith.constant 0 : index
    %get3A_1175 = tpu.vector_load %arg7[%get3A_1174] {strides = array<i32>} : memref<1024xf32, #tpu.memory_space<vmem>>, vector<16xf32>,
    %get3A_1176 = vector.shape_cast %get3A_1175 : vector<16xf32> to vector<16xf32>
    %get3A_1177 = arith.constant 16 : index
    %get3A_1178 = tpu.vector_load %arg7[%get3A_1177] {strides = array<i32>} : memref<1024xf32, #tpu.memory_space<vmem>>, vector<16xf32>,
    %get3A_1179 = vector.shape_cast %get3A_1178 : vector<16xf32> to vector<16xf32>
    %get3A_1180 = arith.constant 32 : index
    %get3A_1181 = tpu.vector_load %arg7[%get3A_1180] {strides = array<i32>} : memref<1024xf32, #tpu.memory_space<vmem>>, vector<16xf32>,
    %get3A_1182 = vector.shape_cast %get3A_1181 : vector<16xf32> to vector<16xf32>
    %get3A_1183 = arith.constant 48 : index
    %get3A_1184 = tpu.vector_load %arg7[%get3A_1183] {strides = array<i32>} : memref<1024xf32, #tpu.memory_space<vmem>>, vector<16xf32>,
    %get3A_1185 = vector.shape_cast %get3A_1184 : vector<16xf32> to vector<16xf32>
    %get3A_1186 = arith.constant 64 : index
    %get3A_1187 = tpu.vector_load %arg7[%get3A_1186] {strides = array<i32>} : memref<1024xf32, #tpu.memory_space<vmem>>, vector<16xf32>,
    %get3A_1188 = vector.shape_cast %get3A_1187 : vector<16xf32> to vector<16xf32>
    %get3A_1189 = arith.constant 80 : index
    %get3A_1190 = tpu.vector_load %arg7[%get3A_1189] {strides = array<i32>} : memref<1024xf32, #tpu.memory_space<vmem>>, vector<16xf32>,
    %get3A_1191 = vector.shape_cast %get3A_1190 : vector<16xf32> to vector<16xf32>
    %get3A_1192 = arith.constant 96 : index
    %get3A_1193 = tpu.vector_load %arg7[%get3A_1192] {strides = array<i32>} : memref<1024xf32, #tpu.memory_space<vmem>>, vector<16xf32>,
    %get3A_1194 = vector.shape_cast %get3A_1193 : vector<16xf32> to vector<16xf32>
    %get3A_1195 = arith.constant 112 : index
    %get3A_1196 = tpu.vector_load %arg7[%get3A_1195] {strides = array<i32>} : memref<1024xf32, #tpu.memory_space<vmem>>, vector<16xf32>,
    %get3A_1197 = vector.shape_cast %get3A_1196 : vector<16xf32> to vector<16xf32>
    %scan3A_1198 = arith.constant 32 : i32
    %scan3A_1199 = arith.constant 16 : i32
    %scan3A_1200 = arith.addi %scan3A_1198, %scan3A_1199 : i32
    %scan3A_1201 = arith.constant 1 : i32
    %scan3A_1202:8 = scf.for %scan3A_2174 = %scan3A_1198 to %scan3A_1200 step %scan3A_1201 iter_args(%scan3A_2175 = %get3A_1176, %scan3A_2176 = %get3A_1179, %scan3A_2177 = %get3A_1182, %scan3A_2178 = %get3A_1185, %scan3A_2179 = %get3A_1188, %scan3A_2180 = %get3A_1191, %scan3A_2181 = %get3A_1194, %scan3A_2182 = %get3A_1197) -> (vector<16xf32>, vector<16xf32>, vector<16xf32>, vector<16xf32>, vector<16xf32>, vector<16xf32>, vector<16xf32>, vector<16xf32>)  : i32 {
      %get3A_2183 = arith.index_cast %scan3A_2174 : i32 to index
      %get3A_2184 = arith.constant 0 : index
      %get3A_2185 = tpu.vector_load %arg6[%get3A_2183, %get3A_2184] {strides = array<i32>} : memref<64x1024xf32, #tpu.memory_space<vmem>>, vector<1x16xf32>,
      %get3A_2186 = vector.shape_cast %get3A_2185 : vector<1x16xf32> to vector<16xf32>
      %add3A_2187 = arith.addf %scan3A_2175, %get3A_2186 : vector<16xf32>
      %get3A_2188 = arith.index_cast %scan3A_2174 : i32 to index
      %get3A_2189 = arith.constant 16 : index
      %get3A_2190 = tpu.vector_load %arg6[%get3A_2188, %get3A_2189] {strides = array<i32>} : memref<64x1024xf32, #tpu.memory_space<vmem>>, vector<1x16xf32>,
      %get3A_2191 = vector.shape_cast %get3A_2190 : vector<1x16xf32> to vector<16xf32>
      %add3A_2192 = arith.addf %scan3A_2176, %get3A_2191 : vector<16xf32>
      %get3A_2193 = arith.index_cast %scan3A_2174 : i32 to index
      %get3A_2194 = arith.constant 32 : index
      %get3A_2195 = tpu.vector_load %arg6[%get3A_2193, %get3A_2194] {strides = array<i32>} : memref<64x1024xf32, #tpu.memory_space<vmem>>, vector<1x16xf32>,
      %get3A_2196 = vector.shape_cast %get3A_2195 : vector<1x16xf32> to vector<16xf32>
      %add3A_2197 = arith.addf %scan3A_2177, %get3A_2196 : vector<16xf32>
      %get3A_2198 = arith.index_cast %scan3A_2174 : i32 to index
      %get3A_2199 = arith.constant 48 : index
      %get3A_2200 = tpu.vector_load %arg6[%get3A_2198, %get3A_2199] {strides = array<i32>} : memref<64x1024xf32, #tpu.memory_space<vmem>>, vector<1x16xf32>,
      %get3A_2201 = vector.shape_cast %get3A_2200 : vector<1x16xf32> to vector<16xf32>
      %add3A_2202 = arith.addf %scan3A_2178, %get3A_2201 : vector<16xf32>
      %get3A_2203 = arith.index_cast %scan3A_2174 : i32 to index
      %get3A_2204 = arith.constant 64 : index
      %get3A_2205 = tpu.vector_load %arg6[%get3A_2203, %get3A_2204] {strides = array<i32>} : memref<64x1024xf32, #tpu.memory_space<vmem>>, vector<1x16xf32>,
      %get3A_2206 = vector.shape_cast %get3A_2205 : vector<1x16xf32> to vector<16xf32>
      %add3A_2207 = arith.addf %scan3A_2179, %get3A_2206 : vector<16xf32>
      %get3A_2208 = arith.index_cast %scan3A_2174 : i32 to index
      %get3A_2209 = arith.constant 80 : index
      %get3A_2210 = tpu.vector_load %arg6[%get3A_2208, %get3A_2209] {strides = array<i32>} : memref<64x1024xf32, #tpu.memory_space<vmem>>, vector<1x16xf32>,
      %get3A_2211 = vector.shape_cast %get3A_2210 : vector<1x16xf32> to vector<16xf32>
      %add3A_2212 = arith.addf %scan3A_2180, %get3A_2211 : vector<16xf32>
      %get3A_2213 = arith.index_cast %scan3A_2174 : i32 to index
      %get3A_2214 = arith.constant 96 : index
      %get3A_2215 = tpu.vector_load %arg6[%get3A_2213, %get3A_2214] {strides = array<i32>} : memref<64x1024xf32, #tpu.memory_space<vmem>>, vector<1x16xf32>,
      %get3A_2216 = vector.shape_cast %get3A_2215 : vector<1x16xf32> to vector<16xf32>
      %add3A_2217 = arith.addf %scan3A_2181, %get3A_2216 : vector<16xf32>
      %get3A_2218 = arith.index_cast %scan3A_2174 : i32 to index
      %get3A_2219 = arith.constant 112 : index
      %get3A_2220 = tpu.vector_load %arg6[%get3A_2218, %get3A_2219] {strides = array<i32>} : memref<64x1024xf32, #tpu.memory_space<vmem>>, vector<1x16xf32>,
      %get3A_2221 = vector.shape_cast %get3A_2220 : vector<1x16xf32> to vector<16xf32>
      %add3A_2222 = arith.addf %scan3A_2182, %get3A_2221 : vector<16xf32>
      scf.yield %add3A_2187, %add3A_2192, %add3A_2197, %add3A_2202, %add3A_2207, %add3A_2212, %add3A_2217, %add3A_2222 : vector<16xf32>, vector<16xf32>, vector<16xf32>, vector<16xf32>, vector<16xf32>, vector<16xf32>, vector<16xf32>, vector<16xf32>
    }
    %scan3A_1203 = arith.constant 16 : i32
    %swap3A_1204 = arith.constant 0 : index
    %swap3A_1205 = tpu.vector_load %arg7[%swap3A_1204] {strides = array<i32>} : memref<1024xf32, #tpu.memory_space<vmem>>, vector<16xf32>,
    %swap3A_1206 = vector.shape_cast %swap3A_1205 : vector<16xf32> to vector<16xf32>
    %swap3A_1207 = vector.shape_cast %scan3A_1202#0 : vector<16xf32> to vector<16xf32>
    tpu.vector_store %arg7[%swap3A_1204], %swap3A_1207 {strides = array<i32>} : memref<1024xf32, #tpu.memory_space<vmem>>, vector<16xf32>,
    %swap3A_1208 = arith.constant 16 : index
    %swap3A_1209 = tpu.vector_load %arg7[%swap3A_1208] {strides = array<i32>} : memref<1024xf32, #tpu.memory_space<vmem>>, vector<16xf32>,
    %swap3A_1210 = vector.shape_cast %swap3A_1209 : vector<16xf32> to vector<16xf32>
    %swap3A_1211 = vector.shape_cast %scan3A_1202#1 : vector<16xf32> to vector<16xf32>
    tpu.vector_store %arg7[%swap3A_1208], %swap3A_1211 {strides = array<i32>} : memref<1024xf32, #tpu.memory_space<vmem>>, vector<16xf32>,
    %swap3A_1212 = arith.constant 32 : index
    %swap3A_1213 = tpu.vector_load %arg7[%swap3A_1212] {strides = array<i32>} : memref<1024xf32, #tpu.memory_space<vmem>>, vector<16xf32>,
    %swap3A_1214 = vector.shape_cast %swap3A_1213 : vector<16xf32> to vector<16xf32>
    %swap3A_1215 = vector.shape_cast %scan3A_1202#2 : vector<16xf32> to vector<16xf32>
    tpu.vector_store %arg7[%swap3A_1212], %swap3A_1215 {strides = array<i32>} : memref<1024xf32, #tpu.memory_space<vmem>>, vector<16xf32>,
    %swap3A_1216 = arith.constant 48 : index
    %swap3A_1217 = tpu.vector_load %arg7[%swap3A_1216] {strides = array<i32>} : memref<1024xf32, #tpu.memory_space<vmem>>, vector<16xf32>,
    %swap3A_1218 = vector.shape_cast %swap3A_1217 : vector<16xf32> to vector<16xf32>
    %swap3A_1219 = vector.shape_cast %scan3A_1202#3 : vector<16xf32> to vector<16xf32>
    tpu.vector_store %arg7[%swap3A_1216], %swap3A_1219 {strides = array<i32>} : memref<1024xf32, #tpu.memory_space<vmem>>, vector<16xf32>,
    %swap3A_1220 = arith.constant 64 : index
    %swap3A_1221 = tpu.vector_load %arg7[%swap3A_1220] {strides = array<i32>} : memref<1024xf32, #tpu.memory_space<vmem>>, vector<16xf32>,
    %swap3A_1222 = vector.shape_cast %swap3A_1221 : vector<16xf32> to vector<16xf32>
    %swap3A_1223 = vector.shape_cast %scan3A_1202#4 : vector<16xf32> to vector<16xf32>
    tpu.vector_store %arg7[%swap3A_1220], %swap3A_1223 {strides = array<i32>} : memref<1024xf32, #tpu.memory_space<vmem>>, vector<16xf32>,
    %swap3A_1224 = arith.constant 80 : index
    %swap3A_1225 = tpu.vector_load %arg7[%swap3A_1224] {strides = array<i32>} : memref<1024xf32, #tpu.memory_space<vmem>>, vector<16xf32>,
    %swap3A_1226 = vector.shape_cast %swap3A_1225 : vector<16xf32> to vector<16xf32>
    %swap3A_1227 = vector.shape_cast %scan3A_1202#5 : vector<16xf32> to vector<16xf32>
    tpu.vector_store %arg7[%swap3A_1224], %swap3A_1227 {strides = array<i32>} : memref<1024xf32, #tpu.memory_space<vmem>>, vector<16xf32>,
    %swap3A_1228 = arith.constant 96 : index
    %swap3A_1229 = tpu.vector_load %arg7[%swap3A_1228] {strides = array<i32>} : memref<1024xf32, #tpu.memory_space<vmem>>, vector<16xf32>,
    %swap3A_1230 = vector.shape_cast %swap3A_1229 : vector<16xf32> to vector<16xf32>
    %swap3A_1231 = vector.shape_cast %scan3A_1202#6 : vector<16xf32> to vector<16xf32>
    tpu.vector_store %arg7[%swap3A_1228], %swap3A_1231 {strides = array<i32>} : memref<1024xf32, #tpu.memory_space<vmem>>, vector<16xf32>,
    %swap3A_1232 = arith.constant 112 : index
    %swap3A_1233 = tpu.vector_load %arg7[%swap3A_1232] {strides = array<i32>} : memref<1024xf32, #tpu.memory_space<vmem>>, vector<16xf32>,
    %swap3A_1234 = vector.shape_cast %swap3A_1233 : vector<16xf32> to vector<16xf32>
    %swap3A_1235 = vector.shape_cast %scan3A_1202#7 : vector<16xf32> to vector<16xf32>
    tpu.vector_store %arg7[%swap3A_1232], %swap3A_1235 {strides = array<i32>} : memref<1024xf32, #tpu.memory_space<vmem>>, vector<16xf32>,
    %get3A_1236 = arith.constant 128 : index
    %get3A_1237 = tpu.vector_load %arg7[%get3A_1236] {strides = array<i32>} : memref<1024xf32, #tpu.memory_space<vmem>>, vector<16xf32>,
    %get3A_1238 = vector.shape_cast %get3A_1237 : vector<16xf32> to vector<16xf32>
    %get3A_1239 = arith.constant 144 : index
    %get3A_1240 = tpu.vector_load %arg7[%get3A_1239] {strides = array<i32>} : memref<1024xf32, #tpu.memory_space<vmem>>, vector<16xf32>,
    %get3A_1241 = vector.shape_cast %get3A_1240 : vector<16xf32> to vector<16xf32>
    %get3A_1242 = arith.constant 160 : index
    %get3A_1243 = tpu.vector_load %arg7[%get3A_1242] {strides = array<i32>} : memref<1024xf32, #tpu.memory_space<vmem>>, vector<16xf32>,
    %get3A_1244 = vector.shape_cast %get3A_1243 : vector<16xf32> to vector<16xf32>
    %get3A_1245 = arith.constant 176 : index
    %get3A_1246 = tpu.vector_load %arg7[%get3A_1245] {strides = array<i32>} : memref<1024xf32, #tpu.memory_space<vmem>>, vector<16xf32>,
    %get3A_1247 = vector.shape_cast %get3A_1246 : vector<16xf32> to vector<16xf32>
    %get3A_1248 = arith.constant 192 : index
    %get3A_1249 = tpu.vector_load %arg7[%get3A_1248] {strides = array<i32>} : memref<1024xf32, #tpu.memory_space<vmem>>, vector<16xf32>,
    %get3A_1250 = vector.shape_cast %get3A_1249 : vector<16xf32> to vector<16xf32>
    %get3A_1251 = arith.constant 208 : index
    %get3A_1252 = tpu.vector_load %arg7[%get3A_1251] {strides = array<i32>} : memref<1024xf32, #tpu.memory_space<vmem>>, vector<16xf32>,
    %get3A_1253 = vector.shape_cast %get3A_1252 : vector<16xf32> to vector<16xf32>
    %get3A_1254 = arith.constant 224 : index
    %get3A_1255 = tpu.vector_load %arg7[%get3A_1254] {strides = array<i32>} : memref<1024xf32, #tpu.memory_space<vmem>>, vector<16xf32>,
    %get3A_1256 = vector.shape_cast %get3A_1255 : vector<16xf32> to vector<16xf32>
    %get3A_1257 = arith.constant 240 : index
    %get3A_1258 = tpu.vector_load %arg7[%get3A_1257] {strides = array<i32>} : memref<1024xf32, #tpu.memory_space<vmem>>, vector<16xf32>,
    %get3A_1259 = vector.shape_cast %get3A_1258 : vector<16xf32> to vector<16xf32>
    %scan3A_1260 = arith.constant 32 : i32
    %scan3A_1261 = arith.constant 16 : i32
    %scan3A_1262 = arith.addi %scan3A_1260, %scan3A_1261 : i32
    %scan3A_1263 = arith.constant 1 : i32
    %scan3A_1264:8 = scf.for %scan3A_2174 = %scan3A_1260 to %scan3A_1262 step %scan3A_1263 iter_args(%scan3A_2175 = %get3A_1238, %scan3A_2176 = %get3A_1241, %scan3A_2177 = %get3A_1244, %scan3A_2178 = %get3A_1247, %scan3A_2179 = %get3A_1250, %scan3A_2180 = %get3A_1253, %scan3A_2181 = %get3A_1256, %scan3A_2182 = %get3A_1259) -> (vector<16xf32>, vector<16xf32>, vector<16xf32>, vector<16xf32>, vector<16xf32>, vector<16xf32>, vector<16xf32>, vector<16xf32>)  : i32 {
      %get3A_2183 = arith.index_cast %scan3A_2174 : i32 to index
      %get3A_2184 = arith.constant 128 : index
      %get3A_2185 = tpu.vector_load %arg6[%get3A_2183, %get3A_2184] {strides = array<i32>} : memref<64x1024xf32, #tpu.memory_space<vmem>>, vector<1x16xf32>,
      %get3A_2186 = vector.shape_cast %get3A_2185 : vector<1x16xf32> to vector<16xf32>
      %add3A_2187 = arith.addf %scan3A_2175, %get3A_2186 : vector<16xf32>
      %get3A_2188 = arith.index_cast %scan3A_2174 : i32 to index
      %get3A_2189 = arith.constant 144 : index
      %get3A_2190 = tpu.vector_load %arg6[%get3A_2188, %get3A_2189] {strides = array<i32>} : memref<64x1024xf32, #tpu.memory_space<vmem>>, vector<1x16xf32>,
      %get3A_2191 = vector.shape_cast %get3A_2190 : vector<1x16xf32> to vector<16xf32>
      %add3A_2192 = arith.addf %scan3A_2176, %get3A_2191 : vector<16xf32>
      %get3A_2193 = arith.index_cast %scan3A_2174 : i32 to index
      %get3A_2194 = arith.constant 160 : index
      %get3A_2195 = tpu.vector_load %arg6[%get3A_2193, %get3A_2194] {strides = array<i32>} : memref<64x1024xf32, #tpu.memory_space<vmem>>, vector<1x16xf32>,
      %get3A_2196 = vector.shape_cast %get3A_2195 : vector<1x16xf32> to vector<16xf32>
      %add3A_2197 = arith.addf %scan3A_2177, %get3A_2196 : vector<16xf32>
      %get3A_2198 = arith.index_cast %scan3A_2174 : i32 to index
      %get3A_2199 = arith.constant 176 : index
      %get3A_2200 = tpu.vector_load %arg6[%get3A_2198, %get3A_2199] {strides = array<i32>} : memref<64x1024xf32, #tpu.memory_space<vmem>>, vector<1x16xf32>,
      %get3A_2201 = vector.shape_cast %get3A_2200 : vector<1x16xf32> to vector<16xf32>
      %add3A_2202 = arith.addf %scan3A_2178, %get3A_2201 : vector<16xf32>
      %get3A_2203 = arith.index_cast %scan3A_2174 : i32 to index
      %get3A_2204 = arith.constant 192 : index
      %get3A_2205 = tpu.vector_load %arg6[%get3A_2203, %get3A_2204] {strides = array<i32>} : memref<64x1024xf32, #tpu.memory_space<vmem>>, vector<1x16xf32>,
      %get3A_2206 = vector.shape_cast %get3A_2205 : vector<1x16xf32> to vector<16xf32>
      %add3A_2207 = arith.addf %scan3A_2179, %get3A_2206 : vector<16xf32>
      %get3A_2208 = arith.index_cast %scan3A_2174 : i32 to index
      %get3A_2209 = arith.constant 208 : index
      %get3A_2210 = tpu.vector_load %arg6[%get3A_2208, %get3A_2209] {strides = array<i32>} : memref<64x1024xf32, #tpu.memory_space<vmem>>, vector<1x16xf32>,
      %get3A_2211 = vector.shape_cast %get3A_2210 : vector<1x16xf32> to vector<16xf32>
      %add3A_2212 = arith.addf %scan3A_2180, %get3A_2211 : vector<16xf32>
      %get3A_2213 = arith.index_cast %scan3A_2174 : i32 to index
      %get3A_2214 = arith.constant 224 : index
      %get3A_2215 = tpu.vector_load %arg6[%get3A_2213, %get3A_2214] {strides = array<i32>} : memref<64x1024xf32, #tpu.memory_space<vmem>>, vector<1x16xf32>,
      %get3A_2216 = vector.shape_cast %get3A_2215 : vector<1x16xf32> to vector<16xf32>
      %add3A_2217 = arith.addf %scan3A_2181, %get3A_2216 : vector<16xf32>
      %get3A_2218 = arith.index_cast %scan3A_2174 : i32 to index
      %get3A_2219 = arith.constant 240 : index
      %get3A_2220 = tpu.vector_load %arg6[%get3A_2218, %get3A_2219] {strides = array<i32>} : memref<64x1024xf32, #tpu.memory_space<vmem>>, vector<1x16xf32>,
      %get3A_2221 = vector.shape_cast %get3A_2220 : vector<1x16xf32> to vector<16xf32>
      %add3A_2222 = arith.addf %scan3A_2182, %get3A_2221 : vector<16xf32>
      scf.yield %add3A_2187, %add3A_2192, %add3A_2197, %add3A_2202, %add3A_2207, %add3A_2212, %add3A_2217, %add3A_2222 : vector<16xf32>, vector<16xf32>, vector<16xf32>, vector<16xf32>, vector<16xf32>, vector<16xf32>, vector<16xf32>, vector<16xf32>
    }
    %scan3A_1265 = arith.constant 16 : i32
    %swap3A_1266 = arith.constant 128 : index
    %swap3A_1267 = tpu.vector_load %arg7[%swap3A_1266] {strides = array<i32>} : memref<1024xf32, #tpu.memory_space<vmem>>, vector<16xf32>,
    %swap3A_1268 = vector.shape_cast %swap3A_1267 : vector<16xf32> to vector<16xf32>
    %swap3A_1269 = vector.shape_cast %scan3A_1264#0 : vector<16xf32> to vector<16xf32>
    tpu.vector_store %arg7[%swap3A_1266], %swap3A_1269 {strides = array<i32>} : memref<1024xf32, #tpu.memory_space<vmem>>, vector<16xf32>,
    %swap3A_1270 = arith.constant 144 : index
    %swap3A_1271 = tpu.vector_load %arg7[%swap3A_1270] {strides = array<i32>} : memref<1024xf32, #tpu.memory_space<vmem>>, vector<16xf32>,
    %swap3A_1272 = vector.shape_cast %swap3A_1271 : vector<16xf32> to vector<16xf32>
    %swap3A_1273 = vector.shape_cast %scan3A_1264#1 : vector<16xf32> to vector<16xf32>
    tpu.vector_store %arg7[%swap3A_1270], %swap3A_1273 {strides = array<i32>} : memref<1024xf32, #tpu.memory_space<vmem>>, vector<16xf32>,
    %swap3A_1274 = arith.constant 160 : index
    %swap3A_1275 = tpu.vector_load %arg7[%swap3A_1274] {strides = array<i32>} : memref<1024xf32, #tpu.memory_space<vmem>>, vector<16xf32>,
    %swap3A_1276 = vector.shape_cast %swap3A_1275 : vector<16xf32> to vector<16xf32>
    %swap3A_1277 = vector.shape_cast %scan3A_1264#2 : vector<16xf32> to vector<16xf32>
    tpu.vector_store %arg7[%swap3A_1274], %swap3A_1277 {strides = array<i32>} : memref<1024xf32, #tpu.memory_space<vmem>>, vector<16xf32>,
    %swap3A_1278 = arith.constant 176 : index
    %swap3A_1279 = tpu.vector_load %arg7[%swap3A_1278] {strides = array<i32>} : memref<1024xf32, #tpu.memory_space<vmem>>, vector<16xf32>,
    %swap3A_1280 = vector.shape_cast %swap3A_1279 : vector<16xf32> to vector<16xf32>
    %swap3A_1281 = vector.shape_cast %scan3A_1264#3 : vector<16xf32> to vector<16xf32>
    tpu.vector_store %arg7[%swap3A_1278], %swap3A_1281 {strides = array<i32>} : memref<1024xf32, #tpu.memory_space<vmem>>, vector<16xf32>,
    %swap3A_1282 = arith.constant 192 : index
    %swap3A_1283 = tpu.vector_load %arg7[%swap3A_1282] {strides = array<i32>} : memref<1024xf32, #tpu.memory_space<vmem>>, vector<16xf32>,
    %swap3A_1284 = vector.shape_cast %swap3A_1283 : vector<16xf32> to vector<16xf32>
    %swap3A_1285 = vector.shape_cast %scan3A_1264#4 : vector<16xf32> to vector<16xf32>
    tpu.vector_store %arg7[%swap3A_1282], %swap3A_1285 {strides = array<i32>} : memref<1024xf32, #tpu.memory_space<vmem>>, vector<16xf32>,
    %swap3A_1286 = arith.constant 208 : index
    %swap3A_1287 = tpu.vector_load %arg7[%swap3A_1286] {strides = array<i32>} : memref<1024xf32, #tpu.memory_space<vmem>>, vector<16xf32>,
    %swap3A_1288 = vector.shape_cast %swap3A_1287 : vector<16xf32> to vector<16xf32>
    %swap3A_1289 = vector.shape_cast %scan3A_1264#5 : vector<16xf32> to vector<16xf32>
    tpu.vector_store %arg7[%swap3A_1286], %swap3A_1289 {strides = array<i32>} : memref<1024xf32, #tpu.memory_space<vmem>>, vector<16xf32>,
    %swap3A_1290 = arith.constant 224 : index
    %swap3A_1291 = tpu.vector_load %arg7[%swap3A_1290] {strides = array<i32>} : memref<1024xf32, #tpu.memory_space<vmem>>, vector<16xf32>,
    %swap3A_1292 = vector.shape_cast %swap3A_1291 : vector<16xf32> to vector<16xf32>
    %swap3A_1293 = vector.shape_cast %scan3A_1264#6 : vector<16xf32> to vector<16xf32>
    tpu.vector_store %arg7[%swap3A_1290], %swap3A_1293 {strides = array<i32>} : memref<1024xf32, #tpu.memory_space<vmem>>, vector<16xf32>,
    %swap3A_1294 = arith.constant 240 : index
    %swap3A_1295 = tpu.vector_load %arg7[%swap3A_1294] {strides = array<i32>} : memref<1024xf32, #tpu.memory_space<vmem>>, vector<16xf32>,
    %swap3A_1296 = vector.shape_cast %swap3A_1295 : vector<16xf32> to vector<16xf32>
    %swap3A_1297 = vector.shape_cast %scan3A_1264#7 : vector<16xf32> to vector<16xf32>
    tpu.vector_store %arg7[%swap3A_1294], %swap3A_1297 {strides = array<i32>} : memref<1024xf32, #tpu.memory_space<vmem>>, vector<16xf32>,
    %get3A_1298 = arith.constant 256 : index
    %get3A_1299 = tpu.vector_load %arg7[%get3A_1298] {strides = array<i32>} : memref<1024xf32, #tpu.memory_space<vmem>>, vector<16xf32>,
    %get3A_1300 = vector.shape_cast %get3A_1299 : vector<16xf32> to vector<16xf32>
    %get3A_1301 = arith.constant 272 : index
    %get3A_1302 = tpu.vector_load %arg7[%get3A_1301] {strides = array<i32>} : memref<1024xf32, #tpu.memory_space<vmem>>, vector<16xf32>,
    %get3A_1303 = vector.shape_cast %get3A_1302 : vector<16xf32> to vector<16xf32>
    %get3A_1304 = arith.constant 288 : index
    %get3A_1305 = tpu.vector_load %arg7[%get3A_1304] {strides = array<i32>} : memref<1024xf32, #tpu.memory_space<vmem>>, vector<16xf32>,
    %get3A_1306 = vector.shape_cast %get3A_1305 : vector<16xf32> to vector<16xf32>
    %get3A_1307 = arith.constant 304 : index
    %get3A_1308 = tpu.vector_load %arg7[%get3A_1307] {strides = array<i32>} : memref<1024xf32, #tpu.memory_space<vmem>>, vector<16xf32>,
    %get3A_1309 = vector.shape_cast %get3A_1308 : vector<16xf32> to vector<16xf32>
    %get3A_1310 = arith.constant 320 : index
    %get3A_1311 = tpu.vector_load %arg7[%get3A_1310] {strides = array<i32>} : memref<1024xf32, #tpu.memory_space<vmem>>, vector<16xf32>,
    %get3A_1312 = vector.shape_cast %get3A_1311 : vector<16xf32> to vector<16xf32>
    %get3A_1313 = arith.constant 336 : index
    %get3A_1314 = tpu.vector_load %arg7[%get3A_1313] {strides = array<i32>} : memref<1024xf32, #tpu.memory_space<vmem>>, vector<16xf32>,
    %get3A_1315 = vector.shape_cast %get3A_1314 : vector<16xf32> to vector<16xf32>
    %get3A_1316 = arith.constant 352 : index
    %get3A_1317 = tpu.vector_load %arg7[%get3A_1316] {strides = array<i32>} : memref<1024xf32, #tpu.memory_space<vmem>>, vector<16xf32>,
    %get3A_1318 = vector.shape_cast %get3A_1317 : vector<16xf32> to vector<16xf32>
    %get3A_1319 = arith.constant 368 : index
    %get3A_1320 = tpu.vector_load %arg7[%get3A_1319] {strides = array<i32>} : memref<1024xf32, #tpu.memory_space<vmem>>, vector<16xf32>,
    %get3A_1321 = vector.shape_cast %get3A_1320 : vector<16xf32> to vector<16xf32>
    %scan3A_1322 = arith.constant 32 : i32
    %scan3A_1323 = arith.constant 16 : i32
    %scan3A_1324 = arith.addi %scan3A_1322, %scan3A_1323 : i32
    %scan3A_1325 = arith.constant 1 : i32
    %scan3A_1326:8 = scf.for %scan3A_2174 = %scan3A_1322 to %scan3A_1324 step %scan3A_1325 iter_args(%scan3A_2175 = %get3A_1300, %scan3A_2176 = %get3A_1303, %scan3A_2177 = %get3A_1306, %scan3A_2178 = %get3A_1309, %scan3A_2179 = %get3A_1312, %scan3A_2180 = %get3A_1315, %scan3A_2181 = %get3A_1318, %scan3A_2182 = %get3A_1321) -> (vector<16xf32>, vector<16xf32>, vector<16xf32>, vector<16xf32>, vector<16xf32>, vector<16xf32>, vector<16xf32>, vector<16xf32>)  : i32 {
      %get3A_2183 = arith.index_cast %scan3A_2174 : i32 to index
      %get3A_2184 = arith.constant 256 : index
      %get3A_2185 = tpu.vector_load %arg6[%get3A_2183, %get3A_2184] {strides = array<i32>} : memref<64x1024xf32, #tpu.memory_space<vmem>>, vector<1x16xf32>,
      %get3A_2186 = vector.shape_cast %get3A_2185 : vector<1x16xf32> to vector<16xf32>
      %add3A_2187 = arith.addf %scan3A_2175, %get3A_2186 : vector<16xf32>
      %get3A_2188 = arith.index_cast %scan3A_2174 : i32 to index
      %get3A_2189 = arith.constant 272 : index
      %get3A_2190 = tpu.vector_load %arg6[%get3A_2188, %get3A_2189] {strides = array<i32>} : memref<64x1024xf32, #tpu.memory_space<vmem>>, vector<1x16xf32>,
      %get3A_2191 = vector.shape_cast %get3A_2190 : vector<1x16xf32> to vector<16xf32>
      %add3A_2192 = arith.addf %scan3A_2176, %get3A_2191 : vector<16xf32>
      %get3A_2193 = arith.index_cast %scan3A_2174 : i32 to index
      %get3A_2194 = arith.constant 288 : index
      %get3A_2195 = tpu.vector_load %arg6[%get3A_2193, %get3A_2194] {strides = array<i32>} : memref<64x1024xf32, #tpu.memory_space<vmem>>, vector<1x16xf32>,
      %get3A_2196 = vector.shape_cast %get3A_2195 : vector<1x16xf32> to vector<16xf32>
      %add3A_2197 = arith.addf %scan3A_2177, %get3A_2196 : vector<16xf32>
      %get3A_2198 = arith.index_cast %scan3A_2174 : i32 to index
      %get3A_2199 = arith.constant 304 : index
      %get3A_2200 = tpu.vector_load %arg6[%get3A_2198, %get3A_2199] {strides = array<i32>} : memref<64x1024xf32, #tpu.memory_space<vmem>>, vector<1x16xf32>,
      %get3A_2201 = vector.shape_cast %get3A_2200 : vector<1x16xf32> to vector<16xf32>
      %add3A_2202 = arith.addf %scan3A_2178, %get3A_2201 : vector<16xf32>
      %get3A_2203 = arith.index_cast %scan3A_2174 : i32 to index
      %get3A_2204 = arith.constant 320 : index
      %get3A_2205 = tpu.vector_load %arg6[%get3A_2203, %get3A_2204] {strides = array<i32>} : memref<64x1024xf32, #tpu.memory_space<vmem>>, vector<1x16xf32>,
      %get3A_2206 = vector.shape_cast %get3A_2205 : vector<1x16xf32> to vector<16xf32>
      %add3A_2207 = arith.addf %scan3A_2179, %get3A_2206 : vector<16xf32>
      %get3A_2208 = arith.index_cast %scan3A_2174 : i32 to index
      %get3A_2209 = arith.constant 336 : index
      %get3A_2210 = tpu.vector_load %arg6[%get3A_2208, %get3A_2209] {strides = array<i32>} : memref<64x1024xf32, #tpu.memory_space<vmem>>, vector<1x16xf32>,
      %get3A_2211 = vector.shape_cast %get3A_2210 : vector<1x16xf32> to vector<16xf32>
      %add3A_2212 = arith.addf %scan3A_2180, %get3A_2211 : vector<16xf32>
      %get3A_2213 = arith.index_cast %scan3A_2174 : i32 to index
      %get3A_2214 = arith.constant 352 : index
      %get3A_2215 = tpu.vector_load %arg6[%get3A_2213, %get3A_2214] {strides = array<i32>} : memref<64x1024xf32, #tpu.memory_space<vmem>>, vector<1x16xf32>,
      %get3A_2216 = vector.shape_cast %get3A_2215 : vector<1x16xf32> to vector<16xf32>
      %add3A_2217 = arith.addf %scan3A_2181, %get3A_2216 : vector<16xf32>
      %get3A_2218 = arith.index_cast %scan3A_2174 : i32 to index
      %get3A_2219 = arith.constant 368 : index
      %get3A_2220 = tpu.vector_load %arg6[%get3A_2218, %get3A_2219] {strides = array<i32>} : memref<64x1024xf32, #tpu.memory_space<vmem>>, vector<1x16xf32>,
      %get3A_2221 = vector.shape_cast %get3A_2220 : vector<1x16xf32> to vector<16xf32>
      %add3A_2222 = arith.addf %scan3A_2182, %get3A_2221 : vector<16xf32>
      scf.yield %add3A_2187, %add3A_2192, %add3A_2197, %add3A_2202, %add3A_2207, %add3A_2212, %add3A_2217, %add3A_2222 : vector<16xf32>, vector<16xf32>, vector<16xf32>, vector<16xf32>, vector<16xf32>, vector<16xf32>, vector<16xf32>, vector<16xf32>
    }
    %scan3A_1327 = arith.constant 16 : i32
    %swap3A_1328 = arith.constant 256 : index
    %swap3A_1329 = tpu.vector_load %arg7[%swap3A_1328] {strides = array<i32>} : memref<1024xf32, #tpu.memory_space<vmem>>, vector<16xf32>,
    %swap3A_1330 = vector.shape_cast %swap3A_1329 : vector<16xf32> to vector<16xf32>
    %swap3A_1331 = vector.shape_cast %scan3A_1326#0 : vector<16xf32> to vector<16xf32>
    tpu.vector_store %arg7[%swap3A_1328], %swap3A_1331 {strides = array<i32>} : memref<1024xf32, #tpu.memory_space<vmem>>, vector<16xf32>,
    %swap3A_1332 = arith.constant 272 : index
    %swap3A_1333 = tpu.vector_load %arg7[%swap3A_1332] {strides = array<i32>} : memref<1024xf32, #tpu.memory_space<vmem>>, vector<16xf32>,
    %swap3A_1334 = vector.shape_cast %swap3A_1333 : vector<16xf32> to vector<16xf32>
    %swap3A_1335 = vector.shape_cast %scan3A_1326#1 : vector<16xf32> to vector<16xf32>
    tpu.vector_store %arg7[%swap3A_1332], %swap3A_1335 {strides = array<i32>} : memref<1024xf32, #tpu.memory_space<vmem>>, vector<16xf32>,
    %swap3A_1336 = arith.constant 288 : index
    %swap3A_1337 = tpu.vector_load %arg7[%swap3A_1336] {strides = array<i32>} : memref<1024xf32, #tpu.memory_space<vmem>>, vector<16xf32>,
    %swap3A_1338 = vector.shape_cast %swap3A_1337 : vector<16xf32> to vector<16xf32>
    %swap3A_1339 = vector.shape_cast %scan3A_1326#2 : vector<16xf32> to vector<16xf32>
    tpu.vector_store %arg7[%swap3A_1336], %swap3A_1339 {strides = array<i32>} : memref<1024xf32, #tpu.memory_space<vmem>>, vector<16xf32>,
    %swap3A_1340 = arith.constant 304 : index
    %swap3A_1341 = tpu.vector_load %arg7[%swap3A_1340] {strides = array<i32>} : memref<1024xf32, #tpu.memory_space<vmem>>, vector<16xf32>,
    %swap3A_1342 = vector.shape_cast %swap3A_1341 : vector<16xf32> to vector<16xf32>
    %swap3A_1343 = vector.shape_cast %scan3A_1326#3 : vector<16xf32> to vector<16xf32>
    tpu.vector_store %arg7[%swap3A_1340], %swap3A_1343 {strides = array<i32>} : memref<1024xf32, #tpu.memory_space<vmem>>, vector<16xf32>,
    %swap3A_1344 = arith.constant 320 : index
    %swap3A_1345 = tpu.vector_load %arg7[%swap3A_1344] {strides = array<i32>} : memref<1024xf32, #tpu.memory_space<vmem>>, vector<16xf32>,
    %swap3A_1346 = vector.shape_cast %swap3A_1345 : vector<16xf32> to vector<16xf32>
    %swap3A_1347 = vector.shape_cast %scan3A_1326#4 : vector<16xf32> to vector<16xf32>
    tpu.vector_store %arg7[%swap3A_1344], %swap3A_1347 {strides = array<i32>} : memref<1024xf32, #tpu.memory_space<vmem>>, vector<16xf32>,
    %swap3A_1348 = arith.constant 336 : index
    %swap3A_1349 = tpu.vector_load %arg7[%swap3A_1348] {strides = array<i32>} : memref<1024xf32, #tpu.memory_space<vmem>>, vector<16xf32>,
    %swap3A_1350 = vector.shape_cast %swap3A_1349 : vector<16xf32> to vector<16xf32>
    %swap3A_1351 = vector.shape_cast %scan3A_1326#5 : vector<16xf32> to vector<16xf32>
    tpu.vector_store %arg7[%swap3A_1348], %swap3A_1351 {strides = array<i32>} : memref<1024xf32, #tpu.memory_space<vmem>>, vector<16xf32>,
    %swap3A_1352 = arith.constant 352 : index
    %swap3A_1353 = tpu.vector_load %arg7[%swap3A_1352] {strides = array<i32>} : memref<1024xf32, #tpu.memory_space<vmem>>, vector<16xf32>,
    %swap3A_1354 = vector.shape_cast %swap3A_1353 : vector<16xf32> to vector<16xf32>
    %swap3A_1355 = vector.shape_cast %scan3A_1326#6 : vector<16xf32> to vector<16xf32>
    tpu.vector_store %arg7[%swap3A_1352], %swap3A_1355 {strides = array<i32>} : memref<1024xf32, #tpu.memory_space<vmem>>, vector<16xf32>,
    %swap3A_1356 = arith.constant 368 : index
    %swap3A_1357 = tpu.vector_load %arg7[%swap3A_1356] {strides = array<i32>} : memref<1024xf32, #tpu.memory_space<vmem>>, vector<16xf32>,
    %swap3A_1358 = vector.shape_cast %swap3A_1357 : vector<16xf32> to vector<16xf32>
    %swap3A_1359 = vector.shape_cast %scan3A_1326#7 : vector<16xf32> to vector<16xf32>
    tpu.vector_store %arg7[%swap3A_1356], %swap3A_1359 {strides = array<i32>} : memref<1024xf32, #tpu.memory_space<vmem>>, vector<16xf32>,
    %get3A_1360 = arith.constant 384 : index
    %get3A_1361 = tpu.vector_load %arg7[%get3A_1360] {strides = array<i32>} : memref<1024xf32, #tpu.memory_space<vmem>>, vector<16xf32>,
    %get3A_1362 = vector.shape_cast %get3A_1361 : vector<16xf32> to vector<16xf32>
    %get3A_1363 = arith.constant 400 : index
    %get3A_1364 = tpu.vector_load %arg7[%get3A_1363] {strides = array<i32>} : memref<1024xf32, #tpu.memory_space<vmem>>, vector<16xf32>,
    %get3A_1365 = vector.shape_cast %get3A_1364 : vector<16xf32> to vector<16xf32>
    %get3A_1366 = arith.constant 416 : index
    %get3A_1367 = tpu.vector_load %arg7[%get3A_1366] {strides = array<i32>} : memref<1024xf32, #tpu.memory_space<vmem>>, vector<16xf32>,
    %get3A_1368 = vector.shape_cast %get3A_1367 : vector<16xf32> to vector<16xf32>
    %get3A_1369 = arith.constant 432 : index
    %get3A_1370 = tpu.vector_load %arg7[%get3A_1369] {strides = array<i32>} : memref<1024xf32, #tpu.memory_space<vmem>>, vector<16xf32>,
    %get3A_1371 = vector.shape_cast %get3A_1370 : vector<16xf32> to vector<16xf32>
    %get3A_1372 = arith.constant 448 : index
    %get3A_1373 = tpu.vector_load %arg7[%get3A_1372] {strides = array<i32>} : memref<1024xf32, #tpu.memory_space<vmem>>, vector<16xf32>,
    %get3A_1374 = vector.shape_cast %get3A_1373 : vector<16xf32> to vector<16xf32>
    %get3A_1375 = arith.constant 464 : index
    %get3A_1376 = tpu.vector_load %arg7[%get3A_1375] {strides = array<i32>} : memref<1024xf32, #tpu.memory_space<vmem>>, vector<16xf32>,
    %get3A_1377 = vector.shape_cast %get3A_1376 : vector<16xf32> to vector<16xf32>
    %get3A_1378 = arith.constant 480 : index
    %get3A_1379 = tpu.vector_load %arg7[%get3A_1378] {strides = array<i32>} : memref<1024xf32, #tpu.memory_space<vmem>>, vector<16xf32>,
    %get3A_1380 = vector.shape_cast %get3A_1379 : vector<16xf32> to vector<16xf32>
    %get3A_1381 = arith.constant 496 : index
    %get3A_1382 = tpu.vector_load %arg7[%get3A_1381] {strides = array<i32>} : memref<1024xf32, #tpu.memory_space<vmem>>, vector<16xf32>,
    %get3A_1383 = vector.shape_cast %get3A_1382 : vector<16xf32> to vector<16xf32>
    %scan3A_1384 = arith.constant 32 : i32
    %scan3A_1385 = arith.constant 16 : i32
    %scan3A_1386 = arith.addi %scan3A_1384, %scan3A_1385 : i32
    %scan3A_1387 = arith.constant 1 : i32
    %scan3A_1388:8 = scf.for %scan3A_2174 = %scan3A_1384 to %scan3A_1386 step %scan3A_1387 iter_args(%scan3A_2175 = %get3A_1362, %scan3A_2176 = %get3A_1365, %scan3A_2177 = %get3A_1368, %scan3A_2178 = %get3A_1371, %scan3A_2179 = %get3A_1374, %scan3A_2180 = %get3A_1377, %scan3A_2181 = %get3A_1380, %scan3A_2182 = %get3A_1383) -> (vector<16xf32>, vector<16xf32>, vector<16xf32>, vector<16xf32>, vector<16xf32>, vector<16xf32>, vector<16xf32>, vector<16xf32>)  : i32 {
      %get3A_2183 = arith.index_cast %scan3A_2174 : i32 to index
      %get3A_2184 = arith.constant 384 : index
      %get3A_2185 = tpu.vector_load %arg6[%get3A_2183, %get3A_2184] {strides = array<i32>} : memref<64x1024xf32, #tpu.memory_space<vmem>>, vector<1x16xf32>,
      %get3A_2186 = vector.shape_cast %get3A_2185 : vector<1x16xf32> to vector<16xf32>
      %add3A_2187 = arith.addf %scan3A_2175, %get3A_2186 : vector<16xf32>
      %get3A_2188 = arith.index_cast %scan3A_2174 : i32 to index
      %get3A_2189 = arith.constant 400 : index
      %get3A_2190 = tpu.vector_load %arg6[%get3A_2188, %get3A_2189] {strides = array<i32>} : memref<64x1024xf32, #tpu.memory_space<vmem>>, vector<1x16xf32>,
      %get3A_2191 = vector.shape_cast %get3A_2190 : vector<1x16xf32> to vector<16xf32>
      %add3A_2192 = arith.addf %scan3A_2176, %get3A_2191 : vector<16xf32>
      %get3A_2193 = arith.index_cast %scan3A_2174 : i32 to index
      %get3A_2194 = arith.constant 416 : index
      %get3A_2195 = tpu.vector_load %arg6[%get3A_2193, %get3A_2194] {strides = array<i32>} : memref<64x1024xf32, #tpu.memory_space<vmem>>, vector<1x16xf32>,
      %get3A_2196 = vector.shape_cast %get3A_2195 : vector<1x16xf32> to vector<16xf32>
      %add3A_2197 = arith.addf %scan3A_2177, %get3A_2196 : vector<16xf32>
      %get3A_2198 = arith.index_cast %scan3A_2174 : i32 to index
      %get3A_2199 = arith.constant 432 : index
      %get3A_2200 = tpu.vector_load %arg6[%get3A_2198, %get3A_2199] {strides = array<i32>} : memref<64x1024xf32, #tpu.memory_space<vmem>>, vector<1x16xf32>,
      %get3A_2201 = vector.shape_cast %get3A_2200 : vector<1x16xf32> to vector<16xf32>
      %add3A_2202 = arith.addf %scan3A_2178, %get3A_2201 : vector<16xf32>
      %get3A_2203 = arith.index_cast %scan3A_2174 : i32 to index
      %get3A_2204 = arith.constant 448 : index
      %get3A_2205 = tpu.vector_load %arg6[%get3A_2203, %get3A_2204] {strides = array<i32>} : memref<64x1024xf32, #tpu.memory_space<vmem>>, vector<1x16xf32>,
      %get3A_2206 = vector.shape_cast %get3A_2205 : vector<1x16xf32> to vector<16xf32>
      %add3A_2207 = arith.addf %scan3A_2179, %get3A_2206 : vector<16xf32>
      %get3A_2208 = arith.index_cast %scan3A_2174 : i32 to index
      %get3A_2209 = arith.constant 464 : index
      %get3A_2210 = tpu.vector_load %arg6[%get3A_2208, %get3A_2209] {strides = array<i32>} : memref<64x1024xf32, #tpu.memory_space<vmem>>, vector<1x16xf32>,
      %get3A_2211 = vector.shape_cast %get3A_2210 : vector<1x16xf32> to vector<16xf32>
      %add3A_2212 = arith.addf %scan3A_2180, %get3A_2211 : vector<16xf32>
      %get3A_2213 = arith.index_cast %scan3A_2174 : i32 to index
      %get3A_2214 = arith.constant 480 : index
      %get3A_2215 = tpu.vector_load %arg6[%get3A_2213, %get3A_2214] {strides = array<i32>} : memref<64x1024xf32, #tpu.memory_space<vmem>>, vector<1x16xf32>,
      %get3A_2216 = vector.shape_cast %get3A_2215 : vector<1x16xf32> to vector<16xf32>
      %add3A_2217 = arith.addf %scan3A_2181, %get3A_2216 : vector<16xf32>
      %get3A_2218 = arith.index_cast %scan3A_2174 : i32 to index
      %get3A_2219 = arith.constant 496 : index
      %get3A_2220 = tpu.vector_load %arg6[%get3A_2218, %get3A_2219] {strides = array<i32>} : memref<64x1024xf32, #tpu.memory_space<vmem>>, vector<1x16xf32>,
      %get3A_2221 = vector.shape_cast %get3A_2220 : vector<1x16xf32> to vector<16xf32>
      %add3A_2222 = arith.addf %scan3A_2182, %get3A_2221 : vector<16xf32>
      scf.yield %add3A_2187, %add3A_2192, %add3A_2197, %add3A_2202, %add3A_2207, %add3A_2212, %add3A_2217, %add3A_2222 : vector<16xf32>, vector<16xf32>, vector<16xf32>, vector<16xf32>, vector<16xf32>, vector<16xf32>, vector<16xf32>, vector<16xf32>
    }
    %scan3A_1389 = arith.constant 16 : i32
    %swap3A_1390 = arith.constant 384 : index
    %swap3A_1391 = tpu.vector_load %arg7[%swap3A_1390] {strides = array<i32>} : memref<1024xf32, #tpu.memory_space<vmem>>, vector<16xf32>,
    %swap3A_1392 = vector.shape_cast %swap3A_1391 : vector<16xf32> to vector<16xf32>
    %swap3A_1393 = vector.shape_cast %scan3A_1388#0 : vector<16xf32> to vector<16xf32>
    tpu.vector_store %arg7[%swap3A_1390], %swap3A_1393 {strides = array<i32>} : memref<1024xf32, #tpu.memory_space<vmem>>, vector<16xf32>,
    %swap3A_1394 = arith.constant 400 : index
    %swap3A_1395 = tpu.vector_load %arg7[%swap3A_1394] {strides = array<i32>} : memref<1024xf32, #tpu.memory_space<vmem>>, vector<16xf32>,
    %swap3A_1396 = vector.shape_cast %swap3A_1395 : vector<16xf32> to vector<16xf32>
    %swap3A_1397 = vector.shape_cast %scan3A_1388#1 : vector<16xf32> to vector<16xf32>
    tpu.vector_store %arg7[%swap3A_1394], %swap3A_1397 {strides = array<i32>} : memref<1024xf32, #tpu.memory_space<vmem>>, vector<16xf32>,
    %swap3A_1398 = arith.constant 416 : index
    %swap3A_1399 = tpu.vector_load %arg7[%swap3A_1398] {strides = array<i32>} : memref<1024xf32, #tpu.memory_space<vmem>>, vector<16xf32>,
    %swap3A_1400 = vector.shape_cast %swap3A_1399 : vector<16xf32> to vector<16xf32>
    %swap3A_1401 = vector.shape_cast %scan3A_1388#2 : vector<16xf32> to vector<16xf32>
    tpu.vector_store %arg7[%swap3A_1398], %swap3A_1401 {strides = array<i32>} : memref<1024xf32, #tpu.memory_space<vmem>>, vector<16xf32>,
    %swap3A_1402 = arith.constant 432 : index
    %swap3A_1403 = tpu.vector_load %arg7[%swap3A_1402] {strides = array<i32>} : memref<1024xf32, #tpu.memory_space<vmem>>, vector<16xf32>,
    %swap3A_1404 = vector.shape_cast %swap3A_1403 : vector<16xf32> to vector<16xf32>
    %swap3A_1405 = vector.shape_cast %scan3A_1388#3 : vector<16xf32> to vector<16xf32>
    tpu.vector_store %arg7[%swap3A_1402], %swap3A_1405 {strides = array<i32>} : memref<1024xf32, #tpu.memory_space<vmem>>, vector<16xf32>,
    %swap3A_1406 = arith.constant 448 : index
    %swap3A_1407 = tpu.vector_load %arg7[%swap3A_1406] {strides = array<i32>} : memref<1024xf32, #tpu.memory_space<vmem>>, vector<16xf32>,
    %swap3A_1408 = vector.shape_cast %swap3A_1407 : vector<16xf32> to vector<16xf32>
    %swap3A_1409 = vector.shape_cast %scan3A_1388#4 : vector<16xf32> to vector<16xf32>
    tpu.vector_store %arg7[%swap3A_1406], %swap3A_1409 {strides = array<i32>} : memref<1024xf32, #tpu.memory_space<vmem>>, vector<16xf32>,
    %swap3A_1410 = arith.constant 464 : index
    %swap3A_1411 = tpu.vector_load %arg7[%swap3A_1410] {strides = array<i32>} : memref<1024xf32, #tpu.memory_space<vmem>>, vector<16xf32>,
    %swap3A_1412 = vector.shape_cast %swap3A_1411 : vector<16xf32> to vector<16xf32>
    %swap3A_1413 = vector.shape_cast %scan3A_1388#5 : vector<16xf32> to vector<16xf32>
    tpu.vector_store %arg7[%swap3A_1410], %swap3A_1413 {strides = array<i32>} : memref<1024xf32, #tpu.memory_space<vmem>>, vector<16xf32>,
    %swap3A_1414 = arith.constant 480 : index
    %swap3A_1415 = tpu.vector_load %arg7[%swap3A_1414] {strides = array<i32>} : memref<1024xf32, #tpu.memory_space<vmem>>, vector<16xf32>,
    %swap3A_1416 = vector.shape_cast %swap3A_1415 : vector<16xf32> to vector<16xf32>
    %swap3A_1417 = vector.shape_cast %scan3A_1388#6 : vector<16xf32> to vector<16xf32>
    tpu.vector_store %arg7[%swap3A_1414], %swap3A_1417 {strides = array<i32>} : memref<1024xf32, #tpu.memory_space<vmem>>, vector<16xf32>,
    %swap3A_1418 = arith.constant 496 : index
    %swap3A_1419 = tpu.vector_load %arg7[%swap3A_1418] {strides = array<i32>} : memref<1024xf32, #tpu.memory_space<vmem>>, vector<16xf32>,
    %swap3A_1420 = vector.shape_cast %swap3A_1419 : vector<16xf32> to vector<16xf32>
    %swap3A_1421 = vector.shape_cast %scan3A_1388#7 : vector<16xf32> to vector<16xf32>
    tpu.vector_store %arg7[%swap3A_1418], %swap3A_1421 {strides = array<i32>} : memref<1024xf32, #tpu.memory_space<vmem>>, vector<16xf32>,
    %get3A_1422 = arith.constant 512 : index
    %get3A_1423 = tpu.vector_load %arg7[%get3A_1422] {strides = array<i32>} : memref<1024xf32, #tpu.memory_space<vmem>>, vector<16xf32>,
    %get3A_1424 = vector.shape_cast %get3A_1423 : vector<16xf32> to vector<16xf32>
    %get3A_1425 = arith.constant 528 : index
    %get3A_1426 = tpu.vector_load %arg7[%get3A_1425] {strides = array<i32>} : memref<1024xf32, #tpu.memory_space<vmem>>, vector<16xf32>,
    %get3A_1427 = vector.shape_cast %get3A_1426 : vector<16xf32> to vector<16xf32>
    %get3A_1428 = arith.constant 544 : index
    %get3A_1429 = tpu.vector_load %arg7[%get3A_1428] {strides = array<i32>} : memref<1024xf32, #tpu.memory_space<vmem>>, vector<16xf32>,
    %get3A_1430 = vector.shape_cast %get3A_1429 : vector<16xf32> to vector<16xf32>
    %get3A_1431 = arith.constant 560 : index
    %get3A_1432 = tpu.vector_load %arg7[%get3A_1431] {strides = array<i32>} : memref<1024xf32, #tpu.memory_space<vmem>>, vector<16xf32>,
    %get3A_1433 = vector.shape_cast %get3A_1432 : vector<16xf32> to vector<16xf32>
    %get3A_1434 = arith.constant 576 : index
    %get3A_1435 = tpu.vector_load %arg7[%get3A_1434] {strides = array<i32>} : memref<1024xf32, #tpu.memory_space<vmem>>, vector<16xf32>,
    %get3A_1436 = vector.shape_cast %get3A_1435 : vector<16xf32> to vector<16xf32>
    %get3A_1437 = arith.constant 592 : index
    %get3A_1438 = tpu.vector_load %arg7[%get3A_1437] {strides = array<i32>} : memref<1024xf32, #tpu.memory_space<vmem>>, vector<16xf32>,
    %get3A_1439 = vector.shape_cast %get3A_1438 : vector<16xf32> to vector<16xf32>
    %get3A_1440 = arith.constant 608 : index
    %get3A_1441 = tpu.vector_load %arg7[%get3A_1440] {strides = array<i32>} : memref<1024xf32, #tpu.memory_space<vmem>>, vector<16xf32>,
    %get3A_1442 = vector.shape_cast %get3A_1441 : vector<16xf32> to vector<16xf32>
    %get3A_1443 = arith.constant 624 : index
    %get3A_1444 = tpu.vector_load %arg7[%get3A_1443] {strides = array<i32>} : memref<1024xf32, #tpu.memory_space<vmem>>, vector<16xf32>,
    %get3A_1445 = vector.shape_cast %get3A_1444 : vector<16xf32> to vector<16xf32>
    %scan3A_1446 = arith.constant 32 : i32
    %scan3A_1447 = arith.constant 16 : i32
    %scan3A_1448 = arith.addi %scan3A_1446, %scan3A_1447 : i32
    %scan3A_1449 = arith.constant 1 : i32
    %scan3A_1450:8 = scf.for %scan3A_2174 = %scan3A_1446 to %scan3A_1448 step %scan3A_1449 iter_args(%scan3A_2175 = %get3A_1424, %scan3A_2176 = %get3A_1427, %scan3A_2177 = %get3A_1430, %scan3A_2178 = %get3A_1433, %scan3A_2179 = %get3A_1436, %scan3A_2180 = %get3A_1439, %scan3A_2181 = %get3A_1442, %scan3A_2182 = %get3A_1445) -> (vector<16xf32>, vector<16xf32>, vector<16xf32>, vector<16xf32>, vector<16xf32>, vector<16xf32>, vector<16xf32>, vector<16xf32>)  : i32 {
      %get3A_2183 = arith.index_cast %scan3A_2174 : i32 to index
      %get3A_2184 = arith.constant 512 : index
      %get3A_2185 = tpu.vector_load %arg6[%get3A_2183, %get3A_2184] {strides = array<i32>} : memref<64x1024xf32, #tpu.memory_space<vmem>>, vector<1x16xf32>,
      %get3A_2186 = vector.shape_cast %get3A_2185 : vector<1x16xf32> to vector<16xf32>
      %add3A_2187 = arith.addf %scan3A_2175, %get3A_2186 : vector<16xf32>
      %get3A_2188 = arith.index_cast %scan3A_2174 : i32 to index
      %get3A_2189 = arith.constant 528 : index
      %get3A_2190 = tpu.vector_load %arg6[%get3A_2188, %get3A_2189] {strides = array<i32>} : memref<64x1024xf32, #tpu.memory_space<vmem>>, vector<1x16xf32>,
      %get3A_2191 = vector.shape_cast %get3A_2190 : vector<1x16xf32> to vector<16xf32>
      %add3A_2192 = arith.addf %scan3A_2176, %get3A_2191 : vector<16xf32>
      %get3A_2193 = arith.index_cast %scan3A_2174 : i32 to index
      %get3A_2194 = arith.constant 544 : index
      %get3A_2195 = tpu.vector_load %arg6[%get3A_2193, %get3A_2194] {strides = array<i32>} : memref<64x1024xf32, #tpu.memory_space<vmem>>, vector<1x16xf32>,
      %get3A_2196 = vector.shape_cast %get3A_2195 : vector<1x16xf32> to vector<16xf32>
      %add3A_2197 = arith.addf %scan3A_2177, %get3A_2196 : vector<16xf32>
      %get3A_2198 = arith.index_cast %scan3A_2174 : i32 to index
      %get3A_2199 = arith.constant 560 : index
      %get3A_2200 = tpu.vector_load %arg6[%get3A_2198, %get3A_2199] {strides = array<i32>} : memref<64x1024xf32, #tpu.memory_space<vmem>>, vector<1x16xf32>,
      %get3A_2201 = vector.shape_cast %get3A_2200 : vector<1x16xf32> to vector<16xf32>
      %add3A_2202 = arith.addf %scan3A_2178, %get3A_2201 : vector<16xf32>
      %get3A_2203 = arith.index_cast %scan3A_2174 : i32 to index
      %get3A_2204 = arith.constant 576 : index
      %get3A_2205 = tpu.vector_load %arg6[%get3A_2203, %get3A_2204] {strides = array<i32>} : memref<64x1024xf32, #tpu.memory_space<vmem>>, vector<1x16xf32>,
      %get3A_2206 = vector.shape_cast %get3A_2205 : vector<1x16xf32> to vector<16xf32>
      %add3A_2207 = arith.addf %scan3A_2179, %get3A_2206 : vector<16xf32>
      %get3A_2208 = arith.index_cast %scan3A_2174 : i32 to index
      %get3A_2209 = arith.constant 592 : index
      %get3A_2210 = tpu.vector_load %arg6[%get3A_2208, %get3A_2209] {strides = array<i32>} : memref<64x1024xf32, #tpu.memory_space<vmem>>, vector<1x16xf32>,
      %get3A_2211 = vector.shape_cast %get3A_2210 : vector<1x16xf32> to vector<16xf32>
      %add3A_2212 = arith.addf %scan3A_2180, %get3A_2211 : vector<16xf32>
      %get3A_2213 = arith.index_cast %scan3A_2174 : i32 to index
      %get3A_2214 = arith.constant 608 : index
      %get3A_2215 = tpu.vector_load %arg6[%get3A_2213, %get3A_2214] {strides = array<i32>} : memref<64x1024xf32, #tpu.memory_space<vmem>>, vector<1x16xf32>,
      %get3A_2216 = vector.shape_cast %get3A_2215 : vector<1x16xf32> to vector<16xf32>
      %add3A_2217 = arith.addf %scan3A_2181, %get3A_2216 : vector<16xf32>
      %get3A_2218 = arith.index_cast %scan3A_2174 : i32 to index
      %get3A_2219 = arith.constant 624 : index
      %get3A_2220 = tpu.vector_load %arg6[%get3A_2218, %get3A_2219] {strides = array<i32>} : memref<64x1024xf32, #tpu.memory_space<vmem>>, vector<1x16xf32>,
      %get3A_2221 = vector.shape_cast %get3A_2220 : vector<1x16xf32> to vector<16xf32>
      %add3A_2222 = arith.addf %scan3A_2182, %get3A_2221 : vector<16xf32>
      scf.yield %add3A_2187, %add3A_2192, %add3A_2197, %add3A_2202, %add3A_2207, %add3A_2212, %add3A_2217, %add3A_2222 : vector<16xf32>, vector<16xf32>, vector<16xf32>, vector<16xf32>, vector<16xf32>, vector<16xf32>, vector<16xf32>, vector<16xf32>
    }
    %scan3A_1451 = arith.constant 16 : i32
    %swap3A_1452 = arith.constant 512 : index
    %swap3A_1453 = tpu.vector_load %arg7[%swap3A_1452] {strides = array<i32>} : memref<1024xf32, #tpu.memory_space<vmem>>, vector<16xf32>,
    %swap3A_1454 = vector.shape_cast %swap3A_1453 : vector<16xf32> to vector<16xf32>
    %swap3A_1455 = vector.shape_cast %scan3A_1450#0 : vector<16xf32> to vector<16xf32>
    tpu.vector_store %arg7[%swap3A_1452], %swap3A_1455 {strides = array<i32>} : memref<1024xf32, #tpu.memory_space<vmem>>, vector<16xf32>,
    %swap3A_1456 = arith.constant 528 : index
    %swap3A_1457 = tpu.vector_load %arg7[%swap3A_1456] {strides = array<i32>} : memref<1024xf32, #tpu.memory_space<vmem>>, vector<16xf32>,
    %swap3A_1458 = vector.shape_cast %swap3A_1457 : vector<16xf32> to vector<16xf32>
    %swap3A_1459 = vector.shape_cast %scan3A_1450#1 : vector<16xf32> to vector<16xf32>
    tpu.vector_store %arg7[%swap3A_1456], %swap3A_1459 {strides = array<i32>} : memref<1024xf32, #tpu.memory_space<vmem>>, vector<16xf32>,
    %swap3A_1460 = arith.constant 544 : index
    %swap3A_1461 = tpu.vector_load %arg7[%swap3A_1460] {strides = array<i32>} : memref<1024xf32, #tpu.memory_space<vmem>>, vector<16xf32>,
    %swap3A_1462 = vector.shape_cast %swap3A_1461 : vector<16xf32> to vector<16xf32>
    %swap3A_1463 = vector.shape_cast %scan3A_1450#2 : vector<16xf32> to vector<16xf32>
    tpu.vector_store %arg7[%swap3A_1460], %swap3A_1463 {strides = array<i32>} : memref<1024xf32, #tpu.memory_space<vmem>>, vector<16xf32>,
    %swap3A_1464 = arith.constant 560 : index
    %swap3A_1465 = tpu.vector_load %arg7[%swap3A_1464] {strides = array<i32>} : memref<1024xf32, #tpu.memory_space<vmem>>, vector<16xf32>,
    %swap3A_1466 = vector.shape_cast %swap3A_1465 : vector<16xf32> to vector<16xf32>
    %swap3A_1467 = vector.shape_cast %scan3A_1450#3 : vector<16xf32> to vector<16xf32>
    tpu.vector_store %arg7[%swap3A_1464], %swap3A_1467 {strides = array<i32>} : memref<1024xf32, #tpu.memory_space<vmem>>, vector<16xf32>,
    %swap3A_1468 = arith.constant 576 : index
    %swap3A_1469 = tpu.vector_load %arg7[%swap3A_1468] {strides = array<i32>} : memref<1024xf32, #tpu.memory_space<vmem>>, vector<16xf32>,
    %swap3A_1470 = vector.shape_cast %swap3A_1469 : vector<16xf32> to vector<16xf32>
    %swap3A_1471 = vector.shape_cast %scan3A_1450#4 : vector<16xf32> to vector<16xf32>
    tpu.vector_store %arg7[%swap3A_1468], %swap3A_1471 {strides = array<i32>} : memref<1024xf32, #tpu.memory_space<vmem>>, vector<16xf32>,
    %swap3A_1472 = arith.constant 592 : index
    %swap3A_1473 = tpu.vector_load %arg7[%swap3A_1472] {strides = array<i32>} : memref<1024xf32, #tpu.memory_space<vmem>>, vector<16xf32>,
    %swap3A_1474 = vector.shape_cast %swap3A_1473 : vector<16xf32> to vector<16xf32>
    %swap3A_1475 = vector.shape_cast %scan3A_1450#5 : vector<16xf32> to vector<16xf32>
    tpu.vector_store %arg7[%swap3A_1472], %swap3A_1475 {strides = array<i32>} : memref<1024xf32, #tpu.memory_space<vmem>>, vector<16xf32>,
    %swap3A_1476 = arith.constant 608 : index
    %swap3A_1477 = tpu.vector_load %arg7[%swap3A_1476] {strides = array<i32>} : memref<1024xf32, #tpu.memory_space<vmem>>, vector<16xf32>,
    %swap3A_1478 = vector.shape_cast %swap3A_1477 : vector<16xf32> to vector<16xf32>
    %swap3A_1479 = vector.shape_cast %scan3A_1450#6 : vector<16xf32> to vector<16xf32>
    tpu.vector_store %arg7[%swap3A_1476], %swap3A_1479 {strides = array<i32>} : memref<1024xf32, #tpu.memory_space<vmem>>, vector<16xf32>,
    %swap3A_1480 = arith.constant 624 : index
    %swap3A_1481 = tpu.vector_load %arg7[%swap3A_1480] {strides = array<i32>} : memref<1024xf32, #tpu.memory_space<vmem>>, vector<16xf32>,
    %swap3A_1482 = vector.shape_cast %swap3A_1481 : vector<16xf32> to vector<16xf32>
    %swap3A_1483 = vector.shape_cast %scan3A_1450#7 : vector<16xf32> to vector<16xf32>
    tpu.vector_store %arg7[%swap3A_1480], %swap3A_1483 {strides = array<i32>} : memref<1024xf32, #tpu.memory_space<vmem>>, vector<16xf32>,
    %get3A_1484 = arith.constant 640 : index
    %get3A_1485 = tpu.vector_load %arg7[%get3A_1484] {strides = array<i32>} : memref<1024xf32, #tpu.memory_space<vmem>>, vector<16xf32>,
    %get3A_1486 = vector.shape_cast %get3A_1485 : vector<16xf32> to vector<16xf32>
    %get3A_1487 = arith.constant 656 : index
    %get3A_1488 = tpu.vector_load %arg7[%get3A_1487] {strides = array<i32>} : memref<1024xf32, #tpu.memory_space<vmem>>, vector<16xf32>,
    %get3A_1489 = vector.shape_cast %get3A_1488 : vector<16xf32> to vector<16xf32>
    %get3A_1490 = arith.constant 672 : index
    %get3A_1491 = tpu.vector_load %arg7[%get3A_1490] {strides = array<i32>} : memref<1024xf32, #tpu.memory_space<vmem>>, vector<16xf32>,
    %get3A_1492 = vector.shape_cast %get3A_1491 : vector<16xf32> to vector<16xf32>
    %get3A_1493 = arith.constant 688 : index
    %get3A_1494 = tpu.vector_load %arg7[%get3A_1493] {strides = array<i32>} : memref<1024xf32, #tpu.memory_space<vmem>>, vector<16xf32>,
    %get3A_1495 = vector.shape_cast %get3A_1494 : vector<16xf32> to vector<16xf32>
    %get3A_1496 = arith.constant 704 : index
    %get3A_1497 = tpu.vector_load %arg7[%get3A_1496] {strides = array<i32>} : memref<1024xf32, #tpu.memory_space<vmem>>, vector<16xf32>,
    %get3A_1498 = vector.shape_cast %get3A_1497 : vector<16xf32> to vector<16xf32>
    %get3A_1499 = arith.constant 720 : index
    %get3A_1500 = tpu.vector_load %arg7[%get3A_1499] {strides = array<i32>} : memref<1024xf32, #tpu.memory_space<vmem>>, vector<16xf32>,
    %get3A_1501 = vector.shape_cast %get3A_1500 : vector<16xf32> to vector<16xf32>
    %get3A_1502 = arith.constant 736 : index
    %get3A_1503 = tpu.vector_load %arg7[%get3A_1502] {strides = array<i32>} : memref<1024xf32, #tpu.memory_space<vmem>>, vector<16xf32>,
    %get3A_1504 = vector.shape_cast %get3A_1503 : vector<16xf32> to vector<16xf32>
    %get3A_1505 = arith.constant 752 : index
    %get3A_1506 = tpu.vector_load %arg7[%get3A_1505] {strides = array<i32>} : memref<1024xf32, #tpu.memory_space<vmem>>, vector<16xf32>,
    %get3A_1507 = vector.shape_cast %get3A_1506 : vector<16xf32> to vector<16xf32>
    %scan3A_1508 = arith.constant 32 : i32
    %scan3A_1509 = arith.constant 16 : i32
    %scan3A_1510 = arith.addi %scan3A_1508, %scan3A_1509 : i32
    %scan3A_1511 = arith.constant 1 : i32
    %scan3A_1512:8 = scf.for %scan3A_2174 = %scan3A_1508 to %scan3A_1510 step %scan3A_1511 iter_args(%scan3A_2175 = %get3A_1486, %scan3A_2176 = %get3A_1489, %scan3A_2177 = %get3A_1492, %scan3A_2178 = %get3A_1495, %scan3A_2179 = %get3A_1498, %scan3A_2180 = %get3A_1501, %scan3A_2181 = %get3A_1504, %scan3A_2182 = %get3A_1507) -> (vector<16xf32>, vector<16xf32>, vector<16xf32>, vector<16xf32>, vector<16xf32>, vector<16xf32>, vector<16xf32>, vector<16xf32>)  : i32 {
      %get3A_2183 = arith.index_cast %scan3A_2174 : i32 to index
      %get3A_2184 = arith.constant 640 : index
      %get3A_2185 = tpu.vector_load %arg6[%get3A_2183, %get3A_2184] {strides = array<i32>} : memref<64x1024xf32, #tpu.memory_space<vmem>>, vector<1x16xf32>,
      %get3A_2186 = vector.shape_cast %get3A_2185 : vector<1x16xf32> to vector<16xf32>
      %add3A_2187 = arith.addf %scan3A_2175, %get3A_2186 : vector<16xf32>
      %get3A_2188 = arith.index_cast %scan3A_2174 : i32 to index
      %get3A_2189 = arith.constant 656 : index
      %get3A_2190 = tpu.vector_load %arg6[%get3A_2188, %get3A_2189] {strides = array<i32>} : memref<64x1024xf32, #tpu.memory_space<vmem>>, vector<1x16xf32>,
      %get3A_2191 = vector.shape_cast %get3A_2190 : vector<1x16xf32> to vector<16xf32>
      %add3A_2192 = arith.addf %scan3A_2176, %get3A_2191 : vector<16xf32>
      %get3A_2193 = arith.index_cast %scan3A_2174 : i32 to index
      %get3A_2194 = arith.constant 672 : index
      %get3A_2195 = tpu.vector_load %arg6[%get3A_2193, %get3A_2194] {strides = array<i32>} : memref<64x1024xf32, #tpu.memory_space<vmem>>, vector<1x16xf32>,
      %get3A_2196 = vector.shape_cast %get3A_2195 : vector<1x16xf32> to vector<16xf32>
      %add3A_2197 = arith.addf %scan3A_2177, %get3A_2196 : vector<16xf32>
      %get3A_2198 = arith.index_cast %scan3A_2174 : i32 to index
      %get3A_2199 = arith.constant 688 : index
      %get3A_2200 = tpu.vector_load %arg6[%get3A_2198, %get3A_2199] {strides = array<i32>} : memref<64x1024xf32, #tpu.memory_space<vmem>>, vector<1x16xf32>,
      %get3A_2201 = vector.shape_cast %get3A_2200 : vector<1x16xf32> to vector<16xf32>
      %add3A_2202 = arith.addf %scan3A_2178, %get3A_2201 : vector<16xf32>
      %get3A_2203 = arith.index_cast %scan3A_2174 : i32 to index
      %get3A_2204 = arith.constant 704 : index
      %get3A_2205 = tpu.vector_load %arg6[%get3A_2203, %get3A_2204] {strides = array<i32>} : memref<64x1024xf32, #tpu.memory_space<vmem>>, vector<1x16xf32>,
      %get3A_2206 = vector.shape_cast %get3A_2205 : vector<1x16xf32> to vector<16xf32>
      %add3A_2207 = arith.addf %scan3A_2179, %get3A_2206 : vector<16xf32>
      %get3A_2208 = arith.index_cast %scan3A_2174 : i32 to index
      %get3A_2209 = arith.constant 720 : index
      %get3A_2210 = tpu.vector_load %arg6[%get3A_2208, %get3A_2209] {strides = array<i32>} : memref<64x1024xf32, #tpu.memory_space<vmem>>, vector<1x16xf32>,
      %get3A_2211 = vector.shape_cast %get3A_2210 : vector<1x16xf32> to vector<16xf32>
      %add3A_2212 = arith.addf %scan3A_2180, %get3A_2211 : vector<16xf32>
      %get3A_2213 = arith.index_cast %scan3A_2174 : i32 to index
      %get3A_2214 = arith.constant 736 : index
      %get3A_2215 = tpu.vector_load %arg6[%get3A_2213, %get3A_2214] {strides = array<i32>} : memref<64x1024xf32, #tpu.memory_space<vmem>>, vector<1x16xf32>,
      %get3A_2216 = vector.shape_cast %get3A_2215 : vector<1x16xf32> to vector<16xf32>
      %add3A_2217 = arith.addf %scan3A_2181, %get3A_2216 : vector<16xf32>
      %get3A_2218 = arith.index_cast %scan3A_2174 : i32 to index
      %get3A_2219 = arith.constant 752 : index
      %get3A_2220 = tpu.vector_load %arg6[%get3A_2218, %get3A_2219] {strides = array<i32>} : memref<64x1024xf32, #tpu.memory_space<vmem>>, vector<1x16xf32>,
      %get3A_2221 = vector.shape_cast %get3A_2220 : vector<1x16xf32> to vector<16xf32>
      %add3A_2222 = arith.addf %scan3A_2182, %get3A_2221 : vector<16xf32>
      scf.yield %add3A_2187, %add3A_2192, %add3A_2197, %add3A_2202, %add3A_2207, %add3A_2212, %add3A_2217, %add3A_2222 : vector<16xf32>, vector<16xf32>, vector<16xf32>, vector<16xf32>, vector<16xf32>, vector<16xf32>, vector<16xf32>, vector<16xf32>
    }
    %scan3A_1513 = arith.constant 16 : i32
    %swap3A_1514 = arith.constant 640 : index
    %swap3A_1515 = tpu.vector_load %arg7[%swap3A_1514] {strides = array<i32>} : memref<1024xf32, #tpu.memory_space<vmem>>, vector<16xf32>,
    %swap3A_1516 = vector.shape_cast %swap3A_1515 : vector<16xf32> to vector<16xf32>
    %swap3A_1517 = vector.shape_cast %scan3A_1512#0 : vector<16xf32> to vector<16xf32>
    tpu.vector_store %arg7[%swap3A_1514], %swap3A_1517 {strides = array<i32>} : memref<1024xf32, #tpu.memory_space<vmem>>, vector<16xf32>,
    %swap3A_1518 = arith.constant 656 : index
    %swap3A_1519 = tpu.vector_load %arg7[%swap3A_1518] {strides = array<i32>} : memref<1024xf32, #tpu.memory_space<vmem>>, vector<16xf32>,
    %swap3A_1520 = vector.shape_cast %swap3A_1519 : vector<16xf32> to vector<16xf32>
    %swap3A_1521 = vector.shape_cast %scan3A_1512#1 : vector<16xf32> to vector<16xf32>
    tpu.vector_store %arg7[%swap3A_1518], %swap3A_1521 {strides = array<i32>} : memref<1024xf32, #tpu.memory_space<vmem>>, vector<16xf32>,
    %swap3A_1522 = arith.constant 672 : index
    %swap3A_1523 = tpu.vector_load %arg7[%swap3A_1522] {strides = array<i32>} : memref<1024xf32, #tpu.memory_space<vmem>>, vector<16xf32>,
    %swap3A_1524 = vector.shape_cast %swap3A_1523 : vector<16xf32> to vector<16xf32>
    %swap3A_1525 = vector.shape_cast %scan3A_1512#2 : vector<16xf32> to vector<16xf32>
    tpu.vector_store %arg7[%swap3A_1522], %swap3A_1525 {strides = array<i32>} : memref<1024xf32, #tpu.memory_space<vmem>>, vector<16xf32>,
    %swap3A_1526 = arith.constant 688 : index
    %swap3A_1527 = tpu.vector_load %arg7[%swap3A_1526] {strides = array<i32>} : memref<1024xf32, #tpu.memory_space<vmem>>, vector<16xf32>,
    %swap3A_1528 = vector.shape_cast %swap3A_1527 : vector<16xf32> to vector<16xf32>
    %swap3A_1529 = vector.shape_cast %scan3A_1512#3 : vector<16xf32> to vector<16xf32>
    tpu.vector_store %arg7[%swap3A_1526], %swap3A_1529 {strides = array<i32>} : memref<1024xf32, #tpu.memory_space<vmem>>, vector<16xf32>,
    %swap3A_1530 = arith.constant 704 : index
    %swap3A_1531 = tpu.vector_load %arg7[%swap3A_1530] {strides = array<i32>} : memref<1024xf32, #tpu.memory_space<vmem>>, vector<16xf32>,
    %swap3A_1532 = vector.shape_cast %swap3A_1531 : vector<16xf32> to vector<16xf32>
    %swap3A_1533 = vector.shape_cast %scan3A_1512#4 : vector<16xf32> to vector<16xf32>
    tpu.vector_store %arg7[%swap3A_1530], %swap3A_1533 {strides = array<i32>} : memref<1024xf32, #tpu.memory_space<vmem>>, vector<16xf32>,
    %swap3A_1534 = arith.constant 720 : index
    %swap3A_1535 = tpu.vector_load %arg7[%swap3A_1534] {strides = array<i32>} : memref<1024xf32, #tpu.memory_space<vmem>>, vector<16xf32>,
    %swap3A_1536 = vector.shape_cast %swap3A_1535 : vector<16xf32> to vector<16xf32>
    %swap3A_1537 = vector.shape_cast %scan3A_1512#5 : vector<16xf32> to vector<16xf32>
    tpu.vector_store %arg7[%swap3A_1534], %swap3A_1537 {strides = array<i32>} : memref<1024xf32, #tpu.memory_space<vmem>>, vector<16xf32>,
    %swap3A_1538 = arith.constant 736 : index
    %swap3A_1539 = tpu.vector_load %arg7[%swap3A_1538] {strides = array<i32>} : memref<1024xf32, #tpu.memory_space<vmem>>, vector<16xf32>,
    %swap3A_1540 = vector.shape_cast %swap3A_1539 : vector<16xf32> to vector<16xf32>
    %swap3A_1541 = vector.shape_cast %scan3A_1512#6 : vector<16xf32> to vector<16xf32>
    tpu.vector_store %arg7[%swap3A_1538], %swap3A_1541 {strides = array<i32>} : memref<1024xf32, #tpu.memory_space<vmem>>, vector<16xf32>,
    %swap3A_1542 = arith.constant 752 : index
    %swap3A_1543 = tpu.vector_load %arg7[%swap3A_1542] {strides = array<i32>} : memref<1024xf32, #tpu.memory_space<vmem>>, vector<16xf32>,
    %swap3A_1544 = vector.shape_cast %swap3A_1543 : vector<16xf32> to vector<16xf32>
    %swap3A_1545 = vector.shape_cast %scan3A_1512#7 : vector<16xf32> to vector<16xf32>
    tpu.vector_store %arg7[%swap3A_1542], %swap3A_1545 {strides = array<i32>} : memref<1024xf32, #tpu.memory_space<vmem>>, vector<16xf32>,
    %get3A_1546 = arith.constant 768 : index
    %get3A_1547 = tpu.vector_load %arg7[%get3A_1546] {strides = array<i32>} : memref<1024xf32, #tpu.memory_space<vmem>>, vector<16xf32>,
    %get3A_1548 = vector.shape_cast %get3A_1547 : vector<16xf32> to vector<16xf32>
    %get3A_1549 = arith.constant 784 : index
    %get3A_1550 = tpu.vector_load %arg7[%get3A_1549] {strides = array<i32>} : memref<1024xf32, #tpu.memory_space<vmem>>, vector<16xf32>,
    %get3A_1551 = vector.shape_cast %get3A_1550 : vector<16xf32> to vector<16xf32>
    %get3A_1552 = arith.constant 800 : index
    %get3A_1553 = tpu.vector_load %arg7[%get3A_1552] {strides = array<i32>} : memref<1024xf32, #tpu.memory_space<vmem>>, vector<16xf32>,
    %get3A_1554 = vector.shape_cast %get3A_1553 : vector<16xf32> to vector<16xf32>
    %get3A_1555 = arith.constant 816 : index
    %get3A_1556 = tpu.vector_load %arg7[%get3A_1555] {strides = array<i32>} : memref<1024xf32, #tpu.memory_space<vmem>>, vector<16xf32>,
    %get3A_1557 = vector.shape_cast %get3A_1556 : vector<16xf32> to vector<16xf32>
    %get3A_1558 = arith.constant 832 : index
    %get3A_1559 = tpu.vector_load %arg7[%get3A_1558] {strides = array<i32>} : memref<1024xf32, #tpu.memory_space<vmem>>, vector<16xf32>,
    %get3A_1560 = vector.shape_cast %get3A_1559 : vector<16xf32> to vector<16xf32>
    %get3A_1561 = arith.constant 848 : index
    %get3A_1562 = tpu.vector_load %arg7[%get3A_1561] {strides = array<i32>} : memref<1024xf32, #tpu.memory_space<vmem>>, vector<16xf32>,
    %get3A_1563 = vector.shape_cast %get3A_1562 : vector<16xf32> to vector<16xf32>
    %get3A_1564 = arith.constant 864 : index
    %get3A_1565 = tpu.vector_load %arg7[%get3A_1564] {strides = array<i32>} : memref<1024xf32, #tpu.memory_space<vmem>>, vector<16xf32>,
    %get3A_1566 = vector.shape_cast %get3A_1565 : vector<16xf32> to vector<16xf32>
    %get3A_1567 = arith.constant 880 : index
    %get3A_1568 = tpu.vector_load %arg7[%get3A_1567] {strides = array<i32>} : memref<1024xf32, #tpu.memory_space<vmem>>, vector<16xf32>,
    %get3A_1569 = vector.shape_cast %get3A_1568 : vector<16xf32> to vector<16xf32>
    %scan3A_1570 = arith.constant 32 : i32
    %scan3A_1571 = arith.constant 16 : i32
    %scan3A_1572 = arith.addi %scan3A_1570, %scan3A_1571 : i32
    %scan3A_1573 = arith.constant 1 : i32
    %scan3A_1574:8 = scf.for %scan3A_2174 = %scan3A_1570 to %scan3A_1572 step %scan3A_1573 iter_args(%scan3A_2175 = %get3A_1548, %scan3A_2176 = %get3A_1551, %scan3A_2177 = %get3A_1554, %scan3A_2178 = %get3A_1557, %scan3A_2179 = %get3A_1560, %scan3A_2180 = %get3A_1563, %scan3A_2181 = %get3A_1566, %scan3A_2182 = %get3A_1569) -> (vector<16xf32>, vector<16xf32>, vector<16xf32>, vector<16xf32>, vector<16xf32>, vector<16xf32>, vector<16xf32>, vector<16xf32>)  : i32 {
      %get3A_2183 = arith.index_cast %scan3A_2174 : i32 to index
      %get3A_2184 = arith.constant 768 : index
      %get3A_2185 = tpu.vector_load %arg6[%get3A_2183, %get3A_2184] {strides = array<i32>} : memref<64x1024xf32, #tpu.memory_space<vmem>>, vector<1x16xf32>,
      %get3A_2186 = vector.shape_cast %get3A_2185 : vector<1x16xf32> to vector<16xf32>
      %add3A_2187 = arith.addf %scan3A_2175, %get3A_2186 : vector<16xf32>
      %get3A_2188 = arith.index_cast %scan3A_2174 : i32 to index
      %get3A_2189 = arith.constant 784 : index
      %get3A_2190 = tpu.vector_load %arg6[%get3A_2188, %get3A_2189] {strides = array<i32>} : memref<64x1024xf32, #tpu.memory_space<vmem>>, vector<1x16xf32>,
      %get3A_2191 = vector.shape_cast %get3A_2190 : vector<1x16xf32> to vector<16xf32>
      %add3A_2192 = arith.addf %scan3A_2176, %get3A_2191 : vector<16xf32>
      %get3A_2193 = arith.index_cast %scan3A_2174 : i32 to index
      %get3A_2194 = arith.constant 800 : index
      %get3A_2195 = tpu.vector_load %arg6[%get3A_2193, %get3A_2194] {strides = array<i32>} : memref<64x1024xf32, #tpu.memory_space<vmem>>, vector<1x16xf32>,
      %get3A_2196 = vector.shape_cast %get3A_2195 : vector<1x16xf32> to vector<16xf32>
      %add3A_2197 = arith.addf %scan3A_2177, %get3A_2196 : vector<16xf32>
      %get3A_2198 = arith.index_cast %scan3A_2174 : i32 to index
      %get3A_2199 = arith.constant 816 : index
      %get3A_2200 = tpu.vector_load %arg6[%get3A_2198, %get3A_2199] {strides = array<i32>} : memref<64x1024xf32, #tpu.memory_space<vmem>>, vector<1x16xf32>,
      %get3A_2201 = vector.shape_cast %get3A_2200 : vector<1x16xf32> to vector<16xf32>
      %add3A_2202 = arith.addf %scan3A_2178, %get3A_2201 : vector<16xf32>
      %get3A_2203 = arith.index_cast %scan3A_2174 : i32 to index
      %get3A_2204 = arith.constant 832 : index
      %get3A_2205 = tpu.vector_load %arg6[%get3A_2203, %get3A_2204] {strides = array<i32>} : memref<64x1024xf32, #tpu.memory_space<vmem>>, vector<1x16xf32>,
      %get3A_2206 = vector.shape_cast %get3A_2205 : vector<1x16xf32> to vector<16xf32>
      %add3A_2207 = arith.addf %scan3A_2179, %get3A_2206 : vector<16xf32>
      %get3A_2208 = arith.index_cast %scan3A_2174 : i32 to index
      %get3A_2209 = arith.constant 848 : index
      %get3A_2210 = tpu.vector_load %arg6[%get3A_2208, %get3A_2209] {strides = array<i32>} : memref<64x1024xf32, #tpu.memory_space<vmem>>, vector<1x16xf32>,
      %get3A_2211 = vector.shape_cast %get3A_2210 : vector<1x16xf32> to vector<16xf32>
      %add3A_2212 = arith.addf %scan3A_2180, %get3A_2211 : vector<16xf32>
      %get3A_2213 = arith.index_cast %scan3A_2174 : i32 to index
      %get3A_2214 = arith.constant 864 : index
      %get3A_2215 = tpu.vector_load %arg6[%get3A_2213, %get3A_2214] {strides = array<i32>} : memref<64x1024xf32, #tpu.memory_space<vmem>>, vector<1x16xf32>,
      %get3A_2216 = vector.shape_cast %get3A_2215 : vector<1x16xf32> to vector<16xf32>
      %add3A_2217 = arith.addf %scan3A_2181, %get3A_2216 : vector<16xf32>
      %get3A_2218 = arith.index_cast %scan3A_2174 : i32 to index
      %get3A_2219 = arith.constant 880 : index
      %get3A_2220 = tpu.vector_load %arg6[%get3A_2218, %get3A_2219] {strides = array<i32>} : memref<64x1024xf32, #tpu.memory_space<vmem>>, vector<1x16xf32>,
      %get3A_2221 = vector.shape_cast %get3A_2220 : vector<1x16xf32> to vector<16xf32>
      %add3A_2222 = arith.addf %scan3A_2182, %get3A_2221 : vector<16xf32>
      scf.yield %add3A_2187, %add3A_2192, %add3A_2197, %add3A_2202, %add3A_2207, %add3A_2212, %add3A_2217, %add3A_2222 : vector<16xf32>, vector<16xf32>, vector<16xf32>, vector<16xf32>, vector<16xf32>, vector<16xf32>, vector<16xf32>, vector<16xf32>
    }
    %scan3A_1575 = arith.constant 16 : i32
    %swap3A_1576 = arith.constant 768 : index
    %swap3A_1577 = tpu.vector_load %arg7[%swap3A_1576] {strides = array<i32>} : memref<1024xf32, #tpu.memory_space<vmem>>, vector<16xf32>,
    %swap3A_1578 = vector.shape_cast %swap3A_1577 : vector<16xf32> to vector<16xf32>
    %swap3A_1579 = vector.shape_cast %scan3A_1574#0 : vector<16xf32> to vector<16xf32>
    tpu.vector_store %arg7[%swap3A_1576], %swap3A_1579 {strides = array<i32>} : memref<1024xf32, #tpu.memory_space<vmem>>, vector<16xf32>,
    %swap3A_1580 = arith.constant 784 : index
    %swap3A_1581 = tpu.vector_load %arg7[%swap3A_1580] {strides = array<i32>} : memref<1024xf32, #tpu.memory_space<vmem>>, vector<16xf32>,
    %swap3A_1582 = vector.shape_cast %swap3A_1581 : vector<16xf32> to vector<16xf32>
    %swap3A_1583 = vector.shape_cast %scan3A_1574#1 : vector<16xf32> to vector<16xf32>
    tpu.vector_store %arg7[%swap3A_1580], %swap3A_1583 {strides = array<i32>} : memref<1024xf32, #tpu.memory_space<vmem>>, vector<16xf32>,
    %swap3A_1584 = arith.constant 800 : index
    %swap3A_1585 = tpu.vector_load %arg7[%swap3A_1584] {strides = array<i32>} : memref<1024xf32, #tpu.memory_space<vmem>>, vector<16xf32>,
    %swap3A_1586 = vector.shape_cast %swap3A_1585 : vector<16xf32> to vector<16xf32>
    %swap3A_1587 = vector.shape_cast %scan3A_1574#2 : vector<16xf32> to vector<16xf32>
    tpu.vector_store %arg7[%swap3A_1584], %swap3A_1587 {strides = array<i32>} : memref<1024xf32, #tpu.memory_space<vmem>>, vector<16xf32>,
    %swap3A_1588 = arith.constant 816 : index
    %swap3A_1589 = tpu.vector_load %arg7[%swap3A_1588] {strides = array<i32>} : memref<1024xf32, #tpu.memory_space<vmem>>, vector<16xf32>,
    %swap3A_1590 = vector.shape_cast %swap3A_1589 : vector<16xf32> to vector<16xf32>
    %swap3A_1591 = vector.shape_cast %scan3A_1574#3 : vector<16xf32> to vector<16xf32>
    tpu.vector_store %arg7[%swap3A_1588], %swap3A_1591 {strides = array<i32>} : memref<1024xf32, #tpu.memory_space<vmem>>, vector<16xf32>,
    %swap3A_1592 = arith.constant 832 : index
    %swap3A_1593 = tpu.vector_load %arg7[%swap3A_1592] {strides = array<i32>} : memref<1024xf32, #tpu.memory_space<vmem>>, vector<16xf32>,
    %swap3A_1594 = vector.shape_cast %swap3A_1593 : vector<16xf32> to vector<16xf32>
    %swap3A_1595 = vector.shape_cast %scan3A_1574#4 : vector<16xf32> to vector<16xf32>
    tpu.vector_store %arg7[%swap3A_1592], %swap3A_1595 {strides = array<i32>} : memref<1024xf32, #tpu.memory_space<vmem>>, vector<16xf32>,
    %swap3A_1596 = arith.constant 848 : index
    %swap3A_1597 = tpu.vector_load %arg7[%swap3A_1596] {strides = array<i32>} : memref<1024xf32, #tpu.memory_space<vmem>>, vector<16xf32>,
    %swap3A_1598 = vector.shape_cast %swap3A_1597 : vector<16xf32> to vector<16xf32>
    %swap3A_1599 = vector.shape_cast %scan3A_1574#5 : vector<16xf32> to vector<16xf32>
    tpu.vector_store %arg7[%swap3A_1596], %swap3A_1599 {strides = array<i32>} : memref<1024xf32, #tpu.memory_space<vmem>>, vector<16xf32>,
    %swap3A_1600 = arith.constant 864 : index
    %swap3A_1601 = tpu.vector_load %arg7[%swap3A_1600] {strides = array<i32>} : memref<1024xf32, #tpu.memory_space<vmem>>, vector<16xf32>,
    %swap3A_1602 = vector.shape_cast %swap3A_1601 : vector<16xf32> to vector<16xf32>
    %swap3A_1603 = vector.shape_cast %scan3A_1574#6 : vector<16xf32> to vector<16xf32>
    tpu.vector_store %arg7[%swap3A_1600], %swap3A_1603 {strides = array<i32>} : memref<1024xf32, #tpu.memory_space<vmem>>, vector<16xf32>,
    %swap3A_1604 = arith.constant 880 : index
    %swap3A_1605 = tpu.vector_load %arg7[%swap3A_1604] {strides = array<i32>} : memref<1024xf32, #tpu.memory_space<vmem>>, vector<16xf32>,
    %swap3A_1606 = vector.shape_cast %swap3A_1605 : vector<16xf32> to vector<16xf32>
    %swap3A_1607 = vector.shape_cast %scan3A_1574#7 : vector<16xf32> to vector<16xf32>
    tpu.vector_store %arg7[%swap3A_1604], %swap3A_1607 {strides = array<i32>} : memref<1024xf32, #tpu.memory_space<vmem>>, vector<16xf32>,
    %get3A_1608 = arith.constant 896 : index
    %get3A_1609 = tpu.vector_load %arg7[%get3A_1608] {strides = array<i32>} : memref<1024xf32, #tpu.memory_space<vmem>>, vector<16xf32>,
    %get3A_1610 = vector.shape_cast %get3A_1609 : vector<16xf32> to vector<16xf32>
    %get3A_1611 = arith.constant 912 : index
    %get3A_1612 = tpu.vector_load %arg7[%get3A_1611] {strides = array<i32>} : memref<1024xf32, #tpu.memory_space<vmem>>, vector<16xf32>,
    %get3A_1613 = vector.shape_cast %get3A_1612 : vector<16xf32> to vector<16xf32>
    %get3A_1614 = arith.constant 928 : index
    %get3A_1615 = tpu.vector_load %arg7[%get3A_1614] {strides = array<i32>} : memref<1024xf32, #tpu.memory_space<vmem>>, vector<16xf32>,
    %get3A_1616 = vector.shape_cast %get3A_1615 : vector<16xf32> to vector<16xf32>
    %get3A_1617 = arith.constant 944 : index
    %get3A_1618 = tpu.vector_load %arg7[%get3A_1617] {strides = array<i32>} : memref<1024xf32, #tpu.memory_space<vmem>>, vector<16xf32>,
    %get3A_1619 = vector.shape_cast %get3A_1618 : vector<16xf32> to vector<16xf32>
    %get3A_1620 = arith.constant 960 : index
    %get3A_1621 = tpu.vector_load %arg7[%get3A_1620] {strides = array<i32>} : memref<1024xf32, #tpu.memory_space<vmem>>, vector<16xf32>,
    %get3A_1622 = vector.shape_cast %get3A_1621 : vector<16xf32> to vector<16xf32>
    %get3A_1623 = arith.constant 976 : index
    %get3A_1624 = tpu.vector_load %arg7[%get3A_1623] {strides = array<i32>} : memref<1024xf32, #tpu.memory_space<vmem>>, vector<16xf32>,
    %get3A_1625 = vector.shape_cast %get3A_1624 : vector<16xf32> to vector<16xf32>
    %get3A_1626 = arith.constant 992 : index
    %get3A_1627 = tpu.vector_load %arg7[%get3A_1626] {strides = array<i32>} : memref<1024xf32, #tpu.memory_space<vmem>>, vector<16xf32>,
    %get3A_1628 = vector.shape_cast %get3A_1627 : vector<16xf32> to vector<16xf32>
    %get3A_1629 = arith.constant 1008 : index
    %get3A_1630 = tpu.vector_load %arg7[%get3A_1629] {strides = array<i32>} : memref<1024xf32, #tpu.memory_space<vmem>>, vector<16xf32>,
    %get3A_1631 = vector.shape_cast %get3A_1630 : vector<16xf32> to vector<16xf32>
    %scan3A_1632 = arith.constant 32 : i32
    %scan3A_1633 = arith.constant 16 : i32
    %scan3A_1634 = arith.addi %scan3A_1632, %scan3A_1633 : i32
    %scan3A_1635 = arith.constant 1 : i32
    %scan3A_1636:8 = scf.for %scan3A_2174 = %scan3A_1632 to %scan3A_1634 step %scan3A_1635 iter_args(%scan3A_2175 = %get3A_1610, %scan3A_2176 = %get3A_1613, %scan3A_2177 = %get3A_1616, %scan3A_2178 = %get3A_1619, %scan3A_2179 = %get3A_1622, %scan3A_2180 = %get3A_1625, %scan3A_2181 = %get3A_1628, %scan3A_2182 = %get3A_1631) -> (vector<16xf32>, vector<16xf32>, vector<16xf32>, vector<16xf32>, vector<16xf32>, vector<16xf32>, vector<16xf32>, vector<16xf32>)  : i32 {
      %get3A_2183 = arith.index_cast %scan3A_2174 : i32 to index
      %get3A_2184 = arith.constant 896 : index
      %get3A_2185 = tpu.vector_load %arg6[%get3A_2183, %get3A_2184] {strides = array<i32>} : memref<64x1024xf32, #tpu.memory_space<vmem>>, vector<1x16xf32>,
      %get3A_2186 = vector.shape_cast %get3A_2185 : vector<1x16xf32> to vector<16xf32>
      %add3A_2187 = arith.addf %scan3A_2175, %get3A_2186 : vector<16xf32>
      %get3A_2188 = arith.index_cast %scan3A_2174 : i32 to index
      %get3A_2189 = arith.constant 912 : index
      %get3A_2190 = tpu.vector_load %arg6[%get3A_2188, %get3A_2189] {strides = array<i32>} : memref<64x1024xf32, #tpu.memory_space<vmem>>, vector<1x16xf32>,
      %get3A_2191 = vector.shape_cast %get3A_2190 : vector<1x16xf32> to vector<16xf32>
      %add3A_2192 = arith.addf %scan3A_2176, %get3A_2191 : vector<16xf32>
      %get3A_2193 = arith.index_cast %scan3A_2174 : i32 to index
      %get3A_2194 = arith.constant 928 : index
      %get3A_2195 = tpu.vector_load %arg6[%get3A_2193, %get3A_2194] {strides = array<i32>} : memref<64x1024xf32, #tpu.memory_space<vmem>>, vector<1x16xf32>,
      %get3A_2196 = vector.shape_cast %get3A_2195 : vector<1x16xf32> to vector<16xf32>
      %add3A_2197 = arith.addf %scan3A_2177, %get3A_2196 : vector<16xf32>
      %get3A_2198 = arith.index_cast %scan3A_2174 : i32 to index
      %get3A_2199 = arith.constant 944 : index
      %get3A_2200 = tpu.vector_load %arg6[%get3A_2198, %get3A_2199] {strides = array<i32>} : memref<64x1024xf32, #tpu.memory_space<vmem>>, vector<1x16xf32>,
      %get3A_2201 = vector.shape_cast %get3A_2200 : vector<1x16xf32> to vector<16xf32>
      %add3A_2202 = arith.addf %scan3A_2178, %get3A_2201 : vector<16xf32>
      %get3A_2203 = arith.index_cast %scan3A_2174 : i32 to index
      %get3A_2204 = arith.constant 960 : index
      %get3A_2205 = tpu.vector_load %arg6[%get3A_2203, %get3A_2204] {strides = array<i32>} : memref<64x1024xf32, #tpu.memory_space<vmem>>, vector<1x16xf32>,
      %get3A_2206 = vector.shape_cast %get3A_2205 : vector<1x16xf32> to vector<16xf32>
      %add3A_2207 = arith.addf %scan3A_2179, %get3A_2206 : vector<16xf32>
      %get3A_2208 = arith.index_cast %scan3A_2174 : i32 to index
      %get3A_2209 = arith.constant 976 : index
      %get3A_2210 = tpu.vector_load %arg6[%get3A_2208, %get3A_2209] {strides = array<i32>} : memref<64x1024xf32, #tpu.memory_space<vmem>>, vector<1x16xf32>,
      %get3A_2211 = vector.shape_cast %get3A_2210 : vector<1x16xf32> to vector<16xf32>
      %add3A_2212 = arith.addf %scan3A_2180, %get3A_2211 : vector<16xf32>
      %get3A_2213 = arith.index_cast %scan3A_2174 : i32 to index
      %get3A_2214 = arith.constant 992 : index
      %get3A_2215 = tpu.vector_load %arg6[%get3A_2213, %get3A_2214] {strides = array<i32>} : memref<64x1024xf32, #tpu.memory_space<vmem>>, vector<1x16xf32>,
      %get3A_2216 = vector.shape_cast %get3A_2215 : vector<1x16xf32> to vector<16xf32>
      %add3A_2217 = arith.addf %scan3A_2181, %get3A_2216 : vector<16xf32>
      %get3A_2218 = arith.index_cast %scan3A_2174 : i32 to index
      %get3A_2219 = arith.constant 1008 : index
      %get3A_2220 = tpu.vector_load %arg6[%get3A_2218, %get3A_2219] {strides = array<i32>} : memref<64x1024xf32, #tpu.memory_space<vmem>>, vector<1x16xf32>,
      %get3A_2221 = vector.shape_cast %get3A_2220 : vector<1x16xf32> to vector<16xf32>
      %add3A_2222 = arith.addf %scan3A_2182, %get3A_2221 : vector<16xf32>
      scf.yield %add3A_2187, %add3A_2192, %add3A_2197, %add3A_2202, %add3A_2207, %add3A_2212, %add3A_2217, %add3A_2222 : vector<16xf32>, vector<16xf32>, vector<16xf32>, vector<16xf32>, vector<16xf32>, vector<16xf32>, vector<16xf32>, vector<16xf32>
    }
    %scan3A_1637 = arith.constant 16 : i32
    %swap3A_1638 = arith.constant 896 : index
    %swap3A_1639 = tpu.vector_load %arg7[%swap3A_1638] {strides = array<i32>} : memref<1024xf32, #tpu.memory_space<vmem>>, vector<16xf32>,
    %swap3A_1640 = vector.shape_cast %swap3A_1639 : vector<16xf32> to vector<16xf32>
    %swap3A_1641 = vector.shape_cast %scan3A_1636#0 : vector<16xf32> to vector<16xf32>
    tpu.vector_store %arg7[%swap3A_1638], %swap3A_1641 {strides = array<i32>} : memref<1024xf32, #tpu.memory_space<vmem>>, vector<16xf32>,
    %swap3A_1642 = arith.constant 912 : index
    %swap3A_1643 = tpu.vector_load %arg7[%swap3A_1642] {strides = array<i32>} : memref<1024xf32, #tpu.memory_space<vmem>>, vector<16xf32>,
    %swap3A_1644 = vector.shape_cast %swap3A_1643 : vector<16xf32> to vector<16xf32>
    %swap3A_1645 = vector.shape_cast %scan3A_1636#1 : vector<16xf32> to vector<16xf32>
    tpu.vector_store %arg7[%swap3A_1642], %swap3A_1645 {strides = array<i32>} : memref<1024xf32, #tpu.memory_space<vmem>>, vector<16xf32>,
    %swap3A_1646 = arith.constant 928 : index
    %swap3A_1647 = tpu.vector_load %arg7[%swap3A_1646] {strides = array<i32>} : memref<1024xf32, #tpu.memory_space<vmem>>, vector<16xf32>,
    %swap3A_1648 = vector.shape_cast %swap3A_1647 : vector<16xf32> to vector<16xf32>
    %swap3A_1649 = vector.shape_cast %scan3A_1636#2 : vector<16xf32> to vector<16xf32>
    tpu.vector_store %arg7[%swap3A_1646], %swap3A_1649 {strides = array<i32>} : memref<1024xf32, #tpu.memory_space<vmem>>, vector<16xf32>,
    %swap3A_1650 = arith.constant 944 : index
    %swap3A_1651 = tpu.vector_load %arg7[%swap3A_1650] {strides = array<i32>} : memref<1024xf32, #tpu.memory_space<vmem>>, vector<16xf32>,
    %swap3A_1652 = vector.shape_cast %swap3A_1651 : vector<16xf32> to vector<16xf32>
    %swap3A_1653 = vector.shape_cast %scan3A_1636#3 : vector<16xf32> to vector<16xf32>
    tpu.vector_store %arg7[%swap3A_1650], %swap3A_1653 {strides = array<i32>} : memref<1024xf32, #tpu.memory_space<vmem>>, vector<16xf32>,
    %swap3A_1654 = arith.constant 960 : index
    %swap3A_1655 = tpu.vector_load %arg7[%swap3A_1654] {strides = array<i32>} : memref<1024xf32, #tpu.memory_space<vmem>>, vector<16xf32>,
    %swap3A_1656 = vector.shape_cast %swap3A_1655 : vector<16xf32> to vector<16xf32>
    %swap3A_1657 = vector.shape_cast %scan3A_1636#4 : vector<16xf32> to vector<16xf32>
    tpu.vector_store %arg7[%swap3A_1654], %swap3A_1657 {strides = array<i32>} : memref<1024xf32, #tpu.memory_space<vmem>>, vector<16xf32>,
    %swap3A_1658 = arith.constant 976 : index
    %swap3A_1659 = tpu.vector_load %arg7[%swap3A_1658] {strides = array<i32>} : memref<1024xf32, #tpu.memory_space<vmem>>, vector<16xf32>,
    %swap3A_1660 = vector.shape_cast %swap3A_1659 : vector<16xf32> to vector<16xf32>
    %swap3A_1661 = vector.shape_cast %scan3A_1636#5 : vector<16xf32> to vector<16xf32>
    tpu.vector_store %arg7[%swap3A_1658], %swap3A_1661 {strides = array<i32>} : memref<1024xf32, #tpu.memory_space<vmem>>, vector<16xf32>,
    %swap3A_1662 = arith.constant 992 : index
    %swap3A_1663 = tpu.vector_load %arg7[%swap3A_1662] {strides = array<i32>} : memref<1024xf32, #tpu.memory_space<vmem>>, vector<16xf32>,
    %swap3A_1664 = vector.shape_cast %swap3A_1663 : vector<16xf32> to vector<16xf32>
    %swap3A_1665 = vector.shape_cast %scan3A_1636#6 : vector<16xf32> to vector<16xf32>
    tpu.vector_store %arg7[%swap3A_1662], %swap3A_1665 {strides = array<i32>} : memref<1024xf32, #tpu.memory_space<vmem>>, vector<16xf32>,
    %swap3A_1666 = arith.constant 1008 : index
    %swap3A_1667 = tpu.vector_load %arg7[%swap3A_1666] {strides = array<i32>} : memref<1024xf32, #tpu.memory_space<vmem>>, vector<16xf32>,
    %swap3A_1668 = vector.shape_cast %swap3A_1667 : vector<16xf32> to vector<16xf32>
    %swap3A_1669 = vector.shape_cast %scan3A_1636#7 : vector<16xf32> to vector<16xf32>
    tpu.vector_store %arg7[%swap3A_1666], %swap3A_1669 {strides = array<i32>} : memref<1024xf32, #tpu.memory_space<vmem>>, vector<16xf32>,
    %dma_wait3A_1670 = arith.constant 48 : i32
    %dma_wait3A_1671 = arith.constant 0 : i32
    %dma_wait3A_1672 = tpu.memref_slice %arg6[%dma_wait3A_1670, %dma_wait3A_1671] : memref<64x1024xf32, #tpu.memory_space<vmem>> -> memref<16x1024xf32, #tpu.memory_space<vmem>>
    %dma_wait3A_1673 = arith.constant 48 : i32
    %dma_wait3A_1674 = tpu.memref_slice %arg5[%dma_wait3A_1673] : memref<64xi32, #tpu.memory_space<vmem>> -> memref<16xi32, #tpu.memory_space<vmem>>
    %dma_wait3A_1675 = arith.constant 0 : i32
    %dma_wait3A_1676 = arith.constant 0 : i32
    %dma_wait3A_1677 = tpu.memref_slice %arg3[%dma_wait3A_1675, %dma_wait3A_1676] : memref<100000x1024xf32, #tpu.memory_space<hbm>> -> memref<100000x1024xf32, #tpu.memory_space<hbm>>
    tpu.wait_indirect_dma semaphore(%arg11 : memref<!tpu.dma_semaphore, #tpu.memory_space<semaphore_mem>>) src(%dma_wait3A_1677 : memref<100000x1024xf32, #tpu.memory_space<hbm>>) dst(%dma_wait3A_1672 : memref<16x1024xf32, #tpu.memory_space<vmem>>)
    %get3A_1678 = arith.constant 0 : index
    %get3A_1679 = tpu.vector_load %arg7[%get3A_1678] {strides = array<i32>} : memref<1024xf32, #tpu.memory_space<vmem>>, vector<16xf32>,
    %get3A_1680 = vector.shape_cast %get3A_1679 : vector<16xf32> to vector<16xf32>
    %get3A_1681 = arith.constant 16 : index
    %get3A_1682 = tpu.vector_load %arg7[%get3A_1681] {strides = array<i32>} : memref<1024xf32, #tpu.memory_space<vmem>>, vector<16xf32>,
    %get3A_1683 = vector.shape_cast %get3A_1682 : vector<16xf32> to vector<16xf32>
    %get3A_1684 = arith.constant 32 : index
    %get3A_1685 = tpu.vector_load %arg7[%get3A_1684] {strides = array<i32>} : memref<1024xf32, #tpu.memory_space<vmem>>, vector<16xf32>,
    %get3A_1686 = vector.shape_cast %get3A_1685 : vector<16xf32> to vector<16xf32>
    %get3A_1687 = arith.constant 48 : index
    %get3A_1688 = tpu.vector_load %arg7[%get3A_1687] {strides = array<i32>} : memref<1024xf32, #tpu.memory_space<vmem>>, vector<16xf32>,
    %get3A_1689 = vector.shape_cast %get3A_1688 : vector<16xf32> to vector<16xf32>
    %get3A_1690 = arith.constant 64 : index
    %get3A_1691 = tpu.vector_load %arg7[%get3A_1690] {strides = array<i32>} : memref<1024xf32, #tpu.memory_space<vmem>>, vector<16xf32>,
    %get3A_1692 = vector.shape_cast %get3A_1691 : vector<16xf32> to vector<16xf32>
    %get3A_1693 = arith.constant 80 : index
    %get3A_1694 = tpu.vector_load %arg7[%get3A_1693] {strides = array<i32>} : memref<1024xf32, #tpu.memory_space<vmem>>, vector<16xf32>,
    %get3A_1695 = vector.shape_cast %get3A_1694 : vector<16xf32> to vector<16xf32>
    %get3A_1696 = arith.constant 96 : index
    %get3A_1697 = tpu.vector_load %arg7[%get3A_1696] {strides = array<i32>} : memref<1024xf32, #tpu.memory_space<vmem>>, vector<16xf32>,
    %get3A_1698 = vector.shape_cast %get3A_1697 : vector<16xf32> to vector<16xf32>
    %get3A_1699 = arith.constant 112 : index
    %get3A_1700 = tpu.vector_load %arg7[%get3A_1699] {strides = array<i32>} : memref<1024xf32, #tpu.memory_space<vmem>>, vector<16xf32>,
    %get3A_1701 = vector.shape_cast %get3A_1700 : vector<16xf32> to vector<16xf32>
    %scan3A_1702 = arith.constant 48 : i32
    %scan3A_1703 = arith.constant 16 : i32
    %scan3A_1704 = arith.addi %scan3A_1702, %scan3A_1703 : i32
    %scan3A_1705 = arith.constant 1 : i32
    %scan3A_1706:8 = scf.for %scan3A_2174 = %scan3A_1702 to %scan3A_1704 step %scan3A_1705 iter_args(%scan3A_2175 = %get3A_1680, %scan3A_2176 = %get3A_1683, %scan3A_2177 = %get3A_1686, %scan3A_2178 = %get3A_1689, %scan3A_2179 = %get3A_1692, %scan3A_2180 = %get3A_1695, %scan3A_2181 = %get3A_1698, %scan3A_2182 = %get3A_1701) -> (vector<16xf32>, vector<16xf32>, vector<16xf32>, vector<16xf32>, vector<16xf32>, vector<16xf32>, vector<16xf32>, vector<16xf32>)  : i32 {
      %get3A_2183 = arith.index_cast %scan3A_2174 : i32 to index
      %get3A_2184 = arith.constant 0 : index
      %get3A_2185 = tpu.vector_load %arg6[%get3A_2183, %get3A_2184] {strides = array<i32>} : memref<64x1024xf32, #tpu.memory_space<vmem>>, vector<1x16xf32>,
      %get3A_2186 = vector.shape_cast %get3A_2185 : vector<1x16xf32> to vector<16xf32>
      %add3A_2187 = arith.addf %scan3A_2175, %get3A_2186 : vector<16xf32>
      %get3A_2188 = arith.index_cast %scan3A_2174 : i32 to index
      %get3A_2189 = arith.constant 16 : index
      %get3A_2190 = tpu.vector_load %arg6[%get3A_2188, %get3A_2189] {strides = array<i32>} : memref<64x1024xf32, #tpu.memory_space<vmem>>, vector<1x16xf32>,
      %get3A_2191 = vector.shape_cast %get3A_2190 : vector<1x16xf32> to vector<16xf32>
      %add3A_2192 = arith.addf %scan3A_2176, %get3A_2191 : vector<16xf32>
      %get3A_2193 = arith.index_cast %scan3A_2174 : i32 to index
      %get3A_2194 = arith.constant 32 : index
      %get3A_2195 = tpu.vector_load %arg6[%get3A_2193, %get3A_2194] {strides = array<i32>} : memref<64x1024xf32, #tpu.memory_space<vmem>>, vector<1x16xf32>,
      %get3A_2196 = vector.shape_cast %get3A_2195 : vector<1x16xf32> to vector<16xf32>
      %add3A_2197 = arith.addf %scan3A_2177, %get3A_2196 : vector<16xf32>
      %get3A_2198 = arith.index_cast %scan3A_2174 : i32 to index
      %get3A_2199 = arith.constant 48 : index
      %get3A_2200 = tpu.vector_load %arg6[%get3A_2198, %get3A_2199] {strides = array<i32>} : memref<64x1024xf32, #tpu.memory_space<vmem>>, vector<1x16xf32>,
      %get3A_2201 = vector.shape_cast %get3A_2200 : vector<1x16xf32> to vector<16xf32>
      %add3A_2202 = arith.addf %scan3A_2178, %get3A_2201 : vector<16xf32>
      %get3A_2203 = arith.index_cast %scan3A_2174 : i32 to index
      %get3A_2204 = arith.constant 64 : index
      %get3A_2205 = tpu.vector_load %arg6[%get3A_2203, %get3A_2204] {strides = array<i32>} : memref<64x1024xf32, #tpu.memory_space<vmem>>, vector<1x16xf32>,
      %get3A_2206 = vector.shape_cast %get3A_2205 : vector<1x16xf32> to vector<16xf32>
      %add3A_2207 = arith.addf %scan3A_2179, %get3A_2206 : vector<16xf32>
      %get3A_2208 = arith.index_cast %scan3A_2174 : i32 to index
      %get3A_2209 = arith.constant 80 : index
      %get3A_2210 = tpu.vector_load %arg6[%get3A_2208, %get3A_2209] {strides = array<i32>} : memref<64x1024xf32, #tpu.memory_space<vmem>>, vector<1x16xf32>,
      %get3A_2211 = vector.shape_cast %get3A_2210 : vector<1x16xf32> to vector<16xf32>
      %add3A_2212 = arith.addf %scan3A_2180, %get3A_2211 : vector<16xf32>
      %get3A_2213 = arith.index_cast %scan3A_2174 : i32 to index
      %get3A_2214 = arith.constant 96 : index
      %get3A_2215 = tpu.vector_load %arg6[%get3A_2213, %get3A_2214] {strides = array<i32>} : memref<64x1024xf32, #tpu.memory_space<vmem>>, vector<1x16xf32>,
      %get3A_2216 = vector.shape_cast %get3A_2215 : vector<1x16xf32> to vector<16xf32>
      %add3A_2217 = arith.addf %scan3A_2181, %get3A_2216 : vector<16xf32>
      %get3A_2218 = arith.index_cast %scan3A_2174 : i32 to index
      %get3A_2219 = arith.constant 112 : index
      %get3A_2220 = tpu.vector_load %arg6[%get3A_2218, %get3A_2219] {strides = array<i32>} : memref<64x1024xf32, #tpu.memory_space<vmem>>, vector<1x16xf32>,
      %get3A_2221 = vector.shape_cast %get3A_2220 : vector<1x16xf32> to vector<16xf32>
      %add3A_2222 = arith.addf %scan3A_2182, %get3A_2221 : vector<16xf32>
      scf.yield %add3A_2187, %add3A_2192, %add3A_2197, %add3A_2202, %add3A_2207, %add3A_2212, %add3A_2217, %add3A_2222 : vector<16xf32>, vector<16xf32>, vector<16xf32>, vector<16xf32>, vector<16xf32>, vector<16xf32>, vector<16xf32>, vector<16xf32>
    }
    %scan3A_1707 = arith.constant 16 : i32
    %swap3A_1708 = arith.constant 0 : index
    %swap3A_1709 = tpu.vector_load %arg7[%swap3A_1708] {strides = array<i32>} : memref<1024xf32, #tpu.memory_space<vmem>>, vector<16xf32>,
    %swap3A_1710 = vector.shape_cast %swap3A_1709 : vector<16xf32> to vector<16xf32>
    %swap3A_1711 = vector.shape_cast %scan3A_1706#0 : vector<16xf32> to vector<16xf32>
    tpu.vector_store %arg7[%swap3A_1708], %swap3A_1711 {strides = array<i32>} : memref<1024xf32, #tpu.memory_space<vmem>>, vector<16xf32>,
    %swap3A_1712 = arith.constant 16 : index
    %swap3A_1713 = tpu.vector_load %arg7[%swap3A_1712] {strides = array<i32>} : memref<1024xf32, #tpu.memory_space<vmem>>, vector<16xf32>,
    %swap3A_1714 = vector.shape_cast %swap3A_1713 : vector<16xf32> to vector<16xf32>
    %swap3A_1715 = vector.shape_cast %scan3A_1706#1 : vector<16xf32> to vector<16xf32>
    tpu.vector_store %arg7[%swap3A_1712], %swap3A_1715 {strides = array<i32>} : memref<1024xf32, #tpu.memory_space<vmem>>, vector<16xf32>,
    %swap3A_1716 = arith.constant 32 : index
    %swap3A_1717 = tpu.vector_load %arg7[%swap3A_1716] {strides = array<i32>} : memref<1024xf32, #tpu.memory_space<vmem>>, vector<16xf32>,
    %swap3A_1718 = vector.shape_cast %swap3A_1717 : vector<16xf32> to vector<16xf32>
    %swap3A_1719 = vector.shape_cast %scan3A_1706#2 : vector<16xf32> to vector<16xf32>
    tpu.vector_store %arg7[%swap3A_1716], %swap3A_1719 {strides = array<i32>} : memref<1024xf32, #tpu.memory_space<vmem>>, vector<16xf32>,
    %swap3A_1720 = arith.constant 48 : index
    %swap3A_1721 = tpu.vector_load %arg7[%swap3A_1720] {strides = array<i32>} : memref<1024xf32, #tpu.memory_space<vmem>>, vector<16xf32>,
    %swap3A_1722 = vector.shape_cast %swap3A_1721 : vector<16xf32> to vector<16xf32>
    %swap3A_1723 = vector.shape_cast %scan3A_1706#3 : vector<16xf32> to vector<16xf32>
    tpu.vector_store %arg7[%swap3A_1720], %swap3A_1723 {strides = array<i32>} : memref<1024xf32, #tpu.memory_space<vmem>>, vector<16xf32>,
    %swap3A_1724 = arith.constant 64 : index
    %swap3A_1725 = tpu.vector_load %arg7[%swap3A_1724] {strides = array<i32>} : memref<1024xf32, #tpu.memory_space<vmem>>, vector<16xf32>,
    %swap3A_1726 = vector.shape_cast %swap3A_1725 : vector<16xf32> to vector<16xf32>
    %swap3A_1727 = vector.shape_cast %scan3A_1706#4 : vector<16xf32> to vector<16xf32>
    tpu.vector_store %arg7[%swap3A_1724], %swap3A_1727 {strides = array<i32>} : memref<1024xf32, #tpu.memory_space<vmem>>, vector<16xf32>,
    %swap3A_1728 = arith.constant 80 : index
    %swap3A_1729 = tpu.vector_load %arg7[%swap3A_1728] {strides = array<i32>} : memref<1024xf32, #tpu.memory_space<vmem>>, vector<16xf32>,
    %swap3A_1730 = vector.shape_cast %swap3A_1729 : vector<16xf32> to vector<16xf32>
    %swap3A_1731 = vector.shape_cast %scan3A_1706#5 : vector<16xf32> to vector<16xf32>
    tpu.vector_store %arg7[%swap3A_1728], %swap3A_1731 {strides = array<i32>} : memref<1024xf32, #tpu.memory_space<vmem>>, vector<16xf32>,
    %swap3A_1732 = arith.constant 96 : index
    %swap3A_1733 = tpu.vector_load %arg7[%swap3A_1732] {strides = array<i32>} : memref<1024xf32, #tpu.memory_space<vmem>>, vector<16xf32>,
    %swap3A_1734 = vector.shape_cast %swap3A_1733 : vector<16xf32> to vector<16xf32>
    %swap3A_1735 = vector.shape_cast %scan3A_1706#6 : vector<16xf32> to vector<16xf32>
    tpu.vector_store %arg7[%swap3A_1732], %swap3A_1735 {strides = array<i32>} : memref<1024xf32, #tpu.memory_space<vmem>>, vector<16xf32>,
    %swap3A_1736 = arith.constant 112 : index
    %swap3A_1737 = tpu.vector_load %arg7[%swap3A_1736] {strides = array<i32>} : memref<1024xf32, #tpu.memory_space<vmem>>, vector<16xf32>,
    %swap3A_1738 = vector.shape_cast %swap3A_1737 : vector<16xf32> to vector<16xf32>
    %swap3A_1739 = vector.shape_cast %scan3A_1706#7 : vector<16xf32> to vector<16xf32>
    tpu.vector_store %arg7[%swap3A_1736], %swap3A_1739 {strides = array<i32>} : memref<1024xf32, #tpu.memory_space<vmem>>, vector<16xf32>,
    %get3A_1740 = arith.constant 128 : index
    %get3A_1741 = tpu.vector_load %arg7[%get3A_1740] {strides = array<i32>} : memref<1024xf32, #tpu.memory_space<vmem>>, vector<16xf32>,
    %get3A_1742 = vector.shape_cast %get3A_1741 : vector<16xf32> to vector<16xf32>
    %get3A_1743 = arith.constant 144 : index
    %get3A_1744 = tpu.vector_load %arg7[%get3A_1743] {strides = array<i32>} : memref<1024xf32, #tpu.memory_space<vmem>>, vector<16xf32>,
    %get3A_1745 = vector.shape_cast %get3A_1744 : vector<16xf32> to vector<16xf32>
    %get3A_1746 = arith.constant 160 : index
    %get3A_1747 = tpu.vector_load %arg7[%get3A_1746] {strides = array<i32>} : memref<1024xf32, #tpu.memory_space<vmem>>, vector<16xf32>,
    %get3A_1748 = vector.shape_cast %get3A_1747 : vector<16xf32> to vector<16xf32>
    %get3A_1749 = arith.constant 176 : index
    %get3A_1750 = tpu.vector_load %arg7[%get3A_1749] {strides = array<i32>} : memref<1024xf32, #tpu.memory_space<vmem>>, vector<16xf32>,
    %get3A_1751 = vector.shape_cast %get3A_1750 : vector<16xf32> to vector<16xf32>
    %get3A_1752 = arith.constant 192 : index
    %get3A_1753 = tpu.vector_load %arg7[%get3A_1752] {strides = array<i32>} : memref<1024xf32, #tpu.memory_space<vmem>>, vector<16xf32>,
    %get3A_1754 = vector.shape_cast %get3A_1753 : vector<16xf32> to vector<16xf32>
    %get3A_1755 = arith.constant 208 : index
    %get3A_1756 = tpu.vector_load %arg7[%get3A_1755] {strides = array<i32>} : memref<1024xf32, #tpu.memory_space<vmem>>, vector<16xf32>,
    %get3A_1757 = vector.shape_cast %get3A_1756 : vector<16xf32> to vector<16xf32>
    %get3A_1758 = arith.constant 224 : index
    %get3A_1759 = tpu.vector_load %arg7[%get3A_1758] {strides = array<i32>} : memref<1024xf32, #tpu.memory_space<vmem>>, vector<16xf32>,
    %get3A_1760 = vector.shape_cast %get3A_1759 : vector<16xf32> to vector<16xf32>
    %get3A_1761 = arith.constant 240 : index
    %get3A_1762 = tpu.vector_load %arg7[%get3A_1761] {strides = array<i32>} : memref<1024xf32, #tpu.memory_space<vmem>>, vector<16xf32>,
    %get3A_1763 = vector.shape_cast %get3A_1762 : vector<16xf32> to vector<16xf32>
    %scan3A_1764 = arith.constant 48 : i32
    %scan3A_1765 = arith.constant 16 : i32
    %scan3A_1766 = arith.addi %scan3A_1764, %scan3A_1765 : i32
    %scan3A_1767 = arith.constant 1 : i32
    %scan3A_1768:8 = scf.for %scan3A_2174 = %scan3A_1764 to %scan3A_1766 step %scan3A_1767 iter_args(%scan3A_2175 = %get3A_1742, %scan3A_2176 = %get3A_1745, %scan3A_2177 = %get3A_1748, %scan3A_2178 = %get3A_1751, %scan3A_2179 = %get3A_1754, %scan3A_2180 = %get3A_1757, %scan3A_2181 = %get3A_1760, %scan3A_2182 = %get3A_1763) -> (vector<16xf32>, vector<16xf32>, vector<16xf32>, vector<16xf32>, vector<16xf32>, vector<16xf32>, vector<16xf32>, vector<16xf32>)  : i32 {
      %get3A_2183 = arith.index_cast %scan3A_2174 : i32 to index
      %get3A_2184 = arith.constant 128 : index
      %get3A_2185 = tpu.vector_load %arg6[%get3A_2183, %get3A_2184] {strides = array<i32>} : memref<64x1024xf32, #tpu.memory_space<vmem>>, vector<1x16xf32>,
      %get3A_2186 = vector.shape_cast %get3A_2185 : vector<1x16xf32> to vector<16xf32>
      %add3A_2187 = arith.addf %scan3A_2175, %get3A_2186 : vector<16xf32>
      %get3A_2188 = arith.index_cast %scan3A_2174 : i32 to index
      %get3A_2189 = arith.constant 144 : index
      %get3A_2190 = tpu.vector_load %arg6[%get3A_2188, %get3A_2189] {strides = array<i32>} : memref<64x1024xf32, #tpu.memory_space<vmem>>, vector<1x16xf32>,
      %get3A_2191 = vector.shape_cast %get3A_2190 : vector<1x16xf32> to vector<16xf32>
      %add3A_2192 = arith.addf %scan3A_2176, %get3A_2191 : vector<16xf32>
      %get3A_2193 = arith.index_cast %scan3A_2174 : i32 to index
      %get3A_2194 = arith.constant 160 : index
      %get3A_2195 = tpu.vector_load %arg6[%get3A_2193, %get3A_2194] {strides = array<i32>} : memref<64x1024xf32, #tpu.memory_space<vmem>>, vector<1x16xf32>,
      %get3A_2196 = vector.shape_cast %get3A_2195 : vector<1x16xf32> to vector<16xf32>
      %add3A_2197 = arith.addf %scan3A_2177, %get3A_2196 : vector<16xf32>
      %get3A_2198 = arith.index_cast %scan3A_2174 : i32 to index
      %get3A_2199 = arith.constant 176 : index
      %get3A_2200 = tpu.vector_load %arg6[%get3A_2198, %get3A_2199] {strides = array<i32>} : memref<64x1024xf32, #tpu.memory_space<vmem>>, vector<1x16xf32>,
      %get3A_2201 = vector.shape_cast %get3A_2200 : vector<1x16xf32> to vector<16xf32>
      %add3A_2202 = arith.addf %scan3A_2178, %get3A_2201 : vector<16xf32>
      %get3A_2203 = arith.index_cast %scan3A_2174 : i32 to index
      %get3A_2204 = arith.constant 192 : index
      %get3A_2205 = tpu.vector_load %arg6[%get3A_2203, %get3A_2204] {strides = array<i32>} : memref<64x1024xf32, #tpu.memory_space<vmem>>, vector<1x16xf32>,
      %get3A_2206 = vector.shape_cast %get3A_2205 : vector<1x16xf32> to vector<16xf32>
      %add3A_2207 = arith.addf %scan3A_2179, %get3A_2206 : vector<16xf32>
      %get3A_2208 = arith.index_cast %scan3A_2174 : i32 to index
      %get3A_2209 = arith.constant 208 : index
      %get3A_2210 = tpu.vector_load %arg6[%get3A_2208, %get3A_2209] {strides = array<i32>} : memref<64x1024xf32, #tpu.memory_space<vmem>>, vector<1x16xf32>,
      %get3A_2211 = vector.shape_cast %get3A_2210 : vector<1x16xf32> to vector<16xf32>
      %add3A_2212 = arith.addf %scan3A_2180, %get3A_2211 : vector<16xf32>
      %get3A_2213 = arith.index_cast %scan3A_2174 : i32 to index
      %get3A_2214 = arith.constant 224 : index
      %get3A_2215 = tpu.vector_load %arg6[%get3A_2213, %get3A_2214] {strides = array<i32>} : memref<64x1024xf32, #tpu.memory_space<vmem>>, vector<1x16xf32>,
      %get3A_2216 = vector.shape_cast %get3A_2215 : vector<1x16xf32> to vector<16xf32>
      %add3A_2217 = arith.addf %scan3A_2181, %get3A_2216 : vector<16xf32>
      %get3A_2218 = arith.index_cast %scan3A_2174 : i32 to index
      %get3A_2219 = arith.constant 240 : index
      %get3A_2220 = tpu.vector_load %arg6[%get3A_2218, %get3A_2219] {strides = array<i32>} : memref<64x1024xf32, #tpu.memory_space<vmem>>, vector<1x16xf32>,
      %get3A_2221 = vector.shape_cast %get3A_2220 : vector<1x16xf32> to vector<16xf32>
      %add3A_2222 = arith.addf %scan3A_2182, %get3A_2221 : vector<16xf32>
      scf.yield %add3A_2187, %add3A_2192, %add3A_2197, %add3A_2202, %add3A_2207, %add3A_2212, %add3A_2217, %add3A_2222 : vector<16xf32>, vector<16xf32>, vector<16xf32>, vector<16xf32>, vector<16xf32>, vector<16xf32>, vector<16xf32>, vector<16xf32>
    }
    %scan3A_1769 = arith.constant 16 : i32
    %swap3A_1770 = arith.constant 128 : index
    %swap3A_1771 = tpu.vector_load %arg7[%swap3A_1770] {strides = array<i32>} : memref<1024xf32, #tpu.memory_space<vmem>>, vector<16xf32>,
    %swap3A_1772 = vector.shape_cast %swap3A_1771 : vector<16xf32> to vector<16xf32>
    %swap3A_1773 = vector.shape_cast %scan3A_1768#0 : vector<16xf32> to vector<16xf32>
    tpu.vector_store %arg7[%swap3A_1770], %swap3A_1773 {strides = array<i32>} : memref<1024xf32, #tpu.memory_space<vmem>>, vector<16xf32>,
    %swap3A_1774 = arith.constant 144 : index
    %swap3A_1775 = tpu.vector_load %arg7[%swap3A_1774] {strides = array<i32>} : memref<1024xf32, #tpu.memory_space<vmem>>, vector<16xf32>,
    %swap3A_1776 = vector.shape_cast %swap3A_1775 : vector<16xf32> to vector<16xf32>
    %swap3A_1777 = vector.shape_cast %scan3A_1768#1 : vector<16xf32> to vector<16xf32>
    tpu.vector_store %arg7[%swap3A_1774], %swap3A_1777 {strides = array<i32>} : memref<1024xf32, #tpu.memory_space<vmem>>, vector<16xf32>,
    %swap3A_1778 = arith.constant 160 : index
    %swap3A_1779 = tpu.vector_load %arg7[%swap3A_1778] {strides = array<i32>} : memref<1024xf32, #tpu.memory_space<vmem>>, vector<16xf32>,
    %swap3A_1780 = vector.shape_cast %swap3A_1779 : vector<16xf32> to vector<16xf32>
    %swap3A_1781 = vector.shape_cast %scan3A_1768#2 : vector<16xf32> to vector<16xf32>
    tpu.vector_store %arg7[%swap3A_1778], %swap3A_1781 {strides = array<i32>} : memref<1024xf32, #tpu.memory_space<vmem>>, vector<16xf32>,
    %swap3A_1782 = arith.constant 176 : index
    %swap3A_1783 = tpu.vector_load %arg7[%swap3A_1782] {strides = array<i32>} : memref<1024xf32, #tpu.memory_space<vmem>>, vector<16xf32>,
    %swap3A_1784 = vector.shape_cast %swap3A_1783 : vector<16xf32> to vector<16xf32>
    %swap3A_1785 = vector.shape_cast %scan3A_1768#3 : vector<16xf32> to vector<16xf32>
    tpu.vector_store %arg7[%swap3A_1782], %swap3A_1785 {strides = array<i32>} : memref<1024xf32, #tpu.memory_space<vmem>>, vector<16xf32>,
    %swap3A_1786 = arith.constant 192 : index
    %swap3A_1787 = tpu.vector_load %arg7[%swap3A_1786] {strides = array<i32>} : memref<1024xf32, #tpu.memory_space<vmem>>, vector<16xf32>,
    %swap3A_1788 = vector.shape_cast %swap3A_1787 : vector<16xf32> to vector<16xf32>
    %swap3A_1789 = vector.shape_cast %scan3A_1768#4 : vector<16xf32> to vector<16xf32>
    tpu.vector_store %arg7[%swap3A_1786], %swap3A_1789 {strides = array<i32>} : memref<1024xf32, #tpu.memory_space<vmem>>, vector<16xf32>,
    %swap3A_1790 = arith.constant 208 : index
    %swap3A_1791 = tpu.vector_load %arg7[%swap3A_1790] {strides = array<i32>} : memref<1024xf32, #tpu.memory_space<vmem>>, vector<16xf32>,
    %swap3A_1792 = vector.shape_cast %swap3A_1791 : vector<16xf32> to vector<16xf32>
    %swap3A_1793 = vector.shape_cast %scan3A_1768#5 : vector<16xf32> to vector<16xf32>
    tpu.vector_store %arg7[%swap3A_1790], %swap3A_1793 {strides = array<i32>} : memref<1024xf32, #tpu.memory_space<vmem>>, vector<16xf32>,
    %swap3A_1794 = arith.constant 224 : index
    %swap3A_1795 = tpu.vector_load %arg7[%swap3A_1794] {strides = array<i32>} : memref<1024xf32, #tpu.memory_space<vmem>>, vector<16xf32>,
    %swap3A_1796 = vector.shape_cast %swap3A_1795 : vector<16xf32> to vector<16xf32>
    %swap3A_1797 = vector.shape_cast %scan3A_1768#6 : vector<16xf32> to vector<16xf32>
    tpu.vector_store %arg7[%swap3A_1794], %swap3A_1797 {strides = array<i32>} : memref<1024xf32, #tpu.memory_space<vmem>>, vector<16xf32>,
    %swap3A_1798 = arith.constant 240 : index
    %swap3A_1799 = tpu.vector_load %arg7[%swap3A_1798] {strides = array<i32>} : memref<1024xf32, #tpu.memory_space<vmem>>, vector<16xf32>,
    %swap3A_1800 = vector.shape_cast %swap3A_1799 : vector<16xf32> to vector<16xf32>
    %swap3A_1801 = vector.shape_cast %scan3A_1768#7 : vector<16xf32> to vector<16xf32>
    tpu.vector_store %arg7[%swap3A_1798], %swap3A_1801 {strides = array<i32>} : memref<1024xf32, #tpu.memory_space<vmem>>, vector<16xf32>,
    %get3A_1802 = arith.constant 256 : index
    %get3A_1803 = tpu.vector_load %arg7[%get3A_1802] {strides = array<i32>} : memref<1024xf32, #tpu.memory_space<vmem>>, vector<16xf32>,
    %get3A_1804 = vector.shape_cast %get3A_1803 : vector<16xf32> to vector<16xf32>
    %get3A_1805 = arith.constant 272 : index
    %get3A_1806 = tpu.vector_load %arg7[%get3A_1805] {strides = array<i32>} : memref<1024xf32, #tpu.memory_space<vmem>>, vector<16xf32>,
    %get3A_1807 = vector.shape_cast %get3A_1806 : vector<16xf32> to vector<16xf32>
    %get3A_1808 = arith.constant 288 : index
    %get3A_1809 = tpu.vector_load %arg7[%get3A_1808] {strides = array<i32>} : memref<1024xf32, #tpu.memory_space<vmem>>, vector<16xf32>,
    %get3A_1810 = vector.shape_cast %get3A_1809 : vector<16xf32> to vector<16xf32>
    %get3A_1811 = arith.constant 304 : index
    %get3A_1812 = tpu.vector_load %arg7[%get3A_1811] {strides = array<i32>} : memref<1024xf32, #tpu.memory_space<vmem>>, vector<16xf32>,
    %get3A_1813 = vector.shape_cast %get3A_1812 : vector<16xf32> to vector<16xf32>
    %get3A_1814 = arith.constant 320 : index
    %get3A_1815 = tpu.vector_load %arg7[%get3A_1814] {strides = array<i32>} : memref<1024xf32, #tpu.memory_space<vmem>>, vector<16xf32>,
    %get3A_1816 = vector.shape_cast %get3A_1815 : vector<16xf32> to vector<16xf32>
    %get3A_1817 = arith.constant 336 : index
    %get3A_1818 = tpu.vector_load %arg7[%get3A_1817] {strides = array<i32>} : memref<1024xf32, #tpu.memory_space<vmem>>, vector<16xf32>,
    %get3A_1819 = vector.shape_cast %get3A_1818 : vector<16xf32> to vector<16xf32>
    %get3A_1820 = arith.constant 352 : index
    %get3A_1821 = tpu.vector_load %arg7[%get3A_1820] {strides = array<i32>} : memref<1024xf32, #tpu.memory_space<vmem>>, vector<16xf32>,
    %get3A_1822 = vector.shape_cast %get3A_1821 : vector<16xf32> to vector<16xf32>
    %get3A_1823 = arith.constant 368 : index
    %get3A_1824 = tpu.vector_load %arg7[%get3A_1823] {strides = array<i32>} : memref<1024xf32, #tpu.memory_space<vmem>>, vector<16xf32>,
    %get3A_1825 = vector.shape_cast %get3A_1824 : vector<16xf32> to vector<16xf32>
    %scan3A_1826 = arith.constant 48 : i32
    %scan3A_1827 = arith.constant 16 : i32
    %scan3A_1828 = arith.addi %scan3A_1826, %scan3A_1827 : i32
    %scan3A_1829 = arith.constant 1 : i32
    %scan3A_1830:8 = scf.for %scan3A_2174 = %scan3A_1826 to %scan3A_1828 step %scan3A_1829 iter_args(%scan3A_2175 = %get3A_1804, %scan3A_2176 = %get3A_1807, %scan3A_2177 = %get3A_1810, %scan3A_2178 = %get3A_1813, %scan3A_2179 = %get3A_1816, %scan3A_2180 = %get3A_1819, %scan3A_2181 = %get3A_1822, %scan3A_2182 = %get3A_1825) -> (vector<16xf32>, vector<16xf32>, vector<16xf32>, vector<16xf32>, vector<16xf32>, vector<16xf32>, vector<16xf32>, vector<16xf32>)  : i32 {
      %get3A_2183 = arith.index_cast %scan3A_2174 : i32 to index
      %get3A_2184 = arith.constant 256 : index
      %get3A_2185 = tpu.vector_load %arg6[%get3A_2183, %get3A_2184] {strides = array<i32>} : memref<64x1024xf32, #tpu.memory_space<vmem>>, vector<1x16xf32>,
      %get3A_2186 = vector.shape_cast %get3A_2185 : vector<1x16xf32> to vector<16xf32>
      %add3A_2187 = arith.addf %scan3A_2175, %get3A_2186 : vector<16xf32>
      %get3A_2188 = arith.index_cast %scan3A_2174 : i32 to index
      %get3A_2189 = arith.constant 272 : index
      %get3A_2190 = tpu.vector_load %arg6[%get3A_2188, %get3A_2189] {strides = array<i32>} : memref<64x1024xf32, #tpu.memory_space<vmem>>, vector<1x16xf32>,
      %get3A_2191 = vector.shape_cast %get3A_2190 : vector<1x16xf32> to vector<16xf32>
      %add3A_2192 = arith.addf %scan3A_2176, %get3A_2191 : vector<16xf32>
      %get3A_2193 = arith.index_cast %scan3A_2174 : i32 to index
      %get3A_2194 = arith.constant 288 : index
      %get3A_2195 = tpu.vector_load %arg6[%get3A_2193, %get3A_2194] {strides = array<i32>} : memref<64x1024xf32, #tpu.memory_space<vmem>>, vector<1x16xf32>,
      %get3A_2196 = vector.shape_cast %get3A_2195 : vector<1x16xf32> to vector<16xf32>
      %add3A_2197 = arith.addf %scan3A_2177, %get3A_2196 : vector<16xf32>
      %get3A_2198 = arith.index_cast %scan3A_2174 : i32 to index
      %get3A_2199 = arith.constant 304 : index
      %get3A_2200 = tpu.vector_load %arg6[%get3A_2198, %get3A_2199] {strides = array<i32>} : memref<64x1024xf32, #tpu.memory_space<vmem>>, vector<1x16xf32>,
      %get3A_2201 = vector.shape_cast %get3A_2200 : vector<1x16xf32> to vector<16xf32>
      %add3A_2202 = arith.addf %scan3A_2178, %get3A_2201 : vector<16xf32>
      %get3A_2203 = arith.index_cast %scan3A_2174 : i32 to index
      %get3A_2204 = arith.constant 320 : index
      %get3A_2205 = tpu.vector_load %arg6[%get3A_2203, %get3A_2204] {strides = array<i32>} : memref<64x1024xf32, #tpu.memory_space<vmem>>, vector<1x16xf32>,
      %get3A_2206 = vector.shape_cast %get3A_2205 : vector<1x16xf32> to vector<16xf32>
      %add3A_2207 = arith.addf %scan3A_2179, %get3A_2206 : vector<16xf32>
      %get3A_2208 = arith.index_cast %scan3A_2174 : i32 to index
      %get3A_2209 = arith.constant 336 : index
      %get3A_2210 = tpu.vector_load %arg6[%get3A_2208, %get3A_2209] {strides = array<i32>} : memref<64x1024xf32, #tpu.memory_space<vmem>>, vector<1x16xf32>,
      %get3A_2211 = vector.shape_cast %get3A_2210 : vector<1x16xf32> to vector<16xf32>
      %add3A_2212 = arith.addf %scan3A_2180, %get3A_2211 : vector<16xf32>
      %get3A_2213 = arith.index_cast %scan3A_2174 : i32 to index
      %get3A_2214 = arith.constant 352 : index
      %get3A_2215 = tpu.vector_load %arg6[%get3A_2213, %get3A_2214] {strides = array<i32>} : memref<64x1024xf32, #tpu.memory_space<vmem>>, vector<1x16xf32>,
      %get3A_2216 = vector.shape_cast %get3A_2215 : vector<1x16xf32> to vector<16xf32>
      %add3A_2217 = arith.addf %scan3A_2181, %get3A_2216 : vector<16xf32>
      %get3A_2218 = arith.index_cast %scan3A_2174 : i32 to index
      %get3A_2219 = arith.constant 368 : index
      %get3A_2220 = tpu.vector_load %arg6[%get3A_2218, %get3A_2219] {strides = array<i32>} : memref<64x1024xf32, #tpu.memory_space<vmem>>, vector<1x16xf32>,
      %get3A_2221 = vector.shape_cast %get3A_2220 : vector<1x16xf32> to vector<16xf32>
      %add3A_2222 = arith.addf %scan3A_2182, %get3A_2221 : vector<16xf32>
      scf.yield %add3A_2187, %add3A_2192, %add3A_2197, %add3A_2202, %add3A_2207, %add3A_2212, %add3A_2217, %add3A_2222 : vector<16xf32>, vector<16xf32>, vector<16xf32>, vector<16xf32>, vector<16xf32>, vector<16xf32>, vector<16xf32>, vector<16xf32>
    }
    %scan3A_1831 = arith.constant 16 : i32
    %swap3A_1832 = arith.constant 256 : index
    %swap3A_1833 = tpu.vector_load %arg7[%swap3A_1832] {strides = array<i32>} : memref<1024xf32, #tpu.memory_space<vmem>>, vector<16xf32>,
    %swap3A_1834 = vector.shape_cast %swap3A_1833 : vector<16xf32> to vector<16xf32>
    %swap3A_1835 = vector.shape_cast %scan3A_1830#0 : vector<16xf32> to vector<16xf32>
    tpu.vector_store %arg7[%swap3A_1832], %swap3A_1835 {strides = array<i32>} : memref<1024xf32, #tpu.memory_space<vmem>>, vector<16xf32>,
    %swap3A_1836 = arith.constant 272 : index
    %swap3A_1837 = tpu.vector_load %arg7[%swap3A_1836] {strides = array<i32>} : memref<1024xf32, #tpu.memory_space<vmem>>, vector<16xf32>,
    %swap3A_1838 = vector.shape_cast %swap3A_1837 : vector<16xf32> to vector<16xf32>
    %swap3A_1839 = vector.shape_cast %scan3A_1830#1 : vector<16xf32> to vector<16xf32>
    tpu.vector_store %arg7[%swap3A_1836], %swap3A_1839 {strides = array<i32>} : memref<1024xf32, #tpu.memory_space<vmem>>, vector<16xf32>,
    %swap3A_1840 = arith.constant 288 : index
    %swap3A_1841 = tpu.vector_load %arg7[%swap3A_1840] {strides = array<i32>} : memref<1024xf32, #tpu.memory_space<vmem>>, vector<16xf32>,
    %swap3A_1842 = vector.shape_cast %swap3A_1841 : vector<16xf32> to vector<16xf32>
    %swap3A_1843 = vector.shape_cast %scan3A_1830#2 : vector<16xf32> to vector<16xf32>
    tpu.vector_store %arg7[%swap3A_1840], %swap3A_1843 {strides = array<i32>} : memref<1024xf32, #tpu.memory_space<vmem>>, vector<16xf32>,
    %swap3A_1844 = arith.constant 304 : index
    %swap3A_1845 = tpu.vector_load %arg7[%swap3A_1844] {strides = array<i32>} : memref<1024xf32, #tpu.memory_space<vmem>>, vector<16xf32>,
    %swap3A_1846 = vector.shape_cast %swap3A_1845 : vector<16xf32> to vector<16xf32>
    %swap3A_1847 = vector.shape_cast %scan3A_1830#3 : vector<16xf32> to vector<16xf32>
    tpu.vector_store %arg7[%swap3A_1844], %swap3A_1847 {strides = array<i32>} : memref<1024xf32, #tpu.memory_space<vmem>>, vector<16xf32>,
    %swap3A_1848 = arith.constant 320 : index
    %swap3A_1849 = tpu.vector_load %arg7[%swap3A_1848] {strides = array<i32>} : memref<1024xf32, #tpu.memory_space<vmem>>, vector<16xf32>,
    %swap3A_1850 = vector.shape_cast %swap3A_1849 : vector<16xf32> to vector<16xf32>
    %swap3A_1851 = vector.shape_cast %scan3A_1830#4 : vector<16xf32> to vector<16xf32>
    tpu.vector_store %arg7[%swap3A_1848], %swap3A_1851 {strides = array<i32>} : memref<1024xf32, #tpu.memory_space<vmem>>, vector<16xf32>,
    %swap3A_1852 = arith.constant 336 : index
    %swap3A_1853 = tpu.vector_load %arg7[%swap3A_1852] {strides = array<i32>} : memref<1024xf32, #tpu.memory_space<vmem>>, vector<16xf32>,
    %swap3A_1854 = vector.shape_cast %swap3A_1853 : vector<16xf32> to vector<16xf32>
    %swap3A_1855 = vector.shape_cast %scan3A_1830#5 : vector<16xf32> to vector<16xf32>
    tpu.vector_store %arg7[%swap3A_1852], %swap3A_1855 {strides = array<i32>} : memref<1024xf32, #tpu.memory_space<vmem>>, vector<16xf32>,
    %swap3A_1856 = arith.constant 352 : index
    %swap3A_1857 = tpu.vector_load %arg7[%swap3A_1856] {strides = array<i32>} : memref<1024xf32, #tpu.memory_space<vmem>>, vector<16xf32>,
    %swap3A_1858 = vector.shape_cast %swap3A_1857 : vector<16xf32> to vector<16xf32>
    %swap3A_1859 = vector.shape_cast %scan3A_1830#6 : vector<16xf32> to vector<16xf32>
    tpu.vector_store %arg7[%swap3A_1856], %swap3A_1859 {strides = array<i32>} : memref<1024xf32, #tpu.memory_space<vmem>>, vector<16xf32>,
    %swap3A_1860 = arith.constant 368 : index
    %swap3A_1861 = tpu.vector_load %arg7[%swap3A_1860] {strides = array<i32>} : memref<1024xf32, #tpu.memory_space<vmem>>, vector<16xf32>,
    %swap3A_1862 = vector.shape_cast %swap3A_1861 : vector<16xf32> to vector<16xf32>
    %swap3A_1863 = vector.shape_cast %scan3A_1830#7 : vector<16xf32> to vector<16xf32>
    tpu.vector_store %arg7[%swap3A_1860], %swap3A_1863 {strides = array<i32>} : memref<1024xf32, #tpu.memory_space<vmem>>, vector<16xf32>,
    %get3A_1864 = arith.constant 384 : index
    %get3A_1865 = tpu.vector_load %arg7[%get3A_1864] {strides = array<i32>} : memref<1024xf32, #tpu.memory_space<vmem>>, vector<16xf32>,
    %get3A_1866 = vector.shape_cast %get3A_1865 : vector<16xf32> to vector<16xf32>
    %get3A_1867 = arith.constant 400 : index
    %get3A_1868 = tpu.vector_load %arg7[%get3A_1867] {strides = array<i32>} : memref<1024xf32, #tpu.memory_space<vmem>>, vector<16xf32>,
    %get3A_1869 = vector.shape_cast %get3A_1868 : vector<16xf32> to vector<16xf32>
    %get3A_1870 = arith.constant 416 : index
    %get3A_1871 = tpu.vector_load %arg7[%get3A_1870] {strides = array<i32>} : memref<1024xf32, #tpu.memory_space<vmem>>, vector<16xf32>,
    %get3A_1872 = vector.shape_cast %get3A_1871 : vector<16xf32> to vector<16xf32>
    %get3A_1873 = arith.constant 432 : index
    %get3A_1874 = tpu.vector_load %arg7[%get3A_1873] {strides = array<i32>} : memref<1024xf32, #tpu.memory_space<vmem>>, vector<16xf32>,
    %get3A_1875 = vector.shape_cast %get3A_1874 : vector<16xf32> to vector<16xf32>
    %get3A_1876 = arith.constant 448 : index
    %get3A_1877 = tpu.vector_load %arg7[%get3A_1876] {strides = array<i32>} : memref<1024xf32, #tpu.memory_space<vmem>>, vector<16xf32>,
    %get3A_1878 = vector.shape_cast %get3A_1877 : vector<16xf32> to vector<16xf32>
    %get3A_1879 = arith.constant 464 : index
    %get3A_1880 = tpu.vector_load %arg7[%get3A_1879] {strides = array<i32>} : memref<1024xf32, #tpu.memory_space<vmem>>, vector<16xf32>,
    %get3A_1881 = vector.shape_cast %get3A_1880 : vector<16xf32> to vector<16xf32>
    %get3A_1882 = arith.constant 480 : index
    %get3A_1883 = tpu.vector_load %arg7[%get3A_1882] {strides = array<i32>} : memref<1024xf32, #tpu.memory_space<vmem>>, vector<16xf32>,
    %get3A_1884 = vector.shape_cast %get3A_1883 : vector<16xf32> to vector<16xf32>
    %get3A_1885 = arith.constant 496 : index
    %get3A_1886 = tpu.vector_load %arg7[%get3A_1885] {strides = array<i32>} : memref<1024xf32, #tpu.memory_space<vmem>>, vector<16xf32>,
    %get3A_1887 = vector.shape_cast %get3A_1886 : vector<16xf32> to vector<16xf32>
    %scan3A_1888 = arith.constant 48 : i32
    %scan3A_1889 = arith.constant 16 : i32
    %scan3A_1890 = arith.addi %scan3A_1888, %scan3A_1889 : i32
    %scan3A_1891 = arith.constant 1 : i32
    %scan3A_1892:8 = scf.for %scan3A_2174 = %scan3A_1888 to %scan3A_1890 step %scan3A_1891 iter_args(%scan3A_2175 = %get3A_1866, %scan3A_2176 = %get3A_1869, %scan3A_2177 = %get3A_1872, %scan3A_2178 = %get3A_1875, %scan3A_2179 = %get3A_1878, %scan3A_2180 = %get3A_1881, %scan3A_2181 = %get3A_1884, %scan3A_2182 = %get3A_1887) -> (vector<16xf32>, vector<16xf32>, vector<16xf32>, vector<16xf32>, vector<16xf32>, vector<16xf32>, vector<16xf32>, vector<16xf32>)  : i32 {
      %get3A_2183 = arith.index_cast %scan3A_2174 : i32 to index
      %get3A_2184 = arith.constant 384 : index
      %get3A_2185 = tpu.vector_load %arg6[%get3A_2183, %get3A_2184] {strides = array<i32>} : memref<64x1024xf32, #tpu.memory_space<vmem>>, vector<1x16xf32>,
      %get3A_2186 = vector.shape_cast %get3A_2185 : vector<1x16xf32> to vector<16xf32>
      %add3A_2187 = arith.addf %scan3A_2175, %get3A_2186 : vector<16xf32>
      %get3A_2188 = arith.index_cast %scan3A_2174 : i32 to index
      %get3A_2189 = arith.constant 400 : index
      %get3A_2190 = tpu.vector_load %arg6[%get3A_2188, %get3A_2189] {strides = array<i32>} : memref<64x1024xf32, #tpu.memory_space<vmem>>, vector<1x16xf32>,
      %get3A_2191 = vector.shape_cast %get3A_2190 : vector<1x16xf32> to vector<16xf32>
      %add3A_2192 = arith.addf %scan3A_2176, %get3A_2191 : vector<16xf32>
      %get3A_2193 = arith.index_cast %scan3A_2174 : i32 to index
      %get3A_2194 = arith.constant 416 : index
      %get3A_2195 = tpu.vector_load %arg6[%get3A_2193, %get3A_2194] {strides = array<i32>} : memref<64x1024xf32, #tpu.memory_space<vmem>>, vector<1x16xf32>,
      %get3A_2196 = vector.shape_cast %get3A_2195 : vector<1x16xf32> to vector<16xf32>
      %add3A_2197 = arith.addf %scan3A_2177, %get3A_2196 : vector<16xf32>
      %get3A_2198 = arith.index_cast %scan3A_2174 : i32 to index
      %get3A_2199 = arith.constant 432 : index
      %get3A_2200 = tpu.vector_load %arg6[%get3A_2198, %get3A_2199] {strides = array<i32>} : memref<64x1024xf32, #tpu.memory_space<vmem>>, vector<1x16xf32>,
      %get3A_2201 = vector.shape_cast %get3A_2200 : vector<1x16xf32> to vector<16xf32>
      %add3A_2202 = arith.addf %scan3A_2178, %get3A_2201 : vector<16xf32>
      %get3A_2203 = arith.index_cast %scan3A_2174 : i32 to index
      %get3A_2204 = arith.constant 448 : index
      %get3A_2205 = tpu.vector_load %arg6[%get3A_2203, %get3A_2204] {strides = array<i32>} : memref<64x1024xf32, #tpu.memory_space<vmem>>, vector<1x16xf32>,
      %get3A_2206 = vector.shape_cast %get3A_2205 : vector<1x16xf32> to vector<16xf32>
      %add3A_2207 = arith.addf %scan3A_2179, %get3A_2206 : vector<16xf32>
      %get3A_2208 = arith.index_cast %scan3A_2174 : i32 to index
      %get3A_2209 = arith.constant 464 : index
      %get3A_2210 = tpu.vector_load %arg6[%get3A_2208, %get3A_2209] {strides = array<i32>} : memref<64x1024xf32, #tpu.memory_space<vmem>>, vector<1x16xf32>,
      %get3A_2211 = vector.shape_cast %get3A_2210 : vector<1x16xf32> to vector<16xf32>
      %add3A_2212 = arith.addf %scan3A_2180, %get3A_2211 : vector<16xf32>
      %get3A_2213 = arith.index_cast %scan3A_2174 : i32 to index
      %get3A_2214 = arith.constant 480 : index
      %get3A_2215 = tpu.vector_load %arg6[%get3A_2213, %get3A_2214] {strides = array<i32>} : memref<64x1024xf32, #tpu.memory_space<vmem>>, vector<1x16xf32>,
      %get3A_2216 = vector.shape_cast %get3A_2215 : vector<1x16xf32> to vector<16xf32>
      %add3A_2217 = arith.addf %scan3A_2181, %get3A_2216 : vector<16xf32>
      %get3A_2218 = arith.index_cast %scan3A_2174 : i32 to index
      %get3A_2219 = arith.constant 496 : index
      %get3A_2220 = tpu.vector_load %arg6[%get3A_2218, %get3A_2219] {strides = array<i32>} : memref<64x1024xf32, #tpu.memory_space<vmem>>, vector<1x16xf32>,
      %get3A_2221 = vector.shape_cast %get3A_2220 : vector<1x16xf32> to vector<16xf32>
      %add3A_2222 = arith.addf %scan3A_2182, %get3A_2221 : vector<16xf32>
      scf.yield %add3A_2187, %add3A_2192, %add3A_2197, %add3A_2202, %add3A_2207, %add3A_2212, %add3A_2217, %add3A_2222 : vector<16xf32>, vector<16xf32>, vector<16xf32>, vector<16xf32>, vector<16xf32>, vector<16xf32>, vector<16xf32>, vector<16xf32>
    }
    %scan3A_1893 = arith.constant 16 : i32
    %swap3A_1894 = arith.constant 384 : index
    %swap3A_1895 = tpu.vector_load %arg7[%swap3A_1894] {strides = array<i32>} : memref<1024xf32, #tpu.memory_space<vmem>>, vector<16xf32>,
    %swap3A_1896 = vector.shape_cast %swap3A_1895 : vector<16xf32> to vector<16xf32>
    %swap3A_1897 = vector.shape_cast %scan3A_1892#0 : vector<16xf32> to vector<16xf32>
    tpu.vector_store %arg7[%swap3A_1894], %swap3A_1897 {strides = array<i32>} : memref<1024xf32, #tpu.memory_space<vmem>>, vector<16xf32>,
    %swap3A_1898 = arith.constant 400 : index
    %swap3A_1899 = tpu.vector_load %arg7[%swap3A_1898] {strides = array<i32>} : memref<1024xf32, #tpu.memory_space<vmem>>, vector<16xf32>,
    %swap3A_1900 = vector.shape_cast %swap3A_1899 : vector<16xf32> to vector<16xf32>
    %swap3A_1901 = vector.shape_cast %scan3A_1892#1 : vector<16xf32> to vector<16xf32>
    tpu.vector_store %arg7[%swap3A_1898], %swap3A_1901 {strides = array<i32>} : memref<1024xf32, #tpu.memory_space<vmem>>, vector<16xf32>,
    %swap3A_1902 = arith.constant 416 : index
    %swap3A_1903 = tpu.vector_load %arg7[%swap3A_1902] {strides = array<i32>} : memref<1024xf32, #tpu.memory_space<vmem>>, vector<16xf32>,
    %swap3A_1904 = vector.shape_cast %swap3A_1903 : vector<16xf32> to vector<16xf32>
    %swap3A_1905 = vector.shape_cast %scan3A_1892#2 : vector<16xf32> to vector<16xf32>
    tpu.vector_store %arg7[%swap3A_1902], %swap3A_1905 {strides = array<i32>} : memref<1024xf32, #tpu.memory_space<vmem>>, vector<16xf32>,
    %swap3A_1906 = arith.constant 432 : index
    %swap3A_1907 = tpu.vector_load %arg7[%swap3A_1906] {strides = array<i32>} : memref<1024xf32, #tpu.memory_space<vmem>>, vector<16xf32>,
    %swap3A_1908 = vector.shape_cast %swap3A_1907 : vector<16xf32> to vector<16xf32>
    %swap3A_1909 = vector.shape_cast %scan3A_1892#3 : vector<16xf32> to vector<16xf32>
    tpu.vector_store %arg7[%swap3A_1906], %swap3A_1909 {strides = array<i32>} : memref<1024xf32, #tpu.memory_space<vmem>>, vector<16xf32>,
    %swap3A_1910 = arith.constant 448 : index
    %swap3A_1911 = tpu.vector_load %arg7[%swap3A_1910] {strides = array<i32>} : memref<1024xf32, #tpu.memory_space<vmem>>, vector<16xf32>,
    %swap3A_1912 = vector.shape_cast %swap3A_1911 : vector<16xf32> to vector<16xf32>
    %swap3A_1913 = vector.shape_cast %scan3A_1892#4 : vector<16xf32> to vector<16xf32>
    tpu.vector_store %arg7[%swap3A_1910], %swap3A_1913 {strides = array<i32>} : memref<1024xf32, #tpu.memory_space<vmem>>, vector<16xf32>,
    %swap3A_1914 = arith.constant 464 : index
    %swap3A_1915 = tpu.vector_load %arg7[%swap3A_1914] {strides = array<i32>} : memref<1024xf32, #tpu.memory_space<vmem>>, vector<16xf32>,
    %swap3A_1916 = vector.shape_cast %swap3A_1915 : vector<16xf32> to vector<16xf32>
    %swap3A_1917 = vector.shape_cast %scan3A_1892#5 : vector<16xf32> to vector<16xf32>
    tpu.vector_store %arg7[%swap3A_1914], %swap3A_1917 {strides = array<i32>} : memref<1024xf32, #tpu.memory_space<vmem>>, vector<16xf32>,
    %swap3A_1918 = arith.constant 480 : index
    %swap3A_1919 = tpu.vector_load %arg7[%swap3A_1918] {strides = array<i32>} : memref<1024xf32, #tpu.memory_space<vmem>>, vector<16xf32>,
    %swap3A_1920 = vector.shape_cast %swap3A_1919 : vector<16xf32> to vector<16xf32>
    %swap3A_1921 = vector.shape_cast %scan3A_1892#6 : vector<16xf32> to vector<16xf32>
    tpu.vector_store %arg7[%swap3A_1918], %swap3A_1921 {strides = array<i32>} : memref<1024xf32, #tpu.memory_space<vmem>>, vector<16xf32>,
    %swap3A_1922 = arith.constant 496 : index
    %swap3A_1923 = tpu.vector_load %arg7[%swap3A_1922] {strides = array<i32>} : memref<1024xf32, #tpu.memory_space<vmem>>, vector<16xf32>,
    %swap3A_1924 = vector.shape_cast %swap3A_1923 : vector<16xf32> to vector<16xf32>
    %swap3A_1925 = vector.shape_cast %scan3A_1892#7 : vector<16xf32> to vector<16xf32>
    tpu.vector_store %arg7[%swap3A_1922], %swap3A_1925 {strides = array<i32>} : memref<1024xf32, #tpu.memory_space<vmem>>, vector<16xf32>,
    %get3A_1926 = arith.constant 512 : index
    %get3A_1927 = tpu.vector_load %arg7[%get3A_1926] {strides = array<i32>} : memref<1024xf32, #tpu.memory_space<vmem>>, vector<16xf32>,
    %get3A_1928 = vector.shape_cast %get3A_1927 : vector<16xf32> to vector<16xf32>
    %get3A_1929 = arith.constant 528 : index
    %get3A_1930 = tpu.vector_load %arg7[%get3A_1929] {strides = array<i32>} : memref<1024xf32, #tpu.memory_space<vmem>>, vector<16xf32>,
    %get3A_1931 = vector.shape_cast %get3A_1930 : vector<16xf32> to vector<16xf32>
    %get3A_1932 = arith.constant 544 : index
    %get3A_1933 = tpu.vector_load %arg7[%get3A_1932] {strides = array<i32>} : memref<1024xf32, #tpu.memory_space<vmem>>, vector<16xf32>,
    %get3A_1934 = vector.shape_cast %get3A_1933 : vector<16xf32> to vector<16xf32>
    %get3A_1935 = arith.constant 560 : index
    %get3A_1936 = tpu.vector_load %arg7[%get3A_1935] {strides = array<i32>} : memref<1024xf32, #tpu.memory_space<vmem>>, vector<16xf32>,
    %get3A_1937 = vector.shape_cast %get3A_1936 : vector<16xf32> to vector<16xf32>
    %get3A_1938 = arith.constant 576 : index
    %get3A_1939 = tpu.vector_load %arg7[%get3A_1938] {strides = array<i32>} : memref<1024xf32, #tpu.memory_space<vmem>>, vector<16xf32>,
    %get3A_1940 = vector.shape_cast %get3A_1939 : vector<16xf32> to vector<16xf32>
    %get3A_1941 = arith.constant 592 : index
    %get3A_1942 = tpu.vector_load %arg7[%get3A_1941] {strides = array<i32>} : memref<1024xf32, #tpu.memory_space<vmem>>, vector<16xf32>,
    %get3A_1943 = vector.shape_cast %get3A_1942 : vector<16xf32> to vector<16xf32>
    %get3A_1944 = arith.constant 608 : index
    %get3A_1945 = tpu.vector_load %arg7[%get3A_1944] {strides = array<i32>} : memref<1024xf32, #tpu.memory_space<vmem>>, vector<16xf32>,
    %get3A_1946 = vector.shape_cast %get3A_1945 : vector<16xf32> to vector<16xf32>
    %get3A_1947 = arith.constant 624 : index
    %get3A_1948 = tpu.vector_load %arg7[%get3A_1947] {strides = array<i32>} : memref<1024xf32, #tpu.memory_space<vmem>>, vector<16xf32>,
    %get3A_1949 = vector.shape_cast %get3A_1948 : vector<16xf32> to vector<16xf32>
    %scan3A_1950 = arith.constant 48 : i32
    %scan3A_1951 = arith.constant 16 : i32
    %scan3A_1952 = arith.addi %scan3A_1950, %scan3A_1951 : i32
    %scan3A_1953 = arith.constant 1 : i32
    %scan3A_1954:8 = scf.for %scan3A_2174 = %scan3A_1950 to %scan3A_1952 step %scan3A_1953 iter_args(%scan3A_2175 = %get3A_1928, %scan3A_2176 = %get3A_1931, %scan3A_2177 = %get3A_1934, %scan3A_2178 = %get3A_1937, %scan3A_2179 = %get3A_1940, %scan3A_2180 = %get3A_1943, %scan3A_2181 = %get3A_1946, %scan3A_2182 = %get3A_1949) -> (vector<16xf32>, vector<16xf32>, vector<16xf32>, vector<16xf32>, vector<16xf32>, vector<16xf32>, vector<16xf32>, vector<16xf32>)  : i32 {
      %get3A_2183 = arith.index_cast %scan3A_2174 : i32 to index
      %get3A_2184 = arith.constant 512 : index
      %get3A_2185 = tpu.vector_load %arg6[%get3A_2183, %get3A_2184] {strides = array<i32>} : memref<64x1024xf32, #tpu.memory_space<vmem>>, vector<1x16xf32>,
      %get3A_2186 = vector.shape_cast %get3A_2185 : vector<1x16xf32> to vector<16xf32>
      %add3A_2187 = arith.addf %scan3A_2175, %get3A_2186 : vector<16xf32>
      %get3A_2188 = arith.index_cast %scan3A_2174 : i32 to index
      %get3A_2189 = arith.constant 528 : index
      %get3A_2190 = tpu.vector_load %arg6[%get3A_2188, %get3A_2189] {strides = array<i32>} : memref<64x1024xf32, #tpu.memory_space<vmem>>, vector<1x16xf32>,
      %get3A_2191 = vector.shape_cast %get3A_2190 : vector<1x16xf32> to vector<16xf32>
      %add3A_2192 = arith.addf %scan3A_2176, %get3A_2191 : vector<16xf32>
      %get3A_2193 = arith.index_cast %scan3A_2174 : i32 to index
      %get3A_2194 = arith.constant 544 : index
      %get3A_2195 = tpu.vector_load %arg6[%get3A_2193, %get3A_2194] {strides = array<i32>} : memref<64x1024xf32, #tpu.memory_space<vmem>>, vector<1x16xf32>,
      %get3A_2196 = vector.shape_cast %get3A_2195 : vector<1x16xf32> to vector<16xf32>
      %add3A_2197 = arith.addf %scan3A_2177, %get3A_2196 : vector<16xf32>
      %get3A_2198 = arith.index_cast %scan3A_2174 : i32 to index
      %get3A_2199 = arith.constant 560 : index
      %get3A_2200 = tpu.vector_load %arg6[%get3A_2198, %get3A_2199] {strides = array<i32>} : memref<64x1024xf32, #tpu.memory_space<vmem>>, vector<1x16xf32>,
      %get3A_2201 = vector.shape_cast %get3A_2200 : vector<1x16xf32> to vector<16xf32>
      %add3A_2202 = arith.addf %scan3A_2178, %get3A_2201 : vector<16xf32>
      %get3A_2203 = arith.index_cast %scan3A_2174 : i32 to index
      %get3A_2204 = arith.constant 576 : index
      %get3A_2205 = tpu.vector_load %arg6[%get3A_2203, %get3A_2204] {strides = array<i32>} : memref<64x1024xf32, #tpu.memory_space<vmem>>, vector<1x16xf32>,
      %get3A_2206 = vector.shape_cast %get3A_2205 : vector<1x16xf32> to vector<16xf32>
      %add3A_2207 = arith.addf %scan3A_2179, %get3A_2206 : vector<16xf32>
      %get3A_2208 = arith.index_cast %scan3A_2174 : i32 to index
      %get3A_2209 = arith.constant 592 : index
      %get3A_2210 = tpu.vector_load %arg6[%get3A_2208, %get3A_2209] {strides = array<i32>} : memref<64x1024xf32, #tpu.memory_space<vmem>>, vector<1x16xf32>,
      %get3A_2211 = vector.shape_cast %get3A_2210 : vector<1x16xf32> to vector<16xf32>
      %add3A_2212 = arith.addf %scan3A_2180, %get3A_2211 : vector<16xf32>
      %get3A_2213 = arith.index_cast %scan3A_2174 : i32 to index
      %get3A_2214 = arith.constant 608 : index
      %get3A_2215 = tpu.vector_load %arg6[%get3A_2213, %get3A_2214] {strides = array<i32>} : memref<64x1024xf32, #tpu.memory_space<vmem>>, vector<1x16xf32>,
      %get3A_2216 = vector.shape_cast %get3A_2215 : vector<1x16xf32> to vector<16xf32>
      %add3A_2217 = arith.addf %scan3A_2181, %get3A_2216 : vector<16xf32>
      %get3A_2218 = arith.index_cast %scan3A_2174 : i32 to index
      %get3A_2219 = arith.constant 624 : index
      %get3A_2220 = tpu.vector_load %arg6[%get3A_2218, %get3A_2219] {strides = array<i32>} : memref<64x1024xf32, #tpu.memory_space<vmem>>, vector<1x16xf32>,
      %get3A_2221 = vector.shape_cast %get3A_2220 : vector<1x16xf32> to vector<16xf32>
      %add3A_2222 = arith.addf %scan3A_2182, %get3A_2221 : vector<16xf32>
      scf.yield %add3A_2187, %add3A_2192, %add3A_2197, %add3A_2202, %add3A_2207, %add3A_2212, %add3A_2217, %add3A_2222 : vector<16xf32>, vector<16xf32>, vector<16xf32>, vector<16xf32>, vector<16xf32>, vector<16xf32>, vector<16xf32>, vector<16xf32>
    }
    %scan3A_1955 = arith.constant 16 : i32
    %swap3A_1956 = arith.constant 512 : index
    %swap3A_1957 = tpu.vector_load %arg7[%swap3A_1956] {strides = array<i32>} : memref<1024xf32, #tpu.memory_space<vmem>>, vector<16xf32>,
    %swap3A_1958 = vector.shape_cast %swap3A_1957 : vector<16xf32> to vector<16xf32>
    %swap3A_1959 = vector.shape_cast %scan3A_1954#0 : vector<16xf32> to vector<16xf32>
    tpu.vector_store %arg7[%swap3A_1956], %swap3A_1959 {strides = array<i32>} : memref<1024xf32, #tpu.memory_space<vmem>>, vector<16xf32>,
    %swap3A_1960 = arith.constant 528 : index
    %swap3A_1961 = tpu.vector_load %arg7[%swap3A_1960] {strides = array<i32>} : memref<1024xf32, #tpu.memory_space<vmem>>, vector<16xf32>,
    %swap3A_1962 = vector.shape_cast %swap3A_1961 : vector<16xf32> to vector<16xf32>
    %swap3A_1963 = vector.shape_cast %scan3A_1954#1 : vector<16xf32> to vector<16xf32>
    tpu.vector_store %arg7[%swap3A_1960], %swap3A_1963 {strides = array<i32>} : memref<1024xf32, #tpu.memory_space<vmem>>, vector<16xf32>,
    %swap3A_1964 = arith.constant 544 : index
    %swap3A_1965 = tpu.vector_load %arg7[%swap3A_1964] {strides = array<i32>} : memref<1024xf32, #tpu.memory_space<vmem>>, vector<16xf32>,
    %swap3A_1966 = vector.shape_cast %swap3A_1965 : vector<16xf32> to vector<16xf32>
    %swap3A_1967 = vector.shape_cast %scan3A_1954#2 : vector<16xf32> to vector<16xf32>
    tpu.vector_store %arg7[%swap3A_1964], %swap3A_1967 {strides = array<i32>} : memref<1024xf32, #tpu.memory_space<vmem>>, vector<16xf32>,
    %swap3A_1968 = arith.constant 560 : index
    %swap3A_1969 = tpu.vector_load %arg7[%swap3A_1968] {strides = array<i32>} : memref<1024xf32, #tpu.memory_space<vmem>>, vector<16xf32>,
    %swap3A_1970 = vector.shape_cast %swap3A_1969 : vector<16xf32> to vector<16xf32>
    %swap3A_1971 = vector.shape_cast %scan3A_1954#3 : vector<16xf32> to vector<16xf32>
    tpu.vector_store %arg7[%swap3A_1968], %swap3A_1971 {strides = array<i32>} : memref<1024xf32, #tpu.memory_space<vmem>>, vector<16xf32>,
    %swap3A_1972 = arith.constant 576 : index
    %swap3A_1973 = tpu.vector_load %arg7[%swap3A_1972] {strides = array<i32>} : memref<1024xf32, #tpu.memory_space<vmem>>, vector<16xf32>,
    %swap3A_1974 = vector.shape_cast %swap3A_1973 : vector<16xf32> to vector<16xf32>
    %swap3A_1975 = vector.shape_cast %scan3A_1954#4 : vector<16xf32> to vector<16xf32>
    tpu.vector_store %arg7[%swap3A_1972], %swap3A_1975 {strides = array<i32>} : memref<1024xf32, #tpu.memory_space<vmem>>, vector<16xf32>,
    %swap3A_1976 = arith.constant 592 : index
    %swap3A_1977 = tpu.vector_load %arg7[%swap3A_1976] {strides = array<i32>} : memref<1024xf32, #tpu.memory_space<vmem>>, vector<16xf32>,
    %swap3A_1978 = vector.shape_cast %swap3A_1977 : vector<16xf32> to vector<16xf32>
    %swap3A_1979 = vector.shape_cast %scan3A_1954#5 : vector<16xf32> to vector<16xf32>
    tpu.vector_store %arg7[%swap3A_1976], %swap3A_1979 {strides = array<i32>} : memref<1024xf32, #tpu.memory_space<vmem>>, vector<16xf32>,
    %swap3A_1980 = arith.constant 608 : index
    %swap3A_1981 = tpu.vector_load %arg7[%swap3A_1980] {strides = array<i32>} : memref<1024xf32, #tpu.memory_space<vmem>>, vector<16xf32>,
    %swap3A_1982 = vector.shape_cast %swap3A_1981 : vector<16xf32> to vector<16xf32>
    %swap3A_1983 = vector.shape_cast %scan3A_1954#6 : vector<16xf32> to vector<16xf32>
    tpu.vector_store %arg7[%swap3A_1980], %swap3A_1983 {strides = array<i32>} : memref<1024xf32, #tpu.memory_space<vmem>>, vector<16xf32>,
    %swap3A_1984 = arith.constant 624 : index
    %swap3A_1985 = tpu.vector_load %arg7[%swap3A_1984] {strides = array<i32>} : memref<1024xf32, #tpu.memory_space<vmem>>, vector<16xf32>,
    %swap3A_1986 = vector.shape_cast %swap3A_1985 : vector<16xf32> to vector<16xf32>
    %swap3A_1987 = vector.shape_cast %scan3A_1954#7 : vector<16xf32> to vector<16xf32>
    tpu.vector_store %arg7[%swap3A_1984], %swap3A_1987 {strides = array<i32>} : memref<1024xf32, #tpu.memory_space<vmem>>, vector<16xf32>,
    %get3A_1988 = arith.constant 640 : index
    %get3A_1989 = tpu.vector_load %arg7[%get3A_1988] {strides = array<i32>} : memref<1024xf32, #tpu.memory_space<vmem>>, vector<16xf32>,
    %get3A_1990 = vector.shape_cast %get3A_1989 : vector<16xf32> to vector<16xf32>
    %get3A_1991 = arith.constant 656 : index
    %get3A_1992 = tpu.vector_load %arg7[%get3A_1991] {strides = array<i32>} : memref<1024xf32, #tpu.memory_space<vmem>>, vector<16xf32>,
    %get3A_1993 = vector.shape_cast %get3A_1992 : vector<16xf32> to vector<16xf32>
    %get3A_1994 = arith.constant 672 : index
    %get3A_1995 = tpu.vector_load %arg7[%get3A_1994] {strides = array<i32>} : memref<1024xf32, #tpu.memory_space<vmem>>, vector<16xf32>,
    %get3A_1996 = vector.shape_cast %get3A_1995 : vector<16xf32> to vector<16xf32>
    %get3A_1997 = arith.constant 688 : index
    %get3A_1998 = tpu.vector_load %arg7[%get3A_1997] {strides = array<i32>} : memref<1024xf32, #tpu.memory_space<vmem>>, vector<16xf32>,
    %get3A_1999 = vector.shape_cast %get3A_1998 : vector<16xf32> to vector<16xf32>
    %get3A_2000 = arith.constant 704 : index
    %get3A_2001 = tpu.vector_load %arg7[%get3A_2000] {strides = array<i32>} : memref<1024xf32, #tpu.memory_space<vmem>>, vector<16xf32>,
    %get3A_2002 = vector.shape_cast %get3A_2001 : vector<16xf32> to vector<16xf32>
    %get3A_2003 = arith.constant 720 : index
    %get3A_2004 = tpu.vector_load %arg7[%get3A_2003] {strides = array<i32>} : memref<1024xf32, #tpu.memory_space<vmem>>, vector<16xf32>,
    %get3A_2005 = vector.shape_cast %get3A_2004 : vector<16xf32> to vector<16xf32>
    %get3A_2006 = arith.constant 736 : index
    %get3A_2007 = tpu.vector_load %arg7[%get3A_2006] {strides = array<i32>} : memref<1024xf32, #tpu.memory_space<vmem>>, vector<16xf32>,
    %get3A_2008 = vector.shape_cast %get3A_2007 : vector<16xf32> to vector<16xf32>
    %get3A_2009 = arith.constant 752 : index
    %get3A_2010 = tpu.vector_load %arg7[%get3A_2009] {strides = array<i32>} : memref<1024xf32, #tpu.memory_space<vmem>>, vector<16xf32>,
    %get3A_2011 = vector.shape_cast %get3A_2010 : vector<16xf32> to vector<16xf32>
    %scan3A_2012 = arith.constant 48 : i32
    %scan3A_2013 = arith.constant 16 : i32
    %scan3A_2014 = arith.addi %scan3A_2012, %scan3A_2013 : i32
    %scan3A_2015 = arith.constant 1 : i32
    %scan3A_2016:8 = scf.for %scan3A_2174 = %scan3A_2012 to %scan3A_2014 step %scan3A_2015 iter_args(%scan3A_2175 = %get3A_1990, %scan3A_2176 = %get3A_1993, %scan3A_2177 = %get3A_1996, %scan3A_2178 = %get3A_1999, %scan3A_2179 = %get3A_2002, %scan3A_2180 = %get3A_2005, %scan3A_2181 = %get3A_2008, %scan3A_2182 = %get3A_2011) -> (vector<16xf32>, vector<16xf32>, vector<16xf32>, vector<16xf32>, vector<16xf32>, vector<16xf32>, vector<16xf32>, vector<16xf32>)  : i32 {
      %get3A_2183 = arith.index_cast %scan3A_2174 : i32 to index
      %get3A_2184 = arith.constant 640 : index
      %get3A_2185 = tpu.vector_load %arg6[%get3A_2183, %get3A_2184] {strides = array<i32>} : memref<64x1024xf32, #tpu.memory_space<vmem>>, vector<1x16xf32>,
      %get3A_2186 = vector.shape_cast %get3A_2185 : vector<1x16xf32> to vector<16xf32>
      %add3A_2187 = arith.addf %scan3A_2175, %get3A_2186 : vector<16xf32>
      %get3A_2188 = arith.index_cast %scan3A_2174 : i32 to index
      %get3A_2189 = arith.constant 656 : index
      %get3A_2190 = tpu.vector_load %arg6[%get3A_2188, %get3A_2189] {strides = array<i32>} : memref<64x1024xf32, #tpu.memory_space<vmem>>, vector<1x16xf32>,
      %get3A_2191 = vector.shape_cast %get3A_2190 : vector<1x16xf32> to vector<16xf32>
      %add3A_2192 = arith.addf %scan3A_2176, %get3A_2191 : vector<16xf32>
      %get3A_2193 = arith.index_cast %scan3A_2174 : i32 to index
      %get3A_2194 = arith.constant 672 : index
      %get3A_2195 = tpu.vector_load %arg6[%get3A_2193, %get3A_2194] {strides = array<i32>} : memref<64x1024xf32, #tpu.memory_space<vmem>>, vector<1x16xf32>,
      %get3A_2196 = vector.shape_cast %get3A_2195 : vector<1x16xf32> to vector<16xf32>
      %add3A_2197 = arith.addf %scan3A_2177, %get3A_2196 : vector<16xf32>
      %get3A_2198 = arith.index_cast %scan3A_2174 : i32 to index
      %get3A_2199 = arith.constant 688 : index
      %get3A_2200 = tpu.vector_load %arg6[%get3A_2198, %get3A_2199] {strides = array<i32>} : memref<64x1024xf32, #tpu.memory_space<vmem>>, vector<1x16xf32>,
      %get3A_2201 = vector.shape_cast %get3A_2200 : vector<1x16xf32> to vector<16xf32>
      %add3A_2202 = arith.addf %scan3A_2178, %get3A_2201 : vector<16xf32>
      %get3A_2203 = arith.index_cast %scan3A_2174 : i32 to index
      %get3A_2204 = arith.constant 704 : index
      %get3A_2205 = tpu.vector_load %arg6[%get3A_2203, %get3A_2204] {strides = array<i32>} : memref<64x1024xf32, #tpu.memory_space<vmem>>, vector<1x16xf32>,
      %get3A_2206 = vector.shape_cast %get3A_2205 : vector<1x16xf32> to vector<16xf32>
      %add3A_2207 = arith.addf %scan3A_2179, %get3A_2206 : vector<16xf32>
      %get3A_2208 = arith.index_cast %scan3A_2174 : i32 to index
      %get3A_2209 = arith.constant 720 : index
      %get3A_2210 = tpu.vector_load %arg6[%get3A_2208, %get3A_2209] {strides = array<i32>} : memref<64x1024xf32, #tpu.memory_space<vmem>>, vector<1x16xf32>,
      %get3A_2211 = vector.shape_cast %get3A_2210 : vector<1x16xf32> to vector<16xf32>
      %add3A_2212 = arith.addf %scan3A_2180, %get3A_2211 : vector<16xf32>
      %get3A_2213 = arith.index_cast %scan3A_2174 : i32 to index
      %get3A_2214 = arith.constant 736 : index
      %get3A_2215 = tpu.vector_load %arg6[%get3A_2213, %get3A_2214] {strides = array<i32>} : memref<64x1024xf32, #tpu.memory_space<vmem>>, vector<1x16xf32>,
      %get3A_2216 = vector.shape_cast %get3A_2215 : vector<1x16xf32> to vector<16xf32>
      %add3A_2217 = arith.addf %scan3A_2181, %get3A_2216 : vector<16xf32>
      %get3A_2218 = arith.index_cast %scan3A_2174 : i32 to index
      %get3A_2219 = arith.constant 752 : index
      %get3A_2220 = tpu.vector_load %arg6[%get3A_2218, %get3A_2219] {strides = array<i32>} : memref<64x1024xf32, #tpu.memory_space<vmem>>, vector<1x16xf32>,
      %get3A_2221 = vector.shape_cast %get3A_2220 : vector<1x16xf32> to vector<16xf32>
      %add3A_2222 = arith.addf %scan3A_2182, %get3A_2221 : vector<16xf32>
      scf.yield %add3A_2187, %add3A_2192, %add3A_2197, %add3A_2202, %add3A_2207, %add3A_2212, %add3A_2217, %add3A_2222 : vector<16xf32>, vector<16xf32>, vector<16xf32>, vector<16xf32>, vector<16xf32>, vector<16xf32>, vector<16xf32>, vector<16xf32>
    }
    %scan3A_2017 = arith.constant 16 : i32
    %swap3A_2018 = arith.constant 640 : index
    %swap3A_2019 = tpu.vector_load %arg7[%swap3A_2018] {strides = array<i32>} : memref<1024xf32, #tpu.memory_space<vmem>>, vector<16xf32>,
    %swap3A_2020 = vector.shape_cast %swap3A_2019 : vector<16xf32> to vector<16xf32>
    %swap3A_2021 = vector.shape_cast %scan3A_2016#0 : vector<16xf32> to vector<16xf32>
    tpu.vector_store %arg7[%swap3A_2018], %swap3A_2021 {strides = array<i32>} : memref<1024xf32, #tpu.memory_space<vmem>>, vector<16xf32>,
    %swap3A_2022 = arith.constant 656 : index
    %swap3A_2023 = tpu.vector_load %arg7[%swap3A_2022] {strides = array<i32>} : memref<1024xf32, #tpu.memory_space<vmem>>, vector<16xf32>,
    %swap3A_2024 = vector.shape_cast %swap3A_2023 : vector<16xf32> to vector<16xf32>
    %swap3A_2025 = vector.shape_cast %scan3A_2016#1 : vector<16xf32> to vector<16xf32>
    tpu.vector_store %arg7[%swap3A_2022], %swap3A_2025 {strides = array<i32>} : memref<1024xf32, #tpu.memory_space<vmem>>, vector<16xf32>,
    %swap3A_2026 = arith.constant 672 : index
    %swap3A_2027 = tpu.vector_load %arg7[%swap3A_2026] {strides = array<i32>} : memref<1024xf32, #tpu.memory_space<vmem>>, vector<16xf32>,
    %swap3A_2028 = vector.shape_cast %swap3A_2027 : vector<16xf32> to vector<16xf32>
    %swap3A_2029 = vector.shape_cast %scan3A_2016#2 : vector<16xf32> to vector<16xf32>
    tpu.vector_store %arg7[%swap3A_2026], %swap3A_2029 {strides = array<i32>} : memref<1024xf32, #tpu.memory_space<vmem>>, vector<16xf32>,
    %swap3A_2030 = arith.constant 688 : index
    %swap3A_2031 = tpu.vector_load %arg7[%swap3A_2030] {strides = array<i32>} : memref<1024xf32, #tpu.memory_space<vmem>>, vector<16xf32>,
    %swap3A_2032 = vector.shape_cast %swap3A_2031 : vector<16xf32> to vector<16xf32>
    %swap3A_2033 = vector.shape_cast %scan3A_2016#3 : vector<16xf32> to vector<16xf32>
    tpu.vector_store %arg7[%swap3A_2030], %swap3A_2033 {strides = array<i32>} : memref<1024xf32, #tpu.memory_space<vmem>>, vector<16xf32>,
    %swap3A_2034 = arith.constant 704 : index
    %swap3A_2035 = tpu.vector_load %arg7[%swap3A_2034] {strides = array<i32>} : memref<1024xf32, #tpu.memory_space<vmem>>, vector<16xf32>,
    %swap3A_2036 = vector.shape_cast %swap3A_2035 : vector<16xf32> to vector<16xf32>
    %swap3A_2037 = vector.shape_cast %scan3A_2016#4 : vector<16xf32> to vector<16xf32>
    tpu.vector_store %arg7[%swap3A_2034], %swap3A_2037 {strides = array<i32>} : memref<1024xf32, #tpu.memory_space<vmem>>, vector<16xf32>,
    %swap3A_2038 = arith.constant 720 : index
    %swap3A_2039 = tpu.vector_load %arg7[%swap3A_2038] {strides = array<i32>} : memref<1024xf32, #tpu.memory_space<vmem>>, vector<16xf32>,
    %swap3A_2040 = vector.shape_cast %swap3A_2039 : vector<16xf32> to vector<16xf32>
    %swap3A_2041 = vector.shape_cast %scan3A_2016#5 : vector<16xf32> to vector<16xf32>
    tpu.vector_store %arg7[%swap3A_2038], %swap3A_2041 {strides = array<i32>} : memref<1024xf32, #tpu.memory_space<vmem>>, vector<16xf32>,
    %swap3A_2042 = arith.constant 736 : index
    %swap3A_2043 = tpu.vector_load %arg7[%swap3A_2042] {strides = array<i32>} : memref<1024xf32, #tpu.memory_space<vmem>>, vector<16xf32>,
    %swap3A_2044 = vector.shape_cast %swap3A_2043 : vector<16xf32> to vector<16xf32>
    %swap3A_2045 = vector.shape_cast %scan3A_2016#6 : vector<16xf32> to vector<16xf32>
    tpu.vector_store %arg7[%swap3A_2042], %swap3A_2045 {strides = array<i32>} : memref<1024xf32, #tpu.memory_space<vmem>>, vector<16xf32>,
    %swap3A_2046 = arith.constant 752 : index
    %swap3A_2047 = tpu.vector_load %arg7[%swap3A_2046] {strides = array<i32>} : memref<1024xf32, #tpu.memory_space<vmem>>, vector<16xf32>,
    %swap3A_2048 = vector.shape_cast %swap3A_2047 : vector<16xf32> to vector<16xf32>
    %swap3A_2049 = vector.shape_cast %scan3A_2016#7 : vector<16xf32> to vector<16xf32>
    tpu.vector_store %arg7[%swap3A_2046], %swap3A_2049 {strides = array<i32>} : memref<1024xf32, #tpu.memory_space<vmem>>, vector<16xf32>,
    %get3A_2050 = arith.constant 768 : index
    %get3A_2051 = tpu.vector_load %arg7[%get3A_2050] {strides = array<i32>} : memref<1024xf32, #tpu.memory_space<vmem>>, vector<16xf32>,
    %get3A_2052 = vector.shape_cast %get3A_2051 : vector<16xf32> to vector<16xf32>
    %get3A_2053 = arith.constant 784 : index
    %get3A_2054 = tpu.vector_load %arg7[%get3A_2053] {strides = array<i32>} : memref<1024xf32, #tpu.memory_space<vmem>>, vector<16xf32>,
    %get3A_2055 = vector.shape_cast %get3A_2054 : vector<16xf32> to vector<16xf32>
    %get3A_2056 = arith.constant 800 : index
    %get3A_2057 = tpu.vector_load %arg7[%get3A_2056] {strides = array<i32>} : memref<1024xf32, #tpu.memory_space<vmem>>, vector<16xf32>,
    %get3A_2058 = vector.shape_cast %get3A_2057 : vector<16xf32> to vector<16xf32>
    %get3A_2059 = arith.constant 816 : index
    %get3A_2060 = tpu.vector_load %arg7[%get3A_2059] {strides = array<i32>} : memref<1024xf32, #tpu.memory_space<vmem>>, vector<16xf32>,
    %get3A_2061 = vector.shape_cast %get3A_2060 : vector<16xf32> to vector<16xf32>
    %get3A_2062 = arith.constant 832 : index
    %get3A_2063 = tpu.vector_load %arg7[%get3A_2062] {strides = array<i32>} : memref<1024xf32, #tpu.memory_space<vmem>>, vector<16xf32>,
    %get3A_2064 = vector.shape_cast %get3A_2063 : vector<16xf32> to vector<16xf32>
    %get3A_2065 = arith.constant 848 : index
    %get3A_2066 = tpu.vector_load %arg7[%get3A_2065] {strides = array<i32>} : memref<1024xf32, #tpu.memory_space<vmem>>, vector<16xf32>,
    %get3A_2067 = vector.shape_cast %get3A_2066 : vector<16xf32> to vector<16xf32>
    %get3A_2068 = arith.constant 864 : index
    %get3A_2069 = tpu.vector_load %arg7[%get3A_2068] {strides = array<i32>} : memref<1024xf32, #tpu.memory_space<vmem>>, vector<16xf32>,
    %get3A_2070 = vector.shape_cast %get3A_2069 : vector<16xf32> to vector<16xf32>
    %get3A_2071 = arith.constant 880 : index
    %get3A_2072 = tpu.vector_load %arg7[%get3A_2071] {strides = array<i32>} : memref<1024xf32, #tpu.memory_space<vmem>>, vector<16xf32>,
    %get3A_2073 = vector.shape_cast %get3A_2072 : vector<16xf32> to vector<16xf32>
    %scan3A_2074 = arith.constant 48 : i32
    %scan3A_2075 = arith.constant 16 : i32
    %scan3A_2076 = arith.addi %scan3A_2074, %scan3A_2075 : i32
    %scan3A_2077 = arith.constant 1 : i32
    %scan3A_2078:8 = scf.for %scan3A_2174 = %scan3A_2074 to %scan3A_2076 step %scan3A_2077 iter_args(%scan3A_2175 = %get3A_2052, %scan3A_2176 = %get3A_2055, %scan3A_2177 = %get3A_2058, %scan3A_2178 = %get3A_2061, %scan3A_2179 = %get3A_2064, %scan3A_2180 = %get3A_2067, %scan3A_2181 = %get3A_2070, %scan3A_2182 = %get3A_2073) -> (vector<16xf32>, vector<16xf32>, vector<16xf32>, vector<16xf32>, vector<16xf32>, vector<16xf32>, vector<16xf32>, vector<16xf32>)  : i32 {
      %get3A_2183 = arith.index_cast %scan3A_2174 : i32 to index
      %get3A_2184 = arith.constant 768 : index
      %get3A_2185 = tpu.vector_load %arg6[%get3A_2183, %get3A_2184] {strides = array<i32>} : memref<64x1024xf32, #tpu.memory_space<vmem>>, vector<1x16xf32>,
      %get3A_2186 = vector.shape_cast %get3A_2185 : vector<1x16xf32> to vector<16xf32>
      %add3A_2187 = arith.addf %scan3A_2175, %get3A_2186 : vector<16xf32>
      %get3A_2188 = arith.index_cast %scan3A_2174 : i32 to index
      %get3A_2189 = arith.constant 784 : index
      %get3A_2190 = tpu.vector_load %arg6[%get3A_2188, %get3A_2189] {strides = array<i32>} : memref<64x1024xf32, #tpu.memory_space<vmem>>, vector<1x16xf32>,
      %get3A_2191 = vector.shape_cast %get3A_2190 : vector<1x16xf32> to vector<16xf32>
      %add3A_2192 = arith.addf %scan3A_2176, %get3A_2191 : vector<16xf32>
      %get3A_2193 = arith.index_cast %scan3A_2174 : i32 to index
      %get3A_2194 = arith.constant 800 : index
      %get3A_2195 = tpu.vector_load %arg6[%get3A_2193, %get3A_2194] {strides = array<i32>} : memref<64x1024xf32, #tpu.memory_space<vmem>>, vector<1x16xf32>,
      %get3A_2196 = vector.shape_cast %get3A_2195 : vector<1x16xf32> to vector<16xf32>
      %add3A_2197 = arith.addf %scan3A_2177, %get3A_2196 : vector<16xf32>
      %get3A_2198 = arith.index_cast %scan3A_2174 : i32 to index
      %get3A_2199 = arith.constant 816 : index
      %get3A_2200 = tpu.vector_load %arg6[%get3A_2198, %get3A_2199] {strides = array<i32>} : memref<64x1024xf32, #tpu.memory_space<vmem>>, vector<1x16xf32>,
      %get3A_2201 = vector.shape_cast %get3A_2200 : vector<1x16xf32> to vector<16xf32>
      %add3A_2202 = arith.addf %scan3A_2178, %get3A_2201 : vector<16xf32>
      %get3A_2203 = arith.index_cast %scan3A_2174 : i32 to index
      %get3A_2204 = arith.constant 832 : index
      %get3A_2205 = tpu.vector_load %arg6[%get3A_2203, %get3A_2204] {strides = array<i32>} : memref<64x1024xf32, #tpu.memory_space<vmem>>, vector<1x16xf32>,
      %get3A_2206 = vector.shape_cast %get3A_2205 : vector<1x16xf32> to vector<16xf32>
      %add3A_2207 = arith.addf %scan3A_2179, %get3A_2206 : vector<16xf32>
      %get3A_2208 = arith.index_cast %scan3A_2174 : i32 to index
      %get3A_2209 = arith.constant 848 : index
      %get3A_2210 = tpu.vector_load %arg6[%get3A_2208, %get3A_2209] {strides = array<i32>} : memref<64x1024xf32, #tpu.memory_space<vmem>>, vector<1x16xf32>,
      %get3A_2211 = vector.shape_cast %get3A_2210 : vector<1x16xf32> to vector<16xf32>
      %add3A_2212 = arith.addf %scan3A_2180, %get3A_2211 : vector<16xf32>
      %get3A_2213 = arith.index_cast %scan3A_2174 : i32 to index
      %get3A_2214 = arith.constant 864 : index
      %get3A_2215 = tpu.vector_load %arg6[%get3A_2213, %get3A_2214] {strides = array<i32>} : memref<64x1024xf32, #tpu.memory_space<vmem>>, vector<1x16xf32>,
      %get3A_2216 = vector.shape_cast %get3A_2215 : vector<1x16xf32> to vector<16xf32>
      %add3A_2217 = arith.addf %scan3A_2181, %get3A_2216 : vector<16xf32>
      %get3A_2218 = arith.index_cast %scan3A_2174 : i32 to index
      %get3A_2219 = arith.constant 880 : index
      %get3A_2220 = tpu.vector_load %arg6[%get3A_2218, %get3A_2219] {strides = array<i32>} : memref<64x1024xf32, #tpu.memory_space<vmem>>, vector<1x16xf32>,
      %get3A_2221 = vector.shape_cast %get3A_2220 : vector<1x16xf32> to vector<16xf32>
      %add3A_2222 = arith.addf %scan3A_2182, %get3A_2221 : vector<16xf32>
      scf.yield %add3A_2187, %add3A_2192, %add3A_2197, %add3A_2202, %add3A_2207, %add3A_2212, %add3A_2217, %add3A_2222 : vector<16xf32>, vector<16xf32>, vector<16xf32>, vector<16xf32>, vector<16xf32>, vector<16xf32>, vector<16xf32>, vector<16xf32>
    }
    %scan3A_2079 = arith.constant 16 : i32
    %swap3A_2080 = arith.constant 768 : index
    %swap3A_2081 = tpu.vector_load %arg7[%swap3A_2080] {strides = array<i32>} : memref<1024xf32, #tpu.memory_space<vmem>>, vector<16xf32>,
    %swap3A_2082 = vector.shape_cast %swap3A_2081 : vector<16xf32> to vector<16xf32>
    %swap3A_2083 = vector.shape_cast %scan3A_2078#0 : vector<16xf32> to vector<16xf32>
    tpu.vector_store %arg7[%swap3A_2080], %swap3A_2083 {strides = array<i32>} : memref<1024xf32, #tpu.memory_space<vmem>>, vector<16xf32>,
    %swap3A_2084 = arith.constant 784 : index
    %swap3A_2085 = tpu.vector_load %arg7[%swap3A_2084] {strides = array<i32>} : memref<1024xf32, #tpu.memory_space<vmem>>, vector<16xf32>,
    %swap3A_2086 = vector.shape_cast %swap3A_2085 : vector<16xf32> to vector<16xf32>
    %swap3A_2087 = vector.shape_cast %scan3A_2078#1 : vector<16xf32> to vector<16xf32>
    tpu.vector_store %arg7[%swap3A_2084], %swap3A_2087 {strides = array<i32>} : memref<1024xf32, #tpu.memory_space<vmem>>, vector<16xf32>,
    %swap3A_2088 = arith.constant 800 : index
    %swap3A_2089 = tpu.vector_load %arg7[%swap3A_2088] {strides = array<i32>} : memref<1024xf32, #tpu.memory_space<vmem>>, vector<16xf32>,
    %swap3A_2090 = vector.shape_cast %swap3A_2089 : vector<16xf32> to vector<16xf32>
    %swap3A_2091 = vector.shape_cast %scan3A_2078#2 : vector<16xf32> to vector<16xf32>
    tpu.vector_store %arg7[%swap3A_2088], %swap3A_2091 {strides = array<i32>} : memref<1024xf32, #tpu.memory_space<vmem>>, vector<16xf32>,
    %swap3A_2092 = arith.constant 816 : index
    %swap3A_2093 = tpu.vector_load %arg7[%swap3A_2092] {strides = array<i32>} : memref<1024xf32, #tpu.memory_space<vmem>>, vector<16xf32>,
    %swap3A_2094 = vector.shape_cast %swap3A_2093 : vector<16xf32> to vector<16xf32>
    %swap3A_2095 = vector.shape_cast %scan3A_2078#3 : vector<16xf32> to vector<16xf32>
    tpu.vector_store %arg7[%swap3A_2092], %swap3A_2095 {strides = array<i32>} : memref<1024xf32, #tpu.memory_space<vmem>>, vector<16xf32>,
    %swap3A_2096 = arith.constant 832 : index
    %swap3A_2097 = tpu.vector_load %arg7[%swap3A_2096] {strides = array<i32>} : memref<1024xf32, #tpu.memory_space<vmem>>, vector<16xf32>,
    %swap3A_2098 = vector.shape_cast %swap3A_2097 : vector<16xf32> to vector<16xf32>
    %swap3A_2099 = vector.shape_cast %scan3A_2078#4 : vector<16xf32> to vector<16xf32>
    tpu.vector_store %arg7[%swap3A_2096], %swap3A_2099 {strides = array<i32>} : memref<1024xf32, #tpu.memory_space<vmem>>, vector<16xf32>,
    %swap3A_2100 = arith.constant 848 : index
    %swap3A_2101 = tpu.vector_load %arg7[%swap3A_2100] {strides = array<i32>} : memref<1024xf32, #tpu.memory_space<vmem>>, vector<16xf32>,
    %swap3A_2102 = vector.shape_cast %swap3A_2101 : vector<16xf32> to vector<16xf32>
    %swap3A_2103 = vector.shape_cast %scan3A_2078#5 : vector<16xf32> to vector<16xf32>
    tpu.vector_store %arg7[%swap3A_2100], %swap3A_2103 {strides = array<i32>} : memref<1024xf32, #tpu.memory_space<vmem>>, vector<16xf32>,
    %swap3A_2104 = arith.constant 864 : index
    %swap3A_2105 = tpu.vector_load %arg7[%swap3A_2104] {strides = array<i32>} : memref<1024xf32, #tpu.memory_space<vmem>>, vector<16xf32>,
    %swap3A_2106 = vector.shape_cast %swap3A_2105 : vector<16xf32> to vector<16xf32>
    %swap3A_2107 = vector.shape_cast %scan3A_2078#6 : vector<16xf32> to vector<16xf32>
    tpu.vector_store %arg7[%swap3A_2104], %swap3A_2107 {strides = array<i32>} : memref<1024xf32, #tpu.memory_space<vmem>>, vector<16xf32>,
    %swap3A_2108 = arith.constant 880 : index
    %swap3A_2109 = tpu.vector_load %arg7[%swap3A_2108] {strides = array<i32>} : memref<1024xf32, #tpu.memory_space<vmem>>, vector<16xf32>,
    %swap3A_2110 = vector.shape_cast %swap3A_2109 : vector<16xf32> to vector<16xf32>
    %swap3A_2111 = vector.shape_cast %scan3A_2078#7 : vector<16xf32> to vector<16xf32>
    tpu.vector_store %arg7[%swap3A_2108], %swap3A_2111 {strides = array<i32>} : memref<1024xf32, #tpu.memory_space<vmem>>, vector<16xf32>,
    %get3A_2112 = arith.constant 896 : index
    %get3A_2113 = tpu.vector_load %arg7[%get3A_2112] {strides = array<i32>} : memref<1024xf32, #tpu.memory_space<vmem>>, vector<16xf32>,
    %get3A_2114 = vector.shape_cast %get3A_2113 : vector<16xf32> to vector<16xf32>
    %get3A_2115 = arith.constant 912 : index
    %get3A_2116 = tpu.vector_load %arg7[%get3A_2115] {strides = array<i32>} : memref<1024xf32, #tpu.memory_space<vmem>>, vector<16xf32>,
    %get3A_2117 = vector.shape_cast %get3A_2116 : vector<16xf32> to vector<16xf32>
    %get3A_2118 = arith.constant 928 : index
    %get3A_2119 = tpu.vector_load %arg7[%get3A_2118] {strides = array<i32>} : memref<1024xf32, #tpu.memory_space<vmem>>, vector<16xf32>,
    %get3A_2120 = vector.shape_cast %get3A_2119 : vector<16xf32> to vector<16xf32>
    %get3A_2121 = arith.constant 944 : index
    %get3A_2122 = tpu.vector_load %arg7[%get3A_2121] {strides = array<i32>} : memref<1024xf32, #tpu.memory_space<vmem>>, vector<16xf32>,
    %get3A_2123 = vector.shape_cast %get3A_2122 : vector<16xf32> to vector<16xf32>
    %get3A_2124 = arith.constant 960 : index
    %get3A_2125 = tpu.vector_load %arg7[%get3A_2124] {strides = array<i32>} : memref<1024xf32, #tpu.memory_space<vmem>>, vector<16xf32>,
    %get3A_2126 = vector.shape_cast %get3A_2125 : vector<16xf32> to vector<16xf32>
    %get3A_2127 = arith.constant 976 : index
    %get3A_2128 = tpu.vector_load %arg7[%get3A_2127] {strides = array<i32>} : memref<1024xf32, #tpu.memory_space<vmem>>, vector<16xf32>,
    %get3A_2129 = vector.shape_cast %get3A_2128 : vector<16xf32> to vector<16xf32>
    %get3A_2130 = arith.constant 992 : index
    %get3A_2131 = tpu.vector_load %arg7[%get3A_2130] {strides = array<i32>} : memref<1024xf32, #tpu.memory_space<vmem>>, vector<16xf32>,
    %get3A_2132 = vector.shape_cast %get3A_2131 : vector<16xf32> to vector<16xf32>
    %get3A_2133 = arith.constant 1008 : index
    %get3A_2134 = tpu.vector_load %arg7[%get3A_2133] {strides = array<i32>} : memref<1024xf32, #tpu.memory_space<vmem>>, vector<16xf32>,
    %get3A_2135 = vector.shape_cast %get3A_2134 : vector<16xf32> to vector<16xf32>
    %scan3A_2136 = arith.constant 48 : i32
    %scan3A_2137 = arith.constant 16 : i32
    %scan3A_2138 = arith.addi %scan3A_2136, %scan3A_2137 : i32
    %scan3A_2139 = arith.constant 1 : i32
    %scan3A_2140:8 = scf.for %scan3A_2174 = %scan3A_2136 to %scan3A_2138 step %scan3A_2139 iter_args(%scan3A_2175 = %get3A_2114, %scan3A_2176 = %get3A_2117, %scan3A_2177 = %get3A_2120, %scan3A_2178 = %get3A_2123, %scan3A_2179 = %get3A_2126, %scan3A_2180 = %get3A_2129, %scan3A_2181 = %get3A_2132, %scan3A_2182 = %get3A_2135) -> (vector<16xf32>, vector<16xf32>, vector<16xf32>, vector<16xf32>, vector<16xf32>, vector<16xf32>, vector<16xf32>, vector<16xf32>)  : i32 {
      %get3A_2183 = arith.index_cast %scan3A_2174 : i32 to index
      %get3A_2184 = arith.constant 896 : index
      %get3A_2185 = tpu.vector_load %arg6[%get3A_2183, %get3A_2184] {strides = array<i32>} : memref<64x1024xf32, #tpu.memory_space<vmem>>, vector<1x16xf32>,
      %get3A_2186 = vector.shape_cast %get3A_2185 : vector<1x16xf32> to vector<16xf32>
      %add3A_2187 = arith.addf %scan3A_2175, %get3A_2186 : vector<16xf32>
      %get3A_2188 = arith.index_cast %scan3A_2174 : i32 to index
      %get3A_2189 = arith.constant 912 : index
      %get3A_2190 = tpu.vector_load %arg6[%get3A_2188, %get3A_2189] {strides = array<i32>} : memref<64x1024xf32, #tpu.memory_space<vmem>>, vector<1x16xf32>,
      %get3A_2191 = vector.shape_cast %get3A_2190 : vector<1x16xf32> to vector<16xf32>
      %add3A_2192 = arith.addf %scan3A_2176, %get3A_2191 : vector<16xf32>
      %get3A_2193 = arith.index_cast %scan3A_2174 : i32 to index
      %get3A_2194 = arith.constant 928 : index
      %get3A_2195 = tpu.vector_load %arg6[%get3A_2193, %get3A_2194] {strides = array<i32>} : memref<64x1024xf32, #tpu.memory_space<vmem>>, vector<1x16xf32>,
      %get3A_2196 = vector.shape_cast %get3A_2195 : vector<1x16xf32> to vector<16xf32>
      %add3A_2197 = arith.addf %scan3A_2177, %get3A_2196 : vector<16xf32>
      %get3A_2198 = arith.index_cast %scan3A_2174 : i32 to index
      %get3A_2199 = arith.constant 944 : index
      %get3A_2200 = tpu.vector_load %arg6[%get3A_2198, %get3A_2199] {strides = array<i32>} : memref<64x1024xf32, #tpu.memory_space<vmem>>, vector<1x16xf32>,
      %get3A_2201 = vector.shape_cast %get3A_2200 : vector<1x16xf32> to vector<16xf32>
      %add3A_2202 = arith.addf %scan3A_2178, %get3A_2201 : vector<16xf32>
      %get3A_2203 = arith.index_cast %scan3A_2174 : i32 to index
      %get3A_2204 = arith.constant 960 : index
      %get3A_2205 = tpu.vector_load %arg6[%get3A_2203, %get3A_2204] {strides = array<i32>} : memref<64x1024xf32, #tpu.memory_space<vmem>>, vector<1x16xf32>,
      %get3A_2206 = vector.shape_cast %get3A_2205 : vector<1x16xf32> to vector<16xf32>
      %add3A_2207 = arith.addf %scan3A_2179, %get3A_2206 : vector<16xf32>
      %get3A_2208 = arith.index_cast %scan3A_2174 : i32 to index
      %get3A_2209 = arith.constant 976 : index
      %get3A_2210 = tpu.vector_load %arg6[%get3A_2208, %get3A_2209] {strides = array<i32>} : memref<64x1024xf32, #tpu.memory_space<vmem>>, vector<1x16xf32>,
      %get3A_2211 = vector.shape_cast %get3A_2210 : vector<1x16xf32> to vector<16xf32>
      %add3A_2212 = arith.addf %scan3A_2180, %get3A_2211 : vector<16xf32>
      %get3A_2213 = arith.index_cast %scan3A_2174 : i32 to index
      %get3A_2214 = arith.constant 992 : index
      %get3A_2215 = tpu.vector_load %arg6[%get3A_2213, %get3A_2214] {strides = array<i32>} : memref<64x1024xf32, #tpu.memory_space<vmem>>, vector<1x16xf32>,
      %get3A_2216 = vector.shape_cast %get3A_2215 : vector<1x16xf32> to vector<16xf32>
      %add3A_2217 = arith.addf %scan3A_2181, %get3A_2216 : vector<16xf32>
      %get3A_2218 = arith.index_cast %scan3A_2174 : i32 to index
      %get3A_2219 = arith.constant 1008 : index
      %get3A_2220 = tpu.vector_load %arg6[%get3A_2218, %get3A_2219] {strides = array<i32>} : memref<64x1024xf32, #tpu.memory_space<vmem>>, vector<1x16xf32>,
      %get3A_2221 = vector.shape_cast %get3A_2220 : vector<1x16xf32> to vector<16xf32>
      %add3A_2222 = arith.addf %scan3A_2182, %get3A_2221 : vector<16xf32>
      scf.yield %add3A_2187, %add3A_2192, %add3A_2197, %add3A_2202, %add3A_2207, %add3A_2212, %add3A_2217, %add3A_2222 : vector<16xf32>, vector<16xf32>, vector<16xf32>, vector<16xf32>, vector<16xf32>, vector<16xf32>, vector<16xf32>, vector<16xf32>
    }
    %scan3A_2141 = arith.constant 16 : i32
    %swap3A_2142 = arith.constant 896 : index
    %swap3A_2143 = tpu.vector_load %arg7[%swap3A_2142] {strides = array<i32>} : memref<1024xf32, #tpu.memory_space<vmem>>, vector<16xf32>,
    %swap3A_2144 = vector.shape_cast %swap3A_2143 : vector<16xf32> to vector<16xf32>
    %swap3A_2145 = vector.shape_cast %scan3A_2140#0 : vector<16xf32> to vector<16xf32>
    tpu.vector_store %arg7[%swap3A_2142], %swap3A_2145 {strides = array<i32>} : memref<1024xf32, #tpu.memory_space<vmem>>, vector<16xf32>,
    %swap3A_2146 = arith.constant 912 : index
    %swap3A_2147 = tpu.vector_load %arg7[%swap3A_2146] {strides = array<i32>} : memref<1024xf32, #tpu.memory_space<vmem>>, vector<16xf32>,
    %swap3A_2148 = vector.shape_cast %swap3A_2147 : vector<16xf32> to vector<16xf32>
    %swap3A_2149 = vector.shape_cast %scan3A_2140#1 : vector<16xf32> to vector<16xf32>
    tpu.vector_store %arg7[%swap3A_2146], %swap3A_2149 {strides = array<i32>} : memref<1024xf32, #tpu.memory_space<vmem>>, vector<16xf32>,
    %swap3A_2150 = arith.constant 928 : index
    %swap3A_2151 = tpu.vector_load %arg7[%swap3A_2150] {strides = array<i32>} : memref<1024xf32, #tpu.memory_space<vmem>>, vector<16xf32>,
    %swap3A_2152 = vector.shape_cast %swap3A_2151 : vector<16xf32> to vector<16xf32>
    %swap3A_2153 = vector.shape_cast %scan3A_2140#2 : vector<16xf32> to vector<16xf32>
    tpu.vector_store %arg7[%swap3A_2150], %swap3A_2153 {strides = array<i32>} : memref<1024xf32, #tpu.memory_space<vmem>>, vector<16xf32>,
    %swap3A_2154 = arith.constant 944 : index
    %swap3A_2155 = tpu.vector_load %arg7[%swap3A_2154] {strides = array<i32>} : memref<1024xf32, #tpu.memory_space<vmem>>, vector<16xf32>,
    %swap3A_2156 = vector.shape_cast %swap3A_2155 : vector<16xf32> to vector<16xf32>
    %swap3A_2157 = vector.shape_cast %scan3A_2140#3 : vector<16xf32> to vector<16xf32>
    tpu.vector_store %arg7[%swap3A_2154], %swap3A_2157 {strides = array<i32>} : memref<1024xf32, #tpu.memory_space<vmem>>, vector<16xf32>,
    %swap3A_2158 = arith.constant 960 : index
    %swap3A_2159 = tpu.vector_load %arg7[%swap3A_2158] {strides = array<i32>} : memref<1024xf32, #tpu.memory_space<vmem>>, vector<16xf32>,
    %swap3A_2160 = vector.shape_cast %swap3A_2159 : vector<16xf32> to vector<16xf32>
    %swap3A_2161 = vector.shape_cast %scan3A_2140#4 : vector<16xf32> to vector<16xf32>
    tpu.vector_store %arg7[%swap3A_2158], %swap3A_2161 {strides = array<i32>} : memref<1024xf32, #tpu.memory_space<vmem>>, vector<16xf32>,
    %swap3A_2162 = arith.constant 976 : index
    %swap3A_2163 = tpu.vector_load %arg7[%swap3A_2162] {strides = array<i32>} : memref<1024xf32, #tpu.memory_space<vmem>>, vector<16xf32>,
    %swap3A_2164 = vector.shape_cast %swap3A_2163 : vector<16xf32> to vector<16xf32>
    %swap3A_2165 = vector.shape_cast %scan3A_2140#5 : vector<16xf32> to vector<16xf32>
    tpu.vector_store %arg7[%swap3A_2162], %swap3A_2165 {strides = array<i32>} : memref<1024xf32, #tpu.memory_space<vmem>>, vector<16xf32>,
    %swap3A_2166 = arith.constant 992 : index
    %swap3A_2167 = tpu.vector_load %arg7[%swap3A_2166] {strides = array<i32>} : memref<1024xf32, #tpu.memory_space<vmem>>, vector<16xf32>,
    %swap3A_2168 = vector.shape_cast %swap3A_2167 : vector<16xf32> to vector<16xf32>
    %swap3A_2169 = vector.shape_cast %scan3A_2140#6 : vector<16xf32> to vector<16xf32>
    tpu.vector_store %arg7[%swap3A_2166], %swap3A_2169 {strides = array<i32>} : memref<1024xf32, #tpu.memory_space<vmem>>, vector<16xf32>,
    %swap3A_2170 = arith.constant 1008 : index
    %swap3A_2171 = tpu.vector_load %arg7[%swap3A_2170] {strides = array<i32>} : memref<1024xf32, #tpu.memory_space<vmem>>, vector<16xf32>,
    %swap3A_2172 = vector.shape_cast %swap3A_2171 : vector<16xf32> to vector<16xf32>
    %swap3A_2173 = vector.shape_cast %scan3A_2140#7 : vector<16xf32> to vector<16xf32>
    tpu.vector_store %arg7[%swap3A_2170], %swap3A_2173 {strides = array<i32>} : memref<1024xf32, #tpu.memory_space<vmem>>, vector<16xf32>,
    "tpu.region"() ({
      %run_scoped3A = tpu.sem_alloc : memref<!tpu.dma_semaphore, #tpu.memory_space<semaphore_mem>>
      %dma_start3A_2174 = arith.constant 0 : i32
      %dma_start3A_2175 = tpu.memref_slice %arg4[%add3A, %dma_start3A_2174] : memref<32x1024xf32, #tpu.memory_space<hbm>> -> memref<1x1024xf32, #tpu.memory_space<hbm>>
      %dma_start3A_2176 = tpu.memref_squeeze %dma_start3A_2175 : memref<1x1024xf32, #tpu.memory_space<hbm>> -> memref<1024xf32, #tpu.memory_space<hbm>>
      %dma_start3A_2177 = arith.constant 0 : i32
      %dma_start3A_2178 = tpu.memref_slice %arg4[%add3A, %dma_start3A_2177] : memref<32x1024xf32, #tpu.memory_space<hbm>> -> memref<1x1024xf32, #tpu.memory_space<hbm>>
      %dma_start3A_2179 = tpu.memref_squeeze %dma_start3A_2178 : memref<1x1024xf32, #tpu.memory_space<hbm>> -> memref<1024xf32, #tpu.memory_space<hbm>>
      tpu.enqueue_dma source(%arg7 : memref<1024xf32, #tpu.memory_space<vmem>>) target(%dma_start3A_2179 : memref<1024xf32, #tpu.memory_space<hbm>>) target_semaphore(%run_scoped3A : memref<!tpu.dma_semaphore, #tpu.memory_space<semaphore_mem>>)
      %dma_wait3A_2180 = arith.constant 0 : i32
      %dma_wait3A_2181 = tpu.memref_slice %arg4[%add3A, %dma_wait3A_2180] : memref<32x1024xf32, #tpu.memory_space<hbm>> -> memref<1x1024xf32, #tpu.memory_space<hbm>>
      %dma_wait3A_2182 = tpu.memref_squeeze %dma_wait3A_2181 : memref<1x1024xf32, #tpu.memory_space<hbm>> -> memref<1024xf32, #tpu.memory_space<hbm>>
      %dma_wait3A_2183 = arith.constant 0 : i32
      %dma_wait3A_2184 = tpu.memref_slice %arg4[%add3A, %dma_wait3A_2183] : memref<32x1024xf32, #tpu.memory_space<hbm>> -> memref<1x1024xf32, #tpu.memory_space<hbm>>
      %dma_wait3A_2185 = tpu.memref_squeeze %dma_wait3A_2184 : memref<1x1024xf32, #tpu.memory_space<hbm>> -> memref<1024xf32, #tpu.memory_space<hbm>>
      tpu.wait_dma2 semaphore(%run_scoped3A : memref<!tpu.dma_semaphore, #tpu.memory_space<semaphore_mem>>) src(%arg7 : memref<1024xf32, #tpu.memory_space<vmem>>) dst(%dma_wait3A_2185 : memref<1024xf32, #tpu.memory_space<hbm>>)
      tpu.yield
    }) : () -> ()
    return
  }
}

module attributes {stable_mosaic.version = 14 : i64} {
  func.func @_tc_body(%arg0: memref<32x1024xf32, #tpu.memory_space<vmem>>, %arg1: memref<784x128xf32, #tpu.memory_space<vmem>>, %arg2: memref<16x1024xf32, #tpu.memory_space<vmem>>, %arg3: memref<1x2xf32, #tpu.memory_space<smem>>, %arg4: memref<1x100000xf32, #tpu.memory_space<vmem>>) attributes {dimension_semantics = [], scalar_prefetch = 0 : i64, scratch_operands = 0 : i64, tpu.core_type = #tpu.core_type<tc>} {
    %get3A = arith.constant 0 : index
    %get3A_0 = arith.constant 0 : index
    %get3A_1 = vector.load %arg0[%get3A, %get3A_0] : memref<32x1024xf32, #tpu.memory_space<vmem>>, vector<32x1024xf32>
    %reduce_sum3A = arith.constant dense<0.000000e+00> : vector<1024xf32>
    %reduce_sum3A_2 = vector.multi_reduction <add>, %get3A_1, %reduce_sum3A [0] : vector<32x1024xf32> to vector<1024xf32>
    %broadcast_in_dim3A = vector.shape_cast %reduce_sum3A_2 : vector<1024xf32> to vector<1x1024xf32>
    %mul3A = arith.constant 4.8828125E-4 : f32
    %mul3A_3 = vector.broadcast %mul3A : f32 to vector<1x1024xf32>
    %mul3A_4 = arith.mulf %broadcast_in_dim3A, %mul3A_3 : vector<1x1024xf32>
    %get3A_5 = arith.constant 0 : index
    %get3A_6 = arith.constant 0 : index
    %get3A_7 = vector.load %arg2[%get3A_5, %get3A_6] : memref<16x1024xf32, #tpu.memory_space<vmem>>, vector<16x1024xf32>
    %mul3A_8 = vector.broadcast %mul3A_4 : vector<1x1024xf32> to vector<16x1024xf32>
    %mul3A_9 = arith.mulf %get3A_7, %mul3A_8 : vector<16x1024xf32>
    %reduce_sum3A_10 = arith.constant dense<0.000000e+00> : vector<16xf32>
    %reduce_sum3A_11 = vector.multi_reduction <add>, %mul3A_9, %reduce_sum3A_10 [1] : vector<16x1024xf32> to vector<16xf32>
    %broadcast_in_dim3A_12 = vector.shape_cast %reduce_sum3A_11 : vector<16xf32> to vector<16x1xf32>
    %gt3A = arith.constant 0.000000e+00 : f32
    %gt3A_13 = vector.broadcast %gt3A : f32 to vector<16x1xf32>
    %gt3A_14 = arith.cmpf ogt, %broadcast_in_dim3A_12, %gt3A_13 : vector<16x1xf32>
    %convert_element_type3A = arith.extui %gt3A_14 : vector<16x1xi1> to vector<16x1xi32>
    %iota3A = tpu.iota {dimensions = array<i32: 0>} : vector<16x1xi32>
    %sub3A = arith.constant 15 : i32
    %sub3A_15 = vector.broadcast %sub3A : i32 to vector<16x1xi32>
    %sub3A_16 = arith.subi %sub3A_15, %iota3A : vector<16x1xi32>
    %shift_left3A = arith.constant 1 : i32
    %shift_left3A_17 = vector.broadcast %shift_left3A : i32 to vector<16x1xi32>
    %shift_left3A_18 = arith.shli %shift_left3A_17, %sub3A_16 : vector<16x1xi32>
    %mul3A_19 = arith.muli %convert_element_type3A, %shift_left3A_18 : vector<16x1xi32>
    %reduce_sum3A_20 = vector.shape_cast %mul3A_19 : vector<16x1xi32> to vector<1x16x1xi32>
    %reduce_sum3A_21 = arith.constant dense<0> : vector<1xi32>
    %reduce_sum3A_22 = vector.multi_reduction <add>, %reduce_sum3A_20, %reduce_sum3A_21 [1, 2] : vector<1x16x1xi32> to vector<1xi32>
    %reduce_sum3A_23 = vector.shape_cast %reduce_sum3A_22 : vector<1xi32> to vector<1x1x1xi32>
    %reduce_sum3A_24 = vector.extract %reduce_sum3A_23[0, 0, 0] : i32 from vector<1x1x1xi32>
    %iota3A_25 = tpu.iota {dimensions = array<i32: 0>} : vector<784x128xi32>
    %iota3A_26 = tpu.iota {dimensions = array<i32: 1>} : vector<784x128xi32>
    %shift_left3A_27 = arith.constant 7 : i32
    %shift_left3A_28 = vector.broadcast %shift_left3A_27 : i32 to vector<784x128xi32>
    %shift_left3A_29 = arith.shli %iota3A_25, %shift_left3A_28 : vector<784x128xi32>
    %or3A = arith.ori %shift_left3A_29, %iota3A_26 : vector<784x128xi32>
    %xor3A = arith.constant 466688986 : i32
    %xor3A_30 = arith.xori %reduce_sum3A_24, %xor3A : i32
    %broadcast_in_dim3A_31 = arith.constant 0 : i32
    %broadcast_in_dim3A_32 = vector.broadcast %broadcast_in_dim3A_31 : i32 to vector<784x128xi32>
    %add3A = arith.constant 0 : i32
    %add3A_33 = vector.broadcast %add3A : i32 to vector<784x128xi32>
    %add3A_34 = arith.addi %broadcast_in_dim3A_32, %add3A_33 : vector<784x128xi32>
    %add3A_35 = vector.broadcast %reduce_sum3A_24 : i32 to vector<784x128xi32>
    %add3A_36 = arith.addi %or3A, %add3A_35 : vector<784x128xi32>
    %add3A_37 = arith.addi %add3A_34, %add3A_36 : vector<784x128xi32>
    %shift_left3A_38 = arith.constant 13 : i32
    %shift_left3A_39 = vector.broadcast %shift_left3A_38 : i32 to vector<784x128xi32>
    %shift_left3A_40 = arith.shli %add3A_36, %shift_left3A_39 : vector<784x128xi32>
    %shift_right_logical3A = arith.constant 19 : i32
    %shift_right_logical3A_41 = vector.broadcast %shift_right_logical3A : i32 to vector<784x128xi32>
    %shift_right_logical3A_42 = arith.shrui %add3A_36, %shift_right_logical3A_41 : vector<784x128xi32>
    %or3A_43 = arith.ori %shift_left3A_40, %shift_right_logical3A_42 : vector<784x128xi32>
    %xor3A_44 = arith.xori %add3A_37, %or3A_43 : vector<784x128xi32>
    %add3A_45 = arith.addi %add3A_37, %xor3A_44 : vector<784x128xi32>
    %shift_left3A_46 = arith.constant 15 : i32
    %shift_left3A_47 = vector.broadcast %shift_left3A_46 : i32 to vector<784x128xi32>
    %shift_left3A_48 = arith.shli %xor3A_44, %shift_left3A_47 : vector<784x128xi32>
    %shift_right_logical3A_49 = arith.constant 17 : i32
    %shift_right_logical3A_50 = vector.broadcast %shift_right_logical3A_49 : i32 to vector<784x128xi32>
    %shift_right_logical3A_51 = arith.shrui %xor3A_44, %shift_right_logical3A_50 : vector<784x128xi32>
    %or3A_52 = arith.ori %shift_left3A_48, %shift_right_logical3A_51 : vector<784x128xi32>
    %xor3A_53 = arith.xori %add3A_45, %or3A_52 : vector<784x128xi32>
    %add3A_54 = arith.addi %add3A_45, %xor3A_53 : vector<784x128xi32>
    %shift_left3A_55 = arith.constant 26 : i32
    %shift_left3A_56 = vector.broadcast %shift_left3A_55 : i32 to vector<784x128xi32>
    %shift_left3A_57 = arith.shli %xor3A_53, %shift_left3A_56 : vector<784x128xi32>
    %shift_right_logical3A_58 = arith.constant 6 : i32
    %shift_right_logical3A_59 = vector.broadcast %shift_right_logical3A_58 : i32 to vector<784x128xi32>
    %shift_right_logical3A_60 = arith.shrui %xor3A_53, %shift_right_logical3A_59 : vector<784x128xi32>
    %or3A_61 = arith.ori %shift_left3A_57, %shift_right_logical3A_60 : vector<784x128xi32>
    %xor3A_62 = arith.xori %add3A_54, %or3A_61 : vector<784x128xi32>
    %add3A_63 = arith.addi %add3A_54, %xor3A_62 : vector<784x128xi32>
    %shift_left3A_64 = arith.constant 6 : i32
    %shift_left3A_65 = vector.broadcast %shift_left3A_64 : i32 to vector<784x128xi32>
    %shift_left3A_66 = arith.shli %xor3A_62, %shift_left3A_65 : vector<784x128xi32>
    %shift_right_logical3A_67 = arith.constant 26 : i32
    %shift_right_logical3A_68 = vector.broadcast %shift_right_logical3A_67 : i32 to vector<784x128xi32>
    %shift_right_logical3A_69 = arith.shrui %xor3A_62, %shift_right_logical3A_68 : vector<784x128xi32>
    %or3A_70 = arith.ori %shift_left3A_66, %shift_right_logical3A_69 : vector<784x128xi32>
    %xor3A_71 = arith.xori %add3A_63, %or3A_70 : vector<784x128xi32>
    %add3A_72 = vector.broadcast %reduce_sum3A_24 : i32 to vector<784x128xi32>
    %add3A_73 = arith.addi %add3A_63, %add3A_72 : vector<784x128xi32>
    %add3A_74 = vector.broadcast %xor3A_30 : i32 to vector<784x128xi32>
    %add3A_75 = arith.addi %xor3A_71, %add3A_74 : vector<784x128xi32>
    %add3A_76 = arith.constant 1 : i32
    %add3A_77 = vector.broadcast %add3A_76 : i32 to vector<784x128xi32>
    %add3A_78 = arith.addi %add3A_75, %add3A_77 : vector<784x128xi32>
    %add3A_79 = arith.addi %add3A_73, %add3A_78 : vector<784x128xi32>
    %shift_left3A_80 = arith.constant 17 : i32
    %shift_left3A_81 = vector.broadcast %shift_left3A_80 : i32 to vector<784x128xi32>
    %shift_left3A_82 = arith.shli %add3A_78, %shift_left3A_81 : vector<784x128xi32>
    %shift_right_logical3A_83 = arith.constant 15 : i32
    %shift_right_logical3A_84 = vector.broadcast %shift_right_logical3A_83 : i32 to vector<784x128xi32>
    %shift_right_logical3A_85 = arith.shrui %add3A_78, %shift_right_logical3A_84 : vector<784x128xi32>
    %or3A_86 = arith.ori %shift_left3A_82, %shift_right_logical3A_85 : vector<784x128xi32>
    %xor3A_87 = arith.xori %add3A_79, %or3A_86 : vector<784x128xi32>
    %add3A_88 = arith.addi %add3A_79, %xor3A_87 : vector<784x128xi32>
    %shift_left3A_89 = arith.constant 29 : i32
    %shift_left3A_90 = vector.broadcast %shift_left3A_89 : i32 to vector<784x128xi32>
    %shift_left3A_91 = arith.shli %xor3A_87, %shift_left3A_90 : vector<784x128xi32>
    %shift_right_logical3A_92 = arith.constant 3 : i32
    %shift_right_logical3A_93 = vector.broadcast %shift_right_logical3A_92 : i32 to vector<784x128xi32>
    %shift_right_logical3A_94 = arith.shrui %xor3A_87, %shift_right_logical3A_93 : vector<784x128xi32>
    %or3A_95 = arith.ori %shift_left3A_91, %shift_right_logical3A_94 : vector<784x128xi32>
    %xor3A_96 = arith.xori %add3A_88, %or3A_95 : vector<784x128xi32>
    %add3A_97 = arith.addi %add3A_88, %xor3A_96 : vector<784x128xi32>
    %shift_left3A_98 = arith.constant 16 : i32
    %shift_left3A_99 = vector.broadcast %shift_left3A_98 : i32 to vector<784x128xi32>
    %shift_left3A_100 = arith.shli %xor3A_96, %shift_left3A_99 : vector<784x128xi32>
    %shift_right_logical3A_101 = arith.constant 16 : i32
    %shift_right_logical3A_102 = vector.broadcast %shift_right_logical3A_101 : i32 to vector<784x128xi32>
    %shift_right_logical3A_103 = arith.shrui %xor3A_96, %shift_right_logical3A_102 : vector<784x128xi32>
    %or3A_104 = arith.ori %shift_left3A_100, %shift_right_logical3A_103 : vector<784x128xi32>
    %xor3A_105 = arith.xori %add3A_97, %or3A_104 : vector<784x128xi32>
    %add3A_106 = arith.addi %add3A_97, %xor3A_105 : vector<784x128xi32>
    %shift_left3A_107 = arith.constant 24 : i32
    %shift_left3A_108 = vector.broadcast %shift_left3A_107 : i32 to vector<784x128xi32>
    %shift_left3A_109 = arith.shli %xor3A_105, %shift_left3A_108 : vector<784x128xi32>
    %shift_right_logical3A_110 = arith.constant 8 : i32
    %shift_right_logical3A_111 = vector.broadcast %shift_right_logical3A_110 : i32 to vector<784x128xi32>
    %shift_right_logical3A_112 = arith.shrui %xor3A_105, %shift_right_logical3A_111 : vector<784x128xi32>
    %or3A_113 = arith.ori %shift_left3A_109, %shift_right_logical3A_112 : vector<784x128xi32>
    %xor3A_114 = arith.xori %add3A_106, %or3A_113 : vector<784x128xi32>
    %add3A_115 = vector.broadcast %xor3A_30 : i32 to vector<784x128xi32>
    %add3A_116 = arith.addi %add3A_106, %add3A_115 : vector<784x128xi32>
    %add3A_117 = arith.constant 0 : i32
    %add3A_118 = vector.broadcast %add3A_117 : i32 to vector<784x128xi32>
    %add3A_119 = arith.addi %xor3A_114, %add3A_118 : vector<784x128xi32>
    %add3A_120 = arith.constant 2 : i32
    %add3A_121 = vector.broadcast %add3A_120 : i32 to vector<784x128xi32>
    %add3A_122 = arith.addi %add3A_119, %add3A_121 : vector<784x128xi32>
    %add3A_123 = arith.addi %add3A_116, %add3A_122 : vector<784x128xi32>
    %shift_left3A_124 = arith.constant 13 : i32
    %shift_left3A_125 = vector.broadcast %shift_left3A_124 : i32 to vector<784x128xi32>
    %shift_left3A_126 = arith.shli %add3A_122, %shift_left3A_125 : vector<784x128xi32>
    %shift_right_logical3A_127 = arith.constant 19 : i32
    %shift_right_logical3A_128 = vector.broadcast %shift_right_logical3A_127 : i32 to vector<784x128xi32>
    %shift_right_logical3A_129 = arith.shrui %add3A_122, %shift_right_logical3A_128 : vector<784x128xi32>
    %or3A_130 = arith.ori %shift_left3A_126, %shift_right_logical3A_129 : vector<784x128xi32>
    %xor3A_131 = arith.xori %add3A_123, %or3A_130 : vector<784x128xi32>
    %add3A_132 = arith.addi %add3A_123, %xor3A_131 : vector<784x128xi32>
    %shift_left3A_133 = arith.constant 15 : i32
    %shift_left3A_134 = vector.broadcast %shift_left3A_133 : i32 to vector<784x128xi32>
    %shift_left3A_135 = arith.shli %xor3A_131, %shift_left3A_134 : vector<784x128xi32>
    %shift_right_logical3A_136 = arith.constant 17 : i32
    %shift_right_logical3A_137 = vector.broadcast %shift_right_logical3A_136 : i32 to vector<784x128xi32>
    %shift_right_logical3A_138 = arith.shrui %xor3A_131, %shift_right_logical3A_137 : vector<784x128xi32>
    %or3A_139 = arith.ori %shift_left3A_135, %shift_right_logical3A_138 : vector<784x128xi32>
    %xor3A_140 = arith.xori %add3A_132, %or3A_139 : vector<784x128xi32>
    %add3A_141 = arith.addi %add3A_132, %xor3A_140 : vector<784x128xi32>
    %shift_left3A_142 = arith.constant 26 : i32
    %shift_left3A_143 = vector.broadcast %shift_left3A_142 : i32 to vector<784x128xi32>
    %shift_left3A_144 = arith.shli %xor3A_140, %shift_left3A_143 : vector<784x128xi32>
    %shift_right_logical3A_145 = arith.constant 6 : i32
    %shift_right_logical3A_146 = vector.broadcast %shift_right_logical3A_145 : i32 to vector<784x128xi32>
    %shift_right_logical3A_147 = arith.shrui %xor3A_140, %shift_right_logical3A_146 : vector<784x128xi32>
    %or3A_148 = arith.ori %shift_left3A_144, %shift_right_logical3A_147 : vector<784x128xi32>
    %xor3A_149 = arith.xori %add3A_141, %or3A_148 : vector<784x128xi32>
    %add3A_150 = arith.addi %add3A_141, %xor3A_149 : vector<784x128xi32>
    %shift_left3A_151 = arith.constant 6 : i32
    %shift_left3A_152 = vector.broadcast %shift_left3A_151 : i32 to vector<784x128xi32>
    %shift_left3A_153 = arith.shli %xor3A_149, %shift_left3A_152 : vector<784x128xi32>
    %shift_right_logical3A_154 = arith.constant 26 : i32
    %shift_right_logical3A_155 = vector.broadcast %shift_right_logical3A_154 : i32 to vector<784x128xi32>
    %shift_right_logical3A_156 = arith.shrui %xor3A_149, %shift_right_logical3A_155 : vector<784x128xi32>
    %or3A_157 = arith.ori %shift_left3A_153, %shift_right_logical3A_156 : vector<784x128xi32>
    %xor3A_158 = arith.xori %add3A_150, %or3A_157 : vector<784x128xi32>
    %add3A_159 = arith.constant 0 : i32
    %add3A_160 = vector.broadcast %add3A_159 : i32 to vector<784x128xi32>
    %add3A_161 = arith.addi %add3A_150, %add3A_160 : vector<784x128xi32>
    %add3A_162 = vector.broadcast %reduce_sum3A_24 : i32 to vector<784x128xi32>
    %add3A_163 = arith.addi %xor3A_158, %add3A_162 : vector<784x128xi32>
    %add3A_164 = arith.constant 3 : i32
    %add3A_165 = vector.broadcast %add3A_164 : i32 to vector<784x128xi32>
    %add3A_166 = arith.addi %add3A_163, %add3A_165 : vector<784x128xi32>
    %add3A_167 = arith.addi %add3A_161, %add3A_166 : vector<784x128xi32>
    %shift_left3A_168 = arith.constant 17 : i32
    %shift_left3A_169 = vector.broadcast %shift_left3A_168 : i32 to vector<784x128xi32>
    %shift_left3A_170 = arith.shli %add3A_166, %shift_left3A_169 : vector<784x128xi32>
    %shift_right_logical3A_171 = arith.constant 15 : i32
    %shift_right_logical3A_172 = vector.broadcast %shift_right_logical3A_171 : i32 to vector<784x128xi32>
    %shift_right_logical3A_173 = arith.shrui %add3A_166, %shift_right_logical3A_172 : vector<784x128xi32>
    %or3A_174 = arith.ori %shift_left3A_170, %shift_right_logical3A_173 : vector<784x128xi32>
    %xor3A_175 = arith.xori %add3A_167, %or3A_174 : vector<784x128xi32>
    %add3A_176 = arith.addi %add3A_167, %xor3A_175 : vector<784x128xi32>
    %shift_left3A_177 = arith.constant 29 : i32
    %shift_left3A_178 = vector.broadcast %shift_left3A_177 : i32 to vector<784x128xi32>
    %shift_left3A_179 = arith.shli %xor3A_175, %shift_left3A_178 : vector<784x128xi32>
    %shift_right_logical3A_180 = arith.constant 3 : i32
    %shift_right_logical3A_181 = vector.broadcast %shift_right_logical3A_180 : i32 to vector<784x128xi32>
    %shift_right_logical3A_182 = arith.shrui %xor3A_175, %shift_right_logical3A_181 : vector<784x128xi32>
    %or3A_183 = arith.ori %shift_left3A_179, %shift_right_logical3A_182 : vector<784x128xi32>
    %xor3A_184 = arith.xori %add3A_176, %or3A_183 : vector<784x128xi32>
    %add3A_185 = arith.addi %add3A_176, %xor3A_184 : vector<784x128xi32>
    %shift_left3A_186 = arith.constant 16 : i32
    %shift_left3A_187 = vector.broadcast %shift_left3A_186 : i32 to vector<784x128xi32>
    %shift_left3A_188 = arith.shli %xor3A_184, %shift_left3A_187 : vector<784x128xi32>
    %shift_right_logical3A_189 = arith.constant 16 : i32
    %shift_right_logical3A_190 = vector.broadcast %shift_right_logical3A_189 : i32 to vector<784x128xi32>
    %shift_right_logical3A_191 = arith.shrui %xor3A_184, %shift_right_logical3A_190 : vector<784x128xi32>
    %or3A_192 = arith.ori %shift_left3A_188, %shift_right_logical3A_191 : vector<784x128xi32>
    %xor3A_193 = arith.xori %add3A_185, %or3A_192 : vector<784x128xi32>
    %add3A_194 = arith.addi %add3A_185, %xor3A_193 : vector<784x128xi32>
    %shift_left3A_195 = arith.constant 24 : i32
    %shift_left3A_196 = vector.broadcast %shift_left3A_195 : i32 to vector<784x128xi32>
    %shift_left3A_197 = arith.shli %xor3A_193, %shift_left3A_196 : vector<784x128xi32>
    %shift_right_logical3A_198 = arith.constant 8 : i32
    %shift_right_logical3A_199 = vector.broadcast %shift_right_logical3A_198 : i32 to vector<784x128xi32>
    %shift_right_logical3A_200 = arith.shrui %xor3A_193, %shift_right_logical3A_199 : vector<784x128xi32>
    %or3A_201 = arith.ori %shift_left3A_197, %shift_right_logical3A_200 : vector<784x128xi32>
    %xor3A_202 = arith.xori %add3A_194, %or3A_201 : vector<784x128xi32>
    %add3A_203 = vector.broadcast %reduce_sum3A_24 : i32 to vector<784x128xi32>
    %add3A_204 = arith.addi %add3A_194, %add3A_203 : vector<784x128xi32>
    %add3A_205 = vector.broadcast %xor3A_30 : i32 to vector<784x128xi32>
    %add3A_206 = arith.addi %xor3A_202, %add3A_205 : vector<784x128xi32>
    %add3A_207 = arith.constant 4 : i32
    %add3A_208 = vector.broadcast %add3A_207 : i32 to vector<784x128xi32>
    %add3A_209 = arith.addi %add3A_206, %add3A_208 : vector<784x128xi32>
    %add3A_210 = arith.addi %add3A_204, %add3A_209 : vector<784x128xi32>
    %shift_left3A_211 = arith.constant 13 : i32
    %shift_left3A_212 = vector.broadcast %shift_left3A_211 : i32 to vector<784x128xi32>
    %shift_left3A_213 = arith.shli %add3A_209, %shift_left3A_212 : vector<784x128xi32>
    %shift_right_logical3A_214 = arith.constant 19 : i32
    %shift_right_logical3A_215 = vector.broadcast %shift_right_logical3A_214 : i32 to vector<784x128xi32>
    %shift_right_logical3A_216 = arith.shrui %add3A_209, %shift_right_logical3A_215 : vector<784x128xi32>
    %or3A_217 = arith.ori %shift_left3A_213, %shift_right_logical3A_216 : vector<784x128xi32>
    %xor3A_218 = arith.xori %add3A_210, %or3A_217 : vector<784x128xi32>
    %add3A_219 = arith.addi %add3A_210, %xor3A_218 : vector<784x128xi32>
    %shift_left3A_220 = arith.constant 15 : i32
    %shift_left3A_221 = vector.broadcast %shift_left3A_220 : i32 to vector<784x128xi32>
    %shift_left3A_222 = arith.shli %xor3A_218, %shift_left3A_221 : vector<784x128xi32>
    %shift_right_logical3A_223 = arith.constant 17 : i32
    %shift_right_logical3A_224 = vector.broadcast %shift_right_logical3A_223 : i32 to vector<784x128xi32>
    %shift_right_logical3A_225 = arith.shrui %xor3A_218, %shift_right_logical3A_224 : vector<784x128xi32>
    %or3A_226 = arith.ori %shift_left3A_222, %shift_right_logical3A_225 : vector<784x128xi32>
    %xor3A_227 = arith.xori %add3A_219, %or3A_226 : vector<784x128xi32>
    %add3A_228 = arith.addi %add3A_219, %xor3A_227 : vector<784x128xi32>
    %shift_left3A_229 = arith.constant 26 : i32
    %shift_left3A_230 = vector.broadcast %shift_left3A_229 : i32 to vector<784x128xi32>
    %shift_left3A_231 = arith.shli %xor3A_227, %shift_left3A_230 : vector<784x128xi32>
    %shift_right_logical3A_232 = arith.constant 6 : i32
    %shift_right_logical3A_233 = vector.broadcast %shift_right_logical3A_232 : i32 to vector<784x128xi32>
    %shift_right_logical3A_234 = arith.shrui %xor3A_227, %shift_right_logical3A_233 : vector<784x128xi32>
    %or3A_235 = arith.ori %shift_left3A_231, %shift_right_logical3A_234 : vector<784x128xi32>
    %xor3A_236 = arith.xori %add3A_228, %or3A_235 : vector<784x128xi32>
    %add3A_237 = arith.addi %add3A_228, %xor3A_236 : vector<784x128xi32>
    %shift_left3A_238 = arith.constant 6 : i32
    %shift_left3A_239 = vector.broadcast %shift_left3A_238 : i32 to vector<784x128xi32>
    %shift_left3A_240 = arith.shli %xor3A_236, %shift_left3A_239 : vector<784x128xi32>
    %shift_right_logical3A_241 = arith.constant 26 : i32
    %shift_right_logical3A_242 = vector.broadcast %shift_right_logical3A_241 : i32 to vector<784x128xi32>
    %shift_right_logical3A_243 = arith.shrui %xor3A_236, %shift_right_logical3A_242 : vector<784x128xi32>
    %or3A_244 = arith.ori %shift_left3A_240, %shift_right_logical3A_243 : vector<784x128xi32>
    %xor3A_245 = arith.xori %add3A_237, %or3A_244 : vector<784x128xi32>
    %add3A_246 = vector.broadcast %xor3A_30 : i32 to vector<784x128xi32>
    %add3A_247 = arith.addi %add3A_237, %add3A_246 : vector<784x128xi32>
    %add3A_248 = arith.constant 0 : i32
    %add3A_249 = vector.broadcast %add3A_248 : i32 to vector<784x128xi32>
    %add3A_250 = arith.addi %xor3A_245, %add3A_249 : vector<784x128xi32>
    %add3A_251 = arith.constant 5 : i32
    %add3A_252 = vector.broadcast %add3A_251 : i32 to vector<784x128xi32>
    %add3A_253 = arith.addi %add3A_250, %add3A_252 : vector<784x128xi32>
    %xor3A_254 = arith.xori %add3A_247, %add3A_253 : vector<784x128xi32>
    %shift_right_logical3A_255 = arith.constant 9 : i32
    %shift_right_logical3A_256 = vector.broadcast %shift_right_logical3A_255 : i32 to vector<784x128xi32>
    %shift_right_logical3A_257 = arith.shrui %xor3A_254, %shift_right_logical3A_256 : vector<784x128xi32>
    %or3A_258 = arith.constant 1065353216 : i32
    %or3A_259 = vector.broadcast %or3A_258 : i32 to vector<784x128xi32>
    %or3A_260 = arith.ori %shift_right_logical3A_257, %or3A_259 : vector<784x128xi32>
    %bitcast_convert_type3A = tpu.bitcast %or3A_260 : vector<784x128xi32> -> vector<784x128xf32>
    %sub3A_261 = arith.constant 1.000000e+00 : f32
    %sub3A_262 = vector.broadcast %sub3A_261 : f32 to vector<784x128xf32>
    %sub3A_263 = arith.subf %bitcast_convert_type3A, %sub3A_262 : vector<784x128xf32>
    %get3A_264 = arith.constant 0 : index
    %get3A_265 = arith.constant 0 : index
    %get3A_266 = vector.load %arg1[%get3A_264, %get3A_265] : memref<784x128xf32, #tpu.memory_space<vmem>>, vector<784x128xf32>
    %get3A_267 = arith.constant 0 : index
    %get3A_268 = arith.constant 0 : index
    %get3A_269 = memref.load %arg3[%get3A_267, %get3A_268] : memref<1x2xf32, #tpu.memory_space<smem>>
    %get3A_270 = arith.constant 0 : index
    %get3A_271 = arith.constant 1 : index
    %get3A_272 = memref.load %arg3[%get3A_270, %get3A_271] : memref<1x2xf32, #tpu.memory_space<smem>>
    %log3A = math.log %get3A_272 : f32
    %add3A_273 = arith.addf %get3A_269, %log3A : f32
    %lt3A = arith.constant 100000 : i32
    %lt3A_274 = vector.broadcast %lt3A : i32 to vector<784x128xi32>
    %lt3A_275 = arith.cmpi slt, %or3A, %lt3A_274 : vector<784x128xi32>
    %sub3A_276 = vector.broadcast %add3A_273 : f32 to vector<784x128xf32>
    %sub3A_277 = arith.subf %sub3A_276, %get3A_266 : vector<784x128xf32>
    %div3A = arith.divf %sub3A_277, %sub3A_263 : vector<784x128xf32>
    %jit3A = arith.constant 3.000000e+38 : f32
    %broadcast_in_dim3A_278 = vector.broadcast %jit3A : f32 to vector<784x128xf32>
    %select_n3A = arith.select %lt3A_275, %div3A, %broadcast_in_dim3A_278 : vector<784x128xi1>, vector<784x128xf32>
    %reduce_min3A = vector.shape_cast %select_n3A : vector<784x128xf32> to vector<1x784x128xf32>
    %reduce_min3A_279 = arith.constant dense<0x7F800000> : vector<1xf32>
    %reduce_min3A_280 = vector.multi_reduction <minimumf>, %reduce_min3A, %reduce_min3A_279 [1, 2] : vector<1x784x128xf32> to vector<1xf32>
    %reduce_min3A_281 = vector.shape_cast %reduce_min3A_280 : vector<1xf32> to vector<1x1x1xf32>
    %reduce_min3A_282 = vector.extract %reduce_min3A_281[0, 0, 0] : f32 from vector<1x1x1xf32>
    %eq3A = vector.broadcast %reduce_min3A_282 : f32 to vector<784x128xf32>
    %eq3A_283 = arith.cmpf oeq, %select_n3A, %eq3A : vector<784x128xf32>
    %jit3A_284 = arith.constant 2147483647 : i32
    %broadcast_in_dim3A_285 = vector.broadcast %jit3A_284 : i32 to vector<784x128xi32>
    %select_n3A_286 = arith.select %eq3A_283, %or3A, %broadcast_in_dim3A_285 : vector<784x128xi1>, vector<784x128xi32>
    %reduce_min3A_287 = vector.shape_cast %select_n3A_286 : vector<784x128xi32> to vector<1x784x128xi32>
    %reduce_min3A_288 = arith.constant dense<2147483647> : vector<1xi32>
    %reduce_min3A_289 = vector.multi_reduction <minsi>, %reduce_min3A_287, %reduce_min3A_288 [1, 2] : vector<1x784x128xi32> to vector<1xi32>
    %reduce_min3A_290 = vector.shape_cast %reduce_min3A_289 : vector<1xi32> to vector<1x1x1xi32>
    %reduce_min3A_291 = vector.extract %reduce_min3A_290[0, 0, 0] : i32 from vector<1x1x1xi32>
    %iota3A_292 = tpu.iota {dimensions = array<i32: 1>} : vector<1x100000xi32>
    %eq3A_293 = vector.broadcast %reduce_min3A_291 : i32 to vector<1x100000xi32>
    %eq3A_294 = arith.cmpi eq, %iota3A_292, %eq3A_293 : vector<1x100000xi32>
    %jit3A_295 = arith.constant 1.000000e+05 : f32
    %jit3A_296 = arith.constant -1.000000e+05 : f32
    %broadcast_in_dim3A_297 = vector.broadcast %jit3A_295 : f32 to vector<1x100000xf32>
    %broadcast_in_dim3A_298 = vector.broadcast %jit3A_296 : f32 to vector<1x100000xf32>
    %select_n3A_299 = arith.select %eq3A_294, %broadcast_in_dim3A_297, %broadcast_in_dim3A_298 : vector<1x100000xi1>, vector<1x100000xf32>
    %swap3A = arith.constant 0 : index
    %swap3A_300 = arith.constant 0 : index
    %swap3A_301 = vector.load %arg4[%swap3A, %swap3A_300] : memref<1x100000xf32, #tpu.memory_space<vmem>>, vector<1x100000xf32>
    tpu.vector_store %arg4[%swap3A, %swap3A_300], %select_n3A_299 {strides = array<i32>} : memref<1x100000xf32, #tpu.memory_space<vmem>>, vector<1x100000xf32>,
    return
  }
}

module attributes {stable_mosaic.version = 14 : i64} {
  func.func @_lse_body(%arg0: memref<784x128xf32, #tpu.memory_space<vmem>>, %arg1: memref<1x2xf32, #tpu.memory_space<smem>>) attributes {dimension_semantics = [], scalar_prefetch = 0 : i64, scratch_operands = 0 : i64, tpu.core_type = #tpu.core_type<tc>} {
    %get3A = arith.constant 0 : index
    %get3A_0 = arith.constant 0 : index
    %get3A_1 = vector.load %arg0[%get3A, %get3A_0] : memref<784x128xf32, #tpu.memory_space<vmem>>, vector<784x128xf32>
    %reduce_max3A = vector.shape_cast %get3A_1 : vector<784x128xf32> to vector<1x784x128xf32>
    %reduce_max3A_2 = arith.constant dense<0xFF800000> : vector<1xf32>
    %reduce_max3A_3 = vector.multi_reduction <maximumf>, %reduce_max3A, %reduce_max3A_2 [1, 2] : vector<1x784x128xf32> to vector<1xf32>
    %reduce_max3A_4 = vector.shape_cast %reduce_max3A_3 : vector<1xf32> to vector<1x1x1xf32>
    %reduce_max3A_5 = vector.extract %reduce_max3A_4[0, 0, 0] : f32 from vector<1x1x1xf32>
    %sub3A = vector.broadcast %reduce_max3A_5 : f32 to vector<784x128xf32>
    %sub3A_6 = arith.subf %get3A_1, %sub3A : vector<784x128xf32>
    %exp3A = math.exp %sub3A_6 : vector<784x128xf32>
    %reduce_sum3A = vector.shape_cast %exp3A : vector<784x128xf32> to vector<1x784x128xf32>
    %reduce_sum3A_7 = arith.constant dense<0.000000e+00> : vector<1xf32>
    %reduce_sum3A_8 = vector.multi_reduction <add>, %reduce_sum3A, %reduce_sum3A_7 [1, 2] : vector<1x784x128xf32> to vector<1xf32>
    %reduce_sum3A_9 = vector.shape_cast %reduce_sum3A_8 : vector<1xf32> to vector<1x1x1xf32>
    %reduce_sum3A_10 = vector.extract %reduce_sum3A_9[0, 0, 0] : f32 from vector<1x1x1xf32>
    %swap3A = arith.constant 0 : index
    %swap3A_11 = arith.constant 0 : index
    %swap3A_12 = memref.load %arg1[%swap3A, %swap3A_11] : memref<1x2xf32, #tpu.memory_space<smem>>
    memref.store %reduce_max3A_5, %arg1[%swap3A, %swap3A_11] : memref<1x2xf32, #tpu.memory_space<smem>>
    %swap3A_13 = arith.constant 0 : index
    %swap3A_14 = arith.constant 1 : index
    %swap3A_15 = memref.load %arg1[%swap3A_13, %swap3A_14] : memref<1x2xf32, #tpu.memory_space<smem>>
    memref.store %reduce_sum3A_10, %arg1[%swap3A_13, %swap3A_14] : memref<1x2xf32, #tpu.memory_space<smem>>
    return
  }
}

</mosaic_0001>

<sc_bundles>
// kernel: kernel.5.cloned.1.call-start
scs
__scs_entry_jumppad:
0x0: {  	(pc) =	sbr.rel $0x88, $3  }
0x1: {  	(tag) =	ssettag $0x0;
	lr =	simm.s32 $0x1  }
0x2: {  	[smem:$0x3F9E] =	sst lr;
	_ =	strace $0xD0000000  }
0x3: {  	_ = 	snop  }
0x4: {  	_ = 	snop  }
0x5: {  	_ = 	snop  }
0x6: {  	_ = 	snop  }
0x7: {  	_ = 	snop  }
__scs_overlays_trampoline_lowered:
0x8: {  	[smem:$0x3FAD] =	sst s0  }
0x9: {  	[smem:$0x3FAE] =	sst s1  }
0xa: {  	[smem:$0x3FAF] =	sst s2  }
0xb: {  	[smem:$0x3FB0] =	sst s3  }
0xc: {  	[smem:$0x3FB1] =	sst s4  }
0xd: {  	[smem:$0x3FB2] =	sst s5  }
0xe: {  	[smem:$0x3FB3] =	sst s6  }
0xf: {  	[smem:$0x3FB4] =	sst s7  }
0x10: {  	[smem:$0x3FB5] =	sst s8  }
0x11: {  	[smem:$0x3FB6] =	sst s9;
	s0 =	simm.s32 @!p0 $0x0  }
0x12: {  	s1 =	sld [smem:$0x3F9C];
	s0 =	simm.s32 @p0 $0x1  }
0x13: {  	[smem:$0x3FB7] =	sst s0;
	s0 =	simm.s32 @!p1 $0x0  }
0x14: {  	s2 =	sld [smem:$0x3F9B];
	s0 =	simm.s32 @p1 $0x1  }
0x15: {  	[smem:$0x3FB8] =	sst s0;
	s0 =	simm.s32 @!p2 $0x0  }
0x16: {  	s3 =	sld [smem:$0x3FDB];
	s0 =	simm.s32 @p2 $0x1  }
0x17: {  	s4 =	simm.s32 $0x1BF5;
	[smem:$0x3FBA] =	sst s0  }
0x18: {  	s0 =	sld [smem:$0x3F9D];
	_ =	swait.ge [sflag:s4], $0x0  }
0x19: {  	s7 =	sld [smem:$0x3F9E]  }
0x1a: {  	s8 =	sadd.s32 $0xFFFFE003, lr  }
0x1b: {  	s9 =	sadd.s32 $0xFFFFFEF7, lr;
	s5 =	simm.s32 $0xFFFFFFFF;
	p2 =	slt.u32 s8, $0xFFFFF086  }
0x1c: {  	p1 =	slt.u32 s9, $0xF7A;
	s5 =	simm.s32 @!p2 $0x0  }
0x1d: {  	s5 =	simm.s32 @p1 $0x1;
	p0 =	seq.s32 s7, s2  }
0x1e: {  	s7 =	smul.u32 @!p0 $0xF7A, s2;
	p2 =	seq.s32 @!p0 s5, $0x0  }
0x1f: {  	s9 =	smul.u32 $0xF7A, s1;
	s8 =	simm.s32 @!p0 $0x1BF5;
	p2 =	por !p2, p0  }
0x20: {  	[sflag:s8] =	ssyncset.s32 @!p0 $0xFFFFF086;
	s6 =	sadd.s32 @!p0 s3, s7;
	s7 =	simm.s32 @!p0 $0x108  }
0x21: {  	s3 =	sadd.s32 s3, s9;
	s6 =	sadd.s32 @!p0 $0x88, s6;
	s7 =	simm.s32 @p2 $0x1082  }
0x22: {  	[simem:s7], [sflag:s8] =	dma.local @!p0 [hbm:s6], $0xF7A  }
0x23: {  	s9 =	sor.u32 $0xD0000000, s2;
	s6 =	simm.s32 $0x108;
	_ =	swait.ge @!p0 [sflag:s8], $0x0  }
0x24: {  	s3 =	sadd.s32 $0x88, s3;
	s6 =	simm.s32 @!p1 $0x1082;
	[sflag:s4] =	ssyncset.s32 $0xFFFFF086  }
0x25: {  	[simem:s6], [sflag:s4] =	dma.local [hbm:s3], $0xF7A  }
0x26: {  	[smem:$0x3F9E] =	sst s1;
	(tag) =	ssettag s2;
	_ =	strace s9  }
0x27: {  	s1 =	sld [smem:$0x3FAE]  }
0x28: {  	s2 =	sld [smem:$0x3FAF]  }
0x29: {  	s4 =	sld [smem:$0x3FB1]  }
0x2a: {  	p0 =	seq.s32 s5, $0x0;
	s5 =	sld [smem:$0x3FB2]  }
0x2b: {  	s6 =	sld [smem:$0x3FB3]  }
0x2c: {  	s7 =	sld [smem:$0x3FB4]  }
0x2d: {  	s3 =	simm.s32 $0x108;
	s8 =	sld [smem:$0x3FB5]  }
0x2e: {  	s3 =	simm.s32 @!p0 $0x1082;
	s9 =	sld [smem:$0x3FB6]  }
0x2f: {  	lr =	sadd.s32 s0, s3;
	s0 =	sld [smem:$0x3FAD]  }
0x30: {  	s3 =	sld [smem:$0x3FB0]  }
0x31: {  	[smem:$0x3FB9] =	sst s10  }
0x32: {  	s10 =	sld [smem:$0x3FB7];
	_ =	sdelay $0x3  }
0x33: {  	p0 =	seq.s32 s10, $0x1;
	s10 =	sld [smem:$0x3FB9];
	_ =	sdelay $0x3  }
0x34: {  	[smem:$0x3FB9] =	sst s10  }
0x35: {  	s10 =	sld [smem:$0x3FB8];
	_ =	sdelay $0x3  }
0x36: {  	p1 =	seq.s32 s10, $0x1;
	s10 =	sld [smem:$0x3FB9];
	_ =	sdelay $0x3  }
0x37: {  	[smem:$0x3FB9] =	sst s10  }
0x38: {  	s10 =	sld [smem:$0x3FBA]  }
0x39: {  	_ = 	snop;
	(pc) =	sbr.ind lr, $3  }
0x3a: {  	_ = 	snop  }
0x3b: {  	_ = 	snop  }
0x3c: {  	p2 =	seq.s32 s10, $0x1;
	s10 =	sld [smem:$0x3FB9]  }
0x3d: {  	_ =	shalt  }
0x3e: {  	_ =	shalt  }
0x3f: {  	_ =	shalt  }
0x40: {  	_ =	shalt  }
0x41: {  	_ =	shalt  }
0x42: {  	_ =	shalt  }
0x43: {  	_ =	shalt  }
0x44: {  	_ =	shalt  }
0x45: {  	_ =	shalt  }
0x46: {  	_ =	shalt  }
0x47: {  	_ =	shalt  }
0x48: {  	_ =	shalt  }
0x49: {  	_ =	shalt  }
0x4a: {  	_ =	shalt  }
0x4b: {  	_ =	shalt  }
0x4c: {  	_ =	shalt  }
0x4d: {  	_ =	shalt  }
0x4e: {  	_ =	shalt  }
0x4f: {  	_ =	shalt  }
0x50: {  	_ =	shalt  }
0x51: {  	_ =	shalt  }
0x52: {  	_ =	shalt  }
0x53: {  	_ =	shalt  }
0x54: {  	_ =	shalt  }
0x55: {  	_ =	shalt  }
0x56: {  	_ =	shalt  }
0x57: {  	_ =	shalt  }
0x58: {  	_ =	shalt  }
0x59: {  	_ =	shalt  }
0x5a: {  	_ =	shalt  }
0x5b: {  	_ =	shalt  }
0x5c: {  	_ =	shalt  }
0x5d: {  	_ =	shalt  }
0x5e: {  	_ =	shalt  }
0x5f: {  	_ =	shalt  }
0x60: {  	_ =	shalt  }
0x61: {  	_ =	shalt  }
0x62: {  	_ =	shalt  }
0x63: {  	_ =	shalt  }
0x64: {  	_ =	shalt  }
0x65: {  	_ =	shalt  }
0x66: {  	_ =	shalt  }
0x67: {  	_ =	shalt  }
0x68: {  	_ =	shalt  }
0x69: {  	_ =	shalt  }
0x6a: {  	_ =	shalt  }
0x6b: {  	_ =	shalt  }
0x6c: {  	_ =	shalt  }
0x6d: {  	_ =	shalt  }
0x6e: {  	_ =	shalt  }
0x6f: {  	_ =	shalt  }
0x70: {  	_ =	shalt  }
0x71: {  	_ =	shalt  }
0x72: {  	_ =	shalt  }
0x73: {  	_ =	shalt  }
0x74: {  	_ =	shalt  }
0x75: {  	_ =	shalt  }
0x76: {  	_ =	shalt  }
0x77: {  	_ =	shalt  }
0x78: {  	_ =	shalt  }
0x79: {  	_ =	shalt  }
0x7a: {  	_ =	shalt  }
0x7b: {  	_ =	shalt  }
0x7c: {  	_ =	shalt  }
0x7d: {  	_ =	shalt  }
0x7e: {  	_ =	shalt  }
0x7f: {  	_ =	shalt  }
0x80: {  	_ =	shalt  }
0x81: {  	_ =	shalt  }
0x82: {  	_ =	shalt  }
0x83: {  	_ =	shalt  }
0x84: {  	_ =	shalt  }
0x85: {  	_ =	shalt  }
0x86: {  	_ =	shalt  }
0x87: {  	_ =	shalt  }
.Lfunc_end0:
.L_simem_size_0:
called_computation_lowered:
.L_overlay_start_0:
0x88: {  	s2 =	sld [smem:$0x3FD9]  }
0x89: {  	s3 =	sld [smem:$0x3FFE];
	_ =	sdelay $0x1  }
0x8a: {  	s1 =	srdreg.scid  }
0x8b: {  	s0 =	sand.u32 $0x1, s1  }
0x8c: {  	s18 =	sshll.u32 s0, $0xA;
	s2 =	sadd.s32 s3, s2  }
0x8d: {  	s2 =	sadd.s32 s2, s18  }
0x8e: {  	[smem:$0x3FC5] =	sst s2  }
0x8f: {  	_ = 	snop  }
0x90: {  	s2 =	sld [smem:$0x3FC9]  }
0x91: {  	s19 =	sld [smem:$0x3FC7]  }
0x92: {  	s4 =	sld [smem:$0x3FD0];
	(tm) =	ssettm $0x1  }
0x93: {  	s5 =	sld [smem:$0x3FFB];
	_ =	sdelay $0x3  }
0x94: {  	_ =	strace s5  }
0x95: {  	s5 =	sld [smem:$0x3FFC];
	_ =	sdelay $0x3  }
0x96: {  	_ =	strace s5  }
0x97: {  	s5 =	sld [smem:$0x3FFD];
	_ =	sdelay $0x3  }
0x98: {  	_ =	strace s5  }
0x99: {  	_ =	strace $0x8FFFFFFF  }
0x9a: {  	s20 =	sld [smem:$0x3FDB];
	_ =	sdelay $0x1  }
0x9b: {  	s6 =	simm.s32 $_scs_section_size  }
0x9c: {  	s7 =	simm.s32 $_size__tile_overlayer_lowered;
	s8 =	simm.s32 $_tile_overlayer_lowered  }
0x9d: {  	s23 =	simm.s32 $0x1BFF;
	s22 =	sshll.u32 s8, $0x1;
	s5 =	sadd.s32 s6, s20  }
0x9e: {  	s9 =	simm.s32 $0x0;
	s21 =	sshll.u32 s7, $0x1;
	s7 =	sadd.s32 s22, s5  }
0x9f: {  	[timem:s9], [sflag:s23] =	dma.local [hbm:s7], s21  }
0xa0: {  	_ =	swait.ge [sflag:s23], s21  }
0xa1: {  	s6 =	ssub.s32 $0x0, s21;
	[sflag:s23] =	ssyncset.done $0x0  }
0xa2: {  	[sflag:s23] =	ssyncadd.s32 s6;
	_ =	sdelay $0x1  }
0xa3: {  	s24 =	simm.s32 $0x1B8B  }
0xa4: {  	_ =	swait.ge [sflag:s24], $0x1  }
0xa5: {  	[sflag:s24] =	ssyncset.done $0x0  }
0xa6: {  	s25 =	simm.s32 $0x1B8E;
	[sflag:s24] =	ssyncadd.s32 $0xFFFFFFFF  }
0xa7: {  	s26 =	simm.s32 $execute0_lowered;
	[smem:$0x3FD2] =	sst s25  }
0xa8: {  	s6 =	sshll.u32 s26, $0x1;
	_ =	strace $0x80000046;
	[dreg:$0x1] =	wrdreg $0xFFFFFFFF  }
0xa9: {  	s28 =	simm.s32 $_size_execute0_lowered;
	s5 =	sadd.s32 s5, s6;
	[dreg:$0x0] =	wrdreg $0x0  }
0xaa: {  	s6 =	sshll.u32 s28, $0x1;
	[dreg:$0x2] =	wrdreg s5  }
0xab: {  	[dreg:$0x3] =	wrdreg s6  }
0xac: {  	[dreg:$0x4] =	wrdreg $0xC0  }
0xad: {  	_ =	task [dreg:s9], $0x5FFFF  }
0xae: {  	[dreg:$0x1] =	wrdreg $0xFFFFFFFF  }
0xaf: {  	[dreg:$0x0] =	wrdreg $0x60  }
0xb0: {  	[dreg:$0x2] =	wrdreg s2  }
0xb1: {  	[dreg:$0x3] =	wrdreg s19  }
0xb2: {  	[dreg:$0x4] =	wrdreg s4  }
0xb3: {  	[dreg:$0x5] =	wrdreg $0x9  }
0xb4: {  	_ =	task.clear_ibuf [dreg:s9], $0x6FFFF;
	_ =	strace $0x90000046  }
0xb5: {  	s29 =	simm.s32 $0x9;
	_ =	strace $0x80000048  }
0xb6: {  	_ =	swait.ge [sflag:s29], $0x1  }
0xb7: {  	[sflag:s29] =	ssyncadd.s32 $0xFFFFFFFF  }
0xb8: {  	_ =	strace $0x90000048  }
0xb9: {  	_ =	sfence  }
0xba: {  	s30 =	sld [smem:$0x0];
	_ =	sdelay $0x2  }
0xbb: {  	s31 =	sshll.u32 s1, $0xD;
	s1 =	sshrl.u32 s1, $0x2  }
0xbc: {  	s3 =	sand.u32 $0x4000, s31;
	s1 =	sadd.s32 s1, s30  }
0xbd: {  	s0 =	sor.u32 s3, s0;
	s1 =	sshll.u32 s1, $0x11  }
0xbe: {  	s0 =	sor.u32 s1, s0  }
0xbf: {  	s0 =	sadd.s32 $0x8F2B, s0  }
0xc0: {  	[sflag:s0] =	ssyncadd.remote.s32 $0x1  }
0xc1: {  	_ =	sfence.sel $0xFFFF  }
0xc2: {  	[dreg:$0x0] =	wrdreg $0xFFFFFFFF;
	(pc) =	sbr.abs _section_cstart, $3  }
0xc3: {  	[dreg:$0x1] =	wrdreg $0xFFFFFFFF  }
0xc4: {  	_ =	task.clear_ibuf [dreg:s9], $0x2FFFF;
	_ =	strace $0x9FFFFFFF  }
0xc5: {  	(tm) =	ssettm $0x7FFFFFFF  }
tec
execute0_lowered:
.L_overlay_start_1:
0x0: {  	(tag) =	ssettag $0x1  }
0x1: {  	s0 =	rddreg [dreg:$0x0]  }
0x2: {  	s2 =	rddreg [dreg:$0x1]  }
0x3: {  	s1 =	rddreg [dreg:$0x2]  }
0x4: {  	s3 =	srdreg.scid;
	s10 =	stileid.u32  }
0x5: {  	s17 =	simm.s32 $0xE880;
	s18 =	simm.s32 $0xF080;
	s19 =	simm.s32 $0xF880  }
0x6: {  	s20 =	simm.s32 $0x1;
	s21 =	simm.s32 $0x2;
	s22 =	simm.s32 $0x3  }
0x7: {  	s23 =	simm.s32 $0x4;
	s24 =	simm.s32 $0x80;
	s25 =	simm.s32 $0x400  }
0x8: {  	s26 =	simm.s32 $0x10080;
	s28 =	simm.s32 $0x0;
	s4 =	sand.u32 $0x1, s3  }
0x9: {  	s3 =	simm.s32 $0x0;
	s6 =	sshll.u32 s10, $0x1;
	s31 =	sshll.u32 s10, $0x8  }
0xa: {  	s10 =	simm.s32 $0x5;
	s5 =	ssub.s32 $0x2, s4;
	[smem:$0x7FF] =	sst s3  }
0xb: {  	v0 =	vlaneseq.u32;
	s8 =	sor.u32 s4, s6;
	s6 =	sadd.s32 $0x200, s2;
	s7 =	sshrl.u32 s5, $0x1  }
0xc: {  	v1 =	vand.u32 $0x7, v0;
	v63 =	vshrl.u32 v0, $0x3;
	_ =	strace $0x80000047;
	s4 =	sshll.u32 s8, $0x3;
	s8 =	sshll.u32 s8, $0x4  }
0xd: {  	v0 =	vor.u32 $0x8, v0;
	[tilespmem:$0x1FFD0] =	vst v1;
	v1 =	vmul.u32 $0x8, v63;
	s9 =	ssub.s32 s5, s7;
	s4 =	sadd.s32 s0, s4;
	s0 =	sand.u32 $0xC00, s31  }
0xe: {  	[tilespmem:$0x1FFF0] =	vst v0;
	s5 =	sadd.s32 $0x100, s2;
	s8 =	sand.u32 $0x70, s8;
	s0 =	sadd.s32 s1, s0  }
0xf: {  	vm0 =	vmmov $0xffff;
	s7 =	sadd.s32 $0x300, s2;
	s9 =	smax.u32 s9, $0x1;
	[tilespmem:$0x1FFE0] =	vst v1;
	s8 =	sadd.s32 s8, s0  }
.LBB2_1:
0x10: {  	[tilespmem:s3], [sflag:$0x5] =	stream.linear.gather [hbm4b:s4+s3], $0x40, $0x38;
	[tilespmem:$0x10480] =	vst v63  }
0x11: {  	_ =	swait.ge [sflag:s10], $0x40  }
0x12: {  	[sflag:s10] =	ssyncset.done $0x0  }
0x13: {  	[sflag:s10] =	ssyncadd.s32 $0xFFFFFFC0  }
0x14: {  	v0 =	vld [tilespmem:$0x0];
	_ =	sdelay $0x2  }
0x15: {  	v2 =	vld [tilespmem:$0x1FFD0];
	_ =	sdelay $0x1  }
0x16: {  	v3 =	vld [tilespmem:$0x1FFE0];
	v1 =	vshll.u32 v0, $0x3  }
0x17: {  	v0 =	vand.u32 $0x7, v0;
	v1 =	vand.u32 $0xFFFFFFC0, v1  }
0x18: {  	v0 =	vor.u32 v0, v1  }
0x19: {  	v1 =	vperm.xlane v0, v2;
	_ =	sdelay $0x1  }
0x1a: {  	v1 =	vadd.s32 v3, v1  }
0x1b: {  	v4 =	vld [tilespmem:$0x1FFF0];
	_ =	sdelay $0x3  }
0x1c: {  	[tilespmem:s24], [sflag:$0x1] =	stream.indirect_vreg.gather [hbm4b:s2+s3], $0x80, v1, vm0, $0xb8;
	[tilespmem:$0x10480] =	vst v63  }
0x1d: {  	s0 =	simm.s32 $0x880;
	v0 =	vperm.xlane v0, v4  }
0x1e: {  	[tilespmem:s0], [sflag:$0x1] =	stream.indirect_vreg.gather [hbm4b:s5+s3], $0x80, v1, vm0, $0xb8;
	[tilespmem:$0x10480] =	vst v63  }
0x1f: {  	s13 =	simm.s32 $0x1080;
	v0 =	vadd.s32 v3, v0  }
0x20: {  	[tilespmem:s13], [sflag:$0x1] =	stream.indirect_vreg.gather [hbm4b:s6+s3], $0x80, v1, vm0, $0xb8;
	[tilespmem:$0x10480] =	vst v63  }
0x21: {  	s14 =	simm.s32 $0x1880  }
0x22: {  	[tilespmem:s14], [sflag:$0x1] =	stream.indirect_vreg.gather [hbm4b:s7+s3], $0x80, v1, vm0, $0xb8;
	[tilespmem:$0x10480] =	vst v63  }
0x23: {  	s15 =	simm.s32 $0x2080  }
0x24: {  	[tilespmem:s15], [sflag:$0x1] =	stream.indirect_vreg.gather [hbm4b:s2+s3], $0x80, v0, vm0, $0xb8;
	[tilespmem:$0x10480] =	vst v63  }
0x25: {  	s16 =	simm.s32 $0x2880  }
0x26: {  	[tilespmem:s16], [sflag:$0x1] =	stream.indirect_vreg.gather [hbm4b:s5+s3], $0x80, v0, vm0, $0xb8;
	[tilespmem:$0x10480] =	vst v63  }
0x27: {  	s31 =	simm.s32 $0x3080  }
0x28: {  	[tilespmem:s31], [sflag:$0x1] =	stream.indirect_vreg.gather [hbm4b:s6+s3], $0x80, v0, vm0, $0xb8;
	[tilespmem:$0x10480] =	vst v63  }
0x29: {  	s1 =	simm.s32 $0x3880  }
0x2a: {  	[tilespmem:s1], [sflag:$0x1] =	stream.indirect_vreg.gather [hbm4b:s7+s3], $0x80, v0, vm0, $0xb8;
	[tilespmem:$0x10480] =	vst v63  }
0x2b: {  	v0 =	vld [tilespmem:$0x10];
	_ =	sdelay $0x4  }
0x2c: {  	v1 =	vshll.u32 v0, $0x3  }
0x2d: {  	v0 =	vand.u32 $0x7, v0;
	v1 =	vand.u32 $0xFFFFFFC0, v1  }
0x2e: {  	v0 =	vor.u32 v0, v1  }
0x2f: {  	v1 =	vperm.xlane v0, v2;
	_ =	sdelay $0x1  }
0x30: {  	v1 =	vadd.s32 v3, v1;
	_ =	sdelay $0x3  }
0x31: {  	s11 =	simm.s32 $0x4080  }
0x32: {  	[tilespmem:s11], [sflag:$0x2] =	stream.indirect_vreg.gather [hbm4b:s2+s3], $0x80, v1, vm0, $0xb8;
	[tilespmem:$0x10480] =	vst v63  }
0x33: {  	s12 =	simm.s32 $0x4880;
	v0 =	vperm.xlane v0, v4  }
0x34: {  	[tilespmem:s12], [sflag:$0x2] =	stream.indirect_vreg.gather [hbm4b:s5+s3], $0x80, v1, vm0, $0xb8;
	[tilespmem:$0x10480] =	vst v63  }
0x35: {  	s13 =	simm.s32 $0x5080;
	v0 =	vadd.s32 v3, v0  }
0x36: {  	[tilespmem:s13], [sflag:$0x2] =	stream.indirect_vreg.gather [hbm4b:s6+s3], $0x80, v1, vm0, $0xb8;
	[tilespmem:$0x10480] =	vst v63  }
0x37: {  	s14 =	simm.s32 $0x5880  }
0x38: {  	[tilespmem:s14], [sflag:$0x2] =	stream.indirect_vreg.gather [hbm4b:s7+s3], $0x80, v1, vm0, $0xb8;
	[tilespmem:$0x10480] =	vst v63  }
0x39: {  	s15 =	simm.s32 $0x6080  }
0x3a: {  	[tilespmem:s15], [sflag:$0x2] =	stream.indirect_vreg.gather [hbm4b:s2+s3], $0x80, v0, vm0, $0xb8;
	[tilespmem:$0x10480] =	vst v63  }
0x3b: {  	s16 =	simm.s32 $0x6880  }
0x3c: {  	[tilespmem:s16], [sflag:$0x2] =	stream.indirect_vreg.gather [hbm4b:s5+s3], $0x80, v0, vm0, $0xb8;
	[tilespmem:$0x10480] =	vst v63  }
0x3d: {  	s31 =	simm.s32 $0x7080  }
0x3e: {  	[tilespmem:s31], [sflag:$0x2] =	stream.indirect_vreg.gather [hbm4b:s6+s3], $0x80, v0, vm0, $0xb8;
	[tilespmem:$0x10480] =	vst v63  }
0x3f: {  	s1 =	simm.s32 $0x7880  }
0x40: {  	[tilespmem:s1], [sflag:$0x2] =	stream.indirect_vreg.gather [hbm4b:s7+s3], $0x80, v0, vm0, $0xb8;
	[tilespmem:$0x10480] =	vst v63  }
0x41: {  	v0 =	vld [tilespmem:$0x20];
	_ =	sdelay $0x4  }
0x42: {  	v1 =	vshll.u32 v0, $0x3  }
0x43: {  	v0 =	vand.u32 $0x7, v0;
	v1 =	vand.u32 $0xFFFFFFC0, v1  }
0x44: {  	v0 =	vor.u32 v0, v1  }
0x45: {  	v1 =	vperm.xlane v0, v2;
	_ =	sdelay $0x1  }
0x46: {  	v1 =	vadd.s32 v3, v1;
	_ =	sdelay $0x3  }
0x47: {  	s11 =	simm.s32 $0x8080  }
0x48: {  	[tilespmem:s11], [sflag:$0x3] =	stream.indirect_vreg.gather [hbm4b:s2+s3], $0x80, v1, vm0, $0xb8;
	[tilespmem:$0x10480] =	vst v63  }
0x49: {  	s12 =	simm.s32 $0x8880;
	v0 =	vperm.xlane v0, v4  }
0x4a: {  	[tilespmem:s12], [sflag:$0x3] =	stream.indirect_vreg.gather [hbm4b:s5+s3], $0x80, v1, vm0, $0xb8;
	[tilespmem:$0x10480] =	vst v63  }
0x4b: {  	s13 =	simm.s32 $0x9080;
	v0 =	vadd.s32 v3, v0  }
0x4c: {  	[tilespmem:s13], [sflag:$0x3] =	stream.indirect_vreg.gather [hbm4b:s6+s3], $0x80, v1, vm0, $0xb8;
	[tilespmem:$0x10480] =	vst v63  }
0x4d: {  	s14 =	simm.s32 $0x9880  }
0x4e: {  	[tilespmem:s14], [sflag:$0x3] =	stream.indirect_vreg.gather [hbm4b:s7+s3], $0x80, v1, vm0, $0xb8;
	[tilespmem:$0x10480] =	vst v63  }
0x4f: {  	s15 =	simm.s32 $0xA080  }
0x50: {  	[tilespmem:s15], [sflag:$0x3] =	stream.indirect_vreg.gather [hbm4b:s2+s3], $0x80, v0, vm0, $0xb8;
	[tilespmem:$0x10480] =	vst v63  }
0x51: {  	s16 =	simm.s32 $0xA880  }
0x52: {  	[tilespmem:s16], [sflag:$0x3] =	stream.indirect_vreg.gather [hbm4b:s5+s3], $0x80, v0, vm0, $0xb8;
	[tilespmem:$0x10480] =	vst v63  }
0x53: {  	s31 =	simm.s32 $0xB080  }
0x54: {  	[tilespmem:s31], [sflag:$0x3] =	stream.indirect_vreg.gather [hbm4b:s6+s3], $0x80, v0, vm0, $0xb8;
	[tilespmem:$0x10480] =	vst v63  }
0x55: {  	s1 =	simm.s32 $0xB880  }
0x56: {  	[tilespmem:s1], [sflag:$0x3] =	stream.indirect_vreg.gather [hbm4b:s7+s3], $0x80, v0, vm0, $0xb8;
	[tilespmem:$0x10480] =	vst v63  }
0x57: {  	v0 =	vld [tilespmem:$0x30];
	_ =	sdelay $0x4  }
0x58: {  	v1 =	vshll.u32 v0, $0x3  }
0x59: {  	v0 =	vand.u32 $0x7, v0;
	v1 =	vand.u32 $0xFFFFFFC0, v1  }
0x5a: {  	v0 =	vor.u32 v0, v1  }
0x5b: {  	v1 =	vperm.xlane v0, v2;
	_ =	sdelay $0x1  }
0x5c: {  	v1 =	vadd.s32 v3, v1;
	_ =	sdelay $0x3  }
0x5d: {  	s11 =	simm.s32 $0xC080  }
0x5e: {  	[tilespmem:s11], [sflag:$0x4] =	stream.indirect_vreg.gather [hbm4b:s2+s3], $0x80, v1, vm0, $0xb8;
	[tilespmem:$0x10480] =	vst v63  }
0x5f: {  	s12 =	simm.s32 $0xC880;
	v0 =	vperm.xlane v0, v4  }
0x60: {  	[tilespmem:s12], [sflag:$0x4] =	stream.indirect_vreg.gather [hbm4b:s5+s3], $0x80, v1, vm0, $0xb8;
	[tilespmem:$0x10480] =	vst v63  }
0x61: {  	s13 =	simm.s32 $0xD080;
	v0 =	vadd.s32 v3, v0  }
0x62: {  	[tilespmem:s13], [sflag:$0x4] =	stream.indirect_vreg.gather [hbm4b:s6+s3], $0x80, v1, vm0, $0xb8;
	[tilespmem:$0x10480] =	vst v63  }
0x63: {  	s14 =	simm.s32 $0xD880  }
0x64: {  	[tilespmem:s14], [sflag:$0x4] =	stream.indirect_vreg.gather [hbm4b:s7+s3], $0x80, v1, vm0, $0xb8;
	[tilespmem:$0x10480] =	vst v63  }
0x65: {  	s15 =	simm.s32 $0xE080  }
0x66: {  	[tilespmem:s15], [sflag:$0x4] =	stream.indirect_vreg.gather [hbm4b:s2+s3], $0x80, v0, vm0, $0xb8;
	[tilespmem:$0x10480] =	vst v63  }
0x67: {  	_ = 	snop  }
0x68: {  	[tilespmem:s17], [sflag:$0x4] =	stream.indirect_vreg.gather [hbm4b:s5+s3], $0x80, v0, vm0, $0xb8;
	[tilespmem:$0x10480] =	vst v63  }
0x69: {  	_ = 	snop  }
0x6a: {  	[tilespmem:s18], [sflag:$0x4] =	stream.indirect_vreg.gather [hbm4b:s6+s3], $0x80, v0, vm0, $0xb8;
	[tilespmem:$0x10480] =	vst v63  }
0x6b: {  	_ = 	snop  }
0x6c: {  	[tilespmem:s19], [sflag:$0x4] =	stream.indirect_vreg.gather [hbm4b:s7+s3], $0x80, v0, vm0, $0xb8;
	[tilespmem:$0x10480] =	vst v63  }
0x6d: {  	_ =	swait.ge [sflag:s20], $0x4000  }
0x6e: {  	[sflag:s20] =	ssyncset.done $0x0  }
0x6f: {  	[sflag:s20] =	ssyncadd.s32 $0xFFFFC000  }
0x70: {  	v10 =	vld [tilespmem:$0x80]  }
0x71: {  	v6 =	vld [tilespmem:$0x90]  }
0x72: {  	v5 =	vld [tilespmem:$0xA0]  }
0x73: {  	v3 =	vld [tilespmem:$0xB0]  }
0x74: {  	v4 =	vld [tilespmem:$0xC0]  }
0x75: {  	v0 =	vld [tilespmem:$0xD0]  }
0x76: {  	s16 =	sand.u32 $0x2000, s25;
	s1 =	sand.u32 $0x380, s24;
	v1 =	vld [tilespmem:$0xE0]  }
0x77: {  	s29 =	sor.u32 s1, s16;
	v2 =	vld [tilespmem:$0xF0]  }
0x78: {  	v12 =	vld [tilespmem:s29+$0xF0]  }
0x79: {  	v13 =	vld [tilespmem:s29+$0x80]  }
0x7a: {  	v11 =	vld [tilespmem:s29+$0x90]  }
0x7b: {  	v9 =	vld [tilespmem:s29+$0xA0]  }
0x7c: {  	v8 =	vld [tilespmem:s29+$0xB0]  }
0x7d: {  	s0 =	simm.s32 $0x100;
	s31 =	simm.s32 $0x800;
	v7 =	vld [tilespmem:s29+$0xC0]  }
0x7e: {  	s30 =	sand.u32 $0x380, s0;
	s1 =	simm.s32 $0xC00;
	s11 =	sand.u32 $0x2000, s31;
	v2 =	vadd.f32 v12, v2;
	v10 =	vadd.f32 v13, v10;
	v12 =	vld [tilespmem:s29+$0xD0]  }
.LBB2_2:
0x7f: {  	p0 =	sne.s32 s1, $0x3C00;
	v6 =	vadd.f32 v11, v6;
	v13 =	vld [tilespmem:s29+$0xE0];
	s29 =	sor.u32 s30, s11  }
0x80: {  	v14 =	vld [tilespmem:s29+$0xF0];
	v5 =	vadd.f32 v9, v5  }
0x81: {  	v15 =	vld [tilespmem:s29+$0x80];
	v3 =	vadd.f32 v8, v3  }
.Ltmp0:
0x82: {  	v11 =	vld [tilespmem:s29+$0x90];
	v4 =	vadd.f32 v7, v4;
	(pc) =	sbr.rel @p0 .LBB2_2-.Ltmp0, $4  }
0x83: {  	v9 =	vld [tilespmem:s29+$0xA0];
	v0 =	vadd.f32 v12, v0  }
0x84: {  	v8 =	vld [tilespmem:s29+$0xB0];
	v1 =	vadd.f32 v13, v1  }
0x85: {  	s0 =	sadd.s32 $0x80, s0;
	v7 =	vld [tilespmem:s29+$0xC0];
	v2 =	vadd.f32 v14, v2  }
0x86: {  	s11 =	sand.u32 $0x2000, s1;
	s1 =	sadd.s32 $0x400, s1;
	s30 =	sand.u32 $0x380, s0;
	v10 =	vadd.f32 v15, v10;
	v12 =	vld [tilespmem:s29+$0xD0]  }
0x87: {  	s0 =	sor.u32 s30, s11;
	v13 =	vld [tilespmem:s29+$0xE0]  }
0x88: {  	v14 =	vld [tilespmem:s0+$0xF0]  }
0x89: {  	v15 =	vld [tilespmem:s0+$0x80]  }
0x8a: {  	v16 =	vld [tilespmem:s0+$0x90]  }
0x8b: {  	v17 =	vld [tilespmem:s0+$0xA0]  }
0x8c: {  	v18 =	vld [tilespmem:s0+$0xB0]  }
0x8d: {  	v6 =	vadd.f32 v11, v6;
	v11 =	vld [tilespmem:s0+$0xC0]  }
0x8e: {  	v5 =	vadd.f32 v9, v5;
	v9 =	vld [tilespmem:$0x4A0];
	v59 =	vadd.f32 v15, v10  }
0x8f: {  	v8 =	vadd.f32 v8, v3;
	v10 =	vld [tilespmem:s0+$0xD0];
	v3 =	vadd.f32 v16, v6  }
0x90: {  	v15 =	vld [tilespmem:s0+$0xE0];
	v6 =	vadd.f32 v7, v4;
	v4 =	vadd.f32 v17, v5;
	[tilespmem:$0x10080] =	vst v59  }
0x91: {  	v17 =	vld [tilespmem:$0x480];
	v5 =	vadd.f32 v18, v8;
	[tilespmem:$0x10090] =	vst v3  }
0x92: {  	v7 =	vadd.f32 v12, v0;
	v0 =	vld [tilespmem:$0x490];
	v12 =	vadd.f32 v14, v2;
	[tilespmem:$0x100A0] =	vst v4  }
0x93: {  	v1 =	vadd.f32 v13, v1;
	v2 =	vld [tilespmem:$0x4E0];
	v6 =	vadd.f32 v11, v6;
	[tilespmem:$0x100B0] =	vst v5  }
0x94: {  	v11 =	vld [tilespmem:$0x4C0];
	[tilespmem:$0x100F0] =	vst v12;
	v7 =	vadd.f32 v10, v7  }
0x95: {  	s16 =	simm.s32 $0x400;
	s1 =	simm.s32 $0x80;
	[tilespmem:$0x100C0] =	vst v6;
	v10 =	vld [tilespmem:$0x4B0];
	v8 =	vadd.f32 v15, v1  }
0x96: {  	s1 =	sand.u32 $0x380, s1;
	s0 =	sand.u32 $0x2000, s16;
	v1 =	vld [tilespmem:$0x4D0];
	[tilespmem:$0x100D0] =	vst v7  }
0x97: {  	s29 =	sor.u32 s1, s0;
	v15 =	vld [tilespmem:$0x4F0];
	[tilespmem:$0x100E0] =	vst v8  }
0x98: {  	v18 =	vld [tilespmem:s29+$0x4F0]  }
0x99: {  	v19 =	vld [tilespmem:s29+$0x480]  }
0x9a: {  	v16 =	vld [tilespmem:s29+$0x490]  }
0x9b: {  	v14 =	vld [tilespmem:s29+$0x4A0]  }
0x9c: {  	v13 =	vld [tilespmem:s29+$0x4B0]  }
0x9d: {  	s31 =	simm.s32 $0x800;
	s0 =	simm.s32 $0x100;
	[tilespmem:$0x1FFC0] =	vst v12;
	v12 =	vld [tilespmem:s29+$0x4C0]  }
0x9e: {  	s11 =	sand.u32 $0x2000, s31;
	s1 =	simm.s32 $0xC00;
	s30 =	sand.u32 $0x380, s0;
	v18 =	vadd.f32 v18, v15;
	v15 =	vadd.f32 v19, v17;
	v17 =	vld [tilespmem:s29+$0x4D0]  }
.LBB2_4:
0x9f: {  	p0 =	sne.s32 s1, $0x3C00;
	v0 =	vadd.f32 v16, v0;
	v19 =	vld [tilespmem:s29+$0x4E0];
	s29 =	sor.u32 s30, s11  }
0xa0: {  	v20 =	vld [tilespmem:s29+$0x4F0];
	v9 =	vadd.f32 v14, v9  }
0xa1: {  	v21 =	vld [tilespmem:s29+$0x480];
	v10 =	vadd.f32 v13, v10  }
.Ltmp1:
0xa2: {  	v16 =	vld [tilespmem:s29+$0x490];
	v11 =	vadd.f32 v12, v11;
	(pc) =	sbr.rel @p0 .LBB2_4-.Ltmp1, $4  }
0xa3: {  	v14 =	vld [tilespmem:s29+$0x4A0];
	v1 =	vadd.f32 v17, v1  }
0xa4: {  	v13 =	vld [tilespmem:s29+$0x4B0];
	v2 =	vadd.f32 v19, v2  }
0xa5: {  	s0 =	sadd.s32 $0x80, s0;
	v12 =	vld [tilespmem:s29+$0x4C0];
	v18 =	vadd.f32 v20, v18  }
0xa6: {  	s11 =	sand.u32 $0x2000, s1;
	s1 =	sadd.s32 $0x400, s1;
	s30 =	sand.u32 $0x380, s0;
	v15 =	vadd.f32 v21, v15;
	v17 =	vld [tilespmem:s29+$0x4D0]  }
0xa7: {  	s0 =	sor.u32 s30, s11;
	v19 =	vld [tilespmem:s29+$0x4E0]  }
0xa8: {  	v21 =	vld [tilespmem:s0+$0x480]  }
0xa9: {  	v20 =	vld [tilespmem:s0+$0x4F0]  }
0xaa: {  	v22 =	vld [tilespmem:s0+$0x490]  }
0xab: {  	v23 =	vld [tilespmem:s0+$0x4A0]  }
0xac: {  	v24 =	vld [tilespmem:s0+$0x4B0]  }
0xad: {  	v0 =	vadd.f32 v16, v0;
	v16 =	vld [tilespmem:s0+$0x4C0];
	v15 =	vadd.f32 v21, v15  }
0xae: {  	v14 =	vadd.f32 v14, v9;
	v1 =	vadd.f32 v17, v1;
	v17 =	vld [tilespmem:$0x8C0]  }
0xaf: {  	v13 =	vadd.f32 v13, v10;
	v21 =	vld [tilespmem:s0+$0x4D0];
	v9 =	vadd.f32 v22, v0;
	[tilespmem:$0x1FFA0] =	vst v15  }
0xb0: {  	v12 =	vadd.f32 v12, v11;
	v22 =	vld [tilespmem:s0+$0x4E0];
	v10 =	vadd.f32 v23, v14;
	[tilespmem:$0x10100] =	vst v15  }
0xb1: {  	v23 =	vld [tilespmem:$0x880];
	v11 =	vadd.f32 v24, v13;
	[tilespmem:$0x10110] =	vst v9  }
0xb2: {  	v0 =	vld [tilespmem:$0x890];
	v12 =	vadd.f32 v16, v12;
	[tilespmem:$0x10120] =	vst v10  }
0xb3: {  	v2 =	vadd.f32 v19, v2;
	v16 =	vld [tilespmem:$0x8B0];
	v18 =	vadd.f32 v20, v18;
	[tilespmem:$0x10130] =	vst v11  }
0xb4: {  	v15 =	vld [tilespmem:$0x8A0];
	[tilespmem:$0x10140] =	vst v12;
	v13 =	vadd.f32 v21, v1  }
0xb5: {  	s16 =	simm.s32 $0x400;
	s1 =	simm.s32 $0x80;
	[tilespmem:$0x10170] =	vst v18;
	v14 =	vadd.f32 v22, v2;
	v1 =	vld [tilespmem:$0x8D0]  }
0xb6: {  	s1 =	sand.u32 $0x380, s1;
	s0 =	sand.u32 $0x2000, s16;
	v2 =	vld [tilespmem:$0x8E0];
	[tilespmem:$0x10150] =	vst v13  }
0xb7: {  	s29 =	sor.u32 s1, s0;
	v21 =	vld [tilespmem:$0x8F0];
	[tilespmem:$0x10160] =	vst v14  }
0xb8: {  	v24 =	vld [tilespmem:s29+$0x8F0]  }
0xb9: {  	v25 =	vld [tilespmem:s29+$0x880]  }
0xba: {  	v22 =	vld [tilespmem:s29+$0x890]  }
0xbb: {  	v20 =	vld [tilespmem:s29+$0x8A0]  }
0xbc: {  	v19 =	vld [tilespmem:s29+$0x8B0]  }
0xbd: {  	s31 =	simm.s32 $0x800;
	s0 =	simm.s32 $0x100;
	[tilespmem:$0x1FFB0] =	vst v18;
	v18 =	vld [tilespmem:s29+$0x8C0]  }
0xbe: {  	s11 =	sand.u32 $0x2000, s31;
	s1 =	simm.s32 $0xC00;
	s30 =	sand.u32 $0x380, s0;
	v24 =	vadd.f32 v24, v21;
	v21 =	vadd.f32 v25, v23;
	v23 =	vld [tilespmem:s29+$0x8D0]  }
.LBB2_6:
0xbf: {  	p0 =	sne.s32 s1, $0x3C00;
	v0 =	vadd.f32 v22, v0;
	v25 =	vld [tilespmem:s29+$0x8E0];
	s29 =	sor.u32 s30, s11  }
0xc0: {  	v26 =	vld [tilespmem:s29+$0x8F0];
	v15 =	vadd.f32 v20, v15  }
0xc1: {  	v27 =	vld [tilespmem:s29+$0x880];
	v16 =	vadd.f32 v19, v16  }
.Ltmp2:
0xc2: {  	v22 =	vld [tilespmem:s29+$0x890];
	v17 =	vadd.f32 v18, v17;
	(pc) =	sbr.rel @p0 .LBB2_6-.Ltmp2, $4  }
0xc3: {  	v20 =	vld [tilespmem:s29+$0x8A0];
	v1 =	vadd.f32 v23, v1  }
0xc4: {  	v19 =	vld [tilespmem:s29+$0x8B0];
	v2 =	vadd.f32 v25, v2  }
0xc5: {  	s0 =	sadd.s32 $0x80, s0;
	v18 =	vld [tilespmem:s29+$0x8C0];
	v24 =	vadd.f32 v26, v24  }
0xc6: {  	s11 =	sand.u32 $0x2000, s1;
	s1 =	sadd.s32 $0x400, s1;
	s30 =	sand.u32 $0x380, s0;
	v21 =	vadd.f32 v27, v21;
	v23 =	vld [tilespmem:s29+$0x8D0]  }
0xc7: {  	s0 =	sor.u32 s30, s11;
	v25 =	vld [tilespmem:s29+$0x8E0]  }
0xc8: {  	v27 =	vld [tilespmem:s0+$0x880]  }
0xc9: {  	v26 =	vld [tilespmem:s0+$0x8F0]  }
0xca: {  	v28 =	vld [tilespmem:s0+$0x890]  }
0xcb: {  	v29 =	vld [tilespmem:s0+$0x8A0]  }
0xcc: {  	v30 =	vld [tilespmem:s0+$0x8B0]  }
0xcd: {  	v0 =	vadd.f32 v22, v0;
	v22 =	vld [tilespmem:s0+$0x8C0];
	v21 =	vadd.f32 v27, v21  }
0xce: {  	v20 =	vadd.f32 v20, v15;
	v1 =	vadd.f32 v23, v1;
	v23 =	vld [tilespmem:$0xCC0]  }
0xcf: {  	v19 =	vadd.f32 v19, v16;
	v27 =	vld [tilespmem:s0+$0x8D0];
	v15 =	vadd.f32 v28, v0;
	[tilespmem:$0x1FF80] =	vst v21  }
0xd0: {  	v18 =	vadd.f32 v18, v17;
	v28 =	vld [tilespmem:s0+$0x8E0];
	v16 =	vadd.f32 v29, v20;
	[tilespmem:$0x10180] =	vst v21  }
0xd1: {  	v29 =	vld [tilespmem:$0xC80];
	v17 =	vadd.f32 v30, v19;
	[tilespmem:$0x10190] =	vst v15  }
0xd2: {  	v0 =	vld [tilespmem:$0xC90];
	v18 =	vadd.f32 v22, v18;
	[tilespmem:$0x101A0] =	vst v16  }
0xd3: {  	v2 =	vadd.f32 v25, v2;
	v22 =	vld [tilespmem:$0xCB0];
	v24 =	vadd.f32 v26, v24;
	[tilespmem:$0x101B0] =	vst v17  }
0xd4: {  	v21 =	vld [tilespmem:$0xCA0];
	[tilespmem:$0x101C0] =	vst v18;
	v19 =	vadd.f32 v27, v1  }
0xd5: {  	s16 =	simm.s32 $0x400;
	s1 =	simm.s32 $0x80;
	[tilespmem:$0x101F0] =	vst v24;
	v20 =	vadd.f32 v28, v2;
	v1 =	vld [tilespmem:$0xCD0]  }
0xd6: {  	s1 =	sand.u32 $0x380, s1;
	s0 =	sand.u32 $0x2000, s16;
	v2 =	vld [tilespmem:$0xCE0];
	[tilespmem:$0x101D0] =	vst v19  }
0xd7: {  	s29 =	sor.u32 s1, s0;
	v27 =	vld [tilespmem:$0xCF0];
	[tilespmem:$0x101E0] =	vst v20  }
0xd8: {  	v30 =	vld [tilespmem:s29+$0xCF0]  }
0xd9: {  	v31 =	vld [tilespmem:s29+$0xC80]  }
0xda: {  	v28 =	vld [tilespmem:s29+$0xC90]  }
0xdb: {  	v26 =	vld [tilespmem:s29+$0xCA0]  }
0xdc: {  	v25 =	vld [tilespmem:s29+$0xCB0]  }
0xdd: {  	s31 =	simm.s32 $0x800;
	s0 =	simm.s32 $0x100;
	[tilespmem:$0x1FF90] =	vst v24;
	v24 =	vld [tilespmem:s29+$0xCC0]  }
0xde: {  	s11 =	sand.u32 $0x2000, s31;
	s1 =	simm.s32 $0xC00;
	s30 =	sand.u32 $0x380, s0;
	v30 =	vadd.f32 v30, v27;
	v27 =	vadd.f32 v31, v29;
	v29 =	vld [tilespmem:s29+$0xCD0]  }
.LBB2_8:
0xdf: {  	p0 =	sne.s32 s1, $0x3C00;
	v0 =	vadd.f32 v28, v0;
	v31 =	vld [tilespmem:s29+$0xCE0];
	s29 =	sor.u32 s30, s11  }
0xe0: {  	v32 =	vld [tilespmem:s29+$0xCF0];
	v21 =	vadd.f32 v26, v21  }
0xe1: {  	v34 =	vld [tilespmem:s29+$0xC80];
	v22 =	vadd.f32 v25, v22  }
.Ltmp3:
0xe2: {  	v28 =	vld [tilespmem:s29+$0xC90];
	v23 =	vadd.f32 v24, v23;
	(pc) =	sbr.rel @p0 .LBB2_8-.Ltmp3, $4  }
0xe3: {  	v26 =	vld [tilespmem:s29+$0xCA0];
	v1 =	vadd.f32 v29, v1  }
0xe4: {  	v25 =	vld [tilespmem:s29+$0xCB0];
	v2 =	vadd.f32 v31, v2  }
0xe5: {  	s0 =	sadd.s32 $0x80, s0;
	v24 =	vld [tilespmem:s29+$0xCC0];
	v30 =	vadd.f32 v32, v30  }
0xe6: {  	s11 =	sand.u32 $0x2000, s1;
	s1 =	sadd.s32 $0x400, s1;
	s30 =	sand.u32 $0x380, s0;
	v27 =	vadd.f32 v34, v27;
	v29 =	vld [tilespmem:s29+$0xCD0]  }
0xe7: {  	s0 =	sor.u32 s30, s11;
	v31 =	vld [tilespmem:s29+$0xCE0]  }
0xe8: {  	v34 =	vld [tilespmem:s0+$0xC80]  }
0xe9: {  	v61 =	vld [tilespmem:$0x1080]  }
0xea: {  	v35 =	vld [tilespmem:s0+$0xC90]  }
0xeb: {  	v36 =	vld [tilespmem:s0+$0xCA0]  }
0xec: {  	v37 =	vld [tilespmem:s0+$0xCB0]  }
0xed: {  	v0 =	vadd.f32 v28, v0;
	v28 =	vld [tilespmem:s0+$0xCC0];
	v27 =	vadd.f32 v34, v27  }
0xee: {  	v26 =	vadd.f32 v26, v21;
	v58 =	vld [tilespmem:s0+$0xCD0]  }
0xef: {  	v32 =	vld [tilespmem:s0+$0xCF0];
	v25 =	vadd.f32 v25, v22;
	v21 =	vadd.f32 v35, v0;
	[tilespmem:$0x1FF60] =	vst v27  }
0xf0: {  	v60 =	vld [tilespmem:s0+$0xCE0];
	v24 =	vadd.f32 v24, v23;
	v22 =	vadd.f32 v36, v26;
	[tilespmem:$0x10200] =	vst v27  }
0xf1: {  	v62 =	vld [tilespmem:$0x10F0];
	v1 =	vadd.f32 v29, v1;
	v23 =	vadd.f32 v37, v25;
	[tilespmem:$0x10210] =	vst v21  }
0xf2: {  	v29 =	vld [tilespmem:$0x10C0];
	v24 =	vadd.f32 v28, v24;
	[tilespmem:$0x10220] =	vst v22  }
0xf3: {  	v2 =	vadd.f32 v31, v2;
	v0 =	vld [tilespmem:$0x1090];
	v25 =	vadd.f32 v58, v1;
	[tilespmem:$0x10230] =	vst v23  }
0xf4: {  	v28 =	vld [tilespmem:$0x10B0];
	v30 =	vadd.f32 v32, v30;
	[tilespmem:$0x10240] =	vst v24  }
0xf5: {  	s16 =	simm.s32 $0x400;
	s1 =	simm.s32 $0x80;
	v1 =	vld [tilespmem:$0x10D0];
	v26 =	vadd.f32 v60, v2;
	[tilespmem:$0x10250] =	vst v25  }
0xf6: {  	s0 =	sand.u32 $0x2000, s16;
	s1 =	sand.u32 $0x380, s1;
	v2 =	vld [tilespmem:$0x10E0];
	[tilespmem:$0x10270] =	vst v30  }
0xf7: {  	s29 =	sor.u32 s1, s0;
	v27 =	vld [tilespmem:$0x10A0];
	[tilespmem:$0x10260] =	vst v26  }
0xf8: {  	v63 =	vld [tilespmem:s29+$0x10F0]  }
0xf9: {  	v38 =	vld [tilespmem:s29+$0x1080]  }
0xfa: {  	v35 =	vld [tilespmem:s29+$0x1090]  }
0xfb: {  	v32 =	vld [tilespmem:s29+$0x10A0]  }
0xfc: {  	v31 =	vld [tilespmem:s29+$0x10B0]  }
0xfd: {  	s31 =	simm.s32 $0x800;
	s0 =	simm.s32 $0x100;
	[tilespmem:$0x1FF70] =	vst v30;
	v30 =	vld [tilespmem:s29+$0x10C0]  }
0xfe: {  	s11 =	sand.u32 $0x2000, s31;
	s1 =	simm.s32 $0xC00;
	s30 =	sand.u32 $0x380, s0;
	v36 =	vld [tilespmem:s29+$0x10D0];
	v37 =	vadd.f32 v63, v62;
	v34 =	vadd.f32 v38, v61  }
.LBB2_10:
0xff: {  	p0 =	sne.s32 s1, $0x3C00;
	v0 =	vadd.f32 v35, v0;
	v38 =	vld [tilespmem:s29+$0x10E0];
	s29 =	sor.u32 s30, s11  }
0x100: {  	v39 =	vld [tilespmem:s29+$0x10F0];
	v27 =	vadd.f32 v32, v27  }
0x101: {  	v41 =	vld [tilespmem:s29+$0x1080];
	v28 =	vadd.f32 v31, v28  }
.Ltmp4:
0x102: {  	v35 =	vld [tilespmem:s29+$0x1090];
	v29 =	vadd.f32 v30, v29;
	(pc) =	sbr.rel @p0 .LBB2_10-.Ltmp4, $4  }
0x103: {  	v32 =	vld [tilespmem:s29+$0x10A0];
	v1 =	vadd.f32 v36, v1  }
0x104: {  	v31 =	vld [tilespmem:s29+$0x10B0];
	v2 =	vadd.f32 v38, v2  }
0x105: {  	s0 =	sadd.s32 $0x80, s0;
	v30 =	vld [tilespmem:s29+$0x10C0];
	v37 =	vadd.f32 v39, v37  }
0x106: {  	s11 =	sand.u32 $0x2000, s1;
	s1 =	sadd.s32 $0x400, s1;
	s30 =	sand.u32 $0x380, s0;
	v34 =	vadd.f32 v41, v34;
	v36 =	vld [tilespmem:s29+$0x10D0]  }
0x107: {  	v38 =	vld [tilespmem:s29+$0x10E0]  }
0x108: {  	s0 =	sor.u32 s30, s11;
	v60 =	vld [tilespmem:$0x1480]  }
0x109: {  	v41 =	vld [tilespmem:s0+$0x1080]  }
0x10a: {  	v42 =	vld [tilespmem:s0+$0x1090]  }
0x10b: {  	v43 =	vld [tilespmem:s0+$0x10A0]  }
0x10c: {  	v44 =	vld [tilespmem:s0+$0x10B0]  }
0x10d: {  	v0 =	vadd.f32 v35, v0;
	v56 =	vld [tilespmem:s0+$0x10C0]  }
0x10e: {  	v32 =	vadd.f32 v32, v27;
	v57 =	vld [tilespmem:s0+$0x10D0];
	v33 =	vadd.f32 v41, v34  }
0x10f: {  	v39 =	vld [tilespmem:s0+$0x10F0];
	v31 =	vadd.f32 v31, v28;
	v27 =	vadd.f32 v42, v0  }
0x110: {  	v58 =	vld [tilespmem:s0+$0x10E0];
	v30 =	vadd.f32 v30, v29;
	v28 =	vadd.f32 v43, v32;
	[tilespmem:$0x10280] =	vst v33  }
0x111: {  	v35 =	vld [tilespmem:$0x14B0];
	v1 =	vadd.f32 v36, v1;
	v29 =	vadd.f32 v44, v31;
	[tilespmem:$0x10290] =	vst v27  }
0x112: {  	v62 =	vld [tilespmem:$0x14F0];
	v30 =	vadd.f32 v56, v30;
	[tilespmem:$0x102A0] =	vst v28  }
0x113: {  	v36 =	vld [tilespmem:$0x14C0];
	v2 =	vadd.f32 v38, v2;
	v31 =	vadd.f32 v57, v1;
	[tilespmem:$0x102B0] =	vst v29  }
0x114: {  	v0 =	vld [tilespmem:$0x1490];
	v61 =	vadd.f32 v39, v37;
	[tilespmem:$0x102C0] =	vst v30  }
0x115: {  	s16 =	simm.s32 $0x400;
	s1 =	simm.s32 $0x80;
	v34 =	vld [tilespmem:$0x14A0];
	v32 =	vadd.f32 v58, v2;
	[tilespmem:$0x102D0] =	vst v31  }
0x116: {  	s0 =	sand.u32 $0x2000, s16;
	s1 =	sand.u32 $0x380, s1;
	v1 =	vld [tilespmem:$0x14D0];
	[tilespmem:$0x102F0] =	vst v61  }
0x117: {  	s29 =	sor.u32 s1, s0;
	v2 =	vld [tilespmem:$0x14E0];
	[tilespmem:$0x102E0] =	vst v32  }
0x118: {  	v63 =	vld [tilespmem:s29+$0x14F0]  }
0x119: {  	v45 =	vld [tilespmem:s29+$0x1480]  }
0x11a: {  	v42 =	vld [tilespmem:s29+$0x1490]  }
0x11b: {  	v39 =	vld [tilespmem:s29+$0x14A0]  }
0x11c: {  	v38 =	vld [tilespmem:s29+$0x14B0]  }
0x11d: {  	s31 =	simm.s32 $0x800;
	s0 =	simm.s32 $0x100;
	[tilespmem:$0x1FF40] =	vst v33;
	v37 =	vld [tilespmem:s29+$0x14C0]  }
0x11e: {  	s11 =	sand.u32 $0x2000, s31;
	s1 =	simm.s32 $0xC00;
	s30 =	sand.u32 $0x380, s0;
	[tilespmem:$0x1FF50] =	vst v61;
	v43 =	vld [tilespmem:s29+$0x14D0];
	v44 =	vadd.f32 v63, v62;
	v41 =	vadd.f32 v45, v60  }
.LBB2_12:
0x11f: {  	p0 =	sne.s32 s1, $0x3C00;
	v0 =	vadd.f32 v42, v0;
	v45 =	vld [tilespmem:s29+$0x14E0];
	s29 =	sor.u32 s30, s11  }
0x120: {  	v46 =	vld [tilespmem:s29+$0x14F0];
	v34 =	vadd.f32 v39, v34  }
0x121: {  	v47 =	vld [tilespmem:s29+$0x1480];
	v35 =	vadd.f32 v38, v35  }
.Ltmp5:
0x122: {  	v42 =	vld [tilespmem:s29+$0x1490];
	v36 =	vadd.f32 v37, v36;
	(pc) =	sbr.rel @p0 .LBB2_12-.Ltmp5, $4  }
0x123: {  	v39 =	vld [tilespmem:s29+$0x14A0];
	v1 =	vadd.f32 v43, v1  }
0x124: {  	v38 =	vld [tilespmem:s29+$0x14B0];
	v2 =	vadd.f32 v45, v2  }
0x125: {  	s0 =	sadd.s32 $0x80, s0;
	v37 =	vld [tilespmem:s29+$0x14C0];
	v44 =	vadd.f32 v46, v44  }
0x126: {  	s11 =	sand.u32 $0x2000, s1;
	s1 =	sadd.s32 $0x400, s1;
	s30 =	sand.u32 $0x380, s0;
	v41 =	vadd.f32 v47, v41;
	v43 =	vld [tilespmem:s29+$0x14D0]  }
0x127: {  	v45 =	vld [tilespmem:s29+$0x14E0]  }
0x128: {  	s0 =	sor.u32 s30, s11;
	v53 =	vld [tilespmem:$0x1880]  }
0x129: {  	v47 =	vld [tilespmem:s0+$0x1480]  }
0x12a: {  	v49 =	vld [tilespmem:s0+$0x1490]  }
0x12b: {  	v51 =	vld [tilespmem:s0+$0x14A0]  }
0x12c: {  	v52 =	vld [tilespmem:s0+$0x14B0]  }
0x12d: {  	v0 =	vadd.f32 v42, v0;
	v56 =	vld [tilespmem:s0+$0x14C0]  }
0x12e: {  	v39 =	vadd.f32 v39, v34;
	v57 =	vld [tilespmem:s0+$0x14D0];
	v33 =	vadd.f32 v47, v41  }
0x12f: {  	v46 =	vld [tilespmem:s0+$0x14F0];
	v38 =	vadd.f32 v38, v35;
	v34 =	vadd.f32 v49, v0  }
0x130: {  	v58 =	vld [tilespmem:s0+$0x14E0];
	v37 =	vadd.f32 v37, v36;
	v35 =	vadd.f32 v51, v39;
	[tilespmem:$0x10300] =	vst v33  }
0x131: {  	v42 =	vld [tilespmem:$0x18B0];
	v1 =	vadd.f32 v43, v1;
	v36 =	vadd.f32 v52, v38;
	[tilespmem:$0x10310] =	vst v34  }
0x132: {  	v61 =	vld [tilespmem:$0x18F0];
	v37 =	vadd.f32 v56, v37;
	[tilespmem:$0x10320] =	vst v35  }
0x133: {  	v43 =	vld [tilespmem:$0x18C0];
	v2 =	vadd.f32 v45, v2;
	v38 =	vadd.f32 v57, v1;
	[tilespmem:$0x10330] =	vst v36  }
0x134: {  	v0 =	vld [tilespmem:$0x1890];
	v60 =	vadd.f32 v46, v44;
	[tilespmem:$0x10340] =	vst v37  }
0x135: {  	s16 =	simm.s32 $0x400;
	s1 =	simm.s32 $0x80;
	v41 =	vld [tilespmem:$0x18A0];
	v39 =	vadd.f32 v58, v2;
	[tilespmem:$0x10350] =	vst v38  }
0x136: {  	s0 =	sand.u32 $0x2000, s16;
	s1 =	sand.u32 $0x380, s1;
	v1 =	vld [tilespmem:$0x18D0];
	[tilespmem:$0x10370] =	vst v60  }
0x137: {  	s29 =	sor.u32 s1, s0;
	v2 =	vld [tilespmem:$0x18E0];
	[tilespmem:$0x10360] =	vst v39  }
0x138: {  	v62 =	vld [tilespmem:s29+$0x18F0]  }
0x139: {  	v63 =	vld [tilespmem:s29+$0x1880]  }
0x13a: {  	v49 =	vld [tilespmem:s29+$0x1890]  }
0x13b: {  	v46 =	vld [tilespmem:s29+$0x18A0]  }
0x13c: {  	v45 =	vld [tilespmem:s29+$0x18B0]  }
0x13d: {  	s31 =	simm.s32 $0x800;
	s0 =	simm.s32 $0x100;
	[tilespmem:$0x1FF20] =	vst v33;
	v44 =	vld [tilespmem:s29+$0x18C0]  }
0x13e: {  	s11 =	sand.u32 $0x2000, s31;
	s1 =	simm.s32 $0xC00;
	s30 =	sand.u32 $0x380, s0;
	[tilespmem:$0x1FF30] =	vst v60;
	v52 =	vld [tilespmem:s29+$0x18D0];
	v51 =	vadd.f32 v62, v61;
	v47 =	vadd.f32 v63, v53  }
.LBB2_14:
0x13f: {  	p0 =	sne.s32 s1, $0x3C00;
	v0 =	vadd.f32 v49, v0;
	v53 =	vld [tilespmem:s29+$0x18E0];
	s29 =	sor.u32 s30, s11  }
0x140: {  	v54 =	vld [tilespmem:s29+$0x18F0];
	v41 =	vadd.f32 v46, v41  }
0x141: {  	v55 =	vld [tilespmem:s29+$0x1880];
	v42 =	vadd.f32 v45, v42  }
.Ltmp6:
0x142: {  	v49 =	vld [tilespmem:s29+$0x1890];
	v43 =	vadd.f32 v44, v43;
	(pc) =	sbr.rel @p0 .LBB2_14-.Ltmp6, $4  }
0x143: {  	v46 =	vld [tilespmem:s29+$0x18A0];
	v1 =	vadd.f32 v52, v1  }
0x144: {  	v45 =	vld [tilespmem:s29+$0x18B0];
	v2 =	vadd.f32 v53, v2  }
0x145: {  	s0 =	sadd.s32 $0x80, s0;
	v44 =	vld [tilespmem:s29+$0x18C0];
	v51 =	vadd.f32 v54, v51  }
0x146: {  	s11 =	sand.u32 $0x2000, s1;
	s1 =	sadd.s32 $0x400, s1;
	s30 =	sand.u32 $0x380, s0;
	v47 =	vadd.f32 v55, v47;
	v52 =	vld [tilespmem:s29+$0x18D0]  }
0x147: {  	v53 =	vld [tilespmem:s29+$0x18E0]  }
0x148: {  	s0 =	sor.u32 s30, s11;
	v0 =	vadd.f32 v49, v0;
	v49 =	vld [tilespmem:$0x1CC0]  }
0x149: {  	v55 =	vld [tilespmem:s0+$0x1880]  }
0x14a: {  	v56 =	vld [tilespmem:s0+$0x1890]  }
0x14b: {  	v58 =	vld [tilespmem:s0+$0x18A0]  }
0x14c: {  	v60 =	vld [tilespmem:s0+$0x18B0]  }
0x14d: {  	v63 =	vld [tilespmem:s0+$0x18C0]  }
0x14e: {  	v46 =	vadd.f32 v46, v41;
	v48 =	vld [tilespmem:s0+$0x18D0];
	v33 =	vadd.f32 v55, v47  }
0x14f: {  	v54 =	vld [tilespmem:s0+$0x18F0];
	v45 =	vadd.f32 v45, v42;
	v41 =	vadd.f32 v56, v0  }
0x150: {  	v50 =	vld [tilespmem:s0+$0x18E0];
	v44 =	vadd.f32 v44, v43;
	v42 =	vadd.f32 v58, v46;
	[tilespmem:$0x10380] =	vst v33  }
0x151: {  	v61 =	vadd.f32 v52, v1;
	v1 =	vld [tilespmem:$0x1C90];
	v43 =	vadd.f32 v60, v45;
	[tilespmem:$0x10390] =	vst v41  }
0x152: {  	v52 =	vld [tilespmem:$0x1CE0];
	v44 =	vadd.f32 v63, v44;
	[tilespmem:$0x103A0] =	vst v42  }
0x153: {  	s14 =	simm.s32 $0x1;
	v62 =	vadd.f32 v53, v2;
	v2 =	vld [tilespmem:$0x1CB0];
	v45 =	vadd.f32 v48, v61;
	[tilespmem:$0x103B0] =	vst v43  }
0x154: {  	s0 =	sand.u32 $0x7, s14;
	v53 =	vld [tilespmem:$0x1CF0];
	v63 =	vadd.f32 v54, v51;
	[tilespmem:$0x103C0] =	vst v44  }
0x155: {  	s0 =	sshll.u32 s0, $0x7;
	v0 =	vld [tilespmem:$0x1C80];
	v46 =	vadd.f32 v50, v62;
	[tilespmem:$0x103D0] =	vst v45  }
0x156: {  	s0 =	sadd.s32 $0x400, s0;
	v47 =	vld [tilespmem:$0x1CA0];
	[tilespmem:$0x103F0] =	vst v63  }
0x157: {  	s1 =	sor.u32 $0x1C70, s0;
	v51 =	vld [tilespmem:$0x1CD0];
	[tilespmem:$0x103E0] =	vst v46  }
0x158: {  	s15 =	sor.u32 $0x1C00, s0;
	v54 =	vld [tilespmem:s1+$0x80]  }
0x159: {  	s16 =	sor.u32 $0x1C10, s0;
	v58 =	vld [tilespmem:s15+$0x80]  }
0x15a: {  	s29 =	simm.s32 $0x400;
	s30 =	simm.s32 $0x2;
	s12 =	sor.u32 $0x1C20, s0;
	v60 =	vld [tilespmem:s16+$0x80]  }
0x15b: {  	s31 =	simm.s32 $0x180;
	s13 =	sor.u32 $0x1C30, s0;
	s11 =	sor.u32 $0x1C40, s0;
	[tilespmem:$0x1FF00] =	vst v33;
	v55 =	vld [tilespmem:s12+$0x80]  }
0x15c: {  	[tilespmem:$0x1FF10] =	vst v63;
	s1 =	sor.u32 $0x1C50, s0;
	s0 =	sor.u32 $0x1C60, s0;
	s12 =	sand.u32 $0x7, s30;
	v56 =	vld [tilespmem:s13+$0x80]  }
.LBB2_16:
0x15d: {  	s12 =	sshll.u32 s12, $0x7;
	s29 =	sadd.s32 $0x400, s29  }
0x15e: {  	p0 =	sne.s32 s31, $0x780;
	v63 =	vld [tilespmem:s11+$0x80];
	v53 =	vadd.f32 v54, v53;
	s12 =	sadd.s32 s12, s29  }
0x15f: {  	v0 =	vadd.f32 v58, v0;
	v33 =	vld [tilespmem:s1+$0x80];
	s1 =	sor.u32 $0x1C00, s12  }
0x160: {  	s13 =	sor.u32 $0x1C10, s12;
	s14 =	sor.u32 $0x1C70, s12;
	v1 =	vadd.f32 v60, v1;
	v40 =	vld [tilespmem:s0+$0x80];
	s15 =	sor.u32 $0x1C20, s12  }
.Ltmp7:
0x161: {  	s16 =	sor.u32 $0x1C30, s12;
	s11 =	sor.u32 $0x1C40, s12;
	v54 =	vld [tilespmem:s14+$0x80];
	v47 =	vadd.f32 v55, v47;
	(pc) =	sbr.rel @p0 .LBB2_16-.Ltmp7, $4  }
0x162: {  	s0 =	sor.u32 $0x1C60, s12;
	v58 =	vld [tilespmem:s1+$0x80];
	s1 =	sor.u32 $0x1C50, s12;
	v2 =	vadd.f32 v56, v2  }
0x163: {  	v60 =	vld [tilespmem:s13+$0x80];
	v49 =	vadd.f32 v63, v49  }
0x164: {  	s30 =	sadd.s32 $0x1, s30;
	v55 =	vld [tilespmem:s15+$0x80];
	v51 =	vadd.f32 v33, v51  }
0x165: {  	s31 =	sadd.s32 $0x80, s31;
	s12 =	sand.u32 $0x7, s30;
	v56 =	vld [tilespmem:s16+$0x80];
	v52 =	vadd.f32 v40, v52  }
0x166: {  	s12 =	sshll.u32 s12, $0x7;
	v33 =	vld [tilespmem:s11+$0x80];
	s31 =	sadd.s32 $0x400, s29  }
0x167: {  	v40 =	vld [tilespmem:s1+$0x80];
	s11 =	sadd.s32 s12, s31  }
0x168: {  	v48 =	vld [tilespmem:s0+$0x80];
	s13 =	sor.u32 $0x1C70, s11  }
0x169: {  	s14 =	sor.u32 $0x1C00, s11;
	v61 =	vld [tilespmem:s13+$0x80]  }
0x16a: {  	s15 =	sor.u32 $0x1C10, s11;
	v63 =	vld [tilespmem:s14+$0x80]  }
0x16b: {  	s16 =	sor.u32 $0x1C20, s11;
	v50 =	vld [tilespmem:s15+$0x80]  }
0x16c: {  	s31 =	sor.u32 $0x1C30, s11;
	v57 =	vld [tilespmem:s16+$0x80]  }
0x16d: {  	v0 =	vadd.f32 v58, v0;
	s12 =	sor.u32 $0x1C40, s11;
	v58 =	vld [tilespmem:s31+$0x80]  }
0x16e: {  	v1 =	vadd.f32 v60, v1;
	s13 =	sor.u32 $0x1C50, s11;
	v60 =	vld [tilespmem:s12+$0x80];
	v47 =	vadd.f32 v55, v47  }
0x16f: {  	v62 =	vld [tilespmem:s13+$0x80];
	v56 =	vadd.f32 v56, v2;
	v63 =	vadd.f32 v63, v0  }
0x170: {  	s14 =	sor.u32 $0x1C60, s11;
	v33 =	vadd.f32 v33, v49;
	v0 =	vadd.f32 v50, v1  }
0x171: {  	v40 =	vadd.f32 v40, v51;
	v1 =	vld [tilespmem:s14+$0x80];
	v2 =	vadd.f32 v57, v47;
	[tilespmem:$0x10400] =	vst v63  }
0x172: {  	v51 =	vadd.f32 v58, v56;
	v58 =	vadd.f32 v48, v52;
	[tilespmem:$0x10410] =	vst v0  }
0x173: {  	v52 =	vadd.f32 v60, v33;
	v60 =	vadd.f32 v54, v53;
	[tilespmem:$0x10420] =	vst v2  }
0x174: {  	v53 =	vadd.f32 v62, v40;
	[tilespmem:$0x10430] =	vst v51  }
0x175: {  	[tilespmem:$0x10440] =	vst v52;
	v47 =	vadd.f32 v61, v60  }
0x176: {  	[tilespmem:$0x10450] =	vst v53;
	v49 =	vadd.f32 v1, v58  }
0x177: {  	[tilespmem:$0x10470] =	vst v47  }
0x178: {  	[tilespmem:$0x10460] =	vst v49  }
0x179: {  	s15 =	simm.s32 $0x4000;
	s16 =	simm.s32 $0x800;
	_ =	swait.ge [sflag:s21], $0x4000  }
0x17a: {  	s0 =	sand.u32 $0x6000, s15;
	s1 =	sand.u32 $0x380, s16;
	[sflag:s21] =	ssyncset.done $0x0  }
0x17b: {  	s29 =	sor.u32 s1, s0;
	v62 =	vld [tilespmem:$0x1FFC0];
	[sflag:s21] =	ssyncadd.s32 $0xFFFFC000  }
0x17c: {  	v1 =	vld [tilespmem:s29+$0xF0]  }
0x17d: {  	v61 =	vld [tilespmem:s29+$0x80]  }
0x17e: {  	v58 =	vld [tilespmem:s29+$0x90]  }
0x17f: {  	v56 =	vld [tilespmem:s29+$0xA0]  }
0x180: {  	v55 =	vld [tilespmem:s29+$0xB0]  }
0x181: {  	s31 =	simm.s32 $0x4400;
	s0 =	simm.s32 $0x880;
	v54 =	vld [tilespmem:s29+$0xC0]  }
0x182: {  	s11 =	sand.u32 $0x6000, s31;
	s1 =	simm.s32 $0x4800;
	s30 =	sand.u32 $0x380, s0;
	v50 =	vld [tilespmem:s29+$0xD0];
	v1 =	vadd.f32 v1, v62;
	v33 =	vadd.f32 v61, v59  }
.LBB2_18:
0x183: {  	p0 =	sne.s32 s1, $0x7C00;
	v3 =	vadd.f32 v58, v3;
	v40 =	vld [tilespmem:s29+$0xE0];
	s29 =	sor.u32 s30, s11  }
0x184: {  	v48 =	vld [tilespmem:s29+$0xF0];
	v4 =	vadd.f32 v56, v4  }
0x185: {  	v57 =	vld [tilespmem:s29+$0x80];
	v5 =	vadd.f32 v55, v5  }
.Ltmp8:
0x186: {  	v58 =	vld [tilespmem:s29+$0x90];
	v6 =	vadd.f32 v54, v6;
	(pc) =	sbr.rel @p0 .LBB2_18-.Ltmp8, $4  }
0x187: {  	v56 =	vld [tilespmem:s29+$0xA0];
	v7 =	vadd.f32 v50, v7  }
0x188: {  	v55 =	vld [tilespmem:s29+$0xB0];
	v8 =	vadd.f32 v40, v8  }
0x189: {  	s0 =	sadd.s32 $0x80, s0;
	v54 =	vld [tilespmem:s29+$0xC0];
	v1 =	vadd.f32 v48, v1  }
0x18a: {  	s11 =	sand.u32 $0x6000, s1;
	s1 =	sadd.s32 $0x400, s1;
	s30 =	sand.u32 $0x380, s0;
	v33 =	vadd.f32 v57, v33;
	v50 =	vld [tilespmem:s29+$0xD0]  }
0x18b: {  	s0 =	sor.u32 s30, s11  }
0x18c: {  	v57 =	vld [tilespmem:s0+$0x80]  }
0x18d: {  	v40 =	vld [tilespmem:s29+$0xE0]  }
0x18e: {  	v60 =	vld [tilespmem:s0+$0x90]  }
0x18f: {  	v61 =	vld [tilespmem:s0+$0xA0]  }
0x190: {  	v3 =	vadd.f32 v58, v3;
	v59 =	vld [tilespmem:s0+$0xB0]  }
0x191: {  	v48 =	vld [tilespmem:s0+$0xF0];
	v4 =	vadd.f32 v56, v4;
	v56 =	vadd.f32 v57, v33  }
0x192: {  	v58 =	vld [tilespmem:s0+$0xC0]  }
0x193: {  	v62 =	vld [tilespmem:s0+$0xD0];
	v5 =	vadd.f32 v55, v5;
	v33 =	vadd.f32 v60, v3;
	[tilespmem:$0x1FEE0] =	vst v56  }
0x194: {  	v6 =	vadd.f32 v54, v6;
	v3 =	vld [tilespmem:s0+$0xE0];
	v54 =	vadd.f32 v61, v4;
	[tilespmem:$0x10080] =	vst v56  }
0x195: {  	v55 =	vadd.f32 v59, v5;
	[tilespmem:$0x10090] =	vst v33  }
0x196: {  	v4 =	vadd.f32 v50, v7;
	v1 =	vadd.f32 v48, v1;
	[tilespmem:$0x100A0] =	vst v54  }
0x197: {  	v5 =	vadd.f32 v40, v8;
	v56 =	vadd.f32 v58, v6;
	[tilespmem:$0x100B0] =	vst v55  }
0x198: {  	v50 =	vadd.f32 v62, v4;
	[tilespmem:$0x100F0] =	vst v1  }
0x199: {  	s16 =	simm.s32 $0x4000;
	s1 =	simm.s32 $0x800;
	[tilespmem:$0x100C0] =	vst v56;
	v3 =	vadd.f32 v3, v5  }
0x19a: {  	s1 =	sand.u32 $0x380, s1;
	s0 =	sand.u32 $0x6000, s16;
	v61 =	vld [tilespmem:$0x1FFB0];
	[tilespmem:$0x100D0] =	vst v50  }
0x19b: {  	s29 =	sor.u32 s1, s0;
	v62 =	vld [tilespmem:$0x1FFA0];
	[tilespmem:$0x100E0] =	vst v3  }
0x19c: {  	[tilespmem:$0x1FEF0] =	vst v1;
	v1 =	vld [tilespmem:s29+$0x4F0]  }
0x19d: {  	v7 =	vld [tilespmem:s29+$0x480]  }
0x19e: {  	v8 =	vld [tilespmem:s29+$0x490]  }
0x19f: {  	v6 =	vld [tilespmem:s29+$0x4A0]  }
0x1a0: {  	v5 =	vld [tilespmem:s29+$0x4B0]  }
0x1a1: {  	s31 =	simm.s32 $0x4400;
	s0 =	simm.s32 $0x880;
	v4 =	vld [tilespmem:s29+$0x4C0]  }
0x1a2: {  	s11 =	sand.u32 $0x6000, s31;
	s1 =	simm.s32 $0x4800;
	s30 =	sand.u32 $0x380, s0;
	v57 =	vld [tilespmem:s29+$0x4D0];
	v1 =	vadd.f32 v1, v61;
	v7 =	vadd.f32 v7, v62  }
.LBB2_20:
0x1a3: {  	p0 =	sne.s32 s1, $0x7C00;
	v9 =	vadd.f32 v8, v9;
	v40 =	vld [tilespmem:s29+$0x4E0];
	s29 =	sor.u32 s30, s11  }
0x1a4: {  	v48 =	vld [tilespmem:s29+$0x4F0];
	v10 =	vadd.f32 v6, v10  }
0x1a5: {  	v58 =	vld [tilespmem:s29+$0x480];
	v11 =	vadd.f32 v5, v11  }
.Ltmp9:
0x1a6: {  	v8 =	vld [tilespmem:s29+$0x490];
	v12 =	vadd.f32 v4, v12;
	(pc) =	sbr.rel @p0 .LBB2_20-.Ltmp9, $4  }
0x1a7: {  	v6 =	vld [tilespmem:s29+$0x4A0];
	v13 =	vadd.f32 v57, v13  }
0x1a8: {  	v5 =	vld [tilespmem:s29+$0x4B0];
	v14 =	vadd.f32 v40, v14  }
0x1a9: {  	s0 =	sadd.s32 $0x80, s0;
	v4 =	vld [tilespmem:s29+$0x4C0];
	v1 =	vadd.f32 v48, v1  }
0x1aa: {  	s11 =	sand.u32 $0x6000, s1;
	s1 =	sadd.s32 $0x400, s1;
	s30 =	sand.u32 $0x380, s0;
	v7 =	vadd.f32 v58, v7;
	v57 =	vld [tilespmem:s29+$0x4D0]  }
0x1ab: {  	s0 =	sor.u32 s30, s11;
	v48 =	vld [tilespmem:s29+$0x4E0]  }
0x1ac: {  	v40 =	vld [tilespmem:s0+$0x480]  }
0x1ad: {  	v58 =	vld [tilespmem:s0+$0x490]  }
0x1ae: {  	v60 =	vld [tilespmem:s0+$0x4A0]  }
0x1af: {  	v61 =	vld [tilespmem:s0+$0x4B0]  }
0x1b0: {  	v8 =	vadd.f32 v8, v9;
	v9 =	vld [tilespmem:s0+$0x4C0]  }
0x1b1: {  	v59 =	vld [tilespmem:s0+$0x4F0];
	v6 =	vadd.f32 v6, v10;
	v62 =	vadd.f32 v40, v7  }
0x1b2: {  	v5 =	vadd.f32 v5, v11;
	v7 =	vld [tilespmem:s0+$0x4D0];
	v10 =	vadd.f32 v58, v8  }
0x1b3: {  	v4 =	vadd.f32 v4, v12;
	v8 =	vld [tilespmem:s0+$0x4E0];
	v40 =	vadd.f32 v60, v6;
	[tilespmem:$0x10100] =	vst v62  }
0x1b4: {  	v6 =	vadd.f32 v57, v13;
	v57 =	vadd.f32 v61, v5;
	[tilespmem:$0x10110] =	vst v10  }
0x1b5: {  	v58 =	vadd.f32 v9, v4;
	[tilespmem:$0x10120] =	vst v40  }
0x1b6: {  	v5 =	vadd.f32 v48, v14;
	v1 =	vadd.f32 v59, v1;
	[tilespmem:$0x10130] =	vst v57  }
0x1b7: {  	[tilespmem:$0x10140] =	vst v58;
	v11 =	vadd.f32 v7, v6  }
0x1b8: {  	s16 =	simm.s32 $0x4000;
	s1 =	simm.s32 $0x800;
	[tilespmem:$0x10170] =	vst v1;
	v4 =	vadd.f32 v8, v5  }
0x1b9: {  	s1 =	sand.u32 $0x380, s1;
	s0 =	sand.u32 $0x6000, s16;
	[tilespmem:$0x10150] =	vst v11  }
0x1ba: {  	v12 =	vld [tilespmem:$0x1FF90];
	s29 =	sor.u32 s1, s0;
	[tilespmem:$0x10160] =	vst v4  }
0x1bb: {  	[tilespmem:$0x1FED0] =	vst v1;
	v1 =	vld [tilespmem:s29+$0x8F0];
	_ =	sdelay $0x3  }
0x1bc: {  	v8 =	vld [tilespmem:s29+$0x880]  }
0x1bd: {  	v1 =	vadd.f32 v1, v12;
	v12 =	vld [tilespmem:$0x1FF80]  }
0x1be: {  	v9 =	vld [tilespmem:s29+$0x890]  }
0x1bf: {  	v7 =	vld [tilespmem:s29+$0x8A0]  }
0x1c0: {  	v6 =	vld [tilespmem:s29+$0x8B0]  }
0x1c1: {  	s31 =	simm.s32 $0x4400;
	s0 =	simm.s32 $0x880;
	v5 =	vld [tilespmem:s29+$0x8C0]  }
0x1c2: {  	s11 =	sand.u32 $0x6000, s31;
	s1 =	simm.s32 $0x4800;
	[tilespmem:$0x1FEC0] =	vst v62;
	s30 =	sand.u32 $0x380, s0;
	v13 =	vld [tilespmem:s29+$0x8D0];
	v8 =	vadd.f32 v8, v12  }
.LBB2_22:
0x1c3: {  	p0 =	sne.s32 s1, $0x7C00;
	v15 =	vadd.f32 v9, v15;
	v12 =	vld [tilespmem:s29+$0x8E0];
	s29 =	sor.u32 s30, s11  }
0x1c4: {  	v14 =	vld [tilespmem:s29+$0x8F0];
	v16 =	vadd.f32 v7, v16  }
0x1c5: {  	v48 =	vld [tilespmem:s29+$0x880];
	v17 =	vadd.f32 v6, v17  }
.Ltmp10:
0x1c6: {  	v9 =	vld [tilespmem:s29+$0x890];
	v18 =	vadd.f32 v5, v18;
	(pc) =	sbr.rel @p0 .LBB2_22-.Ltmp10, $4  }
0x1c7: {  	v7 =	vld [tilespmem:s29+$0x8A0];
	v19 =	vadd.f32 v13, v19  }
0x1c8: {  	v6 =	vld [tilespmem:s29+$0x8B0];
	v20 =	vadd.f32 v12, v20  }
0x1c9: {  	s0 =	sadd.s32 $0x80, s0;
	v5 =	vld [tilespmem:s29+$0x8C0];
	v1 =	vadd.f32 v14, v1  }
0x1ca: {  	s11 =	sand.u32 $0x6000, s1;
	s1 =	sadd.s32 $0x400, s1;
	s30 =	sand.u32 $0x380, s0;
	v8 =	vadd.f32 v48, v8;
	v13 =	vld [tilespmem:s29+$0x8D0]  }
0x1cb: {  	s0 =	sor.u32 s30, s11;
	v14 =	vld [tilespmem:s29+$0x8E0]  }
0x1cc: {  	v12 =	vld [tilespmem:s0+$0x880]  }
0x1cd: {  	v48 =	vld [tilespmem:s0+$0x890]  }
0x1ce: {  	v59 =	vld [tilespmem:s0+$0x8A0]  }
0x1cf: {  	v60 =	vld [tilespmem:s0+$0x8B0]  }
0x1d0: {  	v9 =	vadd.f32 v9, v15;
	v15 =	vld [tilespmem:s0+$0x8C0]  }
0x1d1: {  	v61 =	vld [tilespmem:s0+$0x8F0];
	v7 =	vadd.f32 v7, v16;
	v16 =	vadd.f32 v12, v8  }
0x1d2: {  	v6 =	vadd.f32 v6, v17;
	v8 =	vld [tilespmem:s0+$0x8D0];
	v12 =	vadd.f32 v48, v9  }
0x1d3: {  	v5 =	vadd.f32 v5, v18;
	v9 =	vld [tilespmem:s0+$0x8E0];
	v48 =	vadd.f32 v59, v7;
	[tilespmem:$0x10180] =	vst v16  }
0x1d4: {  	v59 =	vadd.f32 v60, v6;
	[tilespmem:$0x10190] =	vst v12  }
0x1d5: {  	v7 =	vadd.f32 v13, v19;
	v60 =	vadd.f32 v15, v5;
	[tilespmem:$0x101A0] =	vst v48  }
0x1d6: {  	v6 =	vadd.f32 v14, v20;
	v1 =	vadd.f32 v61, v1;
	[tilespmem:$0x101B0] =	vst v59  }
0x1d7: {  	[tilespmem:$0x101C0] =	vst v60;
	v13 =	vadd.f32 v8, v7  }
0x1d8: {  	s16 =	simm.s32 $0x4000;
	s1 =	simm.s32 $0x800;
	[tilespmem:$0x101F0] =	vst v1;
	v5 =	vadd.f32 v9, v6  }
0x1d9: {  	s1 =	sand.u32 $0x380, s1;
	s0 =	sand.u32 $0x6000, s16;
	[tilespmem:$0x101D0] =	vst v13  }
0x1da: {  	v15 =	vld [tilespmem:$0x1FF70];
	s29 =	sor.u32 s1, s0;
	[tilespmem:$0x101E0] =	vst v5  }
0x1db: {  	[tilespmem:$0x1FEB0] =	vst v1;
	v1 =	vld [tilespmem:s29+$0xCF0];
	_ =	sdelay $0x3  }
0x1dc: {  	v9 =	vld [tilespmem:s29+$0xC80]  }
0x1dd: {  	v1 =	vadd.f32 v1, v15;
	v15 =	vld [tilespmem:$0x1FF60]  }
0x1de: {  	v14 =	vld [tilespmem:s29+$0xC90]  }
0x1df: {  	v8 =	vld [tilespmem:s29+$0xCA0]  }
0x1e0: {  	v7 =	vld [tilespmem:s29+$0xCB0]  }
0x1e1: {  	s31 =	simm.s32 $0x4400;
	s0 =	simm.s32 $0x880;
	v6 =	vld [tilespmem:s29+$0xCC0]  }
0x1e2: {  	s11 =	sand.u32 $0x6000, s31;
	s1 =	simm.s32 $0x4800;
	[tilespmem:$0x1FEA0] =	vst v16;
	s30 =	sand.u32 $0x380, s0;
	v9 =	vadd.f32 v9, v15;
	v15 =	vld [tilespmem:s29+$0xCD0]  }
.LBB2_24:
0x1e3: {  	p0 =	sne.s32 s1, $0x7C00;
	v21 =	vadd.f32 v14, v21;
	v16 =	vld [tilespmem:s29+$0xCE0];
	s29 =	sor.u32 s30, s11  }
0x1e4: {  	v17 =	vld [tilespmem:s29+$0xCF0];
	v22 =	vadd.f32 v8, v22  }
0x1e5: {  	v18 =	vld [tilespmem:s29+$0xC80];
	v23 =	vadd.f32 v7, v23  }
.Ltmp11:
0x1e6: {  	v14 =	vld [tilespmem:s29+$0xC90];
	v24 =	vadd.f32 v6, v24;
	(pc) =	sbr.rel @p0 .LBB2_24-.Ltmp11, $4  }
0x1e7: {  	v8 =	vld [tilespmem:s29+$0xCA0];
	v25 =	vadd.f32 v15, v25  }
0x1e8: {  	v7 =	vld [tilespmem:s29+$0xCB0];
	v26 =	vadd.f32 v16, v26  }
0x1e9: {  	s0 =	sadd.s32 $0x80, s0;
	v6 =	vld [tilespmem:s29+$0xCC0];
	v1 =	vadd.f32 v17, v1  }
0x1ea: {  	s11 =	sand.u32 $0x6000, s1;
	s1 =	sadd.s32 $0x400, s1;
	s30 =	sand.u32 $0x380, s0;
	v9 =	vadd.f32 v18, v9;
	v15 =	vld [tilespmem:s29+$0xCD0]  }
0x1eb: {  	s0 =	sor.u32 s30, s11;
	v16 =	vld [tilespmem:s29+$0xCE0]  }
0x1ec: {  	v18 =	vld [tilespmem:s0+$0xC80]  }
0x1ed: {  	v19 =	vld [tilespmem:s0+$0xC90]  }
0x1ee: {  	v20 =	vld [tilespmem:s0+$0xCA0]  }
0x1ef: {  	v62 =	vld [tilespmem:s0+$0xCB0]  }
0x1f0: {  	v14 =	vadd.f32 v14, v21;
	v21 =	vld [tilespmem:s0+$0xCC0]  }
0x1f1: {  	v17 =	vld [tilespmem:s0+$0xCF0];
	v8 =	vadd.f32 v8, v22;
	v22 =	vadd.f32 v18, v9  }
0x1f2: {  	v7 =	vadd.f32 v7, v23;
	v9 =	vld [tilespmem:s0+$0xCD0];
	v14 =	vadd.f32 v19, v14  }
0x1f3: {  	v6 =	vadd.f32 v6, v24;
	v18 =	vld [tilespmem:s0+$0xCE0];
	v61 =	vadd.f32 v20, v8;
	[tilespmem:$0x10200] =	vst v22  }
0x1f4: {  	v8 =	vadd.f32 v15, v25;
	v62 =	vadd.f32 v62, v7;
	[tilespmem:$0x10210] =	vst v14  }
0x1f5: {  	v7 =	vadd.f32 v16, v26;
	v26 =	vadd.f32 v21, v6;
	[tilespmem:$0x10220] =	vst v61  }
0x1f6: {  	v1 =	vadd.f32 v17, v1;
	[tilespmem:$0x10230] =	vst v62  }
0x1f7: {  	[tilespmem:$0x10240] =	vst v26;
	v15 =	vadd.f32 v9, v8  }
0x1f8: {  	s16 =	simm.s32 $0x4000;
	s1 =	simm.s32 $0x800;
	[tilespmem:$0x10270] =	vst v1;
	v6 =	vadd.f32 v18, v7  }
0x1f9: {  	s1 =	sand.u32 $0x380, s1;
	s0 =	sand.u32 $0x6000, s16;
	[tilespmem:$0x10250] =	vst v15  }
0x1fa: {  	s29 =	sor.u32 s1, s0;
	v18 =	vld [tilespmem:$0x1FF50];
	[tilespmem:$0x10260] =	vst v6  }
0x1fb: {  	[tilespmem:$0x1FE90] =	vst v1;
	v1 =	vld [tilespmem:s29+$0x10F0];
	_ =	sdelay $0x3  }
0x1fc: {  	v16 =	vld [tilespmem:s29+$0x1080]  }
0x1fd: {  	v1 =	vadd.f32 v1, v18;
	v18 =	vld [tilespmem:$0x1FF40]  }
0x1fe: {  	v17 =	vld [tilespmem:s29+$0x1090]  }
0x1ff: {  	v9 =	vld [tilespmem:s29+$0x10A0]  }
0x200: {  	v8 =	vld [tilespmem:s29+$0x10B0]  }
0x201: {  	s31 =	simm.s32 $0x4400;
	s0 =	simm.s32 $0x880;
	v7 =	vld [tilespmem:s29+$0x10C0]  }
0x202: {  	s11 =	sand.u32 $0x6000, s31;
	s1 =	simm.s32 $0x4800;
	[tilespmem:$0x1FE80] =	vst v22;
	s30 =	sand.u32 $0x380, s0;
	v16 =	vadd.f32 v16, v18;
	v18 =	vld [tilespmem:s29+$0x10D0]  }
.LBB2_26:
0x203: {  	p0 =	sne.s32 s1, $0x7C00;
	v27 =	vadd.f32 v17, v27;
	v19 =	vld [tilespmem:s29+$0x10E0];
	s29 =	sor.u32 s30, s11  }
0x204: {  	v20 =	vld [tilespmem:s29+$0x10F0];
	v28 =	vadd.f32 v9, v28  }
0x205: {  	v21 =	vld [tilespmem:s29+$0x1080];
	v29 =	vadd.f32 v8, v29  }
.Ltmp12:
0x206: {  	v17 =	vld [tilespmem:s29+$0x1090];
	v30 =	vadd.f32 v7, v30;
	(pc) =	sbr.rel @p0 .LBB2_26-.Ltmp12, $4  }
0x207: {  	v9 =	vld [tilespmem:s29+$0x10A0];
	v31 =	vadd.f32 v18, v31  }
0x208: {  	v8 =	vld [tilespmem:s29+$0x10B0];
	v32 =	vadd.f32 v19, v32  }
0x209: {  	s0 =	sadd.s32 $0x80, s0;
	v7 =	vld [tilespmem:s29+$0x10C0];
	v1 =	vadd.f32 v20, v1  }
0x20a: {  	s11 =	sand.u32 $0x6000, s1;
	s1 =	sadd.s32 $0x400, s1;
	s30 =	sand.u32 $0x380, s0;
	v16 =	vadd.f32 v21, v16;
	v18 =	vld [tilespmem:s29+$0x10D0]  }
0x20b: {  	s0 =	sor.u32 s30, s11  }
0x20c: {  	v21 =	vld [tilespmem:s0+$0x1080]  }
0x20d: {  	v19 =	vld [tilespmem:s29+$0x10E0]  }
0x20e: {  	v22 =	vld [tilespmem:s0+$0x1090]  }
0x20f: {  	v23 =	vld [tilespmem:s0+$0x10A0]  }
0x210: {  	v17 =	vadd.f32 v17, v27;
	v25 =	vld [tilespmem:s0+$0x10C0]  }
0x211: {  	v20 =	vld [tilespmem:s0+$0x10F0];
	v9 =	vadd.f32 v9, v28;
	v28 =	vadd.f32 v21, v16  }
0x212: {  	v24 =	vld [tilespmem:s0+$0x10B0]  }
0x213: {  	v7 =	vadd.f32 v7, v30;
	v21 =	vld [tilespmem:s0+$0x10D0];
	v16 =	vadd.f32 v22, v17;
	[tilespmem:$0x1FE60] =	vst v28  }
0x214: {  	v22 =	vld [tilespmem:s0+$0x10E0];
	v27 =	vadd.f32 v23, v9;
	[tilespmem:$0x10280] =	vst v28  }
0x215: {  	v8 =	vadd.f32 v8, v29;
	v29 =	vadd.f32 v25, v7;
	[tilespmem:$0x10290] =	vst v16  }
0x216: {  	v9 =	vadd.f32 v18, v31;
	v1 =	vadd.f32 v20, v1;
	[tilespmem:$0x102A0] =	vst v27  }
0x217: {  	v28 =	vadd.f32 v24, v8;
	v8 =	vadd.f32 v19, v32;
	[tilespmem:$0x102C0] =	vst v29  }
0x218: {  	[tilespmem:$0x102F0] =	vst v1;
	v17 =	vadd.f32 v21, v9  }
0x219: {  	s16 =	simm.s32 $0x4000;
	s1 =	simm.s32 $0x800;
	[tilespmem:$0x102B0] =	vst v28;
	v7 =	vadd.f32 v22, v8  }
0x21a: {  	s1 =	sand.u32 $0x380, s1;
	s0 =	sand.u32 $0x6000, s16;
	[tilespmem:$0x102D0] =	vst v17  }
0x21b: {  	s29 =	sor.u32 s1, s0;
	v21 =	vld [tilespmem:$0x1FF30];
	[tilespmem:$0x102E0] =	vst v7  }
0x21c: {  	[tilespmem:$0x1FE70] =	vst v1;
	v1 =	vld [tilespmem:s29+$0x14F0];
	_ =	sdelay $0x3  }
0x21d: {  	v19 =	vld [tilespmem:s29+$0x1480]  }
0x21e: {  	v1 =	vadd.f32 v1, v21;
	v21 =	vld [tilespmem:$0x1FF20]  }
0x21f: {  	v20 =	vld [tilespmem:s29+$0x1490]  }
0x220: {  	v18 =	vld [tilespmem:s29+$0x14A0]  }
0x221: {  	v9 =	vld [tilespmem:s29+$0x14B0]  }
0x222: {  	s31 =	simm.s32 $0x4400;
	s0 =	simm.s32 $0x880;
	v8 =	vld [tilespmem:s29+$0x14C0]  }
0x223: {  	s11 =	sand.u32 $0x6000, s31;
	s1 =	simm.s32 $0x4800;
	s30 =	sand.u32 $0x380, s0;
	v19 =	vadd.f32 v19, v21;
	v21 =	vld [tilespmem:s29+$0x14D0]  }
.LBB2_28:
0x224: {  	p0 =	sne.s32 s1, $0x7C00;
	v34 =	vadd.f32 v20, v34;
	v22 =	vld [tilespmem:s29+$0x14E0];
	s29 =	sor.u32 s30, s11  }
0x225: {  	v23 =	vld [tilespmem:s29+$0x14F0];
	v35 =	vadd.f32 v18, v35  }
0x226: {  	v24 =	vld [tilespmem:s29+$0x1480];
	v36 =	vadd.f32 v9, v36  }
.Ltmp13:
0x227: {  	v20 =	vld [tilespmem:s29+$0x1490];
	v37 =	vadd.f32 v8, v37;
	(pc) =	sbr.rel @p0 .LBB2_28-.Ltmp13, $4  }
0x228: {  	v18 =	vld [tilespmem:s29+$0x14A0];
	v38 =	vadd.f32 v21, v38  }
0x229: {  	v9 =	vld [tilespmem:s29+$0x14B0];
	v39 =	vadd.f32 v22, v39  }
0x22a: {  	s0 =	sadd.s32 $0x80, s0;
	v8 =	vld [tilespmem:s29+$0x14C0];
	v1 =	vadd.f32 v23, v1  }
0x22b: {  	s11 =	sand.u32 $0x6000, s1;
	s1 =	sadd.s32 $0x400, s1;
	s30 =	sand.u32 $0x380, s0;
	v19 =	vadd.f32 v24, v19;
	v21 =	vld [tilespmem:s29+$0x14D0]  }
0x22c: {  	s0 =	sor.u32 s30, s11  }
0x22d: {  	v24 =	vld [tilespmem:s0+$0x1480]  }
0x22e: {  	v22 =	vld [tilespmem:s29+$0x14E0]  }
0x22f: {  	v25 =	vld [tilespmem:s0+$0x1490]  }
0x230: {  	v30 =	vld [tilespmem:s0+$0x14A0]  }
0x231: {  	v31 =	vld [tilespmem:s0+$0x14B0]  }
0x232: {  	v20 =	vadd.f32 v20, v34;
	v32 =	vld [tilespmem:s0+$0x14C0];
	v24 =	vadd.f32 v24, v19  }
0x233: {  	v23 =	vld [tilespmem:s0+$0x14F0];
	v34 =	vadd.f32 v18, v35  }
0x234: {  	v9 =	vadd.f32 v9, v36;
	v19 =	vld [tilespmem:s0+$0x14D0];
	v18 =	vadd.f32 v25, v20;
	[tilespmem:$0x1FE40] =	vst v24  }
0x235: {  	v8 =	vadd.f32 v8, v37;
	v20 =	vld [tilespmem:s0+$0x14E0];
	v30 =	vadd.f32 v30, v34;
	[tilespmem:$0x10300] =	vst v24  }
0x236: {  	v31 =	vadd.f32 v31, v9;
	[tilespmem:$0x10310] =	vst v18  }
0x237: {  	v21 =	vadd.f32 v21, v38;
	v32 =	vadd.f32 v32, v8;
	[tilespmem:$0x10320] =	vst v30  }
0x238: {  	v9 =	vadd.f32 v22, v39;
	v1 =	vadd.f32 v23, v1;
	[tilespmem:$0x10330] =	vst v31  }
0x239: {  	[tilespmem:$0x10340] =	vst v32;
	v19 =	vadd.f32 v19, v21  }
0x23a: {  	s16 =	simm.s32 $0x4000;
	s1 =	simm.s32 $0x800;
	[tilespmem:$0x10370] =	vst v1;
	v8 =	vadd.f32 v20, v9  }
0x23b: {  	s1 =	sand.u32 $0x380, s1;
	s0 =	sand.u32 $0x6000, s16;
	[tilespmem:$0x10350] =	vst v19  }
0x23c: {  	s29 =	sor.u32 s1, s0;
	v24 =	vld [tilespmem:$0x1FF10];
	[tilespmem:$0x10360] =	vst v8  }
0x23d: {  	[tilespmem:$0x1FE50] =	vst v1;
	v1 =	vld [tilespmem:s29+$0x18F0];
	_ =	sdelay $0x3  }
0x23e: {  	v22 =	vld [tilespmem:s29+$0x1880]  }
0x23f: {  	v1 =	vadd.f32 v1, v24;
	v24 =	vld [tilespmem:$0x1FF00]  }
0x240: {  	v23 =	vld [tilespmem:s29+$0x1890]  }
0x241: {  	v21 =	vld [tilespmem:s29+$0x18A0]  }
0x242: {  	v20 =	vld [tilespmem:s29+$0x18B0]  }
0x243: {  	s31 =	simm.s32 $0x4400;
	s0 =	simm.s32 $0x880;
	v9 =	vld [tilespmem:s29+$0x18C0]  }
0x244: {  	s11 =	sand.u32 $0x6000, s31;
	s1 =	simm.s32 $0x4800;
	s30 =	sand.u32 $0x380, s0;
	v22 =	vadd.f32 v22, v24;
	v24 =	vld [tilespmem:s29+$0x18D0]  }
.LBB2_30:
0x245: {  	p0 =	sne.s32 s1, $0x7C00;
	v41 =	vadd.f32 v23, v41;
	v25 =	vld [tilespmem:s29+$0x18E0];
	s29 =	sor.u32 s30, s11  }
0x246: {  	v34 =	vld [tilespmem:s29+$0x18F0];
	v42 =	vadd.f32 v21, v42  }
0x247: {  	v35 =	vld [tilespmem:s29+$0x1880];
	v43 =	vadd.f32 v20, v43  }
.Ltmp14:
0x248: {  	v23 =	vld [tilespmem:s29+$0x1890];
	v44 =	vadd.f32 v9, v44;
	(pc) =	sbr.rel @p0 .LBB2_30-.Ltmp14, $4  }
0x249: {  	v21 =	vld [tilespmem:s29+$0x18A0];
	v45 =	vadd.f32 v24, v45  }
0x24a: {  	v20 =	vld [tilespmem:s29+$0x18B0];
	v46 =	vadd.f32 v25, v46  }
0x24b: {  	s0 =	sadd.s32 $0x80, s0;
	v9 =	vld [tilespmem:s29+$0x18C0];
	v1 =	vadd.f32 v34, v1  }
0x24c: {  	s11 =	sand.u32 $0x6000, s1;
	s1 =	sadd.s32 $0x400, s1;
	s30 =	sand.u32 $0x380, s0;
	v22 =	vadd.f32 v35, v22;
	v24 =	vld [tilespmem:s29+$0x18D0]  }
0x24d: {  	s0 =	sor.u32 s30, s11;
	v25 =	vld [tilespmem:s29+$0x18E0]  }
0x24e: {  	v34 =	vld [tilespmem:s0+$0x1880]  }
0x24f: {  	v35 =	vld [tilespmem:s0+$0x1890]  }
0x250: {  	v36 =	vld [tilespmem:s0+$0x18A0]  }
0x251: {  	v38 =	vld [tilespmem:s0+$0x18B0]  }
0x252: {  	v23 =	vadd.f32 v23, v41;
	v39 =	vld [tilespmem:s0+$0x18C0]  }
0x253: {  	v37 =	vld [tilespmem:s0+$0x18F0];
	v21 =	vadd.f32 v21, v42;
	v42 =	vadd.f32 v34, v22  }
0x254: {  	v41 =	vadd.f32 v20, v43;
	v22 =	vld [tilespmem:s0+$0x18D0];
	v20 =	vadd.f32 v35, v23  }
0x255: {  	v9 =	vadd.f32 v9, v44;
	v23 =	vld [tilespmem:s0+$0x18E0];
	v34 =	vadd.f32 v36, v21;
	[tilespmem:$0x10380] =	vst v42  }
0x256: {  	v35 =	vadd.f32 v38, v41;
	[tilespmem:$0x10390] =	vst v20  }
0x257: {  	v21 =	vadd.f32 v24, v45;
	v36 =	vadd.f32 v39, v9;
	[tilespmem:$0x103A0] =	vst v34  }
0x258: {  	s14 =	simm.s32 $0x0;
	v24 =	vadd.f32 v25, v46;
	v1 =	vadd.f32 v37, v1;
	[tilespmem:$0x103B0] =	vst v35  }
0x259: {  	s0 =	sand.u32 $0x7, s14;
	[tilespmem:$0x103C0] =	vst v36;
	v21 =	vadd.f32 v22, v21  }
0x25a: {  	s0 =	sshll.u32 s0, $0x7;
	[tilespmem:$0x103F0] =	vst v1;
	v22 =	vadd.f32 v23, v24  }
0x25b: {  	s0 =	sadd.s32 $0x4000, s0;
	[tilespmem:$0x103D0] =	vst v21  }
0x25c: {  	s1 =	sor.u32 $0x1C70, s0;
	[tilespmem:$0x103E0] =	vst v22  }
0x25d: {  	s15 =	sor.u32 $0x1C00, s0;
	v9 =	vld [tilespmem:s1+$0x80]  }
0x25e: {  	s16 =	sor.u32 $0x1C10, s0;
	v25 =	vld [tilespmem:s15+$0x80]  }
0x25f: {  	s29 =	simm.s32 $0x4000;
	s30 =	simm.s32 $0x1;
	s12 =	sor.u32 $0x1C20, s0;
	v37 =	vld [tilespmem:s16+$0x80]  }
0x260: {  	s31 =	simm.s32 $0x900;
	[tilespmem:$0x1FE20] =	vst v42;
	s13 =	sor.u32 $0x1C30, s0;
	s11 =	sor.u32 $0x1C40, s0;
	v23 =	vld [tilespmem:s12+$0x80]  }
0x261: {  	[tilespmem:$0x1FE30] =	vst v1;
	s1 =	sor.u32 $0x1C50, s0;
	s0 =	sor.u32 $0x1C60, s0;
	s12 =	sand.u32 $0x7, s30;
	v24 =	vld [tilespmem:s13+$0x80]  }
.LBB2_32:
0x262: {  	s12 =	sshll.u32 s12, $0x7;
	s29 =	sadd.s32 $0x400, s29  }
0x263: {  	p0 =	sne.s32 s31, $0xF80;
	v38 =	vld [tilespmem:s11+$0x80];
	v47 =	vadd.f32 v9, v47;
	s12 =	sadd.s32 s12, s29  }
0x264: {  	v63 =	vadd.f32 v25, v63;
	v39 =	vld [tilespmem:s1+$0x80];
	s1 =	sor.u32 $0x1C00, s12  }
0x265: {  	s13 =	sor.u32 $0x1C10, s12;
	s14 =	sor.u32 $0x1C70, s12;
	v0 =	vadd.f32 v37, v0;
	v41 =	vld [tilespmem:s0+$0x80];
	s15 =	sor.u32 $0x1C20, s12  }
.Ltmp15:
0x266: {  	s16 =	sor.u32 $0x1C30, s12;
	s11 =	sor.u32 $0x1C40, s12;
	v9 =	vld [tilespmem:s14+$0x80];
	v2 =	vadd.f32 v23, v2;
	(pc) =	sbr.rel @p0 .LBB2_32-.Ltmp15, $4  }
0x267: {  	s0 =	sor.u32 $0x1C60, s12;
	v25 =	vld [tilespmem:s1+$0x80];
	s1 =	sor.u32 $0x1C50, s12;
	v51 =	vadd.f32 v24, v51  }
0x268: {  	v37 =	vld [tilespmem:s13+$0x80];
	v52 =	vadd.f32 v38, v52  }
0x269: {  	s30 =	sadd.s32 $0x1, s30;
	v23 =	vld [tilespmem:s15+$0x80];
	v53 =	vadd.f32 v39, v53  }
0x26a: {  	s31 =	sadd.s32 $0x80, s31;
	s12 =	sand.u32 $0x7, s30;
	v24 =	vld [tilespmem:s16+$0x80];
	v49 =	vadd.f32 v41, v49  }
0x26b: {  	s12 =	sshll.u32 s12, $0x7;
	v38 =	vld [tilespmem:s11+$0x80];
	s31 =	sadd.s32 $0x400, s29  }
0x26c: {  	v39 =	vld [tilespmem:s1+$0x80];
	s11 =	sadd.s32 s12, s31  }
0x26d: {  	v41 =	vld [tilespmem:s0+$0x80];
	s14 =	sor.u32 $0x1C00, s11  }
0x26e: {  	s15 =	sor.u32 $0x1C10, s11;
	v43 =	vld [tilespmem:s14+$0x80]  }
0x26f: {  	s16 =	sor.u32 $0x1C20, s11;
	v44 =	vld [tilespmem:s15+$0x80]  }
0x270: {  	s31 =	sor.u32 $0x1C30, s11;
	v45 =	vld [tilespmem:s16+$0x80]  }
0x271: {  	v25 =	vadd.f32 v25, v63;
	s12 =	sor.u32 $0x1C40, s11;
	v46 =	vld [tilespmem:s31+$0x80]  }
0x272: {  	s13 =	sor.u32 $0x1C70, s11;
	v37 =	vadd.f32 v37, v0;
	v63 =	vld [tilespmem:s12+$0x80]  }
0x273: {  	v42 =	vld [tilespmem:s13+$0x80];
	s13 =	sor.u32 $0x1C50, s11;
	v23 =	vadd.f32 v23, v2;
	v0 =	vadd.f32 v43, v25  }
0x274: {  	s14 =	sor.u32 $0x1C60, s11;
	v24 =	vadd.f32 v24, v51;
	v25 =	vld [tilespmem:s13+$0x80];
	v2 =	vadd.f32 v44, v37  }
0x275: {  	v38 =	vadd.f32 v38, v52;
	v43 =	vld [tilespmem:s14+$0x80];
	v51 =	vadd.f32 v45, v23;
	[tilespmem:$0x10400] =	vst v0  }
0x276: {  	v9 =	vadd.f32 v9, v47;
	v37 =	vadd.f32 v46, v24;
	[tilespmem:$0x10410] =	vst v2  }
0x277: {  	v23 =	vadd.f32 v39, v53;
	v38 =	vadd.f32 v63, v38;
	[tilespmem:$0x10420] =	vst v51  }
0x278: {  	v24 =	vadd.f32 v41, v49;
	v9 =	vadd.f32 v42, v9;
	[tilespmem:$0x10430] =	vst v37  }
0x279: {  	[tilespmem:$0x10440] =	vst v38;
	v39 =	vadd.f32 v25, v23  }
0x27a: {  	[tilespmem:$0x10470] =	vst v9;
	v23 =	vadd.f32 v43, v24  }
0x27b: {  	[tilespmem:$0x10450] =	vst v39  }
0x27c: {  	[tilespmem:$0x10460] =	vst v23  }
0x27d: {  	s15 =	simm.s32 $0x8000;
	s16 =	simm.s32 $0x1000;
	_ =	swait.ge [sflag:s22], $0x4000  }
0x27e: {  	s0 =	sand.u32 $0xE000, s15;
	s1 =	sand.u32 $0x380, s16;
	[sflag:s22] =	ssyncset.done $0x0;
	v1 =	vld [tilespmem:$0x1FEF0]  }
0x27f: {  	s29 =	sor.u32 s1, s0;
	v63 =	vld [tilespmem:$0x1FEE0];
	[sflag:s22] =	ssyncadd.s32 $0xFFFFC000  }
0x280: {  	v52 =	vld [tilespmem:s29+$0xF0]  }
0x281: {  	v53 =	vld [tilespmem:s29+$0x80]  }
0x282: {  	v44 =	vld [tilespmem:s29+$0x90]  }
0x283: {  	v41 =	vld [tilespmem:s29+$0xA0]  }
0x284: {  	v24 =	vld [tilespmem:s29+$0xB0]  }
0x285: {  	s31 =	simm.s32 $0x8400;
	s0 =	simm.s32 $0x1080;
	v25 =	vld [tilespmem:s29+$0xC0]  }
0x286: {  	s11 =	sand.u32 $0xE000, s31;
	s1 =	simm.s32 $0x8800;
	s30 =	sand.u32 $0x380, s0;
	v45 =	vld [tilespmem:s29+$0xD0];
	v43 =	vadd.f32 v52, v1;
	v42 =	vadd.f32 v53, v63  }
.LBB2_34:
0x287: {  	p0 =	sne.s32 s1, $0xBC00;
	v33 =	vadd.f32 v44, v33;
	v46 =	vld [tilespmem:s29+$0xE0];
	s29 =	sor.u32 s30, s11  }
0x288: {  	v47 =	vld [tilespmem:s29+$0xF0];
	v54 =	vadd.f32 v41, v54  }
0x289: {  	v49 =	vld [tilespmem:s29+$0x80];
	v55 =	vadd.f32 v24, v55  }
.Ltmp16:
0x28a: {  	v44 =	vld [tilespmem:s29+$0x90];
	v56 =	vadd.f32 v25, v56;
	(pc) =	sbr.rel @p0 .LBB2_34-.Ltmp16, $4  }
0x28b: {  	v41 =	vld [tilespmem:s29+$0xA0];
	v50 =	vadd.f32 v45, v50  }
0x28c: {  	v24 =	vld [tilespmem:s29+$0xB0];
	v3 =	vadd.f32 v46, v3  }
0x28d: {  	s0 =	sadd.s32 $0x80, s0;
	v25 =	vld [tilespmem:s29+$0xC0];
	v43 =	vadd.f32 v47, v43  }
0x28e: {  	s11 =	sand.u32 $0xE000, s1;
	s1 =	sadd.s32 $0x400, s1;
	s30 =	sand.u32 $0x380, s0;
	v42 =	vadd.f32 v49, v42;
	v45 =	vld [tilespmem:s29+$0xD0]  }
0x28f: {  	s0 =	sor.u32 s30, s11;
	v46 =	vld [tilespmem:s29+$0xE0]  }
0x290: {  	v49 =	vld [tilespmem:s0+$0x80]  }
0x291: {  	v52 =	vld [tilespmem:s0+$0x90]  }
0x292: {  	v53 =	vld [tilespmem:s0+$0xA0]  }
0x293: {  	v47 =	vld [tilespmem:s0+$0xF0]  }
0x294: {  	v33 =	vadd.f32 v44, v33;
	v63 =	vld [tilespmem:s0+$0xB0]  }
0x295: {  	v44 =	vld [tilespmem:s0+$0xC0];
	v41 =	vadd.f32 v41, v54;
	v54 =	vadd.f32 v49, v42  }
0x296: {  	v49 =	vld [tilespmem:s0+$0xD0];
	v42 =	vadd.f32 v24, v55;
	v24 =	vadd.f32 v52, v33  }
0x297: {  	v52 =	vld [tilespmem:s0+$0xE0];
	v33 =	vadd.f32 v53, v41;
	[tilespmem:$0x10080] =	vst v54  }
0x298: {  	v1 =	vadd.f32 v47, v43;
	[tilespmem:$0x10090] =	vst v24  }
0x299: {  	v25 =	vadd.f32 v25, v56;
	[tilespmem:$0x100A0] =	vst v33  }
0x29a: {  	v45 =	vadd.f32 v45, v50;
	v41 =	vadd.f32 v63, v42;
	[tilespmem:$0x1FE10] =	vst v1  }
0x29b: {  	v3 =	vadd.f32 v46, v3;
	v42 =	vadd.f32 v44, v25;
	[tilespmem:$0x100F0] =	vst v1  }
0x29c: {  	[tilespmem:$0x100B0] =	vst v41;
	v25 =	vadd.f32 v49, v45  }
0x29d: {  	s16 =	simm.s32 $0x8000;
	s1 =	simm.s32 $0x1000;
	[tilespmem:$0x100C0] =	vst v42;
	v3 =	vadd.f32 v52, v3  }
0x29e: {  	s1 =	sand.u32 $0x380, s1;
	s0 =	sand.u32 $0xE000, s16;
	v1 =	vld [tilespmem:$0x1FED0];
	[tilespmem:$0x100D0] =	vst v25  }
0x29f: {  	s29 =	sor.u32 s1, s0;
	v63 =	vld [tilespmem:$0x1FEC0];
	[tilespmem:$0x100E0] =	vst v3  }
0x2a0: {  	v55 =	vld [tilespmem:s29+$0x4F0]  }
0x2a1: {  	v56 =	vld [tilespmem:s29+$0x480]  }
0x2a2: {  	v49 =	vld [tilespmem:s29+$0x490]  }
0x2a3: {  	v46 =	vld [tilespmem:s29+$0x4A0]  }
0x2a4: {  	v44 =	vld [tilespmem:s29+$0x4B0]  }
0x2a5: {  	s31 =	simm.s32 $0x8400;
	s0 =	simm.s32 $0x1080;
	v43 =	vld [tilespmem:s29+$0x4C0]  }
0x2a6: {  	s11 =	sand.u32 $0xE000, s31;
	s1 =	simm.s32 $0x8800;
	[tilespmem:$0x1FE00] =	vst v54;
	s30 =	sand.u32 $0x380, s0;
	v50 =	vld [tilespmem:s29+$0x4D0];
	v45 =	vadd.f32 v55, v1;
	v47 =	vadd.f32 v56, v63  }
.LBB2_36:
0x2a7: {  	p0 =	sne.s32 s1, $0xBC00;
	v10 =	vadd.f32 v49, v10;
	v52 =	vld [tilespmem:s29+$0x4E0];
	s29 =	sor.u32 s30, s11  }
0x2a8: {  	v53 =	vld [tilespmem:s29+$0x4F0];
	v40 =	vadd.f32 v46, v40  }
0x2a9: {  	v54 =	vld [tilespmem:s29+$0x480];
	v57 =	vadd.f32 v44, v57  }
.Ltmp17:
0x2aa: {  	v49 =	vld [tilespmem:s29+$0x490];
	v58 =	vadd.f32 v43, v58;
	(pc) =	sbr.rel @p0 .LBB2_36-.Ltmp17, $4  }
0x2ab: {  	v46 =	vld [tilespmem:s29+$0x4A0];
	v11 =	vadd.f32 v50, v11  }
0x2ac: {  	v44 =	vld [tilespmem:s29+$0x4B0];
	v4 =	vadd.f32 v52, v4  }
0x2ad: {  	s0 =	sadd.s32 $0x80, s0;
	v43 =	vld [tilespmem:s29+$0x4C0];
	v45 =	vadd.f32 v53, v45  }
0x2ae: {  	s11 =	sand.u32 $0xE000, s1;
	s1 =	sadd.s32 $0x400, s1;
	s30 =	sand.u32 $0x380, s0;
	v47 =	vadd.f32 v54, v47;
	v50 =	vld [tilespmem:s29+$0x4D0]  }
0x2af: {  	s0 =	sor.u32 s30, s11  }
0x2b0: {  	v54 =	vld [tilespmem:s0+$0x480]  }
0x2b1: {  	v52 =	vld [tilespmem:s29+$0x4E0]  }
0x2b2: {  	v55 =	vld [tilespmem:s0+$0x490]  }
0x2b3: {  	v56 =	vld [tilespmem:s0+$0x4A0]  }
0x2b4: {  	v63 =	vld [tilespmem:s0+$0x4B0]  }
0x2b5: {  	v10 =	vadd.f32 v49, v10;
	v49 =	vld [tilespmem:s0+$0x4C0];
	v1 =	vadd.f32 v54, v47  }
0x2b6: {  	v40 =	vadd.f32 v46, v40;
	v46 =	vld [tilespmem:s0+$0x4D0]  }
0x2b7: {  	v44 =	vadd.f32 v44, v57;
	v57 =	vld [tilespmem:s0+$0x4E0];
	v10 =	vadd.f32 v55, v10;
	[tilespmem:$0x1FDE0] =	vst v1  }
0x2b8: {  	v53 =	vld [tilespmem:s0+$0x4F0];
	v58 =	vadd.f32 v43, v58;
	v40 =	vadd.f32 v56, v40;
	[tilespmem:$0x10100] =	vst v1  }
0x2b9: {  	v11 =	vadd.f32 v50, v11;
	v43 =	vadd.f32 v63, v44;
	[tilespmem:$0x10110] =	vst v10  }
0x2ba: {  	v4 =	vadd.f32 v52, v4;
	v44 =	vadd.f32 v49, v58;
	[tilespmem:$0x10120] =	vst v40  }
0x2bb: {  	v11 =	vadd.f32 v46, v11;
	[tilespmem:$0x10130] =	vst v43  }
0x2bc: {  	v4 =	vadd.f32 v57, v4;
	[tilespmem:$0x10140] =	vst v44  }
0x2bd: {  	v1 =	vadd.f32 v53, v45;
	[tilespmem:$0x10150] =	vst v11  }
0x2be: {  	s16 =	simm.s32 $0x8000;
	s1 =	simm.s32 $0x1000;
	[tilespmem:$0x10160] =	vst v4  }
0x2bf: {  	s1 =	sand.u32 $0x380, s1;
	s0 =	sand.u32 $0xE000, s16;
	v63 =	vld [tilespmem:$0x1FEA0];
	[tilespmem:$0x1FDF0] =	vst v1  }
0x2c0: {  	s29 =	sor.u32 s1, s0;
	[tilespmem:$0x10170] =	vst v1;
	v1 =	vld [tilespmem:$0x1FEB0]  }
0x2c1: {  	v57 =	vld [tilespmem:s29+$0x8F0]  }
0x2c2: {  	v58 =	vld [tilespmem:s29+$0x880]  }
0x2c3: {  	v52 =	vld [tilespmem:s29+$0x890]  }
0x2c4: {  	v47 =	vld [tilespmem:s29+$0x8A0]  }
0x2c5: {  	v46 =	vld [tilespmem:s29+$0x8B0]  }
0x2c6: {  	s31 =	simm.s32 $0x8400;
	s0 =	simm.s32 $0x1080;
	v45 =	vld [tilespmem:s29+$0x8C0]  }
0x2c7: {  	s11 =	sand.u32 $0xE000, s31;
	s1 =	simm.s32 $0x8800;
	s30 =	sand.u32 $0x380, s0;
	v53 =	vld [tilespmem:s29+$0x8D0];
	v49 =	vadd.f32 v57, v1;
	v50 =	vadd.f32 v58, v63  }
.LBB2_38:
0x2c8: {  	p0 =	sne.s32 s1, $0xBC00;
	v12 =	vadd.f32 v52, v12;
	v54 =	vld [tilespmem:s29+$0x8E0];
	s29 =	sor.u32 s30, s11  }
0x2c9: {  	v55 =	vld [tilespmem:s29+$0x8F0];
	v48 =	vadd.f32 v47, v48  }
0x2ca: {  	v56 =	vld [tilespmem:s29+$0x880];
	v59 =	vadd.f32 v46, v59  }
.Ltmp18:
0x2cb: {  	v52 =	vld [tilespmem:s29+$0x890];
	v60 =	vadd.f32 v45, v60;
	(pc) =	sbr.rel @p0 .LBB2_38-.Ltmp18, $4  }
0x2cc: {  	v47 =	vld [tilespmem:s29+$0x8A0];
	v13 =	vadd.f32 v53, v13  }
0x2cd: {  	v46 =	vld [tilespmem:s29+$0x8B0];
	v5 =	vadd.f32 v54, v5  }
0x2ce: {  	s0 =	sadd.s32 $0x80, s0;
	v45 =	vld [tilespmem:s29+$0x8C0];
	v49 =	vadd.f32 v55, v49  }
0x2cf: {  	s11 =	sand.u32 $0xE000, s1;
	s1 =	sadd.s32 $0x400, s1;
	s30 =	sand.u32 $0x380, s0;
	v50 =	vadd.f32 v56, v50;
	v53 =	vld [tilespmem:s29+$0x8D0]  }
0x2d0: {  	s0 =	sor.u32 s30, s11  }
0x2d1: {  	v56 =	vld [tilespmem:s0+$0x880]  }
0x2d2: {  	v54 =	vld [tilespmem:s29+$0x8E0]  }
0x2d3: {  	v57 =	vld [tilespmem:s0+$0x890]  }
0x2d4: {  	v63 =	vld [tilespmem:s0+$0x8A0]  }
0x2d5: {  	v58 =	vld [tilespmem:s0+$0x8B0]  }
0x2d6: {  	v12 =	vadd.f32 v52, v12;
	v52 =	vld [tilespmem:s0+$0x8C0];
	v1 =	vadd.f32 v56, v50  }
0x2d7: {  	v47 =	vadd.f32 v47, v48;
	v48 =	vld [tilespmem:s0+$0x8D0]  }
0x2d8: {  	v55 =	vld [tilespmem:s0+$0x8F0];
	v46 =	vadd.f32 v46, v59;
	v12 =	vadd.f32 v57, v12;
	[tilespmem:$0x1FDC0] =	vst v1  }
0x2d9: {  	v60 =	vadd.f32 v45, v60;
	v50 =	vld [tilespmem:s0+$0x8E0];
	v45 =	vadd.f32 v63, v47;
	[tilespmem:$0x10180] =	vst v1  }
0x2da: {  	v13 =	vadd.f32 v53, v13;
	v46 =	vadd.f32 v58, v46;
	[tilespmem:$0x10190] =	vst v12  }
0x2db: {  	v47 =	vadd.f32 v52, v60;
	[tilespmem:$0x101A0] =	vst v45  }
0x2dc: {  	v13 =	vadd.f32 v48, v13;
	[tilespmem:$0x101B0] =	vst v46  }
0x2dd: {  	v5 =	vadd.f32 v54, v5;
	[tilespmem:$0x101C0] =	vst v47;
	v1 =	vadd.f32 v55, v49  }
0x2de: {  	[tilespmem:$0x101D0] =	vst v13  }
0x2df: {  	s16 =	simm.s32 $0x8000;
	s1 =	simm.s32 $0x1000;
	[tilespmem:$0x1FDD0] =	vst v1;
	v5 =	vadd.f32 v50, v5  }
0x2e0: {  	s1 =	sand.u32 $0x380, s1;
	s0 =	sand.u32 $0xE000, s16;
	v63 =	vld [tilespmem:$0x1FE80];
	[tilespmem:$0x101F0] =	vst v1  }
0x2e1: {  	s29 =	sor.u32 s1, s0;
	v1 =	vld [tilespmem:$0x1FE90];
	[tilespmem:$0x101E0] =	vst v5  }
0x2e2: {  	v59 =	vld [tilespmem:s29+$0xCF0]  }
0x2e3: {  	v60 =	vld [tilespmem:s29+$0xC80]  }
0x2e4: {  	v54 =	vld [tilespmem:s29+$0xC90]  }
0x2e5: {  	v52 =	vld [tilespmem:s29+$0xCA0]  }
0x2e6: {  	v49 =	vld [tilespmem:s29+$0xCB0]  }
0x2e7: {  	s31 =	simm.s32 $0x8400;
	s0 =	simm.s32 $0x1080;
	v48 =	vld [tilespmem:s29+$0xCC0]  }
0x2e8: {  	s11 =	sand.u32 $0xE000, s31;
	s1 =	simm.s32 $0x8800;
	s30 =	sand.u32 $0x380, s0;
	v55 =	vld [tilespmem:s29+$0xCD0];
	v50 =	vadd.f32 v59, v1;
	v53 =	vadd.f32 v60, v63  }
.LBB2_40:
0x2e9: {  	p0 =	sne.s32 s1, $0xBC00;
	v14 =	vadd.f32 v54, v14;
	v56 =	vld [tilespmem:s29+$0xCE0];
	s29 =	sor.u32 s30, s11  }
0x2ea: {  	v57 =	vld [tilespmem:s29+$0xCF0];
	v61 =	vadd.f32 v52, v61  }
0x2eb: {  	v58 =	vld [tilespmem:s29+$0xC80];
	v62 =	vadd.f32 v49, v62  }
.Ltmp19:
0x2ec: {  	v54 =	vld [tilespmem:s29+$0xC90];
	v26 =	vadd.f32 v48, v26;
	(pc) =	sbr.rel @p0 .LBB2_40-.Ltmp19, $4  }
0x2ed: {  	v52 =	vld [tilespmem:s29+$0xCA0];
	v15 =	vadd.f32 v55, v15  }
0x2ee: {  	v49 =	vld [tilespmem:s29+$0xCB0];
	v6 =	vadd.f32 v56, v6  }
0x2ef: {  	s0 =	sadd.s32 $0x80, s0;
	v48 =	vld [tilespmem:s29+$0xCC0];
	v50 =	vadd.f32 v57, v50  }
0x2f0: {  	s11 =	sand.u32 $0xE000, s1;
	s1 =	sadd.s32 $0x400, s1;
	s30 =	sand.u32 $0x380, s0;
	v53 =	vadd.f32 v58, v53;
	v55 =	vld [tilespmem:s29+$0xCD0]  }
0x2f1: {  	s0 =	sor.u32 s30, s11  }
0x2f2: {  	v58 =	vld [tilespmem:s0+$0xC80]  }
0x2f3: {  	v56 =	vld [tilespmem:s29+$0xCE0]  }
0x2f4: {  	v60 =	vld [tilespmem:s0+$0xC90]  }
0x2f5: {  	v63 =	vld [tilespmem:s0+$0xCA0]  }
0x2f6: {  	v59 =	vld [tilespmem:s0+$0xCB0]  }
0x2f7: {  	v14 =	vadd.f32 v54, v14;
	v54 =	vld [tilespmem:s0+$0xCC0];
	v1 =	vadd.f32 v58, v53  }
0x2f8: {  	v57 =	vld [tilespmem:s0+$0xCF0];
	v52 =	vadd.f32 v52, v61  }
0x2f9: {  	v49 =	vadd.f32 v49, v62;
	v53 =	vld [tilespmem:s0+$0xCD0];
	v14 =	vadd.f32 v60, v14;
	[tilespmem:$0x1FDA0] =	vst v1  }
0x2fa: {  	v58 =	vld [tilespmem:s0+$0xCE0];
	v60 =	vadd.f32 v48, v26;
	v26 =	vadd.f32 v63, v52;
	[tilespmem:$0x10200] =	vst v1  }
0x2fb: {  	v48 =	vadd.f32 v59, v49;
	[tilespmem:$0x10210] =	vst v14  }
0x2fc: {  	v49 =	vadd.f32 v54, v60;
	[tilespmem:$0x10220] =	vst v26  }
0x2fd: {  	v15 =	vadd.f32 v55, v15;
	[tilespmem:$0x10230] =	vst v48;
	v1 =	vadd.f32 v57, v50  }
0x2fe: {  	v6 =	vadd.f32 v56, v6;
	[tilespmem:$0x10240] =	vst v49  }
0x2ff: {  	[tilespmem:$0x1FDB0] =	vst v1;
	v15 =	vadd.f32 v53, v15  }
0x300: {  	s16 =	simm.s32 $0x8000;
	s1 =	simm.s32 $0x1000;
	[tilespmem:$0x10270] =	vst v1;
	v6 =	vadd.f32 v58, v6  }
0x301: {  	s1 =	sand.u32 $0x380, s1;
	s0 =	sand.u32 $0xE000, s16;
	v63 =	vld [tilespmem:$0x1FE60];
	[tilespmem:$0x10250] =	vst v15  }
0x302: {  	s29 =	sor.u32 s1, s0;
	v1 =	vld [tilespmem:$0x1FE70];
	[tilespmem:$0x10260] =	vst v6  }
0x303: {  	v61 =	vld [tilespmem:s29+$0x10F0]  }
0x304: {  	v62 =	vld [tilespmem:s29+$0x1080]  }
0x305: {  	v56 =	vld [tilespmem:s29+$0x1090]  }
0x306: {  	v54 =	vld [tilespmem:s29+$0x10A0]  }
0x307: {  	v53 =	vld [tilespmem:s29+$0x10B0]  }
0x308: {  	s31 =	simm.s32 $0x8400;
	s0 =	simm.s32 $0x1080;
	v52 =	vld [tilespmem:s29+$0x10C0]  }
0x309: {  	s11 =	sand.u32 $0xE000, s31;
	s1 =	simm.s32 $0x8800;
	s30 =	sand.u32 $0x380, s0;
	v57 =	vld [tilespmem:s29+$0x10D0];
	v50 =	vadd.f32 v61, v1;
	v55 =	vadd.f32 v62, v63  }
.LBB2_42:
0x30a: {  	p0 =	sne.s32 s1, $0xBC00;
	v16 =	vadd.f32 v56, v16;
	v58 =	vld [tilespmem:s29+$0x10E0];
	s29 =	sor.u32 s30, s11  }
0x30b: {  	v59 =	vld [tilespmem:s29+$0x10F0];
	v27 =	vadd.f32 v54, v27  }
0x30c: {  	v61 =	vld [tilespmem:s29+$0x1080];
	v28 =	vadd.f32 v53, v28  }
.Ltmp20:
0x30d: {  	v56 =	vld [tilespmem:s29+$0x1090];
	v29 =	vadd.f32 v52, v29;
	(pc) =	sbr.rel @p0 .LBB2_42-.Ltmp20, $4  }
0x30e: {  	v54 =	vld [tilespmem:s29+$0x10A0];
	v17 =	vadd.f32 v57, v17  }
0x30f: {  	v53 =	vld [tilespmem:s29+$0x10B0];
	v7 =	vadd.f32 v58, v7  }
0x310: {  	s0 =	sadd.s32 $0x80, s0;
	v52 =	vld [tilespmem:s29+$0x10C0];
	v50 =	vadd.f32 v59, v50  }
0x311: {  	s11 =	sand.u32 $0xE000, s1;
	s1 =	sadd.s32 $0x400, s1;
	s30 =	sand.u32 $0x380, s0;
	v55 =	vadd.f32 v61, v55;
	v57 =	vld [tilespmem:s29+$0x10D0]  }
0x312: {  	s0 =	sor.u32 s30, s11  }
0x313: {  	v61 =	vld [tilespmem:s0+$0x1080]  }
0x314: {  	v58 =	vld [tilespmem:s29+$0x10E0]  }
0x315: {  	v62 =	vld [tilespmem:s0+$0x1090]  }
0x316: {  	v63 =	vld [tilespmem:s0+$0x10A0]  }
0x317: {  	v60 =	vld [tilespmem:s0+$0x10B0]  }
0x318: {  	v16 =	vadd.f32 v56, v16;
	v56 =	vld [tilespmem:s0+$0x10C0];
	v1 =	vadd.f32 v61, v55  }
0x319: {  	v59 =	vld [tilespmem:s0+$0x10F0];
	v27 =	vadd.f32 v54, v27  }
0x31a: {  	v28 =	vadd.f32 v53, v28;
	v61 =	vld [tilespmem:s0+$0x10D0];
	v16 =	vadd.f32 v62, v16;
	[tilespmem:$0x1FD80] =	vst v1  }
0x31b: {  	v29 =	vadd.f32 v52, v29;
	v62 =	vld [tilespmem:s0+$0x10E0];
	v27 =	vadd.f32 v63, v27;
	[tilespmem:$0x10280] =	vst v1  }
0x31c: {  	v28 =	vadd.f32 v60, v28;
	[tilespmem:$0x10290] =	vst v16  }
0x31d: {  	v29 =	vadd.f32 v56, v29;
	[tilespmem:$0x102A0] =	vst v27  }
0x31e: {  	v17 =	vadd.f32 v57, v17;
	[tilespmem:$0x102B0] =	vst v28;
	v1 =	vadd.f32 v59, v50  }
0x31f: {  	v7 =	vadd.f32 v58, v7;
	[tilespmem:$0x102C0] =	vst v29  }
0x320: {  	[tilespmem:$0x1FD90] =	vst v1;
	v17 =	vadd.f32 v61, v17  }
0x321: {  	s16 =	simm.s32 $0x8000;
	s1 =	simm.s32 $0x1000;
	[tilespmem:$0x102F0] =	vst v1;
	v7 =	vadd.f32 v62, v7  }
0x322: {  	s1 =	sand.u32 $0x380, s1;
	s0 =	sand.u32 $0xE000, s16;
	v63 =	vld [tilespmem:$0x1FE40];
	[tilespmem:$0x102D0] =	vst v17  }
0x323: {  	s29 =	sor.u32 s1, s0;
	v1 =	vld [tilespmem:$0x1FE50];
	[tilespmem:$0x102E0] =	vst v7  }
0x324: {  	v61 =	vld [tilespmem:s29+$0x14F0]  }
0x325: {  	v62 =	vld [tilespmem:s29+$0x1480]  }
0x326: {  	v56 =	vld [tilespmem:s29+$0x1490]  }
0x327: {  	v54 =	vld [tilespmem:s29+$0x14A0]  }
0x328: {  	v53 =	vld [tilespmem:s29+$0x14B0]  }
0x329: {  	s31 =	simm.s32 $0x8400;
	s0 =	simm.s32 $0x1080;
	v52 =	vld [tilespmem:s29+$0x14C0]  }
0x32a: {  	s11 =	sand.u32 $0xE000, s31;
	s1 =	simm.s32 $0x8800;
	s30 =	sand.u32 $0x380, s0;
	v57 =	vld [tilespmem:s29+$0x14D0];
	v50 =	vadd.f32 v61, v1;
	v55 =	vadd.f32 v62, v63  }
.LBB2_44:
0x32b: {  	p0 =	sne.s32 s1, $0xBC00;
	v18 =	vadd.f32 v56, v18;
	v58 =	vld [tilespmem:s29+$0x14E0];
	s29 =	sor.u32 s30, s11  }
0x32c: {  	v59 =	vld [tilespmem:s29+$0x14F0];
	v30 =	vadd.f32 v54, v30  }
0x32d: {  	v60 =	vld [tilespmem:s29+$0x1480];
	v31 =	vadd.f32 v53, v31  }
.Ltmp21:
0x32e: {  	v56 =	vld [tilespmem:s29+$0x1490];
	v32 =	vadd.f32 v52, v32;
	(pc) =	sbr.rel @p0 .LBB2_44-.Ltmp21, $4  }
0x32f: {  	v54 =	vld [tilespmem:s29+$0x14A0];
	v19 =	vadd.f32 v57, v19  }
0x330: {  	v53 =	vld [tilespmem:s29+$0x14B0];
	v8 =	vadd.f32 v58, v8  }
0x331: {  	s0 =	sadd.s32 $0x80, s0;
	v52 =	vld [tilespmem:s29+$0x14C0];
	v50 =	vadd.f32 v59, v50  }
0x332: {  	s11 =	sand.u32 $0xE000, s1;
	s1 =	sadd.s32 $0x400, s1;
	s30 =	sand.u32 $0x380, s0;
	v55 =	vadd.f32 v60, v55;
	v57 =	vld [tilespmem:s29+$0x14D0]  }
0x333: {  	s0 =	sor.u32 s30, s11  }
0x334: {  	v60 =	vld [tilespmem:s0+$0x1480]  }
0x335: {  	v58 =	vld [tilespmem:s29+$0x14E0]  }
0x336: {  	v62 =	vld [tilespmem:s0+$0x1490]  }
0x337: {  	v63 =	vld [tilespmem:s0+$0x14A0]  }
0x338: {  	v61 =	vld [tilespmem:s0+$0x14B0]  }
0x339: {  	v18 =	vadd.f32 v56, v18;
	v56 =	vld [tilespmem:s0+$0x14C0];
	v1 =	vadd.f32 v60, v55  }
0x33a: {  	v30 =	vadd.f32 v54, v30;
	v54 =	vld [tilespmem:s0+$0x14D0]  }
0x33b: {  	v59 =	vld [tilespmem:s0+$0x14F0];
	v31 =	vadd.f32 v53, v31;
	v18 =	vadd.f32 v62, v18;
	[tilespmem:$0x1FD60] =	vst v1  }
0x33c: {  	v32 =	vadd.f32 v52, v32;
	v60 =	vld [tilespmem:s0+$0x14E0];
	v30 =	vadd.f32 v63, v30;
	[tilespmem:$0x10300] =	vst v1  }
0x33d: {  	v19 =	vadd.f32 v57, v19;
	v31 =	vadd.f32 v61, v31;
	[tilespmem:$0x10310] =	vst v18  }
0x33e: {  	v32 =	vadd.f32 v56, v32;
	[tilespmem:$0x10320] =	vst v30  }
0x33f: {  	v19 =	vadd.f32 v54, v19;
	[tilespmem:$0x10330] =	vst v31  }
0x340: {  	v8 =	vadd.f32 v58, v8;
	[tilespmem:$0x10340] =	vst v32;
	v1 =	vadd.f32 v59, v50  }
0x341: {  	[tilespmem:$0x10350] =	vst v19  }
0x342: {  	s16 =	simm.s32 $0x8000;
	s1 =	simm.s32 $0x1000;
	[tilespmem:$0x1FD70] =	vst v1;
	v8 =	vadd.f32 v60, v8  }
0x343: {  	s1 =	sand.u32 $0x380, s1;
	s0 =	sand.u32 $0xE000, s16;
	v63 =	vld [tilespmem:$0x1FE20];
	[tilespmem:$0x10370] =	vst v1  }
0x344: {  	s29 =	sor.u32 s1, s0;
	v1 =	vld [tilespmem:$0x1FE30];
	[tilespmem:$0x10360] =	vst v8  }
0x345: {  	v61 =	vld [tilespmem:s29+$0x18F0]  }
0x346: {  	v62 =	vld [tilespmem:s29+$0x1880]  }
0x347: {  	v55 =	vld [tilespmem:s29+$0x1890]  }
0x348: {  	v53 =	vld [tilespmem:s29+$0x18A0]  }
0x349: {  	v52 =	vld [tilespmem:s29+$0x18B0]  }
0x34a: {  	s31 =	simm.s32 $0x8400;
	s0 =	simm.s32 $0x1080;
	v50 =	vld [tilespmem:s29+$0x18C0]  }
0x34b: {  	s11 =	sand.u32 $0xE000, s31;
	s1 =	simm.s32 $0x8800;
	s30 =	sand.u32 $0x380, s0;
	v56 =	vld [tilespmem:s29+$0x18D0];
	v1 =	vadd.f32 v61, v1;
	v54 =	vadd.f32 v62, v63  }
.LBB2_46:
0x34c: {  	p0 =	sne.s32 s1, $0xBC00;
	v20 =	vadd.f32 v55, v20;
	v57 =	vld [tilespmem:s29+$0x18E0];
	s29 =	sor.u32 s30, s11  }
0x34d: {  	v58 =	vld [tilespmem:s29+$0x18F0];
	v34 =	vadd.f32 v53, v34  }
0x34e: {  	v59 =	vld [tilespmem:s29+$0x1880];
	v35 =	vadd.f32 v52, v35  }
.Ltmp22:
0x34f: {  	v55 =	vld [tilespmem:s29+$0x1890];
	v36 =	vadd.f32 v50, v36;
	(pc) =	sbr.rel @p0 .LBB2_46-.Ltmp22, $4  }
0x350: {  	v53 =	vld [tilespmem:s29+$0x18A0];
	v21 =	vadd.f32 v56, v21  }
0x351: {  	v52 =	vld [tilespmem:s29+$0x18B0];
	v22 =	vadd.f32 v57, v22  }
0x352: {  	s0 =	sadd.s32 $0x80, s0;
	v50 =	vld [tilespmem:s29+$0x18C0];
	v1 =	vadd.f32 v58, v1  }
0x353: {  	s11 =	sand.u32 $0xE000, s1;
	s1 =	sadd.s32 $0x400, s1;
	s30 =	sand.u32 $0x380, s0;
	v54 =	vadd.f32 v59, v54;
	v56 =	vld [tilespmem:s29+$0x18D0]  }
0x354: {  	s0 =	sor.u32 s30, s11;
	v58 =	vld [tilespmem:s29+$0x18E0]  }
0x355: {  	v57 =	vld [tilespmem:s0+$0x1880]  }
0x356: {  	v60 =	vld [tilespmem:s0+$0x1890]  }
0x357: {  	v61 =	vld [tilespmem:s0+$0x18A0]  }
0x358: {  	v63 =	vld [tilespmem:s0+$0x18B0]  }
0x359: {  	v20 =	vadd.f32 v55, v20;
	v55 =	vld [tilespmem:s0+$0x18C0]  }
0x35a: {  	v59 =	vld [tilespmem:s0+$0x18F0];
	v34 =	vadd.f32 v53, v34;
	v54 =	vadd.f32 v57, v54  }
0x35b: {  	v62 =	vld [tilespmem:s0+$0x18E0];
	v35 =	vadd.f32 v52, v35;
	v20 =	vadd.f32 v60, v20  }
0x35c: {  	v36 =	vadd.f32 v50, v36;
	v57 =	vld [tilespmem:s0+$0x18D0];
	v34 =	vadd.f32 v61, v34;
	[tilespmem:$0x10380] =	vst v54  }
0x35d: {  	v35 =	vadd.f32 v63, v35;
	[tilespmem:$0x10390] =	vst v20  }
0x35e: {  	v22 =	vadd.f32 v58, v22;
	v36 =	vadd.f32 v55, v36;
	[tilespmem:$0x103A0] =	vst v34  }
0x35f: {  	s14 =	simm.s32 $0x0;
	v21 =	vadd.f32 v56, v21;
	v1 =	vadd.f32 v59, v1;
	[tilespmem:$0x103B0] =	vst v35  }
0x360: {  	s0 =	sand.u32 $0x7, s14;
	v22 =	vadd.f32 v62, v22;
	[tilespmem:$0x103C0] =	vst v36  }
0x361: {  	s0 =	sshll.u32 s0, $0x7;
	[tilespmem:$0x103F0] =	vst v1;
	v21 =	vadd.f32 v57, v21  }
0x362: {  	s0 =	sadd.s32 $0x8000, s0;
	[tilespmem:$0x103E0] =	vst v22  }
0x363: {  	s1 =	sor.u32 $0x1C70, s0;
	[tilespmem:$0x103D0] =	vst v21  }
0x364: {  	s15 =	sor.u32 $0x1C00, s0;
	v52 =	vld [tilespmem:s1+$0x80]  }
0x365: {  	[tilespmem:$0x1FD50] =	vst v54;
	s16 =	sor.u32 $0x1C10, s0;
	v54 =	vld [tilespmem:s15+$0x80]  }
0x366: {  	s29 =	simm.s32 $0x8000;
	s30 =	simm.s32 $0x1;
	s12 =	sor.u32 $0x1C20, s0;
	v55 =	vld [tilespmem:s16+$0x80]  }
0x367: {  	s31 =	simm.s32 $0x1100;
	s13 =	sor.u32 $0x1C30, s0;
	s11 =	sor.u32 $0x1C40, s0;
	v50 =	vld [tilespmem:s12+$0x80]  }
0x368: {  	s1 =	sor.u32 $0x1C50, s0;
	s0 =	sor.u32 $0x1C60, s0;
	s12 =	sand.u32 $0x7, s30;
	v53 =	vld [tilespmem:s13+$0x80]  }
.LBB2_48:
0x369: {  	s12 =	sshll.u32 s12, $0x7;
	s29 =	sadd.s32 $0x400, s29  }
0x36a: {  	p0 =	sne.s32 s31, $0x1780;
	v56 =	vld [tilespmem:s11+$0x80];
	v9 =	vadd.f32 v52, v9;
	s12 =	sadd.s32 s12, s29  }
0x36b: {  	v0 =	vadd.f32 v54, v0;
	v58 =	vld [tilespmem:s1+$0x80];
	s1 =	sor.u32 $0x1C00, s12  }
0x36c: {  	s13 =	sor.u32 $0x1C10, s12;
	s14 =	sor.u32 $0x1C70, s12;
	v2 =	vadd.f32 v55, v2;
	v59 =	vld [tilespmem:s0+$0x80];
	s15 =	sor.u32 $0x1C20, s12  }
.Ltmp23:
0x36d: {  	s16 =	sor.u32 $0x1C30, s12;
	s11 =	sor.u32 $0x1C40, s12;
	v52 =	vld [tilespmem:s14+$0x80];
	v51 =	vadd.f32 v50, v51;
	(pc) =	sbr.rel @p0 .LBB2_48-.Ltmp23, $4  }
0x36e: {  	s0 =	sor.u32 $0x1C60, s12;
	v54 =	vld [tilespmem:s1+$0x80];
	s1 =	sor.u32 $0x1C50, s12;
	v37 =	vadd.f32 v53, v37  }
0x36f: {  	v55 =	vld [tilespmem:s13+$0x80];
	v38 =	vadd.f32 v56, v38  }
0x370: {  	s30 =	sadd.s32 $0x1, s30;
	v50 =	vld [tilespmem:s15+$0x80];
	v39 =	vadd.f32 v58, v39  }
0x371: {  	s31 =	sadd.s32 $0x80, s31;
	s12 =	sand.u32 $0x7, s30;
	v53 =	vld [tilespmem:s16+$0x80];
	v23 =	vadd.f32 v59, v23  }
0x372: {  	s12 =	sshll.u32 s12, $0x7;
	v56 =	vld [tilespmem:s11+$0x80];
	s31 =	sadd.s32 $0x400, s29  }
0x373: {  	v58 =	vld [tilespmem:s1+$0x80];
	s11 =	sadd.s32 s12, s31  }
0x374: {  	v59 =	vld [tilespmem:s0+$0x80];
	s14 =	sor.u32 $0x1C00, s11  }
0x375: {  	s15 =	sor.u32 $0x1C10, s11;
	v61 =	vld [tilespmem:s14+$0x80]  }
0x376: {  	s16 =	sor.u32 $0x1C20, s11;
	v63 =	vld [tilespmem:s15+$0x80]  }
0x377: {  	s31 =	sor.u32 $0x1C30, s11;
	v57 =	vld [tilespmem:s16+$0x80]  }
0x378: {  	v0 =	vadd.f32 v54, v0;
	s12 =	sor.u32 $0x1C40, s11;
	v54 =	vld [tilespmem:s31+$0x80]  }
0x379: {  	s13 =	sor.u32 $0x1C70, s11;
	v2 =	vadd.f32 v55, v2;
	v55 =	vld [tilespmem:s12+$0x80]  }
0x37a: {  	v60 =	vld [tilespmem:s13+$0x80];
	s13 =	sor.u32 $0x1C50, s11;
	v50 =	vadd.f32 v50, v51;
	v0 =	vadd.f32 v61, v0  }
0x37b: {  	s14 =	sor.u32 $0x1C60, s11;
	v62 =	vld [tilespmem:s13+$0x80];
	v37 =	vadd.f32 v53, v37;
	v2 =	vadd.f32 v63, v2  }
0x37c: {  	v38 =	vadd.f32 v56, v38;
	v63 =	vld [tilespmem:s14+$0x80];
	v50 =	vadd.f32 v57, v50;
	[tilespmem:$0x10400] =	vst v0  }
0x37d: {  	v9 =	vadd.f32 v52, v9;
	v37 =	vadd.f32 v54, v37;
	[tilespmem:$0x10410] =	vst v2  }
0x37e: {  	v39 =	vadd.f32 v58, v39;
	v38 =	vadd.f32 v55, v38;
	[tilespmem:$0x10420] =	vst v50  }
0x37f: {  	v23 =	vadd.f32 v59, v23;
	v9 =	vadd.f32 v60, v9;
	[tilespmem:$0x10430] =	vst v37  }
0x380: {  	v39 =	vadd.f32 v62, v39;
	[tilespmem:$0x10440] =	vst v38  }
0x381: {  	[tilespmem:$0x10470] =	vst v9;
	v23 =	vadd.f32 v63, v23  }
0x382: {  	[tilespmem:$0x10450] =	vst v39  }
0x383: {  	[tilespmem:$0x10460] =	vst v23  }
0x384: {  	s15 =	simm.s32 $0xC000;
	s16 =	simm.s32 $0x1800;
	_ =	swait.ge [sflag:s23], $0x4000  }
0x385: {  	s0 =	sand.u32 $0xE000, s15;
	s1 =	sand.u32 $0x380, s16;
	[sflag:s23] =	ssyncset.done $0x0;
	v62 =	vld [tilespmem:$0x1FE10]  }
0x386: {  	s29 =	sor.u32 s1, s0;
	v63 =	vld [tilespmem:$0x1FE00];
	[sflag:s23] =	ssyncadd.s32 $0xFFFFC000  }
0x387: {  	v60 =	vld [tilespmem:s29+$0xF0]  }
0x388: {  	v61 =	vld [tilespmem:s29+$0x80]  }
0x389: {  	v56 =	vld [tilespmem:s29+$0x90]  }
0x38a: {  	v54 =	vld [tilespmem:s29+$0xA0]  }
0x38b: {  	v53 =	vld [tilespmem:s29+$0xB0]  }
0x38c: {  	s31 =	simm.s32 $0xC400;
	s0 =	simm.s32 $0x1880;
	v52 =	vld [tilespmem:s29+$0xC0]  }
0x38d: {  	s11 =	sand.u32 $0xE000, s31;
	s1 =	simm.s32 $0xC800;
	s30 =	sand.u32 $0x380, s0;
	v51 =	vadd.f32 v60, v62;
	v55 =	vadd.f32 v61, v63;
	v63 =	vld [tilespmem:s29+$0xD0]  }
.LBB2_50:
0x38e: {  	p0 =	sne.s32 s1, $0xFC00;
	v24 =	vadd.f32 v56, v24;
	v57 =	vld [tilespmem:s29+$0xE0];
	s29 =	sor.u32 s30, s11  }
0x38f: {  	v58 =	vld [tilespmem:s29+$0xF0];
	v33 =	vadd.f32 v54, v33  }
0x390: {  	v59 =	vld [tilespmem:s29+$0x80];
	v41 =	vadd.f32 v53, v41  }
.Ltmp24:
0x391: {  	v56 =	vld [tilespmem:s29+$0x90];
	v42 =	vadd.f32 v52, v42;
	(pc) =	sbr.rel @p0 .LBB2_50-.Ltmp24, $4  }
0x392: {  	v54 =	vld [tilespmem:s29+$0xA0];
	v25 =	vadd.f32 v63, v25  }
0x393: {  	v53 =	vld [tilespmem:s29+$0xB0];
	v3 =	vadd.f32 v57, v3  }
0x394: {  	s0 =	sadd.s32 $0x80, s0;
	v52 =	vld [tilespmem:s29+$0xC0];
	v51 =	vadd.f32 v58, v51  }
0x395: {  	s11 =	sand.u32 $0xE000, s1;
	s1 =	sadd.s32 $0x400, s1;
	s30 =	sand.u32 $0x380, s0;
	v55 =	vadd.f32 v59, v55;
	v63 =	vld [tilespmem:s29+$0xD0]  }
0x396: {  	s0 =	sor.u32 s30, s11;
	v57 =	vld [tilespmem:s29+$0xE0]  }
0x397: {  	v59 =	vld [tilespmem:s0+$0x80]  }
0x398: {  	v60 =	vld [tilespmem:s0+$0x90]  }
0x399: {  	v61 =	vld [tilespmem:s0+$0xA0]  }
0x39a: {  	v24 =	vadd.f32 v56, v24;
	v56 =	vld [tilespmem:s0+$0xC0]  }
0x39b: {  	v62 =	vld [tilespmem:s0+$0xB0]  }
0x39c: {  	v58 =	vld [tilespmem:s0+$0xF0];
	v33 =	vadd.f32 v54, v33;
	v54 =	vadd.f32 v59, v55  }
0x39d: {  	v42 =	vadd.f32 v52, v42;
	v59 =	vld [tilespmem:s0+$0xD0];
	v24 =	vadd.f32 v60, v24  }
0x39e: {  	v41 =	vadd.f32 v53, v41;
	v60 =	vld [tilespmem:s0+$0xE0];
	v33 =	vadd.f32 v61, v33;
	[tilespmem:$0x10080] =	vst v54  }
0x39f: {  	[tilespmem:$0x10090] =	vst v24;
	v24 =	vadd.f32 v56, v42  }
0x3a0: {  	v25 =	vadd.f32 v63, v25;
	v41 =	vadd.f32 v62, v41;
	[tilespmem:$0x100A0] =	vst v33  }
0x3a1: {  	v3 =	vadd.f32 v57, v3;
	[tilespmem:$0x100C0] =	vst v24;
	v24 =	vadd.f32 v58, v51  }
0x3a2: {  	[tilespmem:$0x100B0] =	vst v41;
	v25 =	vadd.f32 v59, v25  }
0x3a3: {  	s16 =	simm.s32 $0xC000;
	s1 =	simm.s32 $0x1800;
	v3 =	vadd.f32 v60, v3;
	[tilespmem:$0x100F0] =	vst v24  }
0x3a4: {  	s1 =	sand.u32 $0x380, s1;
	v63 =	vld [tilespmem:$0x1FDE0];
	s0 =	sand.u32 $0xE000, s16;
	[tilespmem:$0x100D0] =	vst v25  }
0x3a5: {  	v62 =	vld [tilespmem:$0x1FDF0];
	s29 =	sor.u32 s1, s0;
	[tilespmem:$0x100E0] =	vst v3  }
0x3a6: {  	v3 =	vld [tilespmem:s29+$0x4F0]  }
0x3a7: {  	v41 =	vld [tilespmem:s29+$0x480]  }
0x3a8: {  	v42 =	vld [tilespmem:s29+$0x490]  }
0x3a9: {  	v33 =	vld [tilespmem:s29+$0x4A0]  }
0x3aa: {  	v25 =	vld [tilespmem:s29+$0x4B0]  }
0x3ab: {  	s31 =	simm.s32 $0xC400;
	s0 =	simm.s32 $0x1880;
	v24 =	vld [tilespmem:s29+$0x4C0]  }
0x3ac: {  	s11 =	sand.u32 $0xE000, s31;
	s1 =	simm.s32 $0xC800;
	s30 =	sand.u32 $0x380, s0;
	v51 =	vld [tilespmem:s29+$0x4D0];
	v3 =	vadd.f32 v3, v62;
	v41 =	vadd.f32 v41, v63  }
.LBB2_52:
0x3ad: {  	p0 =	sne.s32 s1, $0xFC00;
	v10 =	vadd.f32 v42, v10;
	v52 =	vld [tilespmem:s29+$0x4E0];
	s29 =	sor.u32 s30, s11  }
0x3ae: {  	v53 =	vld [tilespmem:s29+$0x4F0];
	v40 =	vadd.f32 v33, v40  }
0x3af: {  	v54 =	vld [tilespmem:s29+$0x480];
	v43 =	vadd.f32 v25, v43  }
.Ltmp25:
0x3b0: {  	v42 =	vld [tilespmem:s29+$0x490];
	v44 =	vadd.f32 v24, v44;
	(pc) =	sbr.rel @p0 .LBB2_52-.Ltmp25, $4  }
0x3b1: {  	v33 =	vld [tilespmem:s29+$0x4A0];
	v11 =	vadd.f32 v51, v11  }
0x3b2: {  	v25 =	vld [tilespmem:s29+$0x4B0];
	v4 =	vadd.f32 v52, v4  }
0x3b3: {  	s0 =	sadd.s32 $0x80, s0;
	v24 =	vld [tilespmem:s29+$0x4C0];
	v3 =	vadd.f32 v53, v3  }
0x3b4: {  	s11 =	sand.u32 $0xE000, s1;
	s1 =	sadd.s32 $0x400, s1;
	s30 =	sand.u32 $0x380, s0;
	v41 =	vadd.f32 v54, v41;
	v51 =	vld [tilespmem:s29+$0x4D0]  }
0x3b5: {  	s0 =	sor.u32 s30, s11;
	v52 =	vld [tilespmem:s29+$0x4E0]  }
0x3b6: {  	v54 =	vld [tilespmem:s0+$0x480]  }
0x3b7: {  	v55 =	vld [tilespmem:s0+$0x490]  }
0x3b8: {  	v56 =	vld [tilespmem:s0+$0x4A0]  }
0x3b9: {  	v57 =	vld [tilespmem:s0+$0x4B0]  }
0x3ba: {  	v10 =	vadd.f32 v42, v10;
	v60 =	vld [tilespmem:s0+$0x4D0]  }
0x3bb: {  	v53 =	vld [tilespmem:s0+$0x4F0];
	v33 =	vadd.f32 v33, v40;
	v59 =	vadd.f32 v54, v41  }
0x3bc: {  	v61 =	vld [tilespmem:s0+$0x4E0];
	v25 =	vadd.f32 v25, v43;
	v10 =	vadd.f32 v55, v10  }
0x3bd: {  	v58 =	vld [tilespmem:s0+$0x4C0];
	v11 =	vadd.f32 v51, v11;
	v33 =	vadd.f32 v56, v33;
	[tilespmem:$0x10100] =	vst v59  }
0x3be: {  	v25 =	vadd.f32 v57, v25;
	[tilespmem:$0x10110] =	vst v10  }
0x3bf: {  	v4 =	vadd.f32 v52, v4;
	v11 =	vadd.f32 v60, v11;
	[tilespmem:$0x10120] =	vst v33  }
0x3c0: {  	v24 =	vadd.f32 v24, v44;
	v3 =	vadd.f32 v53, v3;
	[tilespmem:$0x10130] =	vst v25  }
0x3c1: {  	v4 =	vadd.f32 v61, v4;
	[tilespmem:$0x10150] =	vst v11  }
0x3c2: {  	s16 =	simm.s32 $0xC000;
	s1 =	simm.s32 $0x1800;
	v10 =	vadd.f32 v58, v24;
	[tilespmem:$0x10170] =	vst v3  }
0x3c3: {  	v62 =	vld [tilespmem:$0x1FDD0];
	s0 =	sand.u32 $0xE000, s16;
	s1 =	sand.u32 $0x380, s1;
	[tilespmem:$0x10160] =	vst v4  }
0x3c4: {  	v63 =	vld [tilespmem:$0x1FDC0];
	s29 =	sor.u32 s1, s0;
	[tilespmem:$0x10140] =	vst v10  }
0x3c5: {  	v3 =	vld [tilespmem:s29+$0x8F0]  }
0x3c6: {  	v24 =	vld [tilespmem:s29+$0x880]  }
0x3c7: {  	v25 =	vld [tilespmem:s29+$0x890]  }
0x3c8: {  	v11 =	vld [tilespmem:s29+$0x8A0]  }
0x3c9: {  	v10 =	vld [tilespmem:s29+$0x8B0]  }
0x3ca: {  	s31 =	simm.s32 $0xC400;
	s0 =	simm.s32 $0x1880;
	v4 =	vld [tilespmem:s29+$0x8C0]  }
0x3cb: {  	s11 =	sand.u32 $0xE000, s31;
	s1 =	simm.s32 $0xC800;
	s30 =	sand.u32 $0x380, s0;
	v33 =	vld [tilespmem:s29+$0x8D0];
	v3 =	vadd.f32 v3, v62;
	v24 =	vadd.f32 v24, v63  }
.LBB2_54:
0x3cc: {  	p0 =	sne.s32 s1, $0xFC00;
	v12 =	vadd.f32 v25, v12;
	v40 =	vld [tilespmem:s29+$0x8E0];
	s29 =	sor.u32 s30, s11  }
0x3cd: {  	v41 =	vld [tilespmem:s29+$0x8F0];
	v45 =	vadd.f32 v11, v45  }
0x3ce: {  	v42 =	vld [tilespmem:s29+$0x880];
	v46 =	vadd.f32 v10, v46  }
.Ltmp26:
0x3cf: {  	v25 =	vld [tilespmem:s29+$0x890];
	v47 =	vadd.f32 v4, v47;
	(pc) =	sbr.rel @p0 .LBB2_54-.Ltmp26, $4  }
0x3d0: {  	v11 =	vld [tilespmem:s29+$0x8A0];
	v13 =	vadd.f32 v33, v13  }
0x3d1: {  	v10 =	vld [tilespmem:s29+$0x8B0];
	v5 =	vadd.f32 v40, v5  }
0x3d2: {  	s0 =	sadd.s32 $0x80, s0;
	v4 =	vld [tilespmem:s29+$0x8C0];
	v3 =	vadd.f32 v41, v3  }
0x3d3: {  	s11 =	sand.u32 $0xE000, s1;
	s1 =	sadd.s32 $0x400, s1;
	s30 =	sand.u32 $0x380, s0;
	v24 =	vadd.f32 v42, v24;
	v33 =	vld [tilespmem:s29+$0x8D0]  }
0x3d4: {  	s0 =	sor.u32 s30, s11;
	v40 =	vld [tilespmem:s29+$0x8E0]  }
0x3d5: {  	v42 =	vld [tilespmem:s0+$0x880]  }
0x3d6: {  	v43 =	vld [tilespmem:s0+$0x890]  }
0x3d7: {  	v44 =	vld [tilespmem:s0+$0x8A0]  }
0x3d8: {  	v51 =	vld [tilespmem:s0+$0x8B0]  }
0x3d9: {  	v12 =	vadd.f32 v25, v12;
	v25 =	vld [tilespmem:s0+$0x8C0]  }
0x3da: {  	v41 =	vld [tilespmem:s0+$0x8F0];
	v11 =	vadd.f32 v11, v45;
	v24 =	vadd.f32 v42, v24  }
0x3db: {  	v63 =	vld [tilespmem:s0+$0x8E0];
	v10 =	vadd.f32 v10, v46;
	v12 =	vadd.f32 v43, v12  }
0x3dc: {  	v62 =	vld [tilespmem:s0+$0x8D0];
	v4 =	vadd.f32 v4, v47;
	v11 =	vadd.f32 v44, v11;
	[tilespmem:$0x10180] =	vst v24  }
0x3dd: {  	v10 =	vadd.f32 v51, v10;
	[tilespmem:$0x10190] =	vst v12  }
0x3de: {  	v5 =	vadd.f32 v40, v5;
	v4 =	vadd.f32 v25, v4;
	[tilespmem:$0x101A0] =	vst v11  }
0x3df: {  	v13 =	vadd.f32 v33, v13;
	v3 =	vadd.f32 v41, v3;
	[tilespmem:$0x101B0] =	vst v10  }
0x3e0: {  	v5 =	vadd.f32 v63, v5;
	[tilespmem:$0x101C0] =	vst v4  }
0x3e1: {  	s16 =	simm.s32 $0xC000;
	s1 =	simm.s32 $0x1800;
	v11 =	vadd.f32 v62, v13;
	[tilespmem:$0x101F0] =	vst v3  }
0x3e2: {  	s0 =	sand.u32 $0xE000, s16;
	s1 =	sand.u32 $0x380, s1;
	[tilespmem:$0x101E0] =	vst v5  }
0x3e3: {  	s29 =	sor.u32 s1, s0;
	v13 =	vld [tilespmem:$0x1FDB0];
	[tilespmem:$0x101D0] =	vst v11  }
0x3e4: {  	v3 =	vld [tilespmem:s29+$0xCF0];
	_ =	sdelay $0x3  }
0x3e5: {  	v11 =	vld [tilespmem:s29+$0xC80]  }
0x3e6: {  	v3 =	vadd.f32 v3, v13;
	v13 =	vld [tilespmem:$0x1FDA0]  }
0x3e7: {  	v12 =	vld [tilespmem:s29+$0xC90]  }
0x3e8: {  	v10 =	vld [tilespmem:s29+$0xCA0]  }
0x3e9: {  	v5 =	vld [tilespmem:s29+$0xCB0]  }
0x3ea: {  	s31 =	simm.s32 $0xC400;
	s0 =	simm.s32 $0x1880;
	v4 =	vld [tilespmem:s29+$0xCC0]  }
0x3eb: {  	s11 =	sand.u32 $0xE000, s31;
	s1 =	simm.s32 $0xC800;
	s30 =	sand.u32 $0x380, s0;
	v11 =	vadd.f32 v11, v13;
	v13 =	vld [tilespmem:s29+$0xCD0]  }
.LBB2_56:
0x3ec: {  	p0 =	sne.s32 s1, $0xFC00;
	v14 =	vadd.f32 v12, v14;
	v24 =	vld [tilespmem:s29+$0xCE0];
	s29 =	sor.u32 s30, s11  }
0x3ed: {  	v25 =	vld [tilespmem:s29+$0xCF0];
	v26 =	vadd.f32 v10, v26  }
0x3ee: {  	v33 =	vld [tilespmem:s29+$0xC80];
	v48 =	vadd.f32 v5, v48  }
.Ltmp27:
0x3ef: {  	v12 =	vld [tilespmem:s29+$0xC90];
	v49 =	vadd.f32 v4, v49;
	(pc) =	sbr.rel @p0 .LBB2_56-.Ltmp27, $4  }
0x3f0: {  	v10 =	vld [tilespmem:s29+$0xCA0];
	v15 =	vadd.f32 v13, v15  }
0x3f1: {  	v5 =	vld [tilespmem:s29+$0xCB0];
	v6 =	vadd.f32 v24, v6  }
0x3f2: {  	s0 =	sadd.s32 $0x80, s0;
	v4 =	vld [tilespmem:s29+$0xCC0];
	v3 =	vadd.f32 v25, v3  }
0x3f3: {  	s11 =	sand.u32 $0xE000, s1;
	s1 =	sadd.s32 $0x400, s1;
	s30 =	sand.u32 $0x380, s0;
	v11 =	vadd.f32 v33, v11;
	v13 =	vld [tilespmem:s29+$0xCD0]  }
0x3f4: {  	s0 =	sor.u32 s30, s11;
	v24 =	vld [tilespmem:s29+$0xCE0]  }
0x3f5: {  	v33 =	vld [tilespmem:s0+$0xC80]  }
0x3f6: {  	v40 =	vld [tilespmem:s0+$0xC90]  }
0x3f7: {  	v41 =	vld [tilespmem:s0+$0xCA0]  }
0x3f8: {  	v42 =	vld [tilespmem:s0+$0xCB0]  }
0x3f9: {  	v12 =	vadd.f32 v12, v14;
	v14 =	vld [tilespmem:s0+$0xCC0]  }
0x3fa: {  	v25 =	vld [tilespmem:s0+$0xCF0];
	v10 =	vadd.f32 v10, v26;
	v11 =	vadd.f32 v33, v11  }
0x3fb: {  	v63 =	vld [tilespmem:s0+$0xCE0];
	v5 =	vadd.f32 v5, v48;
	v12 =	vadd.f32 v40, v12  }
0x3fc: {  	v26 =	vld [tilespmem:s0+$0xCD0];
	v4 =	vadd.f32 v4, v49;
	v10 =	vadd.f32 v41, v10;
	[tilespmem:$0x10200] =	vst v11  }
0x3fd: {  	v5 =	vadd.f32 v42, v5;
	[tilespmem:$0x10210] =	vst v12  }
0x3fe: {  	v6 =	vadd.f32 v24, v6;
	v4 =	vadd.f32 v14, v4;
	[tilespmem:$0x10220] =	vst v10  }
0x3ff: {  	v3 =	vadd.f32 v25, v3;
	v11 =	vadd.f32 v13, v15;
	[tilespmem:$0x10230] =	vst v5  }
0x400: {  	v5 =	vadd.f32 v63, v6;
	[tilespmem:$0x10240] =	vst v4  }
0x401: {  	s16 =	simm.s32 $0xC000;
	s1 =	simm.s32 $0x1800;
	[tilespmem:$0x10270] =	vst v3;
	v10 =	vadd.f32 v26, v11  }
0x402: {  	s0 =	sand.u32 $0xE000, s16;
	s1 =	sand.u32 $0x380, s1;
	[tilespmem:$0x10260] =	vst v5  }
0x403: {  	s29 =	sor.u32 s1, s0;
	v12 =	vld [tilespmem:$0x1FD90];
	[tilespmem:$0x10250] =	vst v10  }
0x404: {  	v3 =	vld [tilespmem:s29+$0x10F0];
	_ =	sdelay $0x3  }
0x405: {  	v10 =	vld [tilespmem:s29+$0x1080]  }
0x406: {  	v3 =	vadd.f32 v3, v12;
	v12 =	vld [tilespmem:$0x1FD80]  }
0x407: {  	v11 =	vld [tilespmem:s29+$0x1090]  }
0x408: {  	v6 =	vld [tilespmem:s29+$0x10A0]  }
0x409: {  	v5 =	vld [tilespmem:s29+$0x10B0]  }
0x40a: {  	s31 =	simm.s32 $0xC400;
	s0 =	simm.s32 $0x1880;
	v4 =	vld [tilespmem:s29+$0x10C0]  }
0x40b: {  	s11 =	sand.u32 $0xE000, s31;
	s1 =	simm.s32 $0xC800;
	s30 =	sand.u32 $0x380, s0;
	v10 =	vadd.f32 v10, v12;
	v12 =	vld [tilespmem:s29+$0x10D0]  }
.LBB2_58:
0x40c: {  	p0 =	sne.s32 s1, $0xFC00;
	v16 =	vadd.f32 v11, v16;
	v13 =	vld [tilespmem:s29+$0x10E0];
	s29 =	sor.u32 s30, s11  }
0x40d: {  	v14 =	vld [tilespmem:s29+$0x10F0];
	v27 =	vadd.f32 v6, v27  }
0x40e: {  	v15 =	vld [tilespmem:s29+$0x1080];
	v28 =	vadd.f32 v5, v28  }
.Ltmp28:
0x40f: {  	v11 =	vld [tilespmem:s29+$0x1090];
	v29 =	vadd.f32 v4, v29;
	(pc) =	sbr.rel @p0 .LBB2_58-.Ltmp28, $4  }
0x410: {  	v6 =	vld [tilespmem:s29+$0x10A0];
	v17 =	vadd.f32 v12, v17  }
0x411: {  	v5 =	vld [tilespmem:s29+$0x10B0];
	v7 =	vadd.f32 v13, v7  }
0x412: {  	s0 =	sadd.s32 $0x80, s0;
	v4 =	vld [tilespmem:s29+$0x10C0];
	v3 =	vadd.f32 v14, v3  }
0x413: {  	s11 =	sand.u32 $0xE000, s1;
	s1 =	sadd.s32 $0x400, s1;
	s30 =	sand.u32 $0x380, s0;
	v10 =	vadd.f32 v15, v10;
	v12 =	vld [tilespmem:s29+$0x10D0]  }
0x414: {  	s0 =	sor.u32 s30, s11;
	v13 =	vld [tilespmem:s29+$0x10E0]  }
0x415: {  	v15 =	vld [tilespmem:s0+$0x1080]  }
0x416: {  	v24 =	vld [tilespmem:s0+$0x1090]  }
0x417: {  	v25 =	vld [tilespmem:s0+$0x10A0]  }
0x418: {  	v26 =	vld [tilespmem:s0+$0x10B0]  }
0x419: {  	v11 =	vadd.f32 v11, v16;
	v16 =	vld [tilespmem:s0+$0x10C0]  }
0x41a: {  	v14 =	vld [tilespmem:s0+$0x10F0];
	v6 =	vadd.f32 v6, v27;
	v10 =	vadd.f32 v15, v10  }
0x41b: {  	v63 =	vld [tilespmem:s0+$0x10E0];
	v5 =	vadd.f32 v5, v28;
	v11 =	vadd.f32 v24, v11  }
0x41c: {  	v62 =	vld [tilespmem:s0+$0x10D0];
	v4 =	vadd.f32 v4, v29;
	v6 =	vadd.f32 v25, v6;
	[tilespmem:$0x10280] =	vst v10  }
0x41d: {  	v5 =	vadd.f32 v26, v5;
	[tilespmem:$0x10290] =	vst v11  }
0x41e: {  	v7 =	vadd.f32 v13, v7;
	v4 =	vadd.f32 v16, v4;
	[tilespmem:$0x102A0] =	vst v6  }
0x41f: {  	v3 =	vadd.f32 v14, v3;
	v10 =	vadd.f32 v12, v17;
	[tilespmem:$0x102B0] =	vst v5  }
0x420: {  	v5 =	vadd.f32 v63, v7;
	[tilespmem:$0x102C0] =	vst v4  }
0x421: {  	s16 =	simm.s32 $0xC000;
	s1 =	simm.s32 $0x1800;
	[tilespmem:$0x102F0] =	vst v3;
	v6 =	vadd.f32 v62, v10  }
0x422: {  	s0 =	sand.u32 $0xE000, s16;
	s1 =	sand.u32 $0x380, s1;
	[tilespmem:$0x102E0] =	vst v5  }
0x423: {  	s29 =	sor.u32 s1, s0;
	v11 =	vld [tilespmem:$0x1FD70];
	[tilespmem:$0x102D0] =	vst v6  }
0x424: {  	v3 =	vld [tilespmem:s29+$0x14F0];
	_ =	sdelay $0x3  }
0x425: {  	v7 =	vld [tilespmem:s29+$0x1480]  }
0x426: {  	v3 =	vadd.f32 v3, v11;
	v11 =	vld [tilespmem:$0x1FD60]  }
0x427: {  	v10 =	vld [tilespmem:s29+$0x1490]  }
0x428: {  	v6 =	vld [tilespmem:s29+$0x14A0]  }
0x429: {  	v5 =	vld [tilespmem:s29+$0x14B0]  }
0x42a: {  	s31 =	simm.s32 $0xC400;
	s0 =	simm.s32 $0x1880;
	v4 =	vld [tilespmem:s29+$0x14C0]  }
0x42b: {  	s11 =	sand.u32 $0xE000, s31;
	s1 =	simm.s32 $0xC800;
	s30 =	sand.u32 $0x380, s0;
	v7 =	vadd.f32 v7, v11;
	v11 =	vld [tilespmem:s29+$0x14D0]  }
.LBB2_60:
0x42c: {  	p0 =	sne.s32 s1, $0xFC00;
	v18 =	vadd.f32 v10, v18;
	v12 =	vld [tilespmem:s29+$0x14E0];
	s29 =	sor.u32 s30, s11  }
0x42d: {  	v13 =	vld [tilespmem:s29+$0x14F0];
	v30 =	vadd.f32 v6, v30  }
0x42e: {  	v14 =	vld [tilespmem:s29+$0x1480];
	v31 =	vadd.f32 v5, v31  }
.Ltmp29:
0x42f: {  	v10 =	vld [tilespmem:s29+$0x1490];
	v32 =	vadd.f32 v4, v32;
	(pc) =	sbr.rel @p0 .LBB2_60-.Ltmp29, $4  }
0x430: {  	v6 =	vld [tilespmem:s29+$0x14A0];
	v19 =	vadd.f32 v11, v19  }
0x431: {  	v5 =	vld [tilespmem:s29+$0x14B0];
	v8 =	vadd.f32 v12, v8  }
0x432: {  	s0 =	sadd.s32 $0x80, s0;
	v4 =	vld [tilespmem:s29+$0x14C0];
	v3 =	vadd.f32 v13, v3  }
0x433: {  	s11 =	sand.u32 $0xE000, s1;
	s1 =	sadd.s32 $0x400, s1;
	s30 =	sand.u32 $0x380, s0;
	v7 =	vadd.f32 v14, v7;
	v11 =	vld [tilespmem:s29+$0x14D0]  }
0x434: {  	s0 =	sor.u32 s30, s11;
	v12 =	vld [tilespmem:s29+$0x14E0]  }
0x435: {  	v14 =	vld [tilespmem:s0+$0x1480]  }
0x436: {  	v15 =	vld [tilespmem:s0+$0x1490]  }
0x437: {  	v16 =	vld [tilespmem:s0+$0x14A0]  }
0x438: {  	v17 =	vld [tilespmem:s0+$0x14B0]  }
0x439: {  	v10 =	vadd.f32 v10, v18;
	v18 =	vld [tilespmem:s0+$0x14C0]  }
0x43a: {  	v13 =	vld [tilespmem:s0+$0x14F0];
	v6 =	vadd.f32 v6, v30;
	v7 =	vadd.f32 v14, v7  }
0x43b: {  	v63 =	vld [tilespmem:s0+$0x14E0];
	v5 =	vadd.f32 v5, v31;
	v10 =	vadd.f32 v15, v10  }
0x43c: {  	v62 =	vld [tilespmem:s0+$0x14D0];
	v4 =	vadd.f32 v4, v32;
	v6 =	vadd.f32 v16, v6;
	[tilespmem:$0x10300] =	vst v7  }
0x43d: {  	v5 =	vadd.f32 v17, v5;
	[tilespmem:$0x10310] =	vst v10  }
0x43e: {  	v8 =	vadd.f32 v12, v8;
	v4 =	vadd.f32 v18, v4;
	[tilespmem:$0x10320] =	vst v6  }
0x43f: {  	v3 =	vadd.f32 v13, v3;
	v7 =	vadd.f32 v11, v19;
	[tilespmem:$0x10330] =	vst v5  }
0x440: {  	v5 =	vadd.f32 v63, v8;
	[tilespmem:$0x10340] =	vst v4  }
0x441: {  	s16 =	simm.s32 $0xC000;
	s1 =	simm.s32 $0x1800;
	[tilespmem:$0x10370] =	vst v3;
	v6 =	vadd.f32 v62, v7  }
0x442: {  	s0 =	sand.u32 $0xE000, s16;
	s1 =	sand.u32 $0x380, s1;
	[tilespmem:$0x10360] =	vst v5  }
0x443: {  	s29 =	sor.u32 s1, s0;
	[tilespmem:$0x10350] =	vst v6  }
0x444: {  	v6 =	vld [tilespmem:s29+$0x18F0];
	_ =	sdelay $0x3  }
0x445: {  	v8 =	vld [tilespmem:s29+$0x1880]  }
0x446: {  	v1 =	vadd.f32 v6, v1;
	v6 =	vld [tilespmem:$0x1FD50]  }
0x447: {  	v7 =	vld [tilespmem:s29+$0x1890]  }
0x448: {  	v5 =	vld [tilespmem:s29+$0x18A0]  }
0x449: {  	v4 =	vld [tilespmem:s29+$0x18B0]  }
0x44a: {  	s31 =	simm.s32 $0xC400;
	s0 =	simm.s32 $0x1880;
	v3 =	vld [tilespmem:s29+$0x18C0]  }
0x44b: {  	s11 =	sand.u32 $0xE000, s31;
	s1 =	simm.s32 $0xC800;
	s30 =	sand.u32 $0x380, s0;
	v6 =	vadd.f32 v8, v6;
	v8 =	vld [tilespmem:s29+$0x18D0]  }
.LBB2_62:
0x44c: {  	p0 =	sne.s32 s1, $0xFC00;
	v20 =	vadd.f32 v7, v20;
	v10 =	vld [tilespmem:s29+$0x18E0];
	s29 =	sor.u32 s30, s11  }
0x44d: {  	v11 =	vld [tilespmem:s29+$0x18F0];
	v34 =	vadd.f32 v5, v34  }
0x44e: {  	v12 =	vld [tilespmem:s29+$0x1880];
	v35 =	vadd.f32 v4, v35  }
.Ltmp30:
0x44f: {  	v7 =	vld [tilespmem:s29+$0x1890];
	v36 =	vadd.f32 v3, v36;
	(pc) =	sbr.rel @p0 .LBB2_62-.Ltmp30, $4  }
0x450: {  	v5 =	vld [tilespmem:s29+$0x18A0];
	v21 =	vadd.f32 v8, v21  }
0x451: {  	v4 =	vld [tilespmem:s29+$0x18B0];
	v22 =	vadd.f32 v10, v22  }
0x452: {  	s0 =	sadd.s32 $0x80, s0;
	v3 =	vld [tilespmem:s29+$0x18C0];
	v1 =	vadd.f32 v11, v1  }
0x453: {  	s11 =	sand.u32 $0xE000, s1;
	s1 =	sadd.s32 $0x400, s1;
	s30 =	sand.u32 $0x380, s0;
	v6 =	vadd.f32 v12, v6;
	v8 =	vld [tilespmem:s29+$0x18D0]  }
0x454: {  	s0 =	sor.u32 s30, s11;
	v10 =	vld [tilespmem:s29+$0x18E0]  }
0x455: {  	v12 =	vld [tilespmem:s0+$0x1880]  }
0x456: {  	v13 =	vld [tilespmem:s0+$0x1890]  }
0x457: {  	v14 =	vld [tilespmem:s0+$0x18A0]  }
0x458: {  	v15 =	vld [tilespmem:s0+$0x18B0]  }
0x459: {  	v7 =	vadd.f32 v7, v20;
	v16 =	vld [tilespmem:s0+$0x18C0]  }
0x45a: {  	v11 =	vld [tilespmem:s0+$0x18F0];
	v5 =	vadd.f32 v5, v34;
	v6 =	vadd.f32 v12, v6  }
0x45b: {  	v62 =	vld [tilespmem:s0+$0x18D0];
	v4 =	vadd.f32 v4, v35;
	v7 =	vadd.f32 v13, v7  }
0x45c: {  	v63 =	vld [tilespmem:s0+$0x18E0];
	v3 =	vadd.f32 v3, v36;
	v5 =	vadd.f32 v14, v5;
	[tilespmem:$0x10380] =	vst v6  }
0x45d: {  	v4 =	vadd.f32 v15, v4;
	[tilespmem:$0x10390] =	vst v7  }
0x45e: {  	v3 =	vadd.f32 v16, v3;
	v6 =	vadd.f32 v8, v21;
	[tilespmem:$0x103A0] =	vst v5  }
0x45f: {  	s14 =	simm.s32 $0x0;
	v1 =	vadd.f32 v11, v1;
	v7 =	vadd.f32 v10, v22;
	[tilespmem:$0x103B0] =	vst v4  }
0x460: {  	s0 =	sand.u32 $0x7, s14;
	[tilespmem:$0x103C0] =	vst v3;
	v5 =	vadd.f32 v62, v6  }
0x461: {  	s0 =	sshll.u32 s0, $0x7;
	[tilespmem:$0x103F0] =	vst v1;
	v4 =	vadd.f32 v63, v7  }
0x462: {  	s0 =	sadd.s32 $0xC000, s0;
	[tilespmem:$0x103D0] =	vst v5  }
0x463: {  	s1 =	sor.u32 $0x1C70, s0;
	[tilespmem:$0x103E0] =	vst v4  }
0x464: {  	s15 =	sor.u32 $0x1C00, s0;
	v1 =	vld [tilespmem:s1+$0x80]  }
0x465: {  	s16 =	sor.u32 $0x1C10, s0;
	v5 =	vld [tilespmem:s15+$0x80]  }
0x466: {  	s29 =	simm.s32 $0xC000;
	s30 =	simm.s32 $0x1;
	s12 =	sor.u32 $0x1C20, s0;
	v6 =	vld [tilespmem:s16+$0x80]  }
0x467: {  	s31 =	simm.s32 $0x1900;
	s13 =	sor.u32 $0x1C30, s0;
	s11 =	sor.u32 $0x1C40, s0;
	v3 =	vld [tilespmem:s12+$0x80]  }
0x468: {  	s1 =	sor.u32 $0x1C50, s0;
	s0 =	sor.u32 $0x1C60, s0;
	s12 =	sand.u32 $0x7, s30;
	v4 =	vld [tilespmem:s13+$0x80]  }
.LBB2_64:
0x469: {  	s12 =	sshll.u32 s12, $0x7;
	s29 =	sadd.s32 $0x400, s29  }
0x46a: {  	p0 =	sne.s32 s31, $0x1F80;
	v7 =	vld [tilespmem:s11+$0x80];
	v9 =	vadd.f32 v1, v9;
	s12 =	sadd.s32 s12, s29  }
0x46b: {  	v0 =	vadd.f32 v5, v0;
	v8 =	vld [tilespmem:s1+$0x80];
	s1 =	sor.u32 $0x1C00, s12  }
0x46c: {  	s13 =	sor.u32 $0x1C10, s12;
	s14 =	sor.u32 $0x1C70, s12;
	v2 =	vadd.f32 v6, v2;
	v10 =	vld [tilespmem:s0+$0x80];
	s15 =	sor.u32 $0x1C20, s12  }
.Ltmp31:
0x46d: {  	s16 =	sor.u32 $0x1C30, s12;
	s11 =	sor.u32 $0x1C40, s12;
	v1 =	vld [tilespmem:s14+$0x80];
	v50 =	vadd.f32 v3, v50;
	(pc) =	sbr.rel @p0 .LBB2_64-.Ltmp31, $4  }
0x46e: {  	s0 =	sor.u32 $0x1C60, s12;
	v5 =	vld [tilespmem:s1+$0x80];
	s1 =	sor.u32 $0x1C50, s12;
	v37 =	vadd.f32 v4, v37  }
0x46f: {  	v6 =	vld [tilespmem:s13+$0x80];
	v38 =	vadd.f32 v7, v38  }
0x470: {  	s30 =	sadd.s32 $0x1, s30;
	v3 =	vld [tilespmem:s15+$0x80];
	v39 =	vadd.f32 v8, v39  }
0x471: {  	s31 =	sadd.s32 $0x80, s31;
	s12 =	sand.u32 $0x7, s30;
	v4 =	vld [tilespmem:s16+$0x80];
	v23 =	vadd.f32 v10, v23  }
0x472: {  	s12 =	sshll.u32 s12, $0x7;
	v7 =	vld [tilespmem:s11+$0x80];
	s31 =	sadd.s32 $0x400, s29  }
0x473: {  	v8 =	vld [tilespmem:s1+$0x80];
	s11 =	sadd.s32 s12, s31  }
0x474: {  	v10 =	vld [tilespmem:s0+$0x80];
	s13 =	sor.u32 $0x1C00, s11  }
0x475: {  	s14 =	sor.u32 $0x1C10, s11;
	v12 =	vld [tilespmem:s13+$0x80]  }
0x476: {  	s15 =	sor.u32 $0x1C20, s11;
	v13 =	vld [tilespmem:s14+$0x80]  }
0x477: {  	s16 =	sor.u32 $0x1C30, s11;
	v14 =	vld [tilespmem:s15+$0x80]  }
0x478: {  	v0 =	vadd.f32 v5, v0;
	s29 =	sor.u32 $0x1C40, s11;
	v57 =	vld [tilespmem:s16+$0x80]  }
0x479: {  	s12 =	sor.u32 $0x1C70, s11;
	v2 =	vadd.f32 v6, v2;
	v58 =	vld [tilespmem:s29+$0x80]  }
0x47a: {  	s30 =	sor.u32 $0x1C50, s11;
	v11 =	vld [tilespmem:s12+$0x80];
	v3 =	vadd.f32 v3, v50;
	v0 =	vadd.f32 v12, v0  }
0x47b: {  	s31 =	sor.u32 $0x1C60, s11;
	v59 =	vld [tilespmem:s30+$0x80];
	v4 =	vadd.f32 v4, v37;
	v2 =	vadd.f32 v13, v2  }
0x47c: {  	v60 =	vld [tilespmem:s31+$0x80];
	v7 =	vadd.f32 v7, v38;
	v3 =	vadd.f32 v14, v3;
	[tilespmem:$0x10400] =	vst v0  }
0x47d: {  	v1 =	vadd.f32 v1, v9;
	v4 =	vadd.f32 v57, v4;
	[tilespmem:$0x10410] =	vst v2  }
0x47e: {  	v61 =	vadd.f32 v8, v39;
	v63 =	vadd.f32 v58, v7;
	[tilespmem:$0x10420] =	vst v3  }
0x47f: {  	v62 =	vadd.f32 v10, v23;
	v1 =	vadd.f32 v11, v1;
	[tilespmem:$0x10430] =	vst v4  }
0x480: {  	v0 =	vadd.f32 v59, v61;
	[tilespmem:$0x10440] =	vst v63  }
0x481: {  	s28 =	sadd.s32 $0x1, s28;
	v2 =	vadd.f32 v60, v62;
	[tilespmem:$0x10470] =	vst v1  }
0x482: {  	p0 =	sne.s32 s28, s9;
	[tilespmem:$0x10450] =	vst v0  }
.Ltmp32:
0x483: {  	[tilespmem:$0x10460] =	vst v2;
	(pc) =	sbr.rel @p0 .LBB2_1-.Ltmp32, $4  }
0x484: {  	[hbm4b:s8+s24] =	stream.strided.scatter [tilespmem:s26], [sflag:$0x5], $0x400, s25, s24, $0x38;
	[tilespmem:$0x10480] =	vst v63  }
0x485: {  	_ =	swait.ge [sflag:s10], $0x400  }
0x486: {  	[sflag:s10] =	ssyncset.done $0x0  }
0x487: {  	[sflag:s10] =	ssyncadd.s32 $0xFFFFFC00  }
0x488: {  	_ =	sfence.sel $0x180000  }
0x489: {  	[bflag:$0x0] =	sbarrier.arrive $0xFFFF  }
0x48a: {  	_ =	strace $0x90000047  }
0x48b: {  	s0 =	stileid.u32;
	[bflag:$0x2] =	sbarrier.arrive $0xFFFF  }
0x48c: {  	p0 =	sne.s32 s0, $0x0;
	s0 =	rddreg [dreg:$0x3]  }
0x48d: {  	s0 =	sadd.s32 @!p0 $0x100000, s0  }
0x48e: {  	[sflag:s0] =	ssyncadd.tile.s32 @!p0 $0x1;
	_ =	shalt  }
.Lfunc_end2:
_tile_overlayer_lowered:
.L_overlay_start_2:
0x48f: {  	(tag) =	ssettag $0x2  }
0x490: {  	s0 =	rddreg [dreg:$0x0];
	s2 =	stileid.u32  }
0x491: {  	s1 =	rddreg [dreg:$0x1];
	p0 =	sne.s32 s2, $0x0  }
0x492: {  	s3 =	rddreg [dreg:$0x2];
	[bflag:$0x3] =	sbarrier.arrive $0xFFFF;
	s2 =	simm.s32 @!p0 $0x1C05  }
0x493: {  	[timem:s3], [sflag:s2] =	dma.local @!p0 [hbm:s0], s1  }
0x494: {  	s0 =	simm.s32 @!p0 $0x5  }
0x495: {  	_ =	swait.ge @!p0 [sflag:s0], s1  }
0x496: {  	s1 =	ssub.s32 @!p0 $0x0, s1;
	[sflag:s0] =	ssyncset.done @!p0 $0x0  }
0x497: {  	[sflag:s0] =	ssyncadd.s32 @!p0 s1  }
0x498: {  	[bflag:$0x3] =	sbarrier.arrive $0xFFFF  }
0x499: {  	_ =	shalt  }

</sc_bundles>
